<compile_context>
chip_gen: v7x
topology: tpu7x:2x2x1
jax: 0.10.2.dev20260603
libtpu: 0.0.44.dev20260713+nightly
codegen_flags: <defaults>
</compile_context>

<pallas_src>
import functools

import jax
import jax.numpy as jnp
from jax import lax
from jax.experimental import pallas as pl
from jax.experimental.pallas import tpu as pltpu
from jax.experimental.pallas import tpu_sc as plsc

NCLASS = 19
BINS = 128
NW = 32
RW = 16
HROWS = 1024
SROW = HROWS // NW
NSUB = 4
KEYS2 = 2 * BINS
LHIST = 16 * KEYS2


def _keys_body(x_ref, t_ref, out_ref):
    x = x_ref[0]
    m = jnp.max(x, axis=0, keepdims=True)
    e = jnp.exp(x - m)
    p = e / jnp.sum(e, axis=0, keepdims=True)
    t = t_ref[...]
    cls = lax.broadcasted_iota(jnp.int32, (NCLASS, 1, 1), 0)
    gt = t == cls
    a = jnp.where(gt, 1.0 - p, p)
    b = jnp.minimum((a * BINS).astype(jnp.int32), BINS - 1)
    out_ref[...] = jnp.where(gt, b + BINS, b)


@functools.lru_cache(maxsize=2)
def _keys_kernel(b0):
    return pl.pallas_call(
        _keys_body,
        grid=(2, 512 // RW),
        in_specs=[
            pl.BlockSpec((1, NCLASS, RW, 512), lambda b, j: (b0 + b, 0, j, 0)),
            pl.BlockSpec((1, RW, 512), lambda b, j: (b0 + b, j, 0)),
        ],
        out_specs=pl.BlockSpec(
            (NCLASS, RW, 512), lambda b, j: (0, b * (512 // RW) + j, 0)),
        out_shape=jax.ShapeDtypeStruct((NCLASS, HROWS, 512), jnp.int32),
        compiler_params=pltpu.CompilerParams(
            dimension_semantics=("parallel", "parallel")),
    )


def _sc_hist_body(keys_hbm, hist_hbm, kb0, kb1, hist16, red, sem0, sem1):
    wid = lax.axis_index("s") * 2 + lax.axis_index("c")
    base = wid * SROW
    lane_off = lax.broadcasted_iota(jnp.int32, (16,), 0) * KEYS2
    ones = jnp.ones((16,), jnp.int32)
    zeros = jnp.zeros((16,), jnp.int32)

    def start(c, kb, sem):
        pltpu.async_copy(keys_hbm.at[c, pl.ds(base, SROW)], kb, sem)

    def wait(c, kb, sem):
        pltpu.make_async_copy(keys_hbm.at[c, pl.ds(base, SROW)], kb, sem).wait()

    def process(c, kb):
        def zero_step(i, _):
            for u in range(16):
                hist16[pl.ds((i * 16 + u) * 16, 16)] = zeros
            return ()
        lax.fori_loop(0, NSUB * LHIST // (16 * 16), zero_step, ())

        def scat_row(r, _):
            def scat_step(i, _):
                ks = [kb[r, pl.ds((i * 8 + u) * 16, 16)] for u in range(8)]
                idxs = [ks[u] + lane_off + (u % NSUB) * LHIST
                        for u in range(8)]
                for u in range(8):
                    plsc.addupdate_scatter(hist16, [idxs[u]], ones)
                return ()
            lax.fori_loop(0, 512 // (16 * 8), scat_step, ())
            return ()
        lax.fori_loop(0, SROW, scat_row, ())

        def red_step(j, _):
            vals = [hist16[pl.ds(t * KEYS2 + j * 16, 16)]
                    for t in range(NSUB * 16)]
            while len(vals) > 1:
                vals = [vals[t] + vals[t + 1] for t in range(0, len(vals), 2)]
            red[pl.ds(j * 16, 16)] = vals[0]
            return ()
        lax.fori_loop(0, KEYS2 // 16, red_step, ())

        pltpu.sync_copy(red, hist_hbm.at[c, wid])

    start(0, kb0, sem0)

    def per_class(c, _):
        @pl.when(c % 2 == 0)
        def _():
            wait(c, kb0, sem0)
            @pl.when(c + 1 < NCLASS)
            def _():
                start(c + 1, kb1, sem1)
            process(c, kb0)

        @pl.when(c % 2 == 1)
        def _():
            wait(c, kb1, sem1)
            @pl.when(c + 1 < NCLASS)
            def _():
                start(c + 1, kb0, sem0)
            process(c, kb1)

        return ()

    lax.fori_loop(0, NCLASS, per_class, ())


@functools.lru_cache(maxsize=1)
def _sc_hist_kernel():
    return pl.kernel(
        _sc_hist_body,
        mesh=plsc.VectorSubcoreMesh(core_axis_name="c", subcore_axis_name="s"),
        out_type=jax.ShapeDtypeStruct((NCLASS, NW, KEYS2), jnp.int32),
        scratch_types=[
            pltpu.VMEM((SROW, 512), jnp.int32),
            pltpu.VMEM((SROW, 512), jnp.int32),
            pltpu.VMEM((NSUB * LHIST,), jnp.int32),
            pltpu.VMEM((KEYS2,), jnp.int32),
            pltpu.SemaphoreType.DMA,
            pltpu.SemaphoreType.DMA,
        ],
        compiler_params=pltpu.CompilerParams(needs_layout_passes=False),
    )


def _sc_hist(keys):
    return _sc_hist_kernel()(keys)


def _strict_tri(n):
    r = lax.broadcasted_iota(jnp.int32, (n, n), 0)
    col = lax.broadcasted_iota(jnp.int32, (n, n), 1)
    return (r < col).astype(jnp.float32)


def _finish_body(hist_ref, out_ref):
    h = hist_ref[...].astype(jnp.float32)
    n2 = jnp.sum(h, axis=1)
    nn = n2[:, :BINS] + n2[:, BINS:]
    pp = n2[:, BINS:]
    tri = _strict_tri(BINS)
    aex = jnp.dot(nn, tri, preferred_element_type=jnp.float32)
    pex = jnp.dot(pp, tri, preferred_element_type=jnp.float32)
    nc = jnp.sum(nn, axis=1, keepdims=True)
    g = jnp.sum(pp, axis=1, keepdims=True)
    k = nc - aex
    s = g - pex
    u = g + k - s
    j = jnp.where(k > 0.5, 1.0 - (g - s) / jnp.maximum(u, 1.0), 0.0)
    val = (jnp.sum(j) - 0.5 * NCLASS) / (BINS * NCLASS)
    out_ref[...] = val.reshape(1, 1)


def _finish(hist):
    return pl.pallas_call(
        _finish_body,
        out_shape=jax.ShapeDtypeStruct((1, 1), jnp.float32),
    )(hist)


def kernel(input, target):
    k0 = _keys_kernel(0)(input, target)
    h0 = _sc_hist(k0)
    k1 = _keys_kernel(2)(input, target)
    h1 = _sc_hist(k1)
    return _finish(h0 + h1)[0, 0]

# --- scband reference (transcript-rebuilt; emitter-appended) ---
"""Pipeline reference for scband-lovasz-softmax-loss-4020089389750 (READ-ONLY COPY).

The authoritative reference and input builder live on the scoring server;
editing this copy changes nothing except your own understanding.
"""

import jax, jax.numpy as jnp
import numpy as np


def lovasz_grad(gt_sorted):
    p = gt_sorted.shape[0]
    gts = gt_sorted.sum()
    intersection = gts - jnp.cumsum(gt_sorted.astype(jnp.float32), 0)
    union = gts + jnp.cumsum((1.0 - gt_sorted).astype(jnp.float32), 0)
    jaccard = 1.0 - intersection / union
    if p > 1:
        jaccard = jaccard.at[1:].set(jaccard[1:] - jaccard[:-1])
    return jaccard


def setup_inputs(seed: int = 0):
    key = jax.random.key(seed)
    k1, k2 = jax.random.split(key)
    inp = jax.random.normal(k1, (4, 19, 512, 512), dtype=jnp.float32)
    target = jax.random.randint(k2, (4, 512, 512), 0, 19, dtype=jnp.int32)
    return {"input": inp, "target": target}


def _forward(input, target, ignore_index=255):
    num_class = input.shape[1]
    input_flat = jnp.transpose(input, (0, 2, 3, 1)).reshape(-1, num_class)
    target_flat = target.reshape(-1)
    mask = target_flat != ignore_index
    probs = jax.nn.softmax(input_flat, axis=1)
    losses = []
    for c in range(num_class):
        target_c = ((target_flat == c) & mask).astype(jnp.float32)
        input_c = probs[:, c]
        loss_c = jnp.where(mask, jnp.abs(target_c - input_c), 0.0)
        loss_index = jnp.argsort(-loss_c)
        loss_c_sorted = loss_c[loss_index]
        target_c_sorted = target_c[loss_index]
        grad = jax.lax.stop_gradient(lovasz_grad(target_c_sorted))
        losses.append(jnp.dot(loss_c_sorted, grad))
    losses = jnp.stack(losses)
    return jnp.mean(losses)


def reference(input, target):
    return _forward(input, target, ignore_index=255)

if __name__ == "__main__":
    import jax
    _d = setup_inputs()
    print(jax.jit(kernel)(*tuple(_d.values())))

</pallas_src>

<mosaic_0001>
#map = affine_map<(d0, d1) -> (0, 0, 0)>
module attributes {stable_mosaic.version = 14 : i64} {
  func.func @_sc_hist_body(%arg0: i32, %arg1: i32, %arg2: memref<19x1024x512xi32, #tpu.memory_space<hbm>>, %arg3: memref<19x32x256xi32, #tpu.memory_space<hbm>>, %arg4: memref<32x512xi32, #tpu.memory_space<vmem>>, %arg5: memref<32x512xi32, #tpu.memory_space<vmem>>, %arg6: memref<16384xi32, #tpu.memory_space<vmem>>, %arg7: memref<256xi32, #tpu.memory_space<vmem>>, %arg8: memref<!tpu.dma_semaphore, #tpu.memory_space<semaphore_mem>>, %arg9: memref<!tpu.dma_semaphore, #tpu.memory_space<semaphore_mem>>) attributes {dimension_semantics = [#tpu.dimension_semantics<core_parallel>, #tpu.dimension_semantics<subcore_parallel>], iteration_bounds = array<i64: 2, 16>, scalar_prefetch = 0 : i64, scratch_operands = 6 : i64, tpu.core_type = #tpu.core_type<sc_vector_subcore>, window_params = [{transform_indices = #map}, {transform_indices = #map}]} {
    %mul3A = arith.constant 2 : i32
    %mul3A_0 = arith.muli %arg1, %mul3A : i32
    %add3A = arith.addi %mul3A_0, %arg0 : i32
    %mul3A_1 = arith.constant 32 : i32
    %mul3A_2 = arith.muli %add3A, %mul3A_1 : i32
    %iota3A = tpu.iota {dimensions = array<i32: 0>} : vector<16xi32>
    %mul3A_3 = arith.constant 256 : i32
    %mul3A_4 = vector.broadcast %mul3A_3 : i32 to vector<16xi32>
    %mul3A_5 = arith.muli %iota3A, %mul3A_4 : vector<16xi32>
    %broadcast_in_dim3A = arith.constant 1 : i32
    %broadcast_in_dim3A_6 = vector.broadcast %broadcast_in_dim3A : i32 to vector<16xi32>
    %broadcast_in_dim3A_7 = arith.constant 0 : i32
    %broadcast_in_dim3A_8 = vector.broadcast %broadcast_in_dim3A_7 : i32 to vector<16xi32>
    %dma_start3A = arith.constant 0 : i32
    %dma_start3A_9 = arith.constant 0 : i32
    %dma_start3A_10 = tpu.memref_slice %arg2[%dma_start3A, %mul3A_2, %dma_start3A_9] : memref<19x1024x512xi32, #tpu.memory_space<hbm>> -> memref<1x32x512xi32, #tpu.memory_space<hbm>>
    %dma_start3A_11 = tpu.memref_squeeze %dma_start3A_10 : memref<1x32x512xi32, #tpu.memory_space<hbm>> -> memref<32x512xi32, #tpu.memory_space<hbm>>
    %dma_start3A_12 = arith.constant 0 : i32
    %dma_start3A_13 = tpu.memref_slice %arg2[%dma_start3A, %mul3A_2, %dma_start3A_12] : memref<19x1024x512xi32, #tpu.memory_space<hbm>> -> memref<1x32x512xi32, #tpu.memory_space<hbm>>
    %dma_start3A_14 = tpu.memref_squeeze %dma_start3A_13 : memref<1x32x512xi32, #tpu.memory_space<hbm>> -> memref<32x512xi32, #tpu.memory_space<hbm>>
    tpu.enqueue_dma source(%dma_start3A_14 : memref<32x512xi32, #tpu.memory_space<hbm>>) target(%arg4 : memref<32x512xi32, #tpu.memory_space<vmem>>) target_semaphore(%arg8 : memref<!tpu.dma_semaphore, #tpu.memory_space<semaphore_mem>>)
    %scan3A = arith.constant 0 : i32
    %scan3A_15 = arith.constant 19 : i32
    %scan3A_16 = arith.addi %scan3A, %scan3A_15 : i32
    %scan3A_17 = arith.constant 1 : i32
    scf.for %scan3A_19 = %scan3A to %scan3A_16 step %scan3A_17  : i32 {
      %jit3A = arith.constant 2 : i32
      %eq3A = arith.constant 0 : i32
      %eq3A_20 = arith.cmpi eq, %jit3A, %eq3A : i32
      %jit3A_21 = arith.constant 1 : i32
      %select_n3A = arith.select %eq3A_20, %jit3A_21, %jit3A : i32
      %rem3A = arith.remsi %scan3A_19, %select_n3A : i32
      %ne3A = arith.constant 0 : i32
      %ne3A_22 = arith.cmpi ne, %rem3A, %ne3A : i32
      %lt3A = arith.constant 0 : i32
      %lt3A_23 = arith.cmpi slt, %rem3A, %lt3A : i32
      %lt3A_24 = arith.constant 0 : i32
      %lt3A_25 = arith.cmpi slt, %select_n3A, %lt3A_24 : i32
      %ne3A_26 = arith.xori %lt3A_23, %lt3A_25 : i1
      %and3A = arith.andi %ne3A_26, %ne3A_22 : i1
      %add3A_27 = arith.addi %rem3A, %select_n3A : i32
      %select_n3A_28 = arith.select %and3A, %add3A_27, %rem3A : i32
      %eq3A_29 = arith.constant 0 : i32
      %eq3A_30 = arith.cmpi eq, %select_n3A_28, %eq3A_29 : i32
      %convert_element_type3A = arith.extui %eq3A_30 : i1 to i32
      %cond3A = arith.constant 0 : i32
      %cond3A_31 = arith.cmpi ne, %convert_element_type3A, %cond3A : i32
      scf.if %cond3A_31 {
        %dma_wait3A = arith.constant 0 : i32
        %dma_wait3A_53 = tpu.memref_slice %arg2[%scan3A_19, %mul3A_2, %dma_wait3A] : memref<19x1024x512xi32, #tpu.memory_space<hbm>> -> memref<1x32x512xi32, #tpu.memory_space<hbm>>
        %dma_wait3A_54 = tpu.memref_squeeze %dma_wait3A_53 : memref<1x32x512xi32, #tpu.memory_space<hbm>> -> memref<32x512xi32, #tpu.memory_space<hbm>>
        %dma_wait3A_55 = arith.constant 0 : i32
        %dma_wait3A_56 = tpu.memref_slice %arg2[%scan3A_19, %mul3A_2, %dma_wait3A_55] : memref<19x1024x512xi32, #tpu.memory_space<hbm>> -> memref<1x32x512xi32, #tpu.memory_space<hbm>>
        %dma_wait3A_57 = tpu.memref_squeeze %dma_wait3A_56 : memref<1x32x512xi32, #tpu.memory_space<hbm>> -> memref<32x512xi32, #tpu.memory_space<hbm>>
        tpu.wait_dma2 semaphore(%arg8 : memref<!tpu.dma_semaphore, #tpu.memory_space<semaphore_mem>>) src(%dma_wait3A_57 : memref<32x512xi32, #tpu.memory_space<hbm>>) dst(%arg4 : memref<32x512xi32, #tpu.memory_space<vmem>>)
        %add3A_58 = arith.constant 1 : i32
        %add3A_59 = arith.addi %scan3A_19, %add3A_58 : i32
        %lt3A_60 = arith.constant 19 : i32
        %lt3A_61 = arith.cmpi slt, %add3A_59, %lt3A_60 : i32
        %convert_element_type3A_62 = arith.extui %lt3A_61 : i1 to i32
        %cond3A_63 = arith.constant 0 : i32
        %cond3A_64 = arith.cmpi ne, %convert_element_type3A_62, %cond3A_63 : i32
        scf.if %cond3A_64 {
          %add3A_80 = arith.constant 1 : i32
          %add3A_81 = arith.addi %scan3A_19, %add3A_80 : i32
          %dma_start3A_82 = arith.constant 0 : i32
          %dma_start3A_83 = tpu.memref_slice %arg2[%add3A_81, %mul3A_2, %dma_start3A_82] : memref<19x1024x512xi32, #tpu.memory_space<hbm>> -> memref<1x32x512xi32, #tpu.memory_space<hbm>>
          %dma_start3A_84 = tpu.memref_squeeze %dma_start3A_83 : memref<1x32x512xi32, #tpu.memory_space<hbm>> -> memref<32x512xi32, #tpu.memory_space<hbm>>
          %dma_start3A_85 = arith.constant 0 : i32
          %dma_start3A_86 = tpu.memref_slice %arg2[%add3A_81, %mul3A_2, %dma_start3A_85] : memref<19x1024x512xi32, #tpu.memory_space<hbm>> -> memref<1x32x512xi32, #tpu.memory_space<hbm>>
          %dma_start3A_87 = tpu.memref_squeeze %dma_start3A_86 : memref<1x32x512xi32, #tpu.memory_space<hbm>> -> memref<32x512xi32, #tpu.memory_space<hbm>>
          tpu.enqueue_dma source(%dma_start3A_87 : memref<32x512xi32, #tpu.memory_space<hbm>>) target(%arg5 : memref<32x512xi32, #tpu.memory_space<vmem>>) target_semaphore(%arg9 : memref<!tpu.dma_semaphore, #tpu.memory_space<semaphore_mem>>)
        } else {
        }
        %scan3A_65 = arith.constant 0 : i32
        %scan3A_66 = arith.constant 64 : i32
        %scan3A_67 = arith.addi %scan3A_65, %scan3A_66 : i32
        %scan3A_68 = arith.constant 1 : i32
        scf.for %scan3A_80 = %scan3A_65 to %scan3A_67 step %scan3A_68  : i32 {
          %mul3A_81 = arith.constant 16 : i32
          %mul3A_82 = arith.muli %scan3A_80, %mul3A_81 : i32
          %add3A_83 = arith.constant 0 : i32
          %add3A_84 = arith.addi %mul3A_82, %add3A_83 : i32
          %mul3A_85 = arith.constant 16 : i32
          %mul3A_86 = arith.muli %add3A_84, %mul3A_85 : i32
          %swap3A = arith.index_cast %mul3A_86 : i32 to index
          %swap3A_87 = tpu.vector_load %arg6[%swap3A] {strides = array<i32>} : memref<16384xi32, #tpu.memory_space<vmem>>, vector<16xi32>,
          tpu.vector_store %arg6[%swap3A], %broadcast_in_dim3A_8 {strides = array<i32>} : memref<16384xi32, #tpu.memory_space<vmem>>, vector<16xi32>,
          %mul3A_88 = arith.constant 16 : i32
          %mul3A_89 = arith.muli %scan3A_80, %mul3A_88 : i32
          %add3A_90 = arith.constant 1 : i32
          %add3A_91 = arith.addi %mul3A_89, %add3A_90 : i32
          %mul3A_92 = arith.constant 16 : i32
          %mul3A_93 = arith.muli %add3A_91, %mul3A_92 : i32
          %swap3A_94 = arith.index_cast %mul3A_93 : i32 to index
          %swap3A_95 = tpu.vector_load %arg6[%swap3A_94] {strides = array<i32>} : memref<16384xi32, #tpu.memory_space<vmem>>, vector<16xi32>,
          tpu.vector_store %arg6[%swap3A_94], %broadcast_in_dim3A_8 {strides = array<i32>} : memref<16384xi32, #tpu.memory_space<vmem>>, vector<16xi32>,
          %mul3A_96 = arith.constant 16 : i32
          %mul3A_97 = arith.muli %scan3A_80, %mul3A_96 : i32
          %add3A_98 = arith.constant 2 : i32
          %add3A_99 = arith.addi %mul3A_97, %add3A_98 : i32
          %mul3A_100 = arith.constant 16 : i32
          %mul3A_101 = arith.muli %add3A_99, %mul3A_100 : i32
          %swap3A_102 = arith.index_cast %mul3A_101 : i32 to index
          %swap3A_103 = tpu.vector_load %arg6[%swap3A_102] {strides = array<i32>} : memref<16384xi32, #tpu.memory_space<vmem>>, vector<16xi32>,
          tpu.vector_store %arg6[%swap3A_102], %broadcast_in_dim3A_8 {strides = array<i32>} : memref<16384xi32, #tpu.memory_space<vmem>>, vector<16xi32>,
          %mul3A_104 = arith.constant 16 : i32
          %mul3A_105 = arith.muli %scan3A_80, %mul3A_104 : i32
          %add3A_106 = arith.constant 3 : i32
          %add3A_107 = arith.addi %mul3A_105, %add3A_106 : i32
          %mul3A_108 = arith.constant 16 : i32
          %mul3A_109 = arith.muli %add3A_107, %mul3A_108 : i32
          %swap3A_110 = arith.index_cast %mul3A_109 : i32 to index
          %swap3A_111 = tpu.vector_load %arg6[%swap3A_110] {strides = array<i32>} : memref<16384xi32, #tpu.memory_space<vmem>>, vector<16xi32>,
          tpu.vector_store %arg6[%swap3A_110], %broadcast_in_dim3A_8 {strides = array<i32>} : memref<16384xi32, #tpu.memory_space<vmem>>, vector<16xi32>,
          %mul3A_112 = arith.constant 16 : i32
          %mul3A_113 = arith.muli %scan3A_80, %mul3A_112 : i32
          %add3A_114 = arith.constant 4 : i32
          %add3A_115 = arith.addi %mul3A_113, %add3A_114 : i32
          %mul3A_116 = arith.constant 16 : i32
          %mul3A_117 = arith.muli %add3A_115, %mul3A_116 : i32
          %swap3A_118 = arith.index_cast %mul3A_117 : i32 to index
          %swap3A_119 = tpu.vector_load %arg6[%swap3A_118] {strides = array<i32>} : memref<16384xi32, #tpu.memory_space<vmem>>, vector<16xi32>,
          tpu.vector_store %arg6[%swap3A_118], %broadcast_in_dim3A_8 {strides = array<i32>} : memref<16384xi32, #tpu.memory_space<vmem>>, vector<16xi32>,
          %mul3A_120 = arith.constant 16 : i32
          %mul3A_121 = arith.muli %scan3A_80, %mul3A_120 : i32
          %add3A_122 = arith.constant 5 : i32
          %add3A_123 = arith.addi %mul3A_121, %add3A_122 : i32
          %mul3A_124 = arith.constant 16 : i32
          %mul3A_125 = arith.muli %add3A_123, %mul3A_124 : i32
          %swap3A_126 = arith.index_cast %mul3A_125 : i32 to index
          %swap3A_127 = tpu.vector_load %arg6[%swap3A_126] {strides = array<i32>} : memref<16384xi32, #tpu.memory_space<vmem>>, vector<16xi32>,
          tpu.vector_store %arg6[%swap3A_126], %broadcast_in_dim3A_8 {strides = array<i32>} : memref<16384xi32, #tpu.memory_space<vmem>>, vector<16xi32>,
          %mul3A_128 = arith.constant 16 : i32
          %mul3A_129 = arith.muli %scan3A_80, %mul3A_128 : i32
          %add3A_130 = arith.constant 6 : i32
          %add3A_131 = arith.addi %mul3A_129, %add3A_130 : i32
          %mul3A_132 = arith.constant 16 : i32
          %mul3A_133 = arith.muli %add3A_131, %mul3A_132 : i32
          %swap3A_134 = arith.index_cast %mul3A_133 : i32 to index
          %swap3A_135 = tpu.vector_load %arg6[%swap3A_134] {strides = array<i32>} : memref<16384xi32, #tpu.memory_space<vmem>>, vector<16xi32>,
          tpu.vector_store %arg6[%swap3A_134], %broadcast_in_dim3A_8 {strides = array<i32>} : memref<16384xi32, #tpu.memory_space<vmem>>, vector<16xi32>,
          %mul3A_136 = arith.constant 16 : i32
          %mul3A_137 = arith.muli %scan3A_80, %mul3A_136 : i32
          %add3A_138 = arith.constant 7 : i32
          %add3A_139 = arith.addi %mul3A_137, %add3A_138 : i32
          %mul3A_140 = arith.constant 16 : i32
          %mul3A_141 = arith.muli %add3A_139, %mul3A_140 : i32
          %swap3A_142 = arith.index_cast %mul3A_141 : i32 to index
          %swap3A_143 = tpu.vector_load %arg6[%swap3A_142] {strides = array<i32>} : memref<16384xi32, #tpu.memory_space<vmem>>, vector<16xi32>,
          tpu.vector_store %arg6[%swap3A_142], %broadcast_in_dim3A_8 {strides = array<i32>} : memref<16384xi32, #tpu.memory_space<vmem>>, vector<16xi32>,
          %mul3A_144 = arith.constant 16 : i32
          %mul3A_145 = arith.muli %scan3A_80, %mul3A_144 : i32
          %add3A_146 = arith.constant 8 : i32
          %add3A_147 = arith.addi %mul3A_145, %add3A_146 : i32
          %mul3A_148 = arith.constant 16 : i32
          %mul3A_149 = arith.muli %add3A_147, %mul3A_148 : i32
          %swap3A_150 = arith.index_cast %mul3A_149 : i32 to index
          %swap3A_151 = tpu.vector_load %arg6[%swap3A_150] {strides = array<i32>} : memref<16384xi32, #tpu.memory_space<vmem>>, vector<16xi32>,
          tpu.vector_store %arg6[%swap3A_150], %broadcast_in_dim3A_8 {strides = array<i32>} : memref<16384xi32, #tpu.memory_space<vmem>>, vector<16xi32>,
          %mul3A_152 = arith.constant 16 : i32
          %mul3A_153 = arith.muli %scan3A_80, %mul3A_152 : i32
          %add3A_154 = arith.constant 9 : i32
          %add3A_155 = arith.addi %mul3A_153, %add3A_154 : i32
          %mul3A_156 = arith.constant 16 : i32
          %mul3A_157 = arith.muli %add3A_155, %mul3A_156 : i32
          %swap3A_158 = arith.index_cast %mul3A_157 : i32 to index
          %swap3A_159 = tpu.vector_load %arg6[%swap3A_158] {strides = array<i32>} : memref<16384xi32, #tpu.memory_space<vmem>>, vector<16xi32>,
          tpu.vector_store %arg6[%swap3A_158], %broadcast_in_dim3A_8 {strides = array<i32>} : memref<16384xi32, #tpu.memory_space<vmem>>, vector<16xi32>,
          %mul3A_160 = arith.constant 16 : i32
          %mul3A_161 = arith.muli %scan3A_80, %mul3A_160 : i32
          %add3A_162 = arith.constant 10 : i32
          %add3A_163 = arith.addi %mul3A_161, %add3A_162 : i32
          %mul3A_164 = arith.constant 16 : i32
          %mul3A_165 = arith.muli %add3A_163, %mul3A_164 : i32
          %swap3A_166 = arith.index_cast %mul3A_165 : i32 to index
          %swap3A_167 = tpu.vector_load %arg6[%swap3A_166] {strides = array<i32>} : memref<16384xi32, #tpu.memory_space<vmem>>, vector<16xi32>,
          tpu.vector_store %arg6[%swap3A_166], %broadcast_in_dim3A_8 {strides = array<i32>} : memref<16384xi32, #tpu.memory_space<vmem>>, vector<16xi32>,
          %mul3A_168 = arith.constant 16 : i32
          %mul3A_169 = arith.muli %scan3A_80, %mul3A_168 : i32
          %add3A_170 = arith.constant 11 : i32
          %add3A_171 = arith.addi %mul3A_169, %add3A_170 : i32
          %mul3A_172 = arith.constant 16 : i32
          %mul3A_173 = arith.muli %add3A_171, %mul3A_172 : i32
          %swap3A_174 = arith.index_cast %mul3A_173 : i32 to index
          %swap3A_175 = tpu.vector_load %arg6[%swap3A_174] {strides = array<i32>} : memref<16384xi32, #tpu.memory_space<vmem>>, vector<16xi32>,
          tpu.vector_store %arg6[%swap3A_174], %broadcast_in_dim3A_8 {strides = array<i32>} : memref<16384xi32, #tpu.memory_space<vmem>>, vector<16xi32>,
          %mul3A_176 = arith.constant 16 : i32
          %mul3A_177 = arith.muli %scan3A_80, %mul3A_176 : i32
          %add3A_178 = arith.constant 12 : i32
          %add3A_179 = arith.addi %mul3A_177, %add3A_178 : i32
          %mul3A_180 = arith.constant 16 : i32
          %mul3A_181 = arith.muli %add3A_179, %mul3A_180 : i32
          %swap3A_182 = arith.index_cast %mul3A_181 : i32 to index
          %swap3A_183 = tpu.vector_load %arg6[%swap3A_182] {strides = array<i32>} : memref<16384xi32, #tpu.memory_space<vmem>>, vector<16xi32>,
          tpu.vector_store %arg6[%swap3A_182], %broadcast_in_dim3A_8 {strides = array<i32>} : memref<16384xi32, #tpu.memory_space<vmem>>, vector<16xi32>,
          %mul3A_184 = arith.constant 16 : i32
          %mul3A_185 = arith.muli %scan3A_80, %mul3A_184 : i32
          %add3A_186 = arith.constant 13 : i32
          %add3A_187 = arith.addi %mul3A_185, %add3A_186 : i32
          %mul3A_188 = arith.constant 16 : i32
          %mul3A_189 = arith.muli %add3A_187, %mul3A_188 : i32
          %swap3A_190 = arith.index_cast %mul3A_189 : i32 to index
          %swap3A_191 = tpu.vector_load %arg6[%swap3A_190] {strides = array<i32>} : memref<16384xi32, #tpu.memory_space<vmem>>, vector<16xi32>,
          tpu.vector_store %arg6[%swap3A_190], %broadcast_in_dim3A_8 {strides = array<i32>} : memref<16384xi32, #tpu.memory_space<vmem>>, vector<16xi32>,
          %mul3A_192 = arith.constant 16 : i32
          %mul3A_193 = arith.muli %scan3A_80, %mul3A_192 : i32
          %add3A_194 = arith.constant 14 : i32
          %add3A_195 = arith.addi %mul3A_193, %add3A_194 : i32
          %mul3A_196 = arith.constant 16 : i32
          %mul3A_197 = arith.muli %add3A_195, %mul3A_196 : i32
          %swap3A_198 = arith.index_cast %mul3A_197 : i32 to index
          %swap3A_199 = tpu.vector_load %arg6[%swap3A_198] {strides = array<i32>} : memref<16384xi32, #tpu.memory_space<vmem>>, vector<16xi32>,
          tpu.vector_store %arg6[%swap3A_198], %broadcast_in_dim3A_8 {strides = array<i32>} : memref<16384xi32, #tpu.memory_space<vmem>>, vector<16xi32>,
          %mul3A_200 = arith.constant 16 : i32
          %mul3A_201 = arith.muli %scan3A_80, %mul3A_200 : i32
          %add3A_202 = arith.constant 15 : i32
          %add3A_203 = arith.addi %mul3A_201, %add3A_202 : i32
          %mul3A_204 = arith.constant 16 : i32
          %mul3A_205 = arith.muli %add3A_203, %mul3A_204 : i32
          %swap3A_206 = arith.index_cast %mul3A_205 : i32 to index
          %swap3A_207 = tpu.vector_load %arg6[%swap3A_206] {strides = array<i32>} : memref<16384xi32, #tpu.memory_space<vmem>>, vector<16xi32>,
          tpu.vector_store %arg6[%swap3A_206], %broadcast_in_dim3A_8 {strides = array<i32>} : memref<16384xi32, #tpu.memory_space<vmem>>, vector<16xi32>,
        }
        %scan3A_69 = arith.constant 64 : i32
        %scan3A_70 = arith.constant 0 : i32
        %scan3A_71 = arith.constant 32 : i32
        %scan3A_72 = arith.addi %scan3A_70, %scan3A_71 : i32
        %scan3A_73 = arith.constant 1 : i32
        scf.for %scan3A_80 = %scan3A_70 to %scan3A_72 step %scan3A_73  : i32 {
          %scan3A_81 = arith.constant 0 : i32
          %scan3A_82 = arith.constant 4 : i32
          %scan3A_83 = arith.addi %scan3A_81, %scan3A_82 : i32
          %scan3A_84 = arith.constant 1 : i32
          scf.for %scan3A_86 = %scan3A_81 to %scan3A_83 step %scan3A_84  : i32 {
            %mul3A_87 = arith.constant 8 : i32
            %mul3A_88 = arith.muli %scan3A_86, %mul3A_87 : i32
            %add3A_89 = arith.constant 0 : i32
            %add3A_90 = arith.addi %mul3A_88, %add3A_89 : i32
            %mul3A_91 = arith.constant 16 : i32
            %mul3A_92 = arith.muli %add3A_90, %mul3A_91 : i32
            %get3A = arith.index_cast %scan3A_80 : i32 to index
            %get3A_93 = arith.index_cast %mul3A_92 : i32 to index
            %get3A_94 = tpu.vector_load %arg4[%get3A, %get3A_93] {strides = array<i32>} : memref<32x512xi32, #tpu.memory_space<vmem>>, vector<16xi32>,
            %mul3A_95 = arith.constant 8 : i32
            %mul3A_96 = arith.muli %scan3A_86, %mul3A_95 : i32
            %add3A_97 = arith.constant 1 : i32
            %add3A_98 = arith.addi %mul3A_96, %add3A_97 : i32
            %mul3A_99 = arith.constant 16 : i32
            %mul3A_100 = arith.muli %add3A_98, %mul3A_99 : i32
            %get3A_101 = arith.index_cast %scan3A_80 : i32 to index
            %get3A_102 = arith.index_cast %mul3A_100 : i32 to index
            %get3A_103 = tpu.vector_load %arg4[%get3A_101, %get3A_102] {strides = array<i32>} : memref<32x512xi32, #tpu.memory_space<vmem>>, vector<16xi32>,
            %mul3A_104 = arith.constant 8 : i32
            %mul3A_105 = arith.muli %scan3A_86, %mul3A_104 : i32
            %add3A_106 = arith.constant 2 : i32
            %add3A_107 = arith.addi %mul3A_105, %add3A_106 : i32
            %mul3A_108 = arith.constant 16 : i32
            %mul3A_109 = arith.muli %add3A_107, %mul3A_108 : i32
            %get3A_110 = arith.index_cast %scan3A_80 : i32 to index
            %get3A_111 = arith.index_cast %mul3A_109 : i32 to index
            %get3A_112 = tpu.vector_load %arg4[%get3A_110, %get3A_111] {strides = array<i32>} : memref<32x512xi32, #tpu.memory_space<vmem>>, vector<16xi32>,
            %mul3A_113 = arith.constant 8 : i32
            %mul3A_114 = arith.muli %scan3A_86, %mul3A_113 : i32
            %add3A_115 = arith.constant 3 : i32
            %add3A_116 = arith.addi %mul3A_114, %add3A_115 : i32
            %mul3A_117 = arith.constant 16 : i32
            %mul3A_118 = arith.muli %add3A_116, %mul3A_117 : i32
            %get3A_119 = arith.index_cast %scan3A_80 : i32 to index
            %get3A_120 = arith.index_cast %mul3A_118 : i32 to index
            %get3A_121 = tpu.vector_load %arg4[%get3A_119, %get3A_120] {strides = array<i32>} : memref<32x512xi32, #tpu.memory_space<vmem>>, vector<16xi32>,
            %mul3A_122 = arith.constant 8 : i32
            %mul3A_123 = arith.muli %scan3A_86, %mul3A_122 : i32
            %add3A_124 = arith.constant 4 : i32
            %add3A_125 = arith.addi %mul3A_123, %add3A_124 : i32
            %mul3A_126 = arith.constant 16 : i32
            %mul3A_127 = arith.muli %add3A_125, %mul3A_126 : i32
            %get3A_128 = arith.index_cast %scan3A_80 : i32 to index
            %get3A_129 = arith.index_cast %mul3A_127 : i32 to index
            %get3A_130 = tpu.vector_load %arg4[%get3A_128, %get3A_129] {strides = array<i32>} : memref<32x512xi32, #tpu.memory_space<vmem>>, vector<16xi32>,
            %mul3A_131 = arith.constant 8 : i32
            %mul3A_132 = arith.muli %scan3A_86, %mul3A_131 : i32
            %add3A_133 = arith.constant 5 : i32
            %add3A_134 = arith.addi %mul3A_132, %add3A_133 : i32
            %mul3A_135 = arith.constant 16 : i32
            %mul3A_136 = arith.muli %add3A_134, %mul3A_135 : i32
            %get3A_137 = arith.index_cast %scan3A_80 : i32 to index
            %get3A_138 = arith.index_cast %mul3A_136 : i32 to index
            %get3A_139 = tpu.vector_load %arg4[%get3A_137, %get3A_138] {strides = array<i32>} : memref<32x512xi32, #tpu.memory_space<vmem>>, vector<16xi32>,
            %mul3A_140 = arith.constant 8 : i32
            %mul3A_141 = arith.muli %scan3A_86, %mul3A_140 : i32
            %add3A_142 = arith.constant 6 : i32
            %add3A_143 = arith.addi %mul3A_141, %add3A_142 : i32
            %mul3A_144 = arith.constant 16 : i32
            %mul3A_145 = arith.muli %add3A_143, %mul3A_144 : i32
            %get3A_146 = arith.index_cast %scan3A_80 : i32 to index
            %get3A_147 = arith.index_cast %mul3A_145 : i32 to index
            %get3A_148 = tpu.vector_load %arg4[%get3A_146, %get3A_147] {strides = array<i32>} : memref<32x512xi32, #tpu.memory_space<vmem>>, vector<16xi32>,
            %mul3A_149 = arith.constant 8 : i32
            %mul3A_150 = arith.muli %scan3A_86, %mul3A_149 : i32
            %add3A_151 = arith.constant 7 : i32
            %add3A_152 = arith.addi %mul3A_150, %add3A_151 : i32
            %mul3A_153 = arith.constant 16 : i32
            %mul3A_154 = arith.muli %add3A_152, %mul3A_153 : i32
            %get3A_155 = arith.index_cast %scan3A_80 : i32 to index
            %get3A_156 = arith.index_cast %mul3A_154 : i32 to index
            %get3A_157 = tpu.vector_load %arg4[%get3A_155, %get3A_156] {strides = array<i32>} : memref<32x512xi32, #tpu.memory_space<vmem>>, vector<16xi32>,
            %add3A_158 = arith.addi %get3A_94, %mul3A_5 : vector<16xi32>
            %add3A_159 = arith.constant 0 : i32
            %add3A_160 = vector.broadcast %add3A_159 : i32 to vector<16xi32>
            %add3A_161 = arith.addi %add3A_158, %add3A_160 : vector<16xi32>
            %add3A_162 = arith.addi %get3A_103, %mul3A_5 : vector<16xi32>
            %add3A_163 = arith.constant 4096 : i32
            %add3A_164 = vector.broadcast %add3A_163 : i32 to vector<16xi32>
            %add3A_165 = arith.addi %add3A_162, %add3A_164 : vector<16xi32>
            %add3A_166 = arith.addi %get3A_112, %mul3A_5 : vector<16xi32>
            %add3A_167 = arith.constant 8192 : i32
            %add3A_168 = vector.broadcast %add3A_167 : i32 to vector<16xi32>
            %add3A_169 = arith.addi %add3A_166, %add3A_168 : vector<16xi32>
            %add3A_170 = arith.addi %get3A_121, %mul3A_5 : vector<16xi32>
            %add3A_171 = arith.constant 12288 : i32
            %add3A_172 = vector.broadcast %add3A_171 : i32 to vector<16xi32>
            %add3A_173 = arith.addi %add3A_170, %add3A_172 : vector<16xi32>
            %add3A_174 = arith.addi %get3A_130, %mul3A_5 : vector<16xi32>
            %add3A_175 = arith.constant 0 : i32
            %add3A_176 = vector.broadcast %add3A_175 : i32 to vector<16xi32>
            %add3A_177 = arith.addi %add3A_174, %add3A_176 : vector<16xi32>
            %add3A_178 = arith.addi %get3A_139, %mul3A_5 : vector<16xi32>
            %add3A_179 = arith.constant 4096 : i32
            %add3A_180 = vector.broadcast %add3A_179 : i32 to vector<16xi32>
            %add3A_181 = arith.addi %add3A_178, %add3A_180 : vector<16xi32>
            %add3A_182 = arith.addi %get3A_148, %mul3A_5 : vector<16xi32>
            %add3A_183 = arith.constant 8192 : i32
            %add3A_184 = vector.broadcast %add3A_183 : i32 to vector<16xi32>
            %add3A_185 = arith.addi %add3A_182, %add3A_184 : vector<16xi32>
            %add3A_186 = arith.addi %get3A_157, %mul3A_5 : vector<16xi32>
            %add3A_187 = arith.constant 12288 : i32
            %add3A_188 = vector.broadcast %add3A_187 : i32 to vector<16xi32>
            %add3A_189 = arith.addi %add3A_186, %add3A_188 : vector<16xi32>
            tpu.vector_store_idx %arg6[%add3A_161], %broadcast_in_dim3A_6 {add = true} : memref<16384xi32, #tpu.memory_space<vmem>>[vector<16xi32>], vector<16xi32>,
            tpu.vector_store_idx %arg6[%add3A_165], %broadcast_in_dim3A_6 {add = true} : memref<16384xi32, #tpu.memory_space<vmem>>[vector<16xi32>], vector<16xi32>,
            tpu.vector_store_idx %arg6[%add3A_169], %broadcast_in_dim3A_6 {add = true} : memref<16384xi32, #tpu.memory_space<vmem>>[vector<16xi32>], vector<16xi32>,
            tpu.vector_store_idx %arg6[%add3A_173], %broadcast_in_dim3A_6 {add = true} : memref<16384xi32, #tpu.memory_space<vmem>>[vector<16xi32>], vector<16xi32>,
            tpu.vector_store_idx %arg6[%add3A_177], %broadcast_in_dim3A_6 {add = true} : memref<16384xi32, #tpu.memory_space<vmem>>[vector<16xi32>], vector<16xi32>,
            tpu.vector_store_idx %arg6[%add3A_181], %broadcast_in_dim3A_6 {add = true} : memref<16384xi32, #tpu.memory_space<vmem>>[vector<16xi32>], vector<16xi32>,
            tpu.vector_store_idx %arg6[%add3A_185], %broadcast_in_dim3A_6 {add = true} : memref<16384xi32, #tpu.memory_space<vmem>>[vector<16xi32>], vector<16xi32>,
            tpu.vector_store_idx %arg6[%add3A_189], %broadcast_in_dim3A_6 {add = true} : memref<16384xi32, #tpu.memory_space<vmem>>[vector<16xi32>], vector<16xi32>,
          }
          %scan3A_85 = arith.constant 4 : i32
        }
        %scan3A_74 = arith.constant 32 : i32
        %scan3A_75 = arith.constant 0 : i32
        %scan3A_76 = arith.constant 16 : i32
        %scan3A_77 = arith.addi %scan3A_75, %scan3A_76 : i32
        %scan3A_78 = arith.constant 1 : i32
        scf.for %scan3A_80 = %scan3A_75 to %scan3A_77 step %scan3A_78  : i32 {
          %mul3A_81 = arith.constant 16 : i32
          %mul3A_82 = arith.muli %scan3A_80, %mul3A_81 : i32
          %add3A_83 = arith.constant 0 : i32
          %add3A_84 = arith.addi %add3A_83, %mul3A_82 : i32
          %get3A = arith.index_cast %add3A_84 : i32 to index
          %get3A_85 = tpu.vector_load %arg6[%get3A] {strides = array<i32>} : memref<16384xi32, #tpu.memory_space<vmem>>, vector<16xi32>,
          %mul3A_86 = arith.constant 16 : i32
          %mul3A_87 = arith.muli %scan3A_80, %mul3A_86 : i32
          %add3A_88 = arith.constant 256 : i32
          %add3A_89 = arith.addi %add3A_88, %mul3A_87 : i32
          %get3A_90 = arith.index_cast %add3A_89 : i32 to index
          %get3A_91 = tpu.vector_load %arg6[%get3A_90] {strides = array<i32>} : memref<16384xi32, #tpu.memory_space<vmem>>, vector<16xi32>,
          %mul3A_92 = arith.constant 16 : i32
          %mul3A_93 = arith.muli %scan3A_80, %mul3A_92 : i32
          %add3A_94 = arith.constant 512 : i32
          %add3A_95 = arith.addi %add3A_94, %mul3A_93 : i32
          %get3A_96 = arith.index_cast %add3A_95 : i32 to index
          %get3A_97 = tpu.vector_load %arg6[%get3A_96] {strides = array<i32>} : memref<16384xi32, #tpu.memory_space<vmem>>, vector<16xi32>,
          %mul3A_98 = arith.constant 16 : i32
          %mul3A_99 = arith.muli %scan3A_80, %mul3A_98 : i32
          %add3A_100 = arith.constant 768 : i32
          %add3A_101 = arith.addi %add3A_100, %mul3A_99 : i32
          %get3A_102 = arith.index_cast %add3A_101 : i32 to index
          %get3A_103 = tpu.vector_load %arg6[%get3A_102] {strides = array<i32>} : memref<16384xi32, #tpu.memory_space<vmem>>, vector<16xi32>,
          %mul3A_104 = arith.constant 16 : i32
          %mul3A_105 = arith.muli %scan3A_80, %mul3A_104 : i32
          %add3A_106 = arith.constant 1024 : i32
          %add3A_107 = arith.addi %add3A_106, %mul3A_105 : i32
          %get3A_108 = arith.index_cast %add3A_107 : i32 to index
          %get3A_109 = tpu.vector_load %arg6[%get3A_108] {strides = array<i32>} : memref<16384xi32, #tpu.memory_space<vmem>>, vector<16xi32>,
          %mul3A_110 = arith.constant 16 : i32
          %mul3A_111 = arith.muli %scan3A_80, %mul3A_110 : i32
          %add3A_112 = arith.constant 1280 : i32
          %add3A_113 = arith.addi %add3A_112, %mul3A_111 : i32
          %get3A_114 = arith.index_cast %add3A_113 : i32 to index
          %get3A_115 = tpu.vector_load %arg6[%get3A_114] {strides = array<i32>} : memref<16384xi32, #tpu.memory_space<vmem>>, vector<16xi32>,
          %mul3A_116 = arith.constant 16 : i32
          %mul3A_117 = arith.muli %scan3A_80, %mul3A_116 : i32
          %add3A_118 = arith.constant 1536 : i32
          %add3A_119 = arith.addi %add3A_118, %mul3A_117 : i32
          %get3A_120 = arith.index_cast %add3A_119 : i32 to index
          %get3A_121 = tpu.vector_load %arg6[%get3A_120] {strides = array<i32>} : memref<16384xi32, #tpu.memory_space<vmem>>, vector<16xi32>,
          %mul3A_122 = arith.constant 16 : i32
          %mul3A_123 = arith.muli %scan3A_80, %mul3A_122 : i32
          %add3A_124 = arith.constant 1792 : i32
          %add3A_125 = arith.addi %add3A_124, %mul3A_123 : i32
          %get3A_126 = arith.index_cast %add3A_125 : i32 to index
          %get3A_127 = tpu.vector_load %arg6[%get3A_126] {strides = array<i32>} : memref<16384xi32, #tpu.memory_space<vmem>>, vector<16xi32>,
          %mul3A_128 = arith.constant 16 : i32
          %mul3A_129 = arith.muli %scan3A_80, %mul3A_128 : i32
          %add3A_130 = arith.constant 2048 : i32
          %add3A_131 = arith.addi %add3A_130, %mul3A_129 : i32
          %get3A_132 = arith.index_cast %add3A_131 : i32 to index
          %get3A_133 = tpu.vector_load %arg6[%get3A_132] {strides = array<i32>} : memref<16384xi32, #tpu.memory_space<vmem>>, vector<16xi32>,
          %mul3A_134 = arith.constant 16 : i32
          %mul3A_135 = arith.muli %scan3A_80, %mul3A_134 : i32
          %add3A_136 = arith.constant 2304 : i32
          %add3A_137 = arith.addi %add3A_136, %mul3A_135 : i32
          %get3A_138 = arith.index_cast %add3A_137 : i32 to index
          %get3A_139 = tpu.vector_load %arg6[%get3A_138] {strides = array<i32>} : memref<16384xi32, #tpu.memory_space<vmem>>, vector<16xi32>,
          %mul3A_140 = arith.constant 16 : i32
          %mul3A_141 = arith.muli %scan3A_80, %mul3A_140 : i32
          %add3A_142 = arith.constant 2560 : i32
          %add3A_143 = arith.addi %add3A_142, %mul3A_141 : i32
          %get3A_144 = arith.index_cast %add3A_143 : i32 to index
          %get3A_145 = tpu.vector_load %arg6[%get3A_144] {strides = array<i32>} : memref<16384xi32, #tpu.memory_space<vmem>>, vector<16xi32>,
          %mul3A_146 = arith.constant 16 : i32
          %mul3A_147 = arith.muli %scan3A_80, %mul3A_146 : i32
          %add3A_148 = arith.constant 2816 : i32
          %add3A_149 = arith.addi %add3A_148, %mul3A_147 : i32
          %get3A_150 = arith.index_cast %add3A_149 : i32 to index
          %get3A_151 = tpu.vector_load %arg6[%get3A_150] {strides = array<i32>} : memref<16384xi32, #tpu.memory_space<vmem>>, vector<16xi32>,
          %mul3A_152 = arith.constant 16 : i32
          %mul3A_153 = arith.muli %scan3A_80, %mul3A_152 : i32
          %add3A_154 = arith.constant 3072 : i32
          %add3A_155 = arith.addi %add3A_154, %mul3A_153 : i32
          %get3A_156 = arith.index_cast %add3A_155 : i32 to index
          %get3A_157 = tpu.vector_load %arg6[%get3A_156] {strides = array<i32>} : memref<16384xi32, #tpu.memory_space<vmem>>, vector<16xi32>,
          %mul3A_158 = arith.constant 16 : i32
          %mul3A_159 = arith.muli %scan3A_80, %mul3A_158 : i32
          %add3A_160 = arith.constant 3328 : i32
          %add3A_161 = arith.addi %add3A_160, %mul3A_159 : i32
          %get3A_162 = arith.index_cast %add3A_161 : i32 to index
          %get3A_163 = tpu.vector_load %arg6[%get3A_162] {strides = array<i32>} : memref<16384xi32, #tpu.memory_space<vmem>>, vector<16xi32>,
          %mul3A_164 = arith.constant 16 : i32
          %mul3A_165 = arith.muli %scan3A_80, %mul3A_164 : i32
          %add3A_166 = arith.constant 3584 : i32
          %add3A_167 = arith.addi %add3A_166, %mul3A_165 : i32
          %get3A_168 = arith.index_cast %add3A_167 : i32 to index
          %get3A_169 = tpu.vector_load %arg6[%get3A_168] {strides = array<i32>} : memref<16384xi32, #tpu.memory_space<vmem>>, vector<16xi32>,
          %mul3A_170 = arith.constant 16 : i32
          %mul3A_171 = arith.muli %scan3A_80, %mul3A_170 : i32
          %add3A_172 = arith.constant 3840 : i32
          %add3A_173 = arith.addi %add3A_172, %mul3A_171 : i32
          %get3A_174 = arith.index_cast %add3A_173 : i32 to index
          %get3A_175 = tpu.vector_load %arg6[%get3A_174] {strides = array<i32>} : memref<16384xi32, #tpu.memory_space<vmem>>, vector<16xi32>,
          %mul3A_176 = arith.constant 16 : i32
          %mul3A_177 = arith.muli %scan3A_80, %mul3A_176 : i32
          %add3A_178 = arith.constant 4096 : i32
          %add3A_179 = arith.addi %add3A_178, %mul3A_177 : i32
          %get3A_180 = arith.index_cast %add3A_179 : i32 to index
          %get3A_181 = tpu.vector_load %arg6[%get3A_180] {strides = array<i32>} : memref<16384xi32, #tpu.memory_space<vmem>>, vector<16xi32>,
          %mul3A_182 = arith.constant 16 : i32
          %mul3A_183 = arith.muli %scan3A_80, %mul3A_182 : i32
          %add3A_184 = arith.constant 4352 : i32
          %add3A_185 = arith.addi %add3A_184, %mul3A_183 : i32
          %get3A_186 = arith.index_cast %add3A_185 : i32 to index
          %get3A_187 = tpu.vector_load %arg6[%get3A_186] {strides = array<i32>} : memref<16384xi32, #tpu.memory_space<vmem>>, vector<16xi32>,
          %mul3A_188 = arith.constant 16 : i32
          %mul3A_189 = arith.muli %scan3A_80, %mul3A_188 : i32
          %add3A_190 = arith.constant 4608 : i32
          %add3A_191 = arith.addi %add3A_190, %mul3A_189 : i32
          %get3A_192 = arith.index_cast %add3A_191 : i32 to index
          %get3A_193 = tpu.vector_load %arg6[%get3A_192] {strides = array<i32>} : memref<16384xi32, #tpu.memory_space<vmem>>, vector<16xi32>,
          %mul3A_194 = arith.constant 16 : i32
          %mul3A_195 = arith.muli %scan3A_80, %mul3A_194 : i32
          %add3A_196 = arith.constant 4864 : i32
          %add3A_197 = arith.addi %add3A_196, %mul3A_195 : i32
          %get3A_198 = arith.index_cast %add3A_197 : i32 to index
          %get3A_199 = tpu.vector_load %arg6[%get3A_198] {strides = array<i32>} : memref<16384xi32, #tpu.memory_space<vmem>>, vector<16xi32>,
          %mul3A_200 = arith.constant 16 : i32
          %mul3A_201 = arith.muli %scan3A_80, %mul3A_200 : i32
          %add3A_202 = arith.constant 5120 : i32
          %add3A_203 = arith.addi %add3A_202, %mul3A_201 : i32
          %get3A_204 = arith.index_cast %add3A_203 : i32 to index
          %get3A_205 = tpu.vector_load %arg6[%get3A_204] {strides = array<i32>} : memref<16384xi32, #tpu.memory_space<vmem>>, vector<16xi32>,
          %mul3A_206 = arith.constant 16 : i32
          %mul3A_207 = arith.muli %scan3A_80, %mul3A_206 : i32
          %add3A_208 = arith.constant 5376 : i32
          %add3A_209 = arith.addi %add3A_208, %mul3A_207 : i32
          %get3A_210 = arith.index_cast %add3A_209 : i32 to index
          %get3A_211 = tpu.vector_load %arg6[%get3A_210] {strides = array<i32>} : memref<16384xi32, #tpu.memory_space<vmem>>, vector<16xi32>,
          %mul3A_212 = arith.constant 16 : i32
          %mul3A_213 = arith.muli %scan3A_80, %mul3A_212 : i32
          %add3A_214 = arith.constant 5632 : i32
          %add3A_215 = arith.addi %add3A_214, %mul3A_213 : i32
          %get3A_216 = arith.index_cast %add3A_215 : i32 to index
          %get3A_217 = tpu.vector_load %arg6[%get3A_216] {strides = array<i32>} : memref<16384xi32, #tpu.memory_space<vmem>>, vector<16xi32>,
          %mul3A_218 = arith.constant 16 : i32
          %mul3A_219 = arith.muli %scan3A_80, %mul3A_218 : i32
          %add3A_220 = arith.constant 5888 : i32
          %add3A_221 = arith.addi %add3A_220, %mul3A_219 : i32
          %get3A_222 = arith.index_cast %add3A_221 : i32 to index
          %get3A_223 = tpu.vector_load %arg6[%get3A_222] {strides = array<i32>} : memref<16384xi32, #tpu.memory_space<vmem>>, vector<16xi32>,
          %mul3A_224 = arith.constant 16 : i32
          %mul3A_225 = arith.muli %scan3A_80, %mul3A_224 : i32
          %add3A_226 = arith.constant 6144 : i32
          %add3A_227 = arith.addi %add3A_226, %mul3A_225 : i32
          %get3A_228 = arith.index_cast %add3A_227 : i32 to index
          %get3A_229 = tpu.vector_load %arg6[%get3A_228] {strides = array<i32>} : memref<16384xi32, #tpu.memory_space<vmem>>, vector<16xi32>,
          %mul3A_230 = arith.constant 16 : i32
          %mul3A_231 = arith.muli %scan3A_80, %mul3A_230 : i32
          %add3A_232 = arith.constant 6400 : i32
          %add3A_233 = arith.addi %add3A_232, %mul3A_231 : i32
          %get3A_234 = arith.index_cast %add3A_233 : i32 to index
          %get3A_235 = tpu.vector_load %arg6[%get3A_234] {strides = array<i32>} : memref<16384xi32, #tpu.memory_space<vmem>>, vector<16xi32>,
          %mul3A_236 = arith.constant 16 : i32
          %mul3A_237 = arith.muli %scan3A_80, %mul3A_236 : i32
          %add3A_238 = arith.constant 6656 : i32
          %add3A_239 = arith.addi %add3A_238, %mul3A_237 : i32
          %get3A_240 = arith.index_cast %add3A_239 : i32 to index
          %get3A_241 = tpu.vector_load %arg6[%get3A_240] {strides = array<i32>} : memref<16384xi32, #tpu.memory_space<vmem>>, vector<16xi32>,
          %mul3A_242 = arith.constant 16 : i32
          %mul3A_243 = arith.muli %scan3A_80, %mul3A_242 : i32
          %add3A_244 = arith.constant 6912 : i32
          %add3A_245 = arith.addi %add3A_244, %mul3A_243 : i32
          %get3A_246 = arith.index_cast %add3A_245 : i32 to index
          %get3A_247 = tpu.vector_load %arg6[%get3A_246] {strides = array<i32>} : memref<16384xi32, #tpu.memory_space<vmem>>, vector<16xi32>,
          %mul3A_248 = arith.constant 16 : i32
          %mul3A_249 = arith.muli %scan3A_80, %mul3A_248 : i32
          %add3A_250 = arith.constant 7168 : i32
          %add3A_251 = arith.addi %add3A_250, %mul3A_249 : i32
          %get3A_252 = arith.index_cast %add3A_251 : i32 to index
          %get3A_253 = tpu.vector_load %arg6[%get3A_252] {strides = array<i32>} : memref<16384xi32, #tpu.memory_space<vmem>>, vector<16xi32>,
          %mul3A_254 = arith.constant 16 : i32
          %mul3A_255 = arith.muli %scan3A_80, %mul3A_254 : i32
          %add3A_256 = arith.constant 7424 : i32
          %add3A_257 = arith.addi %add3A_256, %mul3A_255 : i32
          %get3A_258 = arith.index_cast %add3A_257 : i32 to index
          %get3A_259 = tpu.vector_load %arg6[%get3A_258] {strides = array<i32>} : memref<16384xi32, #tpu.memory_space<vmem>>, vector<16xi32>,
          %mul3A_260 = arith.constant 16 : i32
          %mul3A_261 = arith.muli %scan3A_80, %mul3A_260 : i32
          %add3A_262 = arith.constant 7680 : i32
          %add3A_263 = arith.addi %add3A_262, %mul3A_261 : i32
          %get3A_264 = arith.index_cast %add3A_263 : i32 to index
          %get3A_265 = tpu.vector_load %arg6[%get3A_264] {strides = array<i32>} : memref<16384xi32, #tpu.memory_space<vmem>>, vector<16xi32>,
          %mul3A_266 = arith.constant 16 : i32
          %mul3A_267 = arith.muli %scan3A_80, %mul3A_266 : i32
          %add3A_268 = arith.constant 7936 : i32
          %add3A_269 = arith.addi %add3A_268, %mul3A_267 : i32
          %get3A_270 = arith.index_cast %add3A_269 : i32 to index
          %get3A_271 = tpu.vector_load %arg6[%get3A_270] {strides = array<i32>} : memref<16384xi32, #tpu.memory_space<vmem>>, vector<16xi32>,
          %mul3A_272 = arith.constant 16 : i32
          %mul3A_273 = arith.muli %scan3A_80, %mul3A_272 : i32
          %add3A_274 = arith.constant 8192 : i32
          %add3A_275 = arith.addi %add3A_274, %mul3A_273 : i32
          %get3A_276 = arith.index_cast %add3A_275 : i32 to index
          %get3A_277 = tpu.vector_load %arg6[%get3A_276] {strides = array<i32>} : memref<16384xi32, #tpu.memory_space<vmem>>, vector<16xi32>,
          %mul3A_278 = arith.constant 16 : i32
          %mul3A_279 = arith.muli %scan3A_80, %mul3A_278 : i32
          %add3A_280 = arith.constant 8448 : i32
          %add3A_281 = arith.addi %add3A_280, %mul3A_279 : i32
          %get3A_282 = arith.index_cast %add3A_281 : i32 to index
          %get3A_283 = tpu.vector_load %arg6[%get3A_282] {strides = array<i32>} : memref<16384xi32, #tpu.memory_space<vmem>>, vector<16xi32>,
          %mul3A_284 = arith.constant 16 : i32
          %mul3A_285 = arith.muli %scan3A_80, %mul3A_284 : i32
          %add3A_286 = arith.constant 8704 : i32
          %add3A_287 = arith.addi %add3A_286, %mul3A_285 : i32
          %get3A_288 = arith.index_cast %add3A_287 : i32 to index
          %get3A_289 = tpu.vector_load %arg6[%get3A_288] {strides = array<i32>} : memref<16384xi32, #tpu.memory_space<vmem>>, vector<16xi32>,
          %mul3A_290 = arith.constant 16 : i32
          %mul3A_291 = arith.muli %scan3A_80, %mul3A_290 : i32
          %add3A_292 = arith.constant 8960 : i32
          %add3A_293 = arith.addi %add3A_292, %mul3A_291 : i32
          %get3A_294 = arith.index_cast %add3A_293 : i32 to index
          %get3A_295 = tpu.vector_load %arg6[%get3A_294] {strides = array<i32>} : memref<16384xi32, #tpu.memory_space<vmem>>, vector<16xi32>,
          %mul3A_296 = arith.constant 16 : i32
          %mul3A_297 = arith.muli %scan3A_80, %mul3A_296 : i32
          %add3A_298 = arith.constant 9216 : i32
          %add3A_299 = arith.addi %add3A_298, %mul3A_297 : i32
          %get3A_300 = arith.index_cast %add3A_299 : i32 to index
          %get3A_301 = tpu.vector_load %arg6[%get3A_300] {strides = array<i32>} : memref<16384xi32, #tpu.memory_space<vmem>>, vector<16xi32>,
          %mul3A_302 = arith.constant 16 : i32
          %mul3A_303 = arith.muli %scan3A_80, %mul3A_302 : i32
          %add3A_304 = arith.constant 9472 : i32
          %add3A_305 = arith.addi %add3A_304, %mul3A_303 : i32
          %get3A_306 = arith.index_cast %add3A_305 : i32 to index
          %get3A_307 = tpu.vector_load %arg6[%get3A_306] {strides = array<i32>} : memref<16384xi32, #tpu.memory_space<vmem>>, vector<16xi32>,
          %mul3A_308 = arith.constant 16 : i32
          %mul3A_309 = arith.muli %scan3A_80, %mul3A_308 : i32
          %add3A_310 = arith.constant 9728 : i32
          %add3A_311 = arith.addi %add3A_310, %mul3A_309 : i32
          %get3A_312 = arith.index_cast %add3A_311 : i32 to index
          %get3A_313 = tpu.vector_load %arg6[%get3A_312] {strides = array<i32>} : memref<16384xi32, #tpu.memory_space<vmem>>, vector<16xi32>,
          %mul3A_314 = arith.constant 16 : i32
          %mul3A_315 = arith.muli %scan3A_80, %mul3A_314 : i32
          %add3A_316 = arith.constant 9984 : i32
          %add3A_317 = arith.addi %add3A_316, %mul3A_315 : i32
          %get3A_318 = arith.index_cast %add3A_317 : i32 to index
          %get3A_319 = tpu.vector_load %arg6[%get3A_318] {strides = array<i32>} : memref<16384xi32, #tpu.memory_space<vmem>>, vector<16xi32>,
          %mul3A_320 = arith.constant 16 : i32
          %mul3A_321 = arith.muli %scan3A_80, %mul3A_320 : i32
          %add3A_322 = arith.constant 10240 : i32
          %add3A_323 = arith.addi %add3A_322, %mul3A_321 : i32
          %get3A_324 = arith.index_cast %add3A_323 : i32 to index
          %get3A_325 = tpu.vector_load %arg6[%get3A_324] {strides = array<i32>} : memref<16384xi32, #tpu.memory_space<vmem>>, vector<16xi32>,
          %mul3A_326 = arith.constant 16 : i32
          %mul3A_327 = arith.muli %scan3A_80, %mul3A_326 : i32
          %add3A_328 = arith.constant 10496 : i32
          %add3A_329 = arith.addi %add3A_328, %mul3A_327 : i32
          %get3A_330 = arith.index_cast %add3A_329 : i32 to index
          %get3A_331 = tpu.vector_load %arg6[%get3A_330] {strides = array<i32>} : memref<16384xi32, #tpu.memory_space<vmem>>, vector<16xi32>,
          %mul3A_332 = arith.constant 16 : i32
          %mul3A_333 = arith.muli %scan3A_80, %mul3A_332 : i32
          %add3A_334 = arith.constant 10752 : i32
          %add3A_335 = arith.addi %add3A_334, %mul3A_333 : i32
          %get3A_336 = arith.index_cast %add3A_335 : i32 to index
          %get3A_337 = tpu.vector_load %arg6[%get3A_336] {strides = array<i32>} : memref<16384xi32, #tpu.memory_space<vmem>>, vector<16xi32>,
          %mul3A_338 = arith.constant 16 : i32
          %mul3A_339 = arith.muli %scan3A_80, %mul3A_338 : i32
          %add3A_340 = arith.constant 11008 : i32
          %add3A_341 = arith.addi %add3A_340, %mul3A_339 : i32
          %get3A_342 = arith.index_cast %add3A_341 : i32 to index
          %get3A_343 = tpu.vector_load %arg6[%get3A_342] {strides = array<i32>} : memref<16384xi32, #tpu.memory_space<vmem>>, vector<16xi32>,
          %mul3A_344 = arith.constant 16 : i32
          %mul3A_345 = arith.muli %scan3A_80, %mul3A_344 : i32
          %add3A_346 = arith.constant 11264 : i32
          %add3A_347 = arith.addi %add3A_346, %mul3A_345 : i32
          %get3A_348 = arith.index_cast %add3A_347 : i32 to index
          %get3A_349 = tpu.vector_load %arg6[%get3A_348] {strides = array<i32>} : memref<16384xi32, #tpu.memory_space<vmem>>, vector<16xi32>,
          %mul3A_350 = arith.constant 16 : i32
          %mul3A_351 = arith.muli %scan3A_80, %mul3A_350 : i32
          %add3A_352 = arith.constant 11520 : i32
          %add3A_353 = arith.addi %add3A_352, %mul3A_351 : i32
          %get3A_354 = arith.index_cast %add3A_353 : i32 to index
          %get3A_355 = tpu.vector_load %arg6[%get3A_354] {strides = array<i32>} : memref<16384xi32, #tpu.memory_space<vmem>>, vector<16xi32>,
          %mul3A_356 = arith.constant 16 : i32
          %mul3A_357 = arith.muli %scan3A_80, %mul3A_356 : i32
          %add3A_358 = arith.constant 11776 : i32
          %add3A_359 = arith.addi %add3A_358, %mul3A_357 : i32
          %get3A_360 = arith.index_cast %add3A_359 : i32 to index
          %get3A_361 = tpu.vector_load %arg6[%get3A_360] {strides = array<i32>} : memref<16384xi32, #tpu.memory_space<vmem>>, vector<16xi32>,
          %mul3A_362 = arith.constant 16 : i32
          %mul3A_363 = arith.muli %scan3A_80, %mul3A_362 : i32
          %add3A_364 = arith.constant 12032 : i32
          %add3A_365 = arith.addi %add3A_364, %mul3A_363 : i32
          %get3A_366 = arith.index_cast %add3A_365 : i32 to index
          %get3A_367 = tpu.vector_load %arg6[%get3A_366] {strides = array<i32>} : memref<16384xi32, #tpu.memory_space<vmem>>, vector<16xi32>,
          %mul3A_368 = arith.constant 16 : i32
          %mul3A_369 = arith.muli %scan3A_80, %mul3A_368 : i32
          %add3A_370 = arith.constant 12288 : i32
          %add3A_371 = arith.addi %add3A_370, %mul3A_369 : i32
          %get3A_372 = arith.index_cast %add3A_371 : i32 to index
          %get3A_373 = tpu.vector_load %arg6[%get3A_372] {strides = array<i32>} : memref<16384xi32, #tpu.memory_space<vmem>>, vector<16xi32>,
          %mul3A_374 = arith.constant 16 : i32
          %mul3A_375 = arith.muli %scan3A_80, %mul3A_374 : i32
          %add3A_376 = arith.constant 12544 : i32
          %add3A_377 = arith.addi %add3A_376, %mul3A_375 : i32
          %get3A_378 = arith.index_cast %add3A_377 : i32 to index
          %get3A_379 = tpu.vector_load %arg6[%get3A_378] {strides = array<i32>} : memref<16384xi32, #tpu.memory_space<vmem>>, vector<16xi32>,
          %mul3A_380 = arith.constant 16 : i32
          %mul3A_381 = arith.muli %scan3A_80, %mul3A_380 : i32
          %add3A_382 = arith.constant 12800 : i32
          %add3A_383 = arith.addi %add3A_382, %mul3A_381 : i32
          %get3A_384 = arith.index_cast %add3A_383 : i32 to index
          %get3A_385 = tpu.vector_load %arg6[%get3A_384] {strides = array<i32>} : memref<16384xi32, #tpu.memory_space<vmem>>, vector<16xi32>,
          %mul3A_386 = arith.constant 16 : i32
          %mul3A_387 = arith.muli %scan3A_80, %mul3A_386 : i32
          %add3A_388 = arith.constant 13056 : i32
          %add3A_389 = arith.addi %add3A_388, %mul3A_387 : i32
          %get3A_390 = arith.index_cast %add3A_389 : i32 to index
          %get3A_391 = tpu.vector_load %arg6[%get3A_390] {strides = array<i32>} : memref<16384xi32, #tpu.memory_space<vmem>>, vector<16xi32>,
          %mul3A_392 = arith.constant 16 : i32
          %mul3A_393 = arith.muli %scan3A_80, %mul3A_392 : i32
          %add3A_394 = arith.constant 13312 : i32
          %add3A_395 = arith.addi %add3A_394, %mul3A_393 : i32
          %get3A_396 = arith.index_cast %add3A_395 : i32 to index
          %get3A_397 = tpu.vector_load %arg6[%get3A_396] {strides = array<i32>} : memref<16384xi32, #tpu.memory_space<vmem>>, vector<16xi32>,
          %mul3A_398 = arith.constant 16 : i32
          %mul3A_399 = arith.muli %scan3A_80, %mul3A_398 : i32
          %add3A_400 = arith.constant 13568 : i32
          %add3A_401 = arith.addi %add3A_400, %mul3A_399 : i32
          %get3A_402 = arith.index_cast %add3A_401 : i32 to index
          %get3A_403 = tpu.vector_load %arg6[%get3A_402] {strides = array<i32>} : memref<16384xi32, #tpu.memory_space<vmem>>, vector<16xi32>,
          %mul3A_404 = arith.constant 16 : i32
          %mul3A_405 = arith.muli %scan3A_80, %mul3A_404 : i32
          %add3A_406 = arith.constant 13824 : i32
          %add3A_407 = arith.addi %add3A_406, %mul3A_405 : i32
          %get3A_408 = arith.index_cast %add3A_407 : i32 to index
          %get3A_409 = tpu.vector_load %arg6[%get3A_408] {strides = array<i32>} : memref<16384xi32, #tpu.memory_space<vmem>>, vector<16xi32>,
          %mul3A_410 = arith.constant 16 : i32
          %mul3A_411 = arith.muli %scan3A_80, %mul3A_410 : i32
          %add3A_412 = arith.constant 14080 : i32
          %add3A_413 = arith.addi %add3A_412, %mul3A_411 : i32
          %get3A_414 = arith.index_cast %add3A_413 : i32 to index
          %get3A_415 = tpu.vector_load %arg6[%get3A_414] {strides = array<i32>} : memref<16384xi32, #tpu.memory_space<vmem>>, vector<16xi32>,
          %mul3A_416 = arith.constant 16 : i32
          %mul3A_417 = arith.muli %scan3A_80, %mul3A_416 : i32
          %add3A_418 = arith.constant 14336 : i32
          %add3A_419 = arith.addi %add3A_418, %mul3A_417 : i32
          %get3A_420 = arith.index_cast %add3A_419 : i32 to index
          %get3A_421 = tpu.vector_load %arg6[%get3A_420] {strides = array<i32>} : memref<16384xi32, #tpu.memory_space<vmem>>, vector<16xi32>,
          %mul3A_422 = arith.constant 16 : i32
          %mul3A_423 = arith.muli %scan3A_80, %mul3A_422 : i32
          %add3A_424 = arith.constant 14592 : i32
          %add3A_425 = arith.addi %add3A_424, %mul3A_423 : i32
          %get3A_426 = arith.index_cast %add3A_425 : i32 to index
          %get3A_427 = tpu.vector_load %arg6[%get3A_426] {strides = array<i32>} : memref<16384xi32, #tpu.memory_space<vmem>>, vector<16xi32>,
          %mul3A_428 = arith.constant 16 : i32
          %mul3A_429 = arith.muli %scan3A_80, %mul3A_428 : i32
          %add3A_430 = arith.constant 14848 : i32
          %add3A_431 = arith.addi %add3A_430, %mul3A_429 : i32
          %get3A_432 = arith.index_cast %add3A_431 : i32 to index
          %get3A_433 = tpu.vector_load %arg6[%get3A_432] {strides = array<i32>} : memref<16384xi32, #tpu.memory_space<vmem>>, vector<16xi32>,
          %mul3A_434 = arith.constant 16 : i32
          %mul3A_435 = arith.muli %scan3A_80, %mul3A_434 : i32
          %add3A_436 = arith.constant 15104 : i32
          %add3A_437 = arith.addi %add3A_436, %mul3A_435 : i32
          %get3A_438 = arith.index_cast %add3A_437 : i32 to index
          %get3A_439 = tpu.vector_load %arg6[%get3A_438] {strides = array<i32>} : memref<16384xi32, #tpu.memory_space<vmem>>, vector<16xi32>,
          %mul3A_440 = arith.constant 16 : i32
          %mul3A_441 = arith.muli %scan3A_80, %mul3A_440 : i32
          %add3A_442 = arith.constant 15360 : i32
          %add3A_443 = arith.addi %add3A_442, %mul3A_441 : i32
          %get3A_444 = arith.index_cast %add3A_443 : i32 to index
          %get3A_445 = tpu.vector_load %arg6[%get3A_444] {strides = array<i32>} : memref<16384xi32, #tpu.memory_space<vmem>>, vector<16xi32>,
          %mul3A_446 = arith.constant 16 : i32
          %mul3A_447 = arith.muli %scan3A_80, %mul3A_446 : i32
          %add3A_448 = arith.constant 15616 : i32
          %add3A_449 = arith.addi %add3A_448, %mul3A_447 : i32
          %get3A_450 = arith.index_cast %add3A_449 : i32 to index
          %get3A_451 = tpu.vector_load %arg6[%get3A_450] {strides = array<i32>} : memref<16384xi32, #tpu.memory_space<vmem>>, vector<16xi32>,
          %mul3A_452 = arith.constant 16 : i32
          %mul3A_453 = arith.muli %scan3A_80, %mul3A_452 : i32
          %add3A_454 = arith.constant 15872 : i32
          %add3A_455 = arith.addi %add3A_454, %mul3A_453 : i32
          %get3A_456 = arith.index_cast %add3A_455 : i32 to index
          %get3A_457 = tpu.vector_load %arg6[%get3A_456] {strides = array<i32>} : memref<16384xi32, #tpu.memory_space<vmem>>, vector<16xi32>,
          %mul3A_458 = arith.constant 16 : i32
          %mul3A_459 = arith.muli %scan3A_80, %mul3A_458 : i32
          %add3A_460 = arith.constant 16128 : i32
          %add3A_461 = arith.addi %add3A_460, %mul3A_459 : i32
          %get3A_462 = arith.index_cast %add3A_461 : i32 to index
          %get3A_463 = tpu.vector_load %arg6[%get3A_462] {strides = array<i32>} : memref<16384xi32, #tpu.memory_space<vmem>>, vector<16xi32>,
          %add3A_464 = arith.addi %get3A_85, %get3A_91 : vector<16xi32>
          %add3A_465 = arith.addi %get3A_97, %get3A_103 : vector<16xi32>
          %add3A_466 = arith.addi %get3A_109, %get3A_115 : vector<16xi32>
          %add3A_467 = arith.addi %get3A_121, %get3A_127 : vector<16xi32>
          %add3A_468 = arith.addi %get3A_133, %get3A_139 : vector<16xi32>
          %add3A_469 = arith.addi %get3A_145, %get3A_151 : vector<16xi32>
          %add3A_470 = arith.addi %get3A_157, %get3A_163 : vector<16xi32>
          %add3A_471 = arith.addi %get3A_169, %get3A_175 : vector<16xi32>
          %add3A_472 = arith.addi %get3A_181, %get3A_187 : vector<16xi32>
          %add3A_473 = arith.addi %get3A_193, %get3A_199 : vector<16xi32>
          %add3A_474 = arith.addi %get3A_205, %get3A_211 : vector<16xi32>
          %add3A_475 = arith.addi %get3A_217, %get3A_223 : vector<16xi32>
          %add3A_476 = arith.addi %get3A_229, %get3A_235 : vector<16xi32>
          %add3A_477 = arith.addi %get3A_241, %get3A_247 : vector<16xi32>
          %add3A_478 = arith.addi %get3A_253, %get3A_259 : vector<16xi32>
          %add3A_479 = arith.addi %get3A_265, %get3A_271 : vector<16xi32>
          %add3A_480 = arith.addi %get3A_277, %get3A_283 : vector<16xi32>
          %add3A_481 = arith.addi %get3A_289, %get3A_295 : vector<16xi32>
          %add3A_482 = arith.addi %get3A_301, %get3A_307 : vector<16xi32>
          %add3A_483 = arith.addi %get3A_313, %get3A_319 : vector<16xi32>
          %add3A_484 = arith.addi %get3A_325, %get3A_331 : vector<16xi32>
          %add3A_485 = arith.addi %get3A_337, %get3A_343 : vector<16xi32>
          %add3A_486 = arith.addi %get3A_349, %get3A_355 : vector<16xi32>
          %add3A_487 = arith.addi %get3A_361, %get3A_367 : vector<16xi32>
          %add3A_488 = arith.addi %get3A_373, %get3A_379 : vector<16xi32>
          %add3A_489 = arith.addi %get3A_385, %get3A_391 : vector<16xi32>
          %add3A_490 = arith.addi %get3A_397, %get3A_403 : vector<16xi32>
          %add3A_491 = arith.addi %get3A_409, %get3A_415 : vector<16xi32>
          %add3A_492 = arith.addi %get3A_421, %get3A_427 : vector<16xi32>
          %add3A_493 = arith.addi %get3A_433, %get3A_439 : vector<16xi32>
          %add3A_494 = arith.addi %get3A_445, %get3A_451 : vector<16xi32>
          %add3A_495 = arith.addi %get3A_457, %get3A_463 : vector<16xi32>
          %add3A_496 = arith.addi %add3A_464, %add3A_465 : vector<16xi32>
          %add3A_497 = arith.addi %add3A_466, %add3A_467 : vector<16xi32>
          %add3A_498 = arith.addi %add3A_468, %add3A_469 : vector<16xi32>
          %add3A_499 = arith.addi %add3A_470, %add3A_471 : vector<16xi32>
          %add3A_500 = arith.addi %add3A_472, %add3A_473 : vector<16xi32>
          %add3A_501 = arith.addi %add3A_474, %add3A_475 : vector<16xi32>
          %add3A_502 = arith.addi %add3A_476, %add3A_477 : vector<16xi32>
          %add3A_503 = arith.addi %add3A_478, %add3A_479 : vector<16xi32>
          %add3A_504 = arith.addi %add3A_480, %add3A_481 : vector<16xi32>
          %add3A_505 = arith.addi %add3A_482, %add3A_483 : vector<16xi32>
          %add3A_506 = arith.addi %add3A_484, %add3A_485 : vector<16xi32>
          %add3A_507 = arith.addi %add3A_486, %add3A_487 : vector<16xi32>
          %add3A_508 = arith.addi %add3A_488, %add3A_489 : vector<16xi32>
          %add3A_509 = arith.addi %add3A_490, %add3A_491 : vector<16xi32>
          %add3A_510 = arith.addi %add3A_492, %add3A_493 : vector<16xi32>
          %add3A_511 = arith.addi %add3A_494, %add3A_495 : vector<16xi32>
          %add3A_512 = arith.addi %add3A_496, %add3A_497 : vector<16xi32>
          %add3A_513 = arith.addi %add3A_498, %add3A_499 : vector<16xi32>
          %add3A_514 = arith.addi %add3A_500, %add3A_501 : vector<16xi32>
          %add3A_515 = arith.addi %add3A_502, %add3A_503 : vector<16xi32>
          %add3A_516 = arith.addi %add3A_504, %add3A_505 : vector<16xi32>
          %add3A_517 = arith.addi %add3A_506, %add3A_507 : vector<16xi32>
          %add3A_518 = arith.addi %add3A_508, %add3A_509 : vector<16xi32>
          %add3A_519 = arith.addi %add3A_510, %add3A_511 : vector<16xi32>
          %add3A_520 = arith.addi %add3A_512, %add3A_513 : vector<16xi32>
          %add3A_521 = arith.addi %add3A_514, %add3A_515 : vector<16xi32>
          %add3A_522 = arith.addi %add3A_516, %add3A_517 : vector<16xi32>
          %add3A_523 = arith.addi %add3A_518, %add3A_519 : vector<16xi32>
          %add3A_524 = arith.addi %add3A_520, %add3A_521 : vector<16xi32>
          %add3A_525 = arith.addi %add3A_522, %add3A_523 : vector<16xi32>
          %add3A_526 = arith.addi %add3A_524, %add3A_525 : vector<16xi32>
          %mul3A_527 = arith.constant 16 : i32
          %mul3A_528 = arith.muli %scan3A_80, %mul3A_527 : i32
          %swap3A = arith.index_cast %mul3A_528 : i32 to index
          %swap3A_529 = tpu.vector_load %arg7[%swap3A] {strides = array<i32>} : memref<256xi32, #tpu.memory_space<vmem>>, vector<16xi32>,
          tpu.vector_store %arg7[%swap3A], %add3A_526 {strides = array<i32>} : memref<256xi32, #tpu.memory_space<vmem>>, vector<16xi32>,
        }
        %scan3A_79 = arith.constant 16 : i32
        "tpu.region"() ({
          %run_scoped3A = tpu.sem_alloc : memref<!tpu.dma_semaphore, #tpu.memory_space<semaphore_mem>>
          %dma_start3A_80 = arith.constant 0 : i32
          %dma_start3A_81 = tpu.memref_slice %arg3[%scan3A_19, %add3A, %dma_start3A_80] : memref<19x32x256xi32, #tpu.memory_space<hbm>> -> memref<1x1x256xi32, #tpu.memory_space<hbm>>
          %dma_start3A_82 = tpu.memref_squeeze %dma_start3A_81 : memref<1x1x256xi32, #tpu.memory_space<hbm>> -> memref<256xi32, #tpu.memory_space<hbm>>
          %dma_start3A_83 = arith.constant 0 : i32
          %dma_start3A_84 = tpu.memref_slice %arg3[%scan3A_19, %add3A, %dma_start3A_83] : memref<19x32x256xi32, #tpu.memory_space<hbm>> -> memref<1x1x256xi32, #tpu.memory_space<hbm>>
          %dma_start3A_85 = tpu.memref_squeeze %dma_start3A_84 : memref<1x1x256xi32, #tpu.memory_space<hbm>> -> memref<256xi32, #tpu.memory_space<hbm>>
          tpu.enqueue_dma source(%arg7 : memref<256xi32, #tpu.memory_space<vmem>>) target(%dma_start3A_85 : memref<256xi32, #tpu.memory_space<hbm>>) target_semaphore(%run_scoped3A : memref<!tpu.dma_semaphore, #tpu.memory_space<semaphore_mem>>)
          %dma_wait3A_86 = arith.constant 0 : i32
          %dma_wait3A_87 = tpu.memref_slice %arg3[%scan3A_19, %add3A, %dma_wait3A_86] : memref<19x32x256xi32, #tpu.memory_space<hbm>> -> memref<1x1x256xi32, #tpu.memory_space<hbm>>
          %dma_wait3A_88 = tpu.memref_squeeze %dma_wait3A_87 : memref<1x1x256xi32, #tpu.memory_space<hbm>> -> memref<256xi32, #tpu.memory_space<hbm>>
          %dma_wait3A_89 = arith.constant 0 : i32
          %dma_wait3A_90 = tpu.memref_slice %arg3[%scan3A_19, %add3A, %dma_wait3A_89] : memref<19x32x256xi32, #tpu.memory_space<hbm>> -> memref<1x1x256xi32, #tpu.memory_space<hbm>>
          %dma_wait3A_91 = tpu.memref_squeeze %dma_wait3A_90 : memref<1x1x256xi32, #tpu.memory_space<hbm>> -> memref<256xi32, #tpu.memory_space<hbm>>
          tpu.wait_dma2 semaphore(%run_scoped3A : memref<!tpu.dma_semaphore, #tpu.memory_space<semaphore_mem>>) src(%arg7 : memref<256xi32, #tpu.memory_space<vmem>>) dst(%dma_wait3A_91 : memref<256xi32, #tpu.memory_space<hbm>>)
          tpu.yield
        }) : () -> ()
      } else {
      }
      %jit3A_32 = arith.constant 2 : i32
      %eq3A_33 = arith.constant 0 : i32
      %eq3A_34 = arith.cmpi eq, %jit3A_32, %eq3A_33 : i32
      %jit3A_35 = arith.constant 1 : i32
      %select_n3A_36 = arith.select %eq3A_34, %jit3A_35, %jit3A_32 : i32
      %rem3A_37 = arith.remsi %scan3A_19, %select_n3A_36 : i32
      %ne3A_38 = arith.constant 0 : i32
      %ne3A_39 = arith.cmpi ne, %rem3A_37, %ne3A_38 : i32
      %lt3A_40 = arith.constant 0 : i32
      %lt3A_41 = arith.cmpi slt, %rem3A_37, %lt3A_40 : i32
      %lt3A_42 = arith.constant 0 : i32
      %lt3A_43 = arith.cmpi slt, %select_n3A_36, %lt3A_42 : i32
      %ne3A_44 = arith.xori %lt3A_41, %lt3A_43 : i1
      %and3A_45 = arith.andi %ne3A_44, %ne3A_39 : i1
      %add3A_46 = arith.addi %rem3A_37, %select_n3A_36 : i32
      %select_n3A_47 = arith.select %and3A_45, %add3A_46, %rem3A_37 : i32
      %eq3A_48 = arith.constant 1 : i32
      %eq3A_49 = arith.cmpi eq, %select_n3A_47, %eq3A_48 : i32
      %convert_element_type3A_50 = arith.extui %eq3A_49 : i1 to i32
      %cond3A_51 = arith.constant 0 : i32
      %cond3A_52 = arith.cmpi ne, %convert_element_type3A_50, %cond3A_51 : i32
      scf.if %cond3A_52 {
        %dma_wait3A = arith.constant 0 : i32
        %dma_wait3A_53 = tpu.memref_slice %arg2[%scan3A_19, %mul3A_2, %dma_wait3A] : memref<19x1024x512xi32, #tpu.memory_space<hbm>> -> memref<1x32x512xi32, #tpu.memory_space<hbm>>
        %dma_wait3A_54 = tpu.memref_squeeze %dma_wait3A_53 : memref<1x32x512xi32, #tpu.memory_space<hbm>> -> memref<32x512xi32, #tpu.memory_space<hbm>>
        %dma_wait3A_55 = arith.constant 0 : i32
        %dma_wait3A_56 = tpu.memref_slice %arg2[%scan3A_19, %mul3A_2, %dma_wait3A_55] : memref<19x1024x512xi32, #tpu.memory_space<hbm>> -> memref<1x32x512xi32, #tpu.memory_space<hbm>>
        %dma_wait3A_57 = tpu.memref_squeeze %dma_wait3A_56 : memref<1x32x512xi32, #tpu.memory_space<hbm>> -> memref<32x512xi32, #tpu.memory_space<hbm>>
        tpu.wait_dma2 semaphore(%arg9 : memref<!tpu.dma_semaphore, #tpu.memory_space<semaphore_mem>>) src(%dma_wait3A_57 : memref<32x512xi32, #tpu.memory_space<hbm>>) dst(%arg5 : memref<32x512xi32, #tpu.memory_space<vmem>>)
        %add3A_58 = arith.constant 1 : i32
        %add3A_59 = arith.addi %scan3A_19, %add3A_58 : i32
        %lt3A_60 = arith.constant 19 : i32
        %lt3A_61 = arith.cmpi slt, %add3A_59, %lt3A_60 : i32
        %convert_element_type3A_62 = arith.extui %lt3A_61 : i1 to i32
        %cond3A_63 = arith.constant 0 : i32
        %cond3A_64 = arith.cmpi ne, %convert_element_type3A_62, %cond3A_63 : i32
        scf.if %cond3A_64 {
          %add3A_80 = arith.constant 1 : i32
          %add3A_81 = arith.addi %scan3A_19, %add3A_80 : i32
          %dma_start3A_82 = arith.constant 0 : i32
          %dma_start3A_83 = tpu.memref_slice %arg2[%add3A_81, %mul3A_2, %dma_start3A_82] : memref<19x1024x512xi32, #tpu.memory_space<hbm>> -> memref<1x32x512xi32, #tpu.memory_space<hbm>>
          %dma_start3A_84 = tpu.memref_squeeze %dma_start3A_83 : memref<1x32x512xi32, #tpu.memory_space<hbm>> -> memref<32x512xi32, #tpu.memory_space<hbm>>
          %dma_start3A_85 = arith.constant 0 : i32
          %dma_start3A_86 = tpu.memref_slice %arg2[%add3A_81, %mul3A_2, %dma_start3A_85] : memref<19x1024x512xi32, #tpu.memory_space<hbm>> -> memref<1x32x512xi32, #tpu.memory_space<hbm>>
          %dma_start3A_87 = tpu.memref_squeeze %dma_start3A_86 : memref<1x32x512xi32, #tpu.memory_space<hbm>> -> memref<32x512xi32, #tpu.memory_space<hbm>>
          tpu.enqueue_dma source(%dma_start3A_87 : memref<32x512xi32, #tpu.memory_space<hbm>>) target(%arg4 : memref<32x512xi32, #tpu.memory_space<vmem>>) target_semaphore(%arg8 : memref<!tpu.dma_semaphore, #tpu.memory_space<semaphore_mem>>)
        } else {
        }
        %scan3A_65 = arith.constant 0 : i32
        %scan3A_66 = arith.constant 64 : i32
        %scan3A_67 = arith.addi %scan3A_65, %scan3A_66 : i32
        %scan3A_68 = arith.constant 1 : i32
        scf.for %scan3A_80 = %scan3A_65 to %scan3A_67 step %scan3A_68  : i32 {
          %mul3A_81 = arith.constant 16 : i32
          %mul3A_82 = arith.muli %scan3A_80, %mul3A_81 : i32
          %add3A_83 = arith.constant 0 : i32
          %add3A_84 = arith.addi %mul3A_82, %add3A_83 : i32
          %mul3A_85 = arith.constant 16 : i32
          %mul3A_86 = arith.muli %add3A_84, %mul3A_85 : i32
          %swap3A = arith.index_cast %mul3A_86 : i32 to index
          %swap3A_87 = tpu.vector_load %arg6[%swap3A] {strides = array<i32>} : memref<16384xi32, #tpu.memory_space<vmem>>, vector<16xi32>,
          tpu.vector_store %arg6[%swap3A], %broadcast_in_dim3A_8 {strides = array<i32>} : memref<16384xi32, #tpu.memory_space<vmem>>, vector<16xi32>,
          %mul3A_88 = arith.constant 16 : i32
          %mul3A_89 = arith.muli %scan3A_80, %mul3A_88 : i32
          %add3A_90 = arith.constant 1 : i32
          %add3A_91 = arith.addi %mul3A_89, %add3A_90 : i32
          %mul3A_92 = arith.constant 16 : i32
          %mul3A_93 = arith.muli %add3A_91, %mul3A_92 : i32
          %swap3A_94 = arith.index_cast %mul3A_93 : i32 to index
          %swap3A_95 = tpu.vector_load %arg6[%swap3A_94] {strides = array<i32>} : memref<16384xi32, #tpu.memory_space<vmem>>, vector<16xi32>,
          tpu.vector_store %arg6[%swap3A_94], %broadcast_in_dim3A_8 {strides = array<i32>} : memref<16384xi32, #tpu.memory_space<vmem>>, vector<16xi32>,
          %mul3A_96 = arith.constant 16 : i32
          %mul3A_97 = arith.muli %scan3A_80, %mul3A_96 : i32
          %add3A_98 = arith.constant 2 : i32
          %add3A_99 = arith.addi %mul3A_97, %add3A_98 : i32
          %mul3A_100 = arith.constant 16 : i32
          %mul3A_101 = arith.muli %add3A_99, %mul3A_100 : i32
          %swap3A_102 = arith.index_cast %mul3A_101 : i32 to index
          %swap3A_103 = tpu.vector_load %arg6[%swap3A_102] {strides = array<i32>} : memref<16384xi32, #tpu.memory_space<vmem>>, vector<16xi32>,
          tpu.vector_store %arg6[%swap3A_102], %broadcast_in_dim3A_8 {strides = array<i32>} : memref<16384xi32, #tpu.memory_space<vmem>>, vector<16xi32>,
          %mul3A_104 = arith.constant 16 : i32
          %mul3A_105 = arith.muli %scan3A_80, %mul3A_104 : i32
          %add3A_106 = arith.constant 3 : i32
          %add3A_107 = arith.addi %mul3A_105, %add3A_106 : i32
          %mul3A_108 = arith.constant 16 : i32
          %mul3A_109 = arith.muli %add3A_107, %mul3A_108 : i32
          %swap3A_110 = arith.index_cast %mul3A_109 : i32 to index
          %swap3A_111 = tpu.vector_load %arg6[%swap3A_110] {strides = array<i32>} : memref<16384xi32, #tpu.memory_space<vmem>>, vector<16xi32>,
          tpu.vector_store %arg6[%swap3A_110], %broadcast_in_dim3A_8 {strides = array<i32>} : memref<16384xi32, #tpu.memory_space<vmem>>, vector<16xi32>,
          %mul3A_112 = arith.constant 16 : i32
          %mul3A_113 = arith.muli %scan3A_80, %mul3A_112 : i32
          %add3A_114 = arith.constant 4 : i32
          %add3A_115 = arith.addi %mul3A_113, %add3A_114 : i32
          %mul3A_116 = arith.constant 16 : i32
          %mul3A_117 = arith.muli %add3A_115, %mul3A_116 : i32
          %swap3A_118 = arith.index_cast %mul3A_117 : i32 to index
          %swap3A_119 = tpu.vector_load %arg6[%swap3A_118] {strides = array<i32>} : memref<16384xi32, #tpu.memory_space<vmem>>, vector<16xi32>,
          tpu.vector_store %arg6[%swap3A_118], %broadcast_in_dim3A_8 {strides = array<i32>} : memref<16384xi32, #tpu.memory_space<vmem>>, vector<16xi32>,
          %mul3A_120 = arith.constant 16 : i32
          %mul3A_121 = arith.muli %scan3A_80, %mul3A_120 : i32
          %add3A_122 = arith.constant 5 : i32
          %add3A_123 = arith.addi %mul3A_121, %add3A_122 : i32
          %mul3A_124 = arith.constant 16 : i32
          %mul3A_125 = arith.muli %add3A_123, %mul3A_124 : i32
          %swap3A_126 = arith.index_cast %mul3A_125 : i32 to index
          %swap3A_127 = tpu.vector_load %arg6[%swap3A_126] {strides = array<i32>} : memref<16384xi32, #tpu.memory_space<vmem>>, vector<16xi32>,
          tpu.vector_store %arg6[%swap3A_126], %broadcast_in_dim3A_8 {strides = array<i32>} : memref<16384xi32, #tpu.memory_space<vmem>>, vector<16xi32>,
          %mul3A_128 = arith.constant 16 : i32
          %mul3A_129 = arith.muli %scan3A_80, %mul3A_128 : i32
          %add3A_130 = arith.constant 6 : i32
          %add3A_131 = arith.addi %mul3A_129, %add3A_130 : i32
          %mul3A_132 = arith.constant 16 : i32
          %mul3A_133 = arith.muli %add3A_131, %mul3A_132 : i32
          %swap3A_134 = arith.index_cast %mul3A_133 : i32 to index
          %swap3A_135 = tpu.vector_load %arg6[%swap3A_134] {strides = array<i32>} : memref<16384xi32, #tpu.memory_space<vmem>>, vector<16xi32>,
          tpu.vector_store %arg6[%swap3A_134], %broadcast_in_dim3A_8 {strides = array<i32>} : memref<16384xi32, #tpu.memory_space<vmem>>, vector<16xi32>,
          %mul3A_136 = arith.constant 16 : i32
          %mul3A_137 = arith.muli %scan3A_80, %mul3A_136 : i32
          %add3A_138 = arith.constant 7 : i32
          %add3A_139 = arith.addi %mul3A_137, %add3A_138 : i32
          %mul3A_140 = arith.constant 16 : i32
          %mul3A_141 = arith.muli %add3A_139, %mul3A_140 : i32
          %swap3A_142 = arith.index_cast %mul3A_141 : i32 to index
          %swap3A_143 = tpu.vector_load %arg6[%swap3A_142] {strides = array<i32>} : memref<16384xi32, #tpu.memory_space<vmem>>, vector<16xi32>,
          tpu.vector_store %arg6[%swap3A_142], %broadcast_in_dim3A_8 {strides = array<i32>} : memref<16384xi32, #tpu.memory_space<vmem>>, vector<16xi32>,
          %mul3A_144 = arith.constant 16 : i32
          %mul3A_145 = arith.muli %scan3A_80, %mul3A_144 : i32
          %add3A_146 = arith.constant 8 : i32
          %add3A_147 = arith.addi %mul3A_145, %add3A_146 : i32
          %mul3A_148 = arith.constant 16 : i32
          %mul3A_149 = arith.muli %add3A_147, %mul3A_148 : i32
          %swap3A_150 = arith.index_cast %mul3A_149 : i32 to index
          %swap3A_151 = tpu.vector_load %arg6[%swap3A_150] {strides = array<i32>} : memref<16384xi32, #tpu.memory_space<vmem>>, vector<16xi32>,
          tpu.vector_store %arg6[%swap3A_150], %broadcast_in_dim3A_8 {strides = array<i32>} : memref<16384xi32, #tpu.memory_space<vmem>>, vector<16xi32>,
          %mul3A_152 = arith.constant 16 : i32
          %mul3A_153 = arith.muli %scan3A_80, %mul3A_152 : i32
          %add3A_154 = arith.constant 9 : i32
          %add3A_155 = arith.addi %mul3A_153, %add3A_154 : i32
          %mul3A_156 = arith.constant 16 : i32
          %mul3A_157 = arith.muli %add3A_155, %mul3A_156 : i32
          %swap3A_158 = arith.index_cast %mul3A_157 : i32 to index
          %swap3A_159 = tpu.vector_load %arg6[%swap3A_158] {strides = array<i32>} : memref<16384xi32, #tpu.memory_space<vmem>>, vector<16xi32>,
          tpu.vector_store %arg6[%swap3A_158], %broadcast_in_dim3A_8 {strides = array<i32>} : memref<16384xi32, #tpu.memory_space<vmem>>, vector<16xi32>,
          %mul3A_160 = arith.constant 16 : i32
          %mul3A_161 = arith.muli %scan3A_80, %mul3A_160 : i32
          %add3A_162 = arith.constant 10 : i32
          %add3A_163 = arith.addi %mul3A_161, %add3A_162 : i32
          %mul3A_164 = arith.constant 16 : i32
          %mul3A_165 = arith.muli %add3A_163, %mul3A_164 : i32
          %swap3A_166 = arith.index_cast %mul3A_165 : i32 to index
          %swap3A_167 = tpu.vector_load %arg6[%swap3A_166] {strides = array<i32>} : memref<16384xi32, #tpu.memory_space<vmem>>, vector<16xi32>,
          tpu.vector_store %arg6[%swap3A_166], %broadcast_in_dim3A_8 {strides = array<i32>} : memref<16384xi32, #tpu.memory_space<vmem>>, vector<16xi32>,
          %mul3A_168 = arith.constant 16 : i32
          %mul3A_169 = arith.muli %scan3A_80, %mul3A_168 : i32
          %add3A_170 = arith.constant 11 : i32
          %add3A_171 = arith.addi %mul3A_169, %add3A_170 : i32
          %mul3A_172 = arith.constant 16 : i32
          %mul3A_173 = arith.muli %add3A_171, %mul3A_172 : i32
          %swap3A_174 = arith.index_cast %mul3A_173 : i32 to index
          %swap3A_175 = tpu.vector_load %arg6[%swap3A_174] {strides = array<i32>} : memref<16384xi32, #tpu.memory_space<vmem>>, vector<16xi32>,
          tpu.vector_store %arg6[%swap3A_174], %broadcast_in_dim3A_8 {strides = array<i32>} : memref<16384xi32, #tpu.memory_space<vmem>>, vector<16xi32>,
          %mul3A_176 = arith.constant 16 : i32
          %mul3A_177 = arith.muli %scan3A_80, %mul3A_176 : i32
          %add3A_178 = arith.constant 12 : i32
          %add3A_179 = arith.addi %mul3A_177, %add3A_178 : i32
          %mul3A_180 = arith.constant 16 : i32
          %mul3A_181 = arith.muli %add3A_179, %mul3A_180 : i32
          %swap3A_182 = arith.index_cast %mul3A_181 : i32 to index
          %swap3A_183 = tpu.vector_load %arg6[%swap3A_182] {strides = array<i32>} : memref<16384xi32, #tpu.memory_space<vmem>>, vector<16xi32>,
          tpu.vector_store %arg6[%swap3A_182], %broadcast_in_dim3A_8 {strides = array<i32>} : memref<16384xi32, #tpu.memory_space<vmem>>, vector<16xi32>,
          %mul3A_184 = arith.constant 16 : i32
          %mul3A_185 = arith.muli %scan3A_80, %mul3A_184 : i32
          %add3A_186 = arith.constant 13 : i32
          %add3A_187 = arith.addi %mul3A_185, %add3A_186 : i32
          %mul3A_188 = arith.constant 16 : i32
          %mul3A_189 = arith.muli %add3A_187, %mul3A_188 : i32
          %swap3A_190 = arith.index_cast %mul3A_189 : i32 to index
          %swap3A_191 = tpu.vector_load %arg6[%swap3A_190] {strides = array<i32>} : memref<16384xi32, #tpu.memory_space<vmem>>, vector<16xi32>,
          tpu.vector_store %arg6[%swap3A_190], %broadcast_in_dim3A_8 {strides = array<i32>} : memref<16384xi32, #tpu.memory_space<vmem>>, vector<16xi32>,
          %mul3A_192 = arith.constant 16 : i32
          %mul3A_193 = arith.muli %scan3A_80, %mul3A_192 : i32
          %add3A_194 = arith.constant 14 : i32
          %add3A_195 = arith.addi %mul3A_193, %add3A_194 : i32
          %mul3A_196 = arith.constant 16 : i32
          %mul3A_197 = arith.muli %add3A_195, %mul3A_196 : i32
          %swap3A_198 = arith.index_cast %mul3A_197 : i32 to index
          %swap3A_199 = tpu.vector_load %arg6[%swap3A_198] {strides = array<i32>} : memref<16384xi32, #tpu.memory_space<vmem>>, vector<16xi32>,
          tpu.vector_store %arg6[%swap3A_198], %broadcast_in_dim3A_8 {strides = array<i32>} : memref<16384xi32, #tpu.memory_space<vmem>>, vector<16xi32>,
          %mul3A_200 = arith.constant 16 : i32
          %mul3A_201 = arith.muli %scan3A_80, %mul3A_200 : i32
          %add3A_202 = arith.constant 15 : i32
          %add3A_203 = arith.addi %mul3A_201, %add3A_202 : i32
          %mul3A_204 = arith.constant 16 : i32
          %mul3A_205 = arith.muli %add3A_203, %mul3A_204 : i32
          %swap3A_206 = arith.index_cast %mul3A_205 : i32 to index
          %swap3A_207 = tpu.vector_load %arg6[%swap3A_206] {strides = array<i32>} : memref<16384xi32, #tpu.memory_space<vmem>>, vector<16xi32>,
          tpu.vector_store %arg6[%swap3A_206], %broadcast_in_dim3A_8 {strides = array<i32>} : memref<16384xi32, #tpu.memory_space<vmem>>, vector<16xi32>,
        }
        %scan3A_69 = arith.constant 64 : i32
        %scan3A_70 = arith.constant 0 : i32
        %scan3A_71 = arith.constant 32 : i32
        %scan3A_72 = arith.addi %scan3A_70, %scan3A_71 : i32
        %scan3A_73 = arith.constant 1 : i32
        scf.for %scan3A_80 = %scan3A_70 to %scan3A_72 step %scan3A_73  : i32 {
          %scan3A_81 = arith.constant 0 : i32
          %scan3A_82 = arith.constant 4 : i32
          %scan3A_83 = arith.addi %scan3A_81, %scan3A_82 : i32
          %scan3A_84 = arith.constant 1 : i32
          scf.for %scan3A_86 = %scan3A_81 to %scan3A_83 step %scan3A_84  : i32 {
            %mul3A_87 = arith.constant 8 : i32
            %mul3A_88 = arith.muli %scan3A_86, %mul3A_87 : i32
            %add3A_89 = arith.constant 0 : i32
            %add3A_90 = arith.addi %mul3A_88, %add3A_89 : i32
            %mul3A_91 = arith.constant 16 : i32
            %mul3A_92 = arith.muli %add3A_90, %mul3A_91 : i32
            %get3A = arith.index_cast %scan3A_80 : i32 to index
            %get3A_93 = arith.index_cast %mul3A_92 : i32 to index
            %get3A_94 = tpu.vector_load %arg5[%get3A, %get3A_93] {strides = array<i32>} : memref<32x512xi32, #tpu.memory_space<vmem>>, vector<16xi32>,
            %mul3A_95 = arith.constant 8 : i32
            %mul3A_96 = arith.muli %scan3A_86, %mul3A_95 : i32
            %add3A_97 = arith.constant 1 : i32
            %add3A_98 = arith.addi %mul3A_96, %add3A_97 : i32
            %mul3A_99 = arith.constant 16 : i32
            %mul3A_100 = arith.muli %add3A_98, %mul3A_99 : i32
            %get3A_101 = arith.index_cast %scan3A_80 : i32 to index
            %get3A_102 = arith.index_cast %mul3A_100 : i32 to index
            %get3A_103 = tpu.vector_load %arg5[%get3A_101, %get3A_102] {strides = array<i32>} : memref<32x512xi32, #tpu.memory_space<vmem>>, vector<16xi32>,
            %mul3A_104 = arith.constant 8 : i32
            %mul3A_105 = arith.muli %scan3A_86, %mul3A_104 : i32
            %add3A_106 = arith.constant 2 : i32
            %add3A_107 = arith.addi %mul3A_105, %add3A_106 : i32
            %mul3A_108 = arith.constant 16 : i32
            %mul3A_109 = arith.muli %add3A_107, %mul3A_108 : i32
            %get3A_110 = arith.index_cast %scan3A_80 : i32 to index
            %get3A_111 = arith.index_cast %mul3A_109 : i32 to index
            %get3A_112 = tpu.vector_load %arg5[%get3A_110, %get3A_111] {strides = array<i32>} : memref<32x512xi32, #tpu.memory_space<vmem>>, vector<16xi32>,
            %mul3A_113 = arith.constant 8 : i32
            %mul3A_114 = arith.muli %scan3A_86, %mul3A_113 : i32
            %add3A_115 = arith.constant 3 : i32
            %add3A_116 = arith.addi %mul3A_114, %add3A_115 : i32
            %mul3A_117 = arith.constant 16 : i32
            %mul3A_118 = arith.muli %add3A_116, %mul3A_117 : i32
            %get3A_119 = arith.index_cast %scan3A_80 : i32 to index
            %get3A_120 = arith.index_cast %mul3A_118 : i32 to index
            %get3A_121 = tpu.vector_load %arg5[%get3A_119, %get3A_120] {strides = array<i32>} : memref<32x512xi32, #tpu.memory_space<vmem>>, vector<16xi32>,
            %mul3A_122 = arith.constant 8 : i32
            %mul3A_123 = arith.muli %scan3A_86, %mul3A_122 : i32
            %add3A_124 = arith.constant 4 : i32
            %add3A_125 = arith.addi %mul3A_123, %add3A_124 : i32
            %mul3A_126 = arith.constant 16 : i32
            %mul3A_127 = arith.muli %add3A_125, %mul3A_126 : i32
            %get3A_128 = arith.index_cast %scan3A_80 : i32 to index
            %get3A_129 = arith.index_cast %mul3A_127 : i32 to index
            %get3A_130 = tpu.vector_load %arg5[%get3A_128, %get3A_129] {strides = array<i32>} : memref<32x512xi32, #tpu.memory_space<vmem>>, vector<16xi32>,
            %mul3A_131 = arith.constant 8 : i32
            %mul3A_132 = arith.muli %scan3A_86, %mul3A_131 : i32
            %add3A_133 = arith.constant 5 : i32
            %add3A_134 = arith.addi %mul3A_132, %add3A_133 : i32
            %mul3A_135 = arith.constant 16 : i32
            %mul3A_136 = arith.muli %add3A_134, %mul3A_135 : i32
            %get3A_137 = arith.index_cast %scan3A_80 : i32 to index
            %get3A_138 = arith.index_cast %mul3A_136 : i32 to index
            %get3A_139 = tpu.vector_load %arg5[%get3A_137, %get3A_138] {strides = array<i32>} : memref<32x512xi32, #tpu.memory_space<vmem>>, vector<16xi32>,
            %mul3A_140 = arith.constant 8 : i32
            %mul3A_141 = arith.muli %scan3A_86, %mul3A_140 : i32
            %add3A_142 = arith.constant 6 : i32
            %add3A_143 = arith.addi %mul3A_141, %add3A_142 : i32
            %mul3A_144 = arith.constant 16 : i32
            %mul3A_145 = arith.muli %add3A_143, %mul3A_144 : i32
            %get3A_146 = arith.index_cast %scan3A_80 : i32 to index
            %get3A_147 = arith.index_cast %mul3A_145 : i32 to index
            %get3A_148 = tpu.vector_load %arg5[%get3A_146, %get3A_147] {strides = array<i32>} : memref<32x512xi32, #tpu.memory_space<vmem>>, vector<16xi32>,
            %mul3A_149 = arith.constant 8 : i32
            %mul3A_150 = arith.muli %scan3A_86, %mul3A_149 : i32
            %add3A_151 = arith.constant 7 : i32
            %add3A_152 = arith.addi %mul3A_150, %add3A_151 : i32
            %mul3A_153 = arith.constant 16 : i32
            %mul3A_154 = arith.muli %add3A_152, %mul3A_153 : i32
            %get3A_155 = arith.index_cast %scan3A_80 : i32 to index
            %get3A_156 = arith.index_cast %mul3A_154 : i32 to index
            %get3A_157 = tpu.vector_load %arg5[%get3A_155, %get3A_156] {strides = array<i32>} : memref<32x512xi32, #tpu.memory_space<vmem>>, vector<16xi32>,
            %add3A_158 = arith.addi %get3A_94, %mul3A_5 : vector<16xi32>
            %add3A_159 = arith.constant 0 : i32
            %add3A_160 = vector.broadcast %add3A_159 : i32 to vector<16xi32>
            %add3A_161 = arith.addi %add3A_158, %add3A_160 : vector<16xi32>
            %add3A_162 = arith.addi %get3A_103, %mul3A_5 : vector<16xi32>
            %add3A_163 = arith.constant 4096 : i32
            %add3A_164 = vector.broadcast %add3A_163 : i32 to vector<16xi32>
            %add3A_165 = arith.addi %add3A_162, %add3A_164 : vector<16xi32>
            %add3A_166 = arith.addi %get3A_112, %mul3A_5 : vector<16xi32>
            %add3A_167 = arith.constant 8192 : i32
            %add3A_168 = vector.broadcast %add3A_167 : i32 to vector<16xi32>
            %add3A_169 = arith.addi %add3A_166, %add3A_168 : vector<16xi32>
            %add3A_170 = arith.addi %get3A_121, %mul3A_5 : vector<16xi32>
            %add3A_171 = arith.constant 12288 : i32
            %add3A_172 = vector.broadcast %add3A_171 : i32 to vector<16xi32>
            %add3A_173 = arith.addi %add3A_170, %add3A_172 : vector<16xi32>
            %add3A_174 = arith.addi %get3A_130, %mul3A_5 : vector<16xi32>
            %add3A_175 = arith.constant 0 : i32
            %add3A_176 = vector.broadcast %add3A_175 : i32 to vector<16xi32>
            %add3A_177 = arith.addi %add3A_174, %add3A_176 : vector<16xi32>
            %add3A_178 = arith.addi %get3A_139, %mul3A_5 : vector<16xi32>
            %add3A_179 = arith.constant 4096 : i32
            %add3A_180 = vector.broadcast %add3A_179 : i32 to vector<16xi32>
            %add3A_181 = arith.addi %add3A_178, %add3A_180 : vector<16xi32>
            %add3A_182 = arith.addi %get3A_148, %mul3A_5 : vector<16xi32>
            %add3A_183 = arith.constant 8192 : i32
            %add3A_184 = vector.broadcast %add3A_183 : i32 to vector<16xi32>
            %add3A_185 = arith.addi %add3A_182, %add3A_184 : vector<16xi32>
            %add3A_186 = arith.addi %get3A_157, %mul3A_5 : vector<16xi32>
            %add3A_187 = arith.constant 12288 : i32
            %add3A_188 = vector.broadcast %add3A_187 : i32 to vector<16xi32>
            %add3A_189 = arith.addi %add3A_186, %add3A_188 : vector<16xi32>
            tpu.vector_store_idx %arg6[%add3A_161], %broadcast_in_dim3A_6 {add = true} : memref<16384xi32, #tpu.memory_space<vmem>>[vector<16xi32>], vector<16xi32>,
            tpu.vector_store_idx %arg6[%add3A_165], %broadcast_in_dim3A_6 {add = true} : memref<16384xi32, #tpu.memory_space<vmem>>[vector<16xi32>], vector<16xi32>,
            tpu.vector_store_idx %arg6[%add3A_169], %broadcast_in_dim3A_6 {add = true} : memref<16384xi32, #tpu.memory_space<vmem>>[vector<16xi32>], vector<16xi32>,
            tpu.vector_store_idx %arg6[%add3A_173], %broadcast_in_dim3A_6 {add = true} : memref<16384xi32, #tpu.memory_space<vmem>>[vector<16xi32>], vector<16xi32>,
            tpu.vector_store_idx %arg6[%add3A_177], %broadcast_in_dim3A_6 {add = true} : memref<16384xi32, #tpu.memory_space<vmem>>[vector<16xi32>], vector<16xi32>,
            tpu.vector_store_idx %arg6[%add3A_181], %broadcast_in_dim3A_6 {add = true} : memref<16384xi32, #tpu.memory_space<vmem>>[vector<16xi32>], vector<16xi32>,
            tpu.vector_store_idx %arg6[%add3A_185], %broadcast_in_dim3A_6 {add = true} : memref<16384xi32, #tpu.memory_space<vmem>>[vector<16xi32>], vector<16xi32>,
            tpu.vector_store_idx %arg6[%add3A_189], %broadcast_in_dim3A_6 {add = true} : memref<16384xi32, #tpu.memory_space<vmem>>[vector<16xi32>], vector<16xi32>,
          }
          %scan3A_85 = arith.constant 4 : i32
        }
        %scan3A_74 = arith.constant 32 : i32
        %scan3A_75 = arith.constant 0 : i32
        %scan3A_76 = arith.constant 16 : i32
        %scan3A_77 = arith.addi %scan3A_75, %scan3A_76 : i32
        %scan3A_78 = arith.constant 1 : i32
        scf.for %scan3A_80 = %scan3A_75 to %scan3A_77 step %scan3A_78  : i32 {
          %mul3A_81 = arith.constant 16 : i32
          %mul3A_82 = arith.muli %scan3A_80, %mul3A_81 : i32
          %add3A_83 = arith.constant 0 : i32
          %add3A_84 = arith.addi %add3A_83, %mul3A_82 : i32
          %get3A = arith.index_cast %add3A_84 : i32 to index
          %get3A_85 = tpu.vector_load %arg6[%get3A] {strides = array<i32>} : memref<16384xi32, #tpu.memory_space<vmem>>, vector<16xi32>,
          %mul3A_86 = arith.constant 16 : i32
          %mul3A_87 = arith.muli %scan3A_80, %mul3A_86 : i32
          %add3A_88 = arith.constant 256 : i32
          %add3A_89 = arith.addi %add3A_88, %mul3A_87 : i32
          %get3A_90 = arith.index_cast %add3A_89 : i32 to index
          %get3A_91 = tpu.vector_load %arg6[%get3A_90] {strides = array<i32>} : memref<16384xi32, #tpu.memory_space<vmem>>, vector<16xi32>,
          %mul3A_92 = arith.constant 16 : i32
          %mul3A_93 = arith.muli %scan3A_80, %mul3A_92 : i32
          %add3A_94 = arith.constant 512 : i32
          %add3A_95 = arith.addi %add3A_94, %mul3A_93 : i32
          %get3A_96 = arith.index_cast %add3A_95 : i32 to index
          %get3A_97 = tpu.vector_load %arg6[%get3A_96] {strides = array<i32>} : memref<16384xi32, #tpu.memory_space<vmem>>, vector<16xi32>,
          %mul3A_98 = arith.constant 16 : i32
          %mul3A_99 = arith.muli %scan3A_80, %mul3A_98 : i32
          %add3A_100 = arith.constant 768 : i32
          %add3A_101 = arith.addi %add3A_100, %mul3A_99 : i32
          %get3A_102 = arith.index_cast %add3A_101 : i32 to index
          %get3A_103 = tpu.vector_load %arg6[%get3A_102] {strides = array<i32>} : memref<16384xi32, #tpu.memory_space<vmem>>, vector<16xi32>,
          %mul3A_104 = arith.constant 16 : i32
          %mul3A_105 = arith.muli %scan3A_80, %mul3A_104 : i32
          %add3A_106 = arith.constant 1024 : i32
          %add3A_107 = arith.addi %add3A_106, %mul3A_105 : i32
          %get3A_108 = arith.index_cast %add3A_107 : i32 to index
          %get3A_109 = tpu.vector_load %arg6[%get3A_108] {strides = array<i32>} : memref<16384xi32, #tpu.memory_space<vmem>>, vector<16xi32>,
          %mul3A_110 = arith.constant 16 : i32
          %mul3A_111 = arith.muli %scan3A_80, %mul3A_110 : i32
          %add3A_112 = arith.constant 1280 : i32
          %add3A_113 = arith.addi %add3A_112, %mul3A_111 : i32
          %get3A_114 = arith.index_cast %add3A_113 : i32 to index
          %get3A_115 = tpu.vector_load %arg6[%get3A_114] {strides = array<i32>} : memref<16384xi32, #tpu.memory_space<vmem>>, vector<16xi32>,
          %mul3A_116 = arith.constant 16 : i32
          %mul3A_117 = arith.muli %scan3A_80, %mul3A_116 : i32
          %add3A_118 = arith.constant 1536 : i32
          %add3A_119 = arith.addi %add3A_118, %mul3A_117 : i32
          %get3A_120 = arith.index_cast %add3A_119 : i32 to index
          %get3A_121 = tpu.vector_load %arg6[%get3A_120] {strides = array<i32>} : memref<16384xi32, #tpu.memory_space<vmem>>, vector<16xi32>,
          %mul3A_122 = arith.constant 16 : i32
          %mul3A_123 = arith.muli %scan3A_80, %mul3A_122 : i32
          %add3A_124 = arith.constant 1792 : i32
          %add3A_125 = arith.addi %add3A_124, %mul3A_123 : i32
          %get3A_126 = arith.index_cast %add3A_125 : i32 to index
          %get3A_127 = tpu.vector_load %arg6[%get3A_126] {strides = array<i32>} : memref<16384xi32, #tpu.memory_space<vmem>>, vector<16xi32>,
          %mul3A_128 = arith.constant 16 : i32
          %mul3A_129 = arith.muli %scan3A_80, %mul3A_128 : i32
          %add3A_130 = arith.constant 2048 : i32
          %add3A_131 = arith.addi %add3A_130, %mul3A_129 : i32
          %get3A_132 = arith.index_cast %add3A_131 : i32 to index
          %get3A_133 = tpu.vector_load %arg6[%get3A_132] {strides = array<i32>} : memref<16384xi32, #tpu.memory_space<vmem>>, vector<16xi32>,
          %mul3A_134 = arith.constant 16 : i32
          %mul3A_135 = arith.muli %scan3A_80, %mul3A_134 : i32
          %add3A_136 = arith.constant 2304 : i32
          %add3A_137 = arith.addi %add3A_136, %mul3A_135 : i32
          %get3A_138 = arith.index_cast %add3A_137 : i32 to index
          %get3A_139 = tpu.vector_load %arg6[%get3A_138] {strides = array<i32>} : memref<16384xi32, #tpu.memory_space<vmem>>, vector<16xi32>,
          %mul3A_140 = arith.constant 16 : i32
          %mul3A_141 = arith.muli %scan3A_80, %mul3A_140 : i32
          %add3A_142 = arith.constant 2560 : i32
          %add3A_143 = arith.addi %add3A_142, %mul3A_141 : i32
          %get3A_144 = arith.index_cast %add3A_143 : i32 to index
          %get3A_145 = tpu.vector_load %arg6[%get3A_144] {strides = array<i32>} : memref<16384xi32, #tpu.memory_space<vmem>>, vector<16xi32>,
          %mul3A_146 = arith.constant 16 : i32
          %mul3A_147 = arith.muli %scan3A_80, %mul3A_146 : i32
          %add3A_148 = arith.constant 2816 : i32
          %add3A_149 = arith.addi %add3A_148, %mul3A_147 : i32
          %get3A_150 = arith.index_cast %add3A_149 : i32 to index
          %get3A_151 = tpu.vector_load %arg6[%get3A_150] {strides = array<i32>} : memref<16384xi32, #tpu.memory_space<vmem>>, vector<16xi32>,
          %mul3A_152 = arith.constant 16 : i32
          %mul3A_153 = arith.muli %scan3A_80, %mul3A_152 : i32
          %add3A_154 = arith.constant 3072 : i32
          %add3A_155 = arith.addi %add3A_154, %mul3A_153 : i32
          %get3A_156 = arith.index_cast %add3A_155 : i32 to index
          %get3A_157 = tpu.vector_load %arg6[%get3A_156] {strides = array<i32>} : memref<16384xi32, #tpu.memory_space<vmem>>, vector<16xi32>,
          %mul3A_158 = arith.constant 16 : i32
          %mul3A_159 = arith.muli %scan3A_80, %mul3A_158 : i32
          %add3A_160 = arith.constant 3328 : i32
          %add3A_161 = arith.addi %add3A_160, %mul3A_159 : i32
          %get3A_162 = arith.index_cast %add3A_161 : i32 to index
          %get3A_163 = tpu.vector_load %arg6[%get3A_162] {strides = array<i32>} : memref<16384xi32, #tpu.memory_space<vmem>>, vector<16xi32>,
          %mul3A_164 = arith.constant 16 : i32
          %mul3A_165 = arith.muli %scan3A_80, %mul3A_164 : i32
          %add3A_166 = arith.constant 3584 : i32
          %add3A_167 = arith.addi %add3A_166, %mul3A_165 : i32
          %get3A_168 = arith.index_cast %add3A_167 : i32 to index
          %get3A_169 = tpu.vector_load %arg6[%get3A_168] {strides = array<i32>} : memref<16384xi32, #tpu.memory_space<vmem>>, vector<16xi32>,
          %mul3A_170 = arith.constant 16 : i32
          %mul3A_171 = arith.muli %scan3A_80, %mul3A_170 : i32
          %add3A_172 = arith.constant 3840 : i32
          %add3A_173 = arith.addi %add3A_172, %mul3A_171 : i32
          %get3A_174 = arith.index_cast %add3A_173 : i32 to index
          %get3A_175 = tpu.vector_load %arg6[%get3A_174] {strides = array<i32>} : memref<16384xi32, #tpu.memory_space<vmem>>, vector<16xi32>,
          %mul3A_176 = arith.constant 16 : i32
          %mul3A_177 = arith.muli %scan3A_80, %mul3A_176 : i32
          %add3A_178 = arith.constant 4096 : i32
          %add3A_179 = arith.addi %add3A_178, %mul3A_177 : i32
          %get3A_180 = arith.index_cast %add3A_179 : i32 to index
          %get3A_181 = tpu.vector_load %arg6[%get3A_180] {strides = array<i32>} : memref<16384xi32, #tpu.memory_space<vmem>>, vector<16xi32>,
          %mul3A_182 = arith.constant 16 : i32
          %mul3A_183 = arith.muli %scan3A_80, %mul3A_182 : i32
          %add3A_184 = arith.constant 4352 : i32
          %add3A_185 = arith.addi %add3A_184, %mul3A_183 : i32
          %get3A_186 = arith.index_cast %add3A_185 : i32 to index
          %get3A_187 = tpu.vector_load %arg6[%get3A_186] {strides = array<i32>} : memref<16384xi32, #tpu.memory_space<vmem>>, vector<16xi32>,
          %mul3A_188 = arith.constant 16 : i32
          %mul3A_189 = arith.muli %scan3A_80, %mul3A_188 : i32
          %add3A_190 = arith.constant 4608 : i32
          %add3A_191 = arith.addi %add3A_190, %mul3A_189 : i32
          %get3A_192 = arith.index_cast %add3A_191 : i32 to index
          %get3A_193 = tpu.vector_load %arg6[%get3A_192] {strides = array<i32>} : memref<16384xi32, #tpu.memory_space<vmem>>, vector<16xi32>,
          %mul3A_194 = arith.constant 16 : i32
          %mul3A_195 = arith.muli %scan3A_80, %mul3A_194 : i32
          %add3A_196 = arith.constant 4864 : i32
          %add3A_197 = arith.addi %add3A_196, %mul3A_195 : i32
          %get3A_198 = arith.index_cast %add3A_197 : i32 to index
          %get3A_199 = tpu.vector_load %arg6[%get3A_198] {strides = array<i32>} : memref<16384xi32, #tpu.memory_space<vmem>>, vector<16xi32>,
          %mul3A_200 = arith.constant 16 : i32
          %mul3A_201 = arith.muli %scan3A_80, %mul3A_200 : i32
          %add3A_202 = arith.constant 5120 : i32
          %add3A_203 = arith.addi %add3A_202, %mul3A_201 : i32
          %get3A_204 = arith.index_cast %add3A_203 : i32 to index
          %get3A_205 = tpu.vector_load %arg6[%get3A_204] {strides = array<i32>} : memref<16384xi32, #tpu.memory_space<vmem>>, vector<16xi32>,
          %mul3A_206 = arith.constant 16 : i32
          %mul3A_207 = arith.muli %scan3A_80, %mul3A_206 : i32
          %add3A_208 = arith.constant 5376 : i32
          %add3A_209 = arith.addi %add3A_208, %mul3A_207 : i32
          %get3A_210 = arith.index_cast %add3A_209 : i32 to index
          %get3A_211 = tpu.vector_load %arg6[%get3A_210] {strides = array<i32>} : memref<16384xi32, #tpu.memory_space<vmem>>, vector<16xi32>,
          %mul3A_212 = arith.constant 16 : i32
          %mul3A_213 = arith.muli %scan3A_80, %mul3A_212 : i32
          %add3A_214 = arith.constant 5632 : i32
          %add3A_215 = arith.addi %add3A_214, %mul3A_213 : i32
          %get3A_216 = arith.index_cast %add3A_215 : i32 to index
          %get3A_217 = tpu.vector_load %arg6[%get3A_216] {strides = array<i32>} : memref<16384xi32, #tpu.memory_space<vmem>>, vector<16xi32>,
          %mul3A_218 = arith.constant 16 : i32
          %mul3A_219 = arith.muli %scan3A_80, %mul3A_218 : i32
          %add3A_220 = arith.constant 5888 : i32
          %add3A_221 = arith.addi %add3A_220, %mul3A_219 : i32
          %get3A_222 = arith.index_cast %add3A_221 : i32 to index
          %get3A_223 = tpu.vector_load %arg6[%get3A_222] {strides = array<i32>} : memref<16384xi32, #tpu.memory_space<vmem>>, vector<16xi32>,
          %mul3A_224 = arith.constant 16 : i32
          %mul3A_225 = arith.muli %scan3A_80, %mul3A_224 : i32
          %add3A_226 = arith.constant 6144 : i32
          %add3A_227 = arith.addi %add3A_226, %mul3A_225 : i32
          %get3A_228 = arith.index_cast %add3A_227 : i32 to index
          %get3A_229 = tpu.vector_load %arg6[%get3A_228] {strides = array<i32>} : memref<16384xi32, #tpu.memory_space<vmem>>, vector<16xi32>,
          %mul3A_230 = arith.constant 16 : i32
          %mul3A_231 = arith.muli %scan3A_80, %mul3A_230 : i32
          %add3A_232 = arith.constant 6400 : i32
          %add3A_233 = arith.addi %add3A_232, %mul3A_231 : i32
          %get3A_234 = arith.index_cast %add3A_233 : i32 to index
          %get3A_235 = tpu.vector_load %arg6[%get3A_234] {strides = array<i32>} : memref<16384xi32, #tpu.memory_space<vmem>>, vector<16xi32>,
          %mul3A_236 = arith.constant 16 : i32
          %mul3A_237 = arith.muli %scan3A_80, %mul3A_236 : i32
          %add3A_238 = arith.constant 6656 : i32
          %add3A_239 = arith.addi %add3A_238, %mul3A_237 : i32
          %get3A_240 = arith.index_cast %add3A_239 : i32 to index
          %get3A_241 = tpu.vector_load %arg6[%get3A_240] {strides = array<i32>} : memref<16384xi32, #tpu.memory_space<vmem>>, vector<16xi32>,
          %mul3A_242 = arith.constant 16 : i32
          %mul3A_243 = arith.muli %scan3A_80, %mul3A_242 : i32
          %add3A_244 = arith.constant 6912 : i32
          %add3A_245 = arith.addi %add3A_244, %mul3A_243 : i32
          %get3A_246 = arith.index_cast %add3A_245 : i32 to index
          %get3A_247 = tpu.vector_load %arg6[%get3A_246] {strides = array<i32>} : memref<16384xi32, #tpu.memory_space<vmem>>, vector<16xi32>,
          %mul3A_248 = arith.constant 16 : i32
          %mul3A_249 = arith.muli %scan3A_80, %mul3A_248 : i32
          %add3A_250 = arith.constant 7168 : i32
          %add3A_251 = arith.addi %add3A_250, %mul3A_249 : i32
          %get3A_252 = arith.index_cast %add3A_251 : i32 to index
          %get3A_253 = tpu.vector_load %arg6[%get3A_252] {strides = array<i32>} : memref<16384xi32, #tpu.memory_space<vmem>>, vector<16xi32>,
          %mul3A_254 = arith.constant 16 : i32
          %mul3A_255 = arith.muli %scan3A_80, %mul3A_254 : i32
          %add3A_256 = arith.constant 7424 : i32
          %add3A_257 = arith.addi %add3A_256, %mul3A_255 : i32
          %get3A_258 = arith.index_cast %add3A_257 : i32 to index
          %get3A_259 = tpu.vector_load %arg6[%get3A_258] {strides = array<i32>} : memref<16384xi32, #tpu.memory_space<vmem>>, vector<16xi32>,
          %mul3A_260 = arith.constant 16 : i32
          %mul3A_261 = arith.muli %scan3A_80, %mul3A_260 : i32
          %add3A_262 = arith.constant 7680 : i32
          %add3A_263 = arith.addi %add3A_262, %mul3A_261 : i32
          %get3A_264 = arith.index_cast %add3A_263 : i32 to index
          %get3A_265 = tpu.vector_load %arg6[%get3A_264] {strides = array<i32>} : memref<16384xi32, #tpu.memory_space<vmem>>, vector<16xi32>,
          %mul3A_266 = arith.constant 16 : i32
          %mul3A_267 = arith.muli %scan3A_80, %mul3A_266 : i32
          %add3A_268 = arith.constant 7936 : i32
          %add3A_269 = arith.addi %add3A_268, %mul3A_267 : i32
          %get3A_270 = arith.index_cast %add3A_269 : i32 to index
          %get3A_271 = tpu.vector_load %arg6[%get3A_270] {strides = array<i32>} : memref<16384xi32, #tpu.memory_space<vmem>>, vector<16xi32>,
          %mul3A_272 = arith.constant 16 : i32
          %mul3A_273 = arith.muli %scan3A_80, %mul3A_272 : i32
          %add3A_274 = arith.constant 8192 : i32
          %add3A_275 = arith.addi %add3A_274, %mul3A_273 : i32
          %get3A_276 = arith.index_cast %add3A_275 : i32 to index
          %get3A_277 = tpu.vector_load %arg6[%get3A_276] {strides = array<i32>} : memref<16384xi32, #tpu.memory_space<vmem>>, vector<16xi32>,
          %mul3A_278 = arith.constant 16 : i32
          %mul3A_279 = arith.muli %scan3A_80, %mul3A_278 : i32
          %add3A_280 = arith.constant 8448 : i32
          %add3A_281 = arith.addi %add3A_280, %mul3A_279 : i32
          %get3A_282 = arith.index_cast %add3A_281 : i32 to index
          %get3A_283 = tpu.vector_load %arg6[%get3A_282] {strides = array<i32>} : memref<16384xi32, #tpu.memory_space<vmem>>, vector<16xi32>,
          %mul3A_284 = arith.constant 16 : i32
          %mul3A_285 = arith.muli %scan3A_80, %mul3A_284 : i32
          %add3A_286 = arith.constant 8704 : i32
          %add3A_287 = arith.addi %add3A_286, %mul3A_285 : i32
          %get3A_288 = arith.index_cast %add3A_287 : i32 to index
          %get3A_289 = tpu.vector_load %arg6[%get3A_288] {strides = array<i32>} : memref<16384xi32, #tpu.memory_space<vmem>>, vector<16xi32>,
          %mul3A_290 = arith.constant 16 : i32
          %mul3A_291 = arith.muli %scan3A_80, %mul3A_290 : i32
          %add3A_292 = arith.constant 8960 : i32
          %add3A_293 = arith.addi %add3A_292, %mul3A_291 : i32
          %get3A_294 = arith.index_cast %add3A_293 : i32 to index
          %get3A_295 = tpu.vector_load %arg6[%get3A_294] {strides = array<i32>} : memref<16384xi32, #tpu.memory_space<vmem>>, vector<16xi32>,
          %mul3A_296 = arith.constant 16 : i32
          %mul3A_297 = arith.muli %scan3A_80, %mul3A_296 : i32
          %add3A_298 = arith.constant 9216 : i32
          %add3A_299 = arith.addi %add3A_298, %mul3A_297 : i32
          %get3A_300 = arith.index_cast %add3A_299 : i32 to index
          %get3A_301 = tpu.vector_load %arg6[%get3A_300] {strides = array<i32>} : memref<16384xi32, #tpu.memory_space<vmem>>, vector<16xi32>,
          %mul3A_302 = arith.constant 16 : i32
          %mul3A_303 = arith.muli %scan3A_80, %mul3A_302 : i32
          %add3A_304 = arith.constant 9472 : i32
          %add3A_305 = arith.addi %add3A_304, %mul3A_303 : i32
          %get3A_306 = arith.index_cast %add3A_305 : i32 to index
          %get3A_307 = tpu.vector_load %arg6[%get3A_306] {strides = array<i32>} : memref<16384xi32, #tpu.memory_space<vmem>>, vector<16xi32>,
          %mul3A_308 = arith.constant 16 : i32
          %mul3A_309 = arith.muli %scan3A_80, %mul3A_308 : i32
          %add3A_310 = arith.constant 9728 : i32
          %add3A_311 = arith.addi %add3A_310, %mul3A_309 : i32
          %get3A_312 = arith.index_cast %add3A_311 : i32 to index
          %get3A_313 = tpu.vector_load %arg6[%get3A_312] {strides = array<i32>} : memref<16384xi32, #tpu.memory_space<vmem>>, vector<16xi32>,
          %mul3A_314 = arith.constant 16 : i32
          %mul3A_315 = arith.muli %scan3A_80, %mul3A_314 : i32
          %add3A_316 = arith.constant 9984 : i32
          %add3A_317 = arith.addi %add3A_316, %mul3A_315 : i32
          %get3A_318 = arith.index_cast %add3A_317 : i32 to index
          %get3A_319 = tpu.vector_load %arg6[%get3A_318] {strides = array<i32>} : memref<16384xi32, #tpu.memory_space<vmem>>, vector<16xi32>,
          %mul3A_320 = arith.constant 16 : i32
          %mul3A_321 = arith.muli %scan3A_80, %mul3A_320 : i32
          %add3A_322 = arith.constant 10240 : i32
          %add3A_323 = arith.addi %add3A_322, %mul3A_321 : i32
          %get3A_324 = arith.index_cast %add3A_323 : i32 to index
          %get3A_325 = tpu.vector_load %arg6[%get3A_324] {strides = array<i32>} : memref<16384xi32, #tpu.memory_space<vmem>>, vector<16xi32>,
          %mul3A_326 = arith.constant 16 : i32
          %mul3A_327 = arith.muli %scan3A_80, %mul3A_326 : i32
          %add3A_328 = arith.constant 10496 : i32
          %add3A_329 = arith.addi %add3A_328, %mul3A_327 : i32
          %get3A_330 = arith.index_cast %add3A_329 : i32 to index
          %get3A_331 = tpu.vector_load %arg6[%get3A_330] {strides = array<i32>} : memref<16384xi32, #tpu.memory_space<vmem>>, vector<16xi32>,
          %mul3A_332 = arith.constant 16 : i32
          %mul3A_333 = arith.muli %scan3A_80, %mul3A_332 : i32
          %add3A_334 = arith.constant 10752 : i32
          %add3A_335 = arith.addi %add3A_334, %mul3A_333 : i32
          %get3A_336 = arith.index_cast %add3A_335 : i32 to index
          %get3A_337 = tpu.vector_load %arg6[%get3A_336] {strides = array<i32>} : memref<16384xi32, #tpu.memory_space<vmem>>, vector<16xi32>,
          %mul3A_338 = arith.constant 16 : i32
          %mul3A_339 = arith.muli %scan3A_80, %mul3A_338 : i32
          %add3A_340 = arith.constant 11008 : i32
          %add3A_341 = arith.addi %add3A_340, %mul3A_339 : i32
          %get3A_342 = arith.index_cast %add3A_341 : i32 to index
          %get3A_343 = tpu.vector_load %arg6[%get3A_342] {strides = array<i32>} : memref<16384xi32, #tpu.memory_space<vmem>>, vector<16xi32>,
          %mul3A_344 = arith.constant 16 : i32
          %mul3A_345 = arith.muli %scan3A_80, %mul3A_344 : i32
          %add3A_346 = arith.constant 11264 : i32
          %add3A_347 = arith.addi %add3A_346, %mul3A_345 : i32
          %get3A_348 = arith.index_cast %add3A_347 : i32 to index
          %get3A_349 = tpu.vector_load %arg6[%get3A_348] {strides = array<i32>} : memref<16384xi32, #tpu.memory_space<vmem>>, vector<16xi32>,
          %mul3A_350 = arith.constant 16 : i32
          %mul3A_351 = arith.muli %scan3A_80, %mul3A_350 : i32
          %add3A_352 = arith.constant 11520 : i32
          %add3A_353 = arith.addi %add3A_352, %mul3A_351 : i32
          %get3A_354 = arith.index_cast %add3A_353 : i32 to index
          %get3A_355 = tpu.vector_load %arg6[%get3A_354] {strides = array<i32>} : memref<16384xi32, #tpu.memory_space<vmem>>, vector<16xi32>,
          %mul3A_356 = arith.constant 16 : i32
          %mul3A_357 = arith.muli %scan3A_80, %mul3A_356 : i32
          %add3A_358 = arith.constant 11776 : i32
          %add3A_359 = arith.addi %add3A_358, %mul3A_357 : i32
          %get3A_360 = arith.index_cast %add3A_359 : i32 to index
          %get3A_361 = tpu.vector_load %arg6[%get3A_360] {strides = array<i32>} : memref<16384xi32, #tpu.memory_space<vmem>>, vector<16xi32>,
          %mul3A_362 = arith.constant 16 : i32
          %mul3A_363 = arith.muli %scan3A_80, %mul3A_362 : i32
          %add3A_364 = arith.constant 12032 : i32
          %add3A_365 = arith.addi %add3A_364, %mul3A_363 : i32
          %get3A_366 = arith.index_cast %add3A_365 : i32 to index
          %get3A_367 = tpu.vector_load %arg6[%get3A_366] {strides = array<i32>} : memref<16384xi32, #tpu.memory_space<vmem>>, vector<16xi32>,
          %mul3A_368 = arith.constant 16 : i32
          %mul3A_369 = arith.muli %scan3A_80, %mul3A_368 : i32
          %add3A_370 = arith.constant 12288 : i32
          %add3A_371 = arith.addi %add3A_370, %mul3A_369 : i32
          %get3A_372 = arith.index_cast %add3A_371 : i32 to index
          %get3A_373 = tpu.vector_load %arg6[%get3A_372] {strides = array<i32>} : memref<16384xi32, #tpu.memory_space<vmem>>, vector<16xi32>,
          %mul3A_374 = arith.constant 16 : i32
          %mul3A_375 = arith.muli %scan3A_80, %mul3A_374 : i32
          %add3A_376 = arith.constant 12544 : i32
          %add3A_377 = arith.addi %add3A_376, %mul3A_375 : i32
          %get3A_378 = arith.index_cast %add3A_377 : i32 to index
          %get3A_379 = tpu.vector_load %arg6[%get3A_378] {strides = array<i32>} : memref<16384xi32, #tpu.memory_space<vmem>>, vector<16xi32>,
          %mul3A_380 = arith.constant 16 : i32
          %mul3A_381 = arith.muli %scan3A_80, %mul3A_380 : i32
          %add3A_382 = arith.constant 12800 : i32
          %add3A_383 = arith.addi %add3A_382, %mul3A_381 : i32
          %get3A_384 = arith.index_cast %add3A_383 : i32 to index
          %get3A_385 = tpu.vector_load %arg6[%get3A_384] {strides = array<i32>} : memref<16384xi32, #tpu.memory_space<vmem>>, vector<16xi32>,
          %mul3A_386 = arith.constant 16 : i32
          %mul3A_387 = arith.muli %scan3A_80, %mul3A_386 : i32
          %add3A_388 = arith.constant 13056 : i32
          %add3A_389 = arith.addi %add3A_388, %mul3A_387 : i32
          %get3A_390 = arith.index_cast %add3A_389 : i32 to index
          %get3A_391 = tpu.vector_load %arg6[%get3A_390] {strides = array<i32>} : memref<16384xi32, #tpu.memory_space<vmem>>, vector<16xi32>,
          %mul3A_392 = arith.constant 16 : i32
          %mul3A_393 = arith.muli %scan3A_80, %mul3A_392 : i32
          %add3A_394 = arith.constant 13312 : i32
          %add3A_395 = arith.addi %add3A_394, %mul3A_393 : i32
          %get3A_396 = arith.index_cast %add3A_395 : i32 to index
          %get3A_397 = tpu.vector_load %arg6[%get3A_396] {strides = array<i32>} : memref<16384xi32, #tpu.memory_space<vmem>>, vector<16xi32>,
          %mul3A_398 = arith.constant 16 : i32
          %mul3A_399 = arith.muli %scan3A_80, %mul3A_398 : i32
          %add3A_400 = arith.constant 13568 : i32
          %add3A_401 = arith.addi %add3A_400, %mul3A_399 : i32
          %get3A_402 = arith.index_cast %add3A_401 : i32 to index
          %get3A_403 = tpu.vector_load %arg6[%get3A_402] {strides = array<i32>} : memref<16384xi32, #tpu.memory_space<vmem>>, vector<16xi32>,
          %mul3A_404 = arith.constant 16 : i32
          %mul3A_405 = arith.muli %scan3A_80, %mul3A_404 : i32
          %add3A_406 = arith.constant 13824 : i32
          %add3A_407 = arith.addi %add3A_406, %mul3A_405 : i32
          %get3A_408 = arith.index_cast %add3A_407 : i32 to index
          %get3A_409 = tpu.vector_load %arg6[%get3A_408] {strides = array<i32>} : memref<16384xi32, #tpu.memory_space<vmem>>, vector<16xi32>,
          %mul3A_410 = arith.constant 16 : i32
          %mul3A_411 = arith.muli %scan3A_80, %mul3A_410 : i32
          %add3A_412 = arith.constant 14080 : i32
          %add3A_413 = arith.addi %add3A_412, %mul3A_411 : i32
          %get3A_414 = arith.index_cast %add3A_413 : i32 to index
          %get3A_415 = tpu.vector_load %arg6[%get3A_414] {strides = array<i32>} : memref<16384xi32, #tpu.memory_space<vmem>>, vector<16xi32>,
          %mul3A_416 = arith.constant 16 : i32
          %mul3A_417 = arith.muli %scan3A_80, %mul3A_416 : i32
          %add3A_418 = arith.constant 14336 : i32
          %add3A_419 = arith.addi %add3A_418, %mul3A_417 : i32
          %get3A_420 = arith.index_cast %add3A_419 : i32 to index
          %get3A_421 = tpu.vector_load %arg6[%get3A_420] {strides = array<i32>} : memref<16384xi32, #tpu.memory_space<vmem>>, vector<16xi32>,
          %mul3A_422 = arith.constant 16 : i32
          %mul3A_423 = arith.muli %scan3A_80, %mul3A_422 : i32
          %add3A_424 = arith.constant 14592 : i32
          %add3A_425 = arith.addi %add3A_424, %mul3A_423 : i32
          %get3A_426 = arith.index_cast %add3A_425 : i32 to index
          %get3A_427 = tpu.vector_load %arg6[%get3A_426] {strides = array<i32>} : memref<16384xi32, #tpu.memory_space<vmem>>, vector<16xi32>,
          %mul3A_428 = arith.constant 16 : i32
          %mul3A_429 = arith.muli %scan3A_80, %mul3A_428 : i32
          %add3A_430 = arith.constant 14848 : i32
          %add3A_431 = arith.addi %add3A_430, %mul3A_429 : i32
          %get3A_432 = arith.index_cast %add3A_431 : i32 to index
          %get3A_433 = tpu.vector_load %arg6[%get3A_432] {strides = array<i32>} : memref<16384xi32, #tpu.memory_space<vmem>>, vector<16xi32>,
          %mul3A_434 = arith.constant 16 : i32
          %mul3A_435 = arith.muli %scan3A_80, %mul3A_434 : i32
          %add3A_436 = arith.constant 15104 : i32
          %add3A_437 = arith.addi %add3A_436, %mul3A_435 : i32
          %get3A_438 = arith.index_cast %add3A_437 : i32 to index
          %get3A_439 = tpu.vector_load %arg6[%get3A_438] {strides = array<i32>} : memref<16384xi32, #tpu.memory_space<vmem>>, vector<16xi32>,
          %mul3A_440 = arith.constant 16 : i32
          %mul3A_441 = arith.muli %scan3A_80, %mul3A_440 : i32
          %add3A_442 = arith.constant 15360 : i32
          %add3A_443 = arith.addi %add3A_442, %mul3A_441 : i32
          %get3A_444 = arith.index_cast %add3A_443 : i32 to index
          %get3A_445 = tpu.vector_load %arg6[%get3A_444] {strides = array<i32>} : memref<16384xi32, #tpu.memory_space<vmem>>, vector<16xi32>,
          %mul3A_446 = arith.constant 16 : i32
          %mul3A_447 = arith.muli %scan3A_80, %mul3A_446 : i32
          %add3A_448 = arith.constant 15616 : i32
          %add3A_449 = arith.addi %add3A_448, %mul3A_447 : i32
          %get3A_450 = arith.index_cast %add3A_449 : i32 to index
          %get3A_451 = tpu.vector_load %arg6[%get3A_450] {strides = array<i32>} : memref<16384xi32, #tpu.memory_space<vmem>>, vector<16xi32>,
          %mul3A_452 = arith.constant 16 : i32
          %mul3A_453 = arith.muli %scan3A_80, %mul3A_452 : i32
          %add3A_454 = arith.constant 15872 : i32
          %add3A_455 = arith.addi %add3A_454, %mul3A_453 : i32
          %get3A_456 = arith.index_cast %add3A_455 : i32 to index
          %get3A_457 = tpu.vector_load %arg6[%get3A_456] {strides = array<i32>} : memref<16384xi32, #tpu.memory_space<vmem>>, vector<16xi32>,
          %mul3A_458 = arith.constant 16 : i32
          %mul3A_459 = arith.muli %scan3A_80, %mul3A_458 : i32
          %add3A_460 = arith.constant 16128 : i32
          %add3A_461 = arith.addi %add3A_460, %mul3A_459 : i32
          %get3A_462 = arith.index_cast %add3A_461 : i32 to index
          %get3A_463 = tpu.vector_load %arg6[%get3A_462] {strides = array<i32>} : memref<16384xi32, #tpu.memory_space<vmem>>, vector<16xi32>,
          %add3A_464 = arith.addi %get3A_85, %get3A_91 : vector<16xi32>
          %add3A_465 = arith.addi %get3A_97, %get3A_103 : vector<16xi32>
          %add3A_466 = arith.addi %get3A_109, %get3A_115 : vector<16xi32>
          %add3A_467 = arith.addi %get3A_121, %get3A_127 : vector<16xi32>
          %add3A_468 = arith.addi %get3A_133, %get3A_139 : vector<16xi32>
          %add3A_469 = arith.addi %get3A_145, %get3A_151 : vector<16xi32>
          %add3A_470 = arith.addi %get3A_157, %get3A_163 : vector<16xi32>
          %add3A_471 = arith.addi %get3A_169, %get3A_175 : vector<16xi32>
          %add3A_472 = arith.addi %get3A_181, %get3A_187 : vector<16xi32>
          %add3A_473 = arith.addi %get3A_193, %get3A_199 : vector<16xi32>
          %add3A_474 = arith.addi %get3A_205, %get3A_211 : vector<16xi32>
          %add3A_475 = arith.addi %get3A_217, %get3A_223 : vector<16xi32>
          %add3A_476 = arith.addi %get3A_229, %get3A_235 : vector<16xi32>
          %add3A_477 = arith.addi %get3A_241, %get3A_247 : vector<16xi32>
          %add3A_478 = arith.addi %get3A_253, %get3A_259 : vector<16xi32>
          %add3A_479 = arith.addi %get3A_265, %get3A_271 : vector<16xi32>
          %add3A_480 = arith.addi %get3A_277, %get3A_283 : vector<16xi32>
          %add3A_481 = arith.addi %get3A_289, %get3A_295 : vector<16xi32>
          %add3A_482 = arith.addi %get3A_301, %get3A_307 : vector<16xi32>
          %add3A_483 = arith.addi %get3A_313, %get3A_319 : vector<16xi32>
          %add3A_484 = arith.addi %get3A_325, %get3A_331 : vector<16xi32>
          %add3A_485 = arith.addi %get3A_337, %get3A_343 : vector<16xi32>
          %add3A_486 = arith.addi %get3A_349, %get3A_355 : vector<16xi32>
          %add3A_487 = arith.addi %get3A_361, %get3A_367 : vector<16xi32>
          %add3A_488 = arith.addi %get3A_373, %get3A_379 : vector<16xi32>
          %add3A_489 = arith.addi %get3A_385, %get3A_391 : vector<16xi32>
          %add3A_490 = arith.addi %get3A_397, %get3A_403 : vector<16xi32>
          %add3A_491 = arith.addi %get3A_409, %get3A_415 : vector<16xi32>
          %add3A_492 = arith.addi %get3A_421, %get3A_427 : vector<16xi32>
          %add3A_493 = arith.addi %get3A_433, %get3A_439 : vector<16xi32>
          %add3A_494 = arith.addi %get3A_445, %get3A_451 : vector<16xi32>
          %add3A_495 = arith.addi %get3A_457, %get3A_463 : vector<16xi32>
          %add3A_496 = arith.addi %add3A_464, %add3A_465 : vector<16xi32>
          %add3A_497 = arith.addi %add3A_466, %add3A_467 : vector<16xi32>
          %add3A_498 = arith.addi %add3A_468, %add3A_469 : vector<16xi32>
          %add3A_499 = arith.addi %add3A_470, %add3A_471 : vector<16xi32>
          %add3A_500 = arith.addi %add3A_472, %add3A_473 : vector<16xi32>
          %add3A_501 = arith.addi %add3A_474, %add3A_475 : vector<16xi32>
          %add3A_502 = arith.addi %add3A_476, %add3A_477 : vector<16xi32>
          %add3A_503 = arith.addi %add3A_478, %add3A_479 : vector<16xi32>
          %add3A_504 = arith.addi %add3A_480, %add3A_481 : vector<16xi32>
          %add3A_505 = arith.addi %add3A_482, %add3A_483 : vector<16xi32>
          %add3A_506 = arith.addi %add3A_484, %add3A_485 : vector<16xi32>
          %add3A_507 = arith.addi %add3A_486, %add3A_487 : vector<16xi32>
          %add3A_508 = arith.addi %add3A_488, %add3A_489 : vector<16xi32>
          %add3A_509 = arith.addi %add3A_490, %add3A_491 : vector<16xi32>
          %add3A_510 = arith.addi %add3A_492, %add3A_493 : vector<16xi32>
          %add3A_511 = arith.addi %add3A_494, %add3A_495 : vector<16xi32>
          %add3A_512 = arith.addi %add3A_496, %add3A_497 : vector<16xi32>
          %add3A_513 = arith.addi %add3A_498, %add3A_499 : vector<16xi32>
          %add3A_514 = arith.addi %add3A_500, %add3A_501 : vector<16xi32>
          %add3A_515 = arith.addi %add3A_502, %add3A_503 : vector<16xi32>
          %add3A_516 = arith.addi %add3A_504, %add3A_505 : vector<16xi32>
          %add3A_517 = arith.addi %add3A_506, %add3A_507 : vector<16xi32>
          %add3A_518 = arith.addi %add3A_508, %add3A_509 : vector<16xi32>
          %add3A_519 = arith.addi %add3A_510, %add3A_511 : vector<16xi32>
          %add3A_520 = arith.addi %add3A_512, %add3A_513 : vector<16xi32>
          %add3A_521 = arith.addi %add3A_514, %add3A_515 : vector<16xi32>
          %add3A_522 = arith.addi %add3A_516, %add3A_517 : vector<16xi32>
          %add3A_523 = arith.addi %add3A_518, %add3A_519 : vector<16xi32>
          %add3A_524 = arith.addi %add3A_520, %add3A_521 : vector<16xi32>
          %add3A_525 = arith.addi %add3A_522, %add3A_523 : vector<16xi32>
          %add3A_526 = arith.addi %add3A_524, %add3A_525 : vector<16xi32>
          %mul3A_527 = arith.constant 16 : i32
          %mul3A_528 = arith.muli %scan3A_80, %mul3A_527 : i32
          %swap3A = arith.index_cast %mul3A_528 : i32 to index
          %swap3A_529 = tpu.vector_load %arg7[%swap3A] {strides = array<i32>} : memref<256xi32, #tpu.memory_space<vmem>>, vector<16xi32>,
          tpu.vector_store %arg7[%swap3A], %add3A_526 {strides = array<i32>} : memref<256xi32, #tpu.memory_space<vmem>>, vector<16xi32>,
        }
        %scan3A_79 = arith.constant 16 : i32
        "tpu.region"() ({
          %run_scoped3A = tpu.sem_alloc : memref<!tpu.dma_semaphore, #tpu.memory_space<semaphore_mem>>
          %dma_start3A_80 = arith.constant 0 : i32
          %dma_start3A_81 = tpu.memref_slice %arg3[%scan3A_19, %add3A, %dma_start3A_80] : memref<19x32x256xi32, #tpu.memory_space<hbm>> -> memref<1x1x256xi32, #tpu.memory_space<hbm>>
          %dma_start3A_82 = tpu.memref_squeeze %dma_start3A_81 : memref<1x1x256xi32, #tpu.memory_space<hbm>> -> memref<256xi32, #tpu.memory_space<hbm>>
          %dma_start3A_83 = arith.constant 0 : i32
          %dma_start3A_84 = tpu.memref_slice %arg3[%scan3A_19, %add3A, %dma_start3A_83] : memref<19x32x256xi32, #tpu.memory_space<hbm>> -> memref<1x1x256xi32, #tpu.memory_space<hbm>>
          %dma_start3A_85 = tpu.memref_squeeze %dma_start3A_84 : memref<1x1x256xi32, #tpu.memory_space<hbm>> -> memref<256xi32, #tpu.memory_space<hbm>>
          tpu.enqueue_dma source(%arg7 : memref<256xi32, #tpu.memory_space<vmem>>) target(%dma_start3A_85 : memref<256xi32, #tpu.memory_space<hbm>>) target_semaphore(%run_scoped3A : memref<!tpu.dma_semaphore, #tpu.memory_space<semaphore_mem>>)
          %dma_wait3A_86 = arith.constant 0 : i32
          %dma_wait3A_87 = tpu.memref_slice %arg3[%scan3A_19, %add3A, %dma_wait3A_86] : memref<19x32x256xi32, #tpu.memory_space<hbm>> -> memref<1x1x256xi32, #tpu.memory_space<hbm>>
          %dma_wait3A_88 = tpu.memref_squeeze %dma_wait3A_87 : memref<1x1x256xi32, #tpu.memory_space<hbm>> -> memref<256xi32, #tpu.memory_space<hbm>>
          %dma_wait3A_89 = arith.constant 0 : i32
          %dma_wait3A_90 = tpu.memref_slice %arg3[%scan3A_19, %add3A, %dma_wait3A_89] : memref<19x32x256xi32, #tpu.memory_space<hbm>> -> memref<1x1x256xi32, #tpu.memory_space<hbm>>
          %dma_wait3A_91 = tpu.memref_squeeze %dma_wait3A_90 : memref<1x1x256xi32, #tpu.memory_space<hbm>> -> memref<256xi32, #tpu.memory_space<hbm>>
          tpu.wait_dma2 semaphore(%run_scoped3A : memref<!tpu.dma_semaphore, #tpu.memory_space<semaphore_mem>>) src(%arg7 : memref<256xi32, #tpu.memory_space<vmem>>) dst(%dma_wait3A_91 : memref<256xi32, #tpu.memory_space<hbm>>)
          tpu.yield
        }) : () -> ()
      } else {
      }
    }
    %scan3A_18 = arith.constant 19 : i32
    return
  }
}

#map = affine_map<(d0, d1) -> (0, 0, 0)>
module attributes {stable_mosaic.version = 14 : i64} {
  func.func @_sc_hist_body(%arg0: i32, %arg1: i32, %arg2: memref<19x1024x512xi32, #tpu.memory_space<hbm>>, %arg3: memref<19x32x256xi32, #tpu.memory_space<hbm>>, %arg4: memref<32x512xi32, #tpu.memory_space<vmem>>, %arg5: memref<32x512xi32, #tpu.memory_space<vmem>>, %arg6: memref<16384xi32, #tpu.memory_space<vmem>>, %arg7: memref<256xi32, #tpu.memory_space<vmem>>, %arg8: memref<!tpu.dma_semaphore, #tpu.memory_space<semaphore_mem>>, %arg9: memref<!tpu.dma_semaphore, #tpu.memory_space<semaphore_mem>>) attributes {dimension_semantics = [#tpu.dimension_semantics<core_parallel>, #tpu.dimension_semantics<subcore_parallel>], iteration_bounds = array<i64: 2, 16>, scalar_prefetch = 0 : i64, scratch_operands = 6 : i64, tpu.core_type = #tpu.core_type<sc_vector_subcore>, window_params = [{transform_indices = #map}, {transform_indices = #map}]} {
    %mul3A = arith.constant 2 : i32
    %mul3A_0 = arith.muli %arg1, %mul3A : i32
    %add3A = arith.addi %mul3A_0, %arg0 : i32
    %mul3A_1 = arith.constant 32 : i32
    %mul3A_2 = arith.muli %add3A, %mul3A_1 : i32
    %iota3A = tpu.iota {dimensions = array<i32: 0>} : vector<16xi32>
    %mul3A_3 = arith.constant 256 : i32
    %mul3A_4 = vector.broadcast %mul3A_3 : i32 to vector<16xi32>
    %mul3A_5 = arith.muli %iota3A, %mul3A_4 : vector<16xi32>
    %broadcast_in_dim3A = arith.constant 1 : i32
    %broadcast_in_dim3A_6 = vector.broadcast %broadcast_in_dim3A : i32 to vector<16xi32>
    %broadcast_in_dim3A_7 = arith.constant 0 : i32
    %broadcast_in_dim3A_8 = vector.broadcast %broadcast_in_dim3A_7 : i32 to vector<16xi32>
    %dma_start3A = arith.constant 0 : i32
    %dma_start3A_9 = arith.constant 0 : i32
    %dma_start3A_10 = tpu.memref_slice %arg2[%dma_start3A, %mul3A_2, %dma_start3A_9] : memref<19x1024x512xi32, #tpu.memory_space<hbm>> -> memref<1x32x512xi32, #tpu.memory_space<hbm>>
    %dma_start3A_11 = tpu.memref_squeeze %dma_start3A_10 : memref<1x32x512xi32, #tpu.memory_space<hbm>> -> memref<32x512xi32, #tpu.memory_space<hbm>>
    %dma_start3A_12 = arith.constant 0 : i32
    %dma_start3A_13 = tpu.memref_slice %arg2[%dma_start3A, %mul3A_2, %dma_start3A_12] : memref<19x1024x512xi32, #tpu.memory_space<hbm>> -> memref<1x32x512xi32, #tpu.memory_space<hbm>>
    %dma_start3A_14 = tpu.memref_squeeze %dma_start3A_13 : memref<1x32x512xi32, #tpu.memory_space<hbm>> -> memref<32x512xi32, #tpu.memory_space<hbm>>
    tpu.enqueue_dma source(%dma_start3A_14 : memref<32x512xi32, #tpu.memory_space<hbm>>) target(%arg4 : memref<32x512xi32, #tpu.memory_space<vmem>>) target_semaphore(%arg8 : memref<!tpu.dma_semaphore, #tpu.memory_space<semaphore_mem>>)
    %scan3A = arith.constant 0 : i32
    %scan3A_15 = arith.constant 19 : i32
    %scan3A_16 = arith.addi %scan3A, %scan3A_15 : i32
    %scan3A_17 = arith.constant 1 : i32
    scf.for %scan3A_19 = %scan3A to %scan3A_16 step %scan3A_17  : i32 {
      %jit3A = arith.constant 2 : i32
      %eq3A = arith.constant 0 : i32
      %eq3A_20 = arith.cmpi eq, %jit3A, %eq3A : i32
      %jit3A_21 = arith.constant 1 : i32
      %select_n3A = arith.select %eq3A_20, %jit3A_21, %jit3A : i32
      %rem3A = arith.remsi %scan3A_19, %select_n3A : i32
      %ne3A = arith.constant 0 : i32
      %ne3A_22 = arith.cmpi ne, %rem3A, %ne3A : i32
      %lt3A = arith.constant 0 : i32
      %lt3A_23 = arith.cmpi slt, %rem3A, %lt3A : i32
      %lt3A_24 = arith.constant 0 : i32
      %lt3A_25 = arith.cmpi slt, %select_n3A, %lt3A_24 : i32
      %ne3A_26 = arith.xori %lt3A_23, %lt3A_25 : i1
      %and3A = arith.andi %ne3A_26, %ne3A_22 : i1
      %add3A_27 = arith.addi %rem3A, %select_n3A : i32
      %select_n3A_28 = arith.select %and3A, %add3A_27, %rem3A : i32
      %eq3A_29 = arith.constant 0 : i32
      %eq3A_30 = arith.cmpi eq, %select_n3A_28, %eq3A_29 : i32
      %convert_element_type3A = arith.extui %eq3A_30 : i1 to i32
      %cond3A = arith.constant 0 : i32
      %cond3A_31 = arith.cmpi ne, %convert_element_type3A, %cond3A : i32
      scf.if %cond3A_31 {
        %dma_wait3A = arith.constant 0 : i32
        %dma_wait3A_53 = tpu.memref_slice %arg2[%scan3A_19, %mul3A_2, %dma_wait3A] : memref<19x1024x512xi32, #tpu.memory_space<hbm>> -> memref<1x32x512xi32, #tpu.memory_space<hbm>>
        %dma_wait3A_54 = tpu.memref_squeeze %dma_wait3A_53 : memref<1x32x512xi32, #tpu.memory_space<hbm>> -> memref<32x512xi32, #tpu.memory_space<hbm>>
        %dma_wait3A_55 = arith.constant 0 : i32
        %dma_wait3A_56 = tpu.memref_slice %arg2[%scan3A_19, %mul3A_2, %dma_wait3A_55] : memref<19x1024x512xi32, #tpu.memory_space<hbm>> -> memref<1x32x512xi32, #tpu.memory_space<hbm>>
        %dma_wait3A_57 = tpu.memref_squeeze %dma_wait3A_56 : memref<1x32x512xi32, #tpu.memory_space<hbm>> -> memref<32x512xi32, #tpu.memory_space<hbm>>
        tpu.wait_dma2 semaphore(%arg8 : memref<!tpu.dma_semaphore, #tpu.memory_space<semaphore_mem>>) src(%dma_wait3A_57 : memref<32x512xi32, #tpu.memory_space<hbm>>) dst(%arg4 : memref<32x512xi32, #tpu.memory_space<vmem>>)
        %add3A_58 = arith.constant 1 : i32
        %add3A_59 = arith.addi %scan3A_19, %add3A_58 : i32
        %lt3A_60 = arith.constant 19 : i32
        %lt3A_61 = arith.cmpi slt, %add3A_59, %lt3A_60 : i32
        %convert_element_type3A_62 = arith.extui %lt3A_61 : i1 to i32
        %cond3A_63 = arith.constant 0 : i32
        %cond3A_64 = arith.cmpi ne, %convert_element_type3A_62, %cond3A_63 : i32
        scf.if %cond3A_64 {
          %add3A_80 = arith.constant 1 : i32
          %add3A_81 = arith.addi %scan3A_19, %add3A_80 : i32
          %dma_start3A_82 = arith.constant 0 : i32
          %dma_start3A_83 = tpu.memref_slice %arg2[%add3A_81, %mul3A_2, %dma_start3A_82] : memref<19x1024x512xi32, #tpu.memory_space<hbm>> -> memref<1x32x512xi32, #tpu.memory_space<hbm>>
          %dma_start3A_84 = tpu.memref_squeeze %dma_start3A_83 : memref<1x32x512xi32, #tpu.memory_space<hbm>> -> memref<32x512xi32, #tpu.memory_space<hbm>>
          %dma_start3A_85 = arith.constant 0 : i32
          %dma_start3A_86 = tpu.memref_slice %arg2[%add3A_81, %mul3A_2, %dma_start3A_85] : memref<19x1024x512xi32, #tpu.memory_space<hbm>> -> memref<1x32x512xi32, #tpu.memory_space<hbm>>
          %dma_start3A_87 = tpu.memref_squeeze %dma_start3A_86 : memref<1x32x512xi32, #tpu.memory_space<hbm>> -> memref<32x512xi32, #tpu.memory_space<hbm>>
          tpu.enqueue_dma source(%dma_start3A_87 : memref<32x512xi32, #tpu.memory_space<hbm>>) target(%arg5 : memref<32x512xi32, #tpu.memory_space<vmem>>) target_semaphore(%arg9 : memref<!tpu.dma_semaphore, #tpu.memory_space<semaphore_mem>>)
        } else {
        }
        %scan3A_65 = arith.constant 0 : i32
        %scan3A_66 = arith.constant 64 : i32
        %scan3A_67 = arith.addi %scan3A_65, %scan3A_66 : i32
        %scan3A_68 = arith.constant 1 : i32
        scf.for %scan3A_80 = %scan3A_65 to %scan3A_67 step %scan3A_68  : i32 {
          %mul3A_81 = arith.constant 16 : i32
          %mul3A_82 = arith.muli %scan3A_80, %mul3A_81 : i32
          %add3A_83 = arith.constant 0 : i32
          %add3A_84 = arith.addi %mul3A_82, %add3A_83 : i32
          %mul3A_85 = arith.constant 16 : i32
          %mul3A_86 = arith.muli %add3A_84, %mul3A_85 : i32
          %swap3A = arith.index_cast %mul3A_86 : i32 to index
          %swap3A_87 = tpu.vector_load %arg6[%swap3A] {strides = array<i32>} : memref<16384xi32, #tpu.memory_space<vmem>>, vector<16xi32>,
          tpu.vector_store %arg6[%swap3A], %broadcast_in_dim3A_8 {strides = array<i32>} : memref<16384xi32, #tpu.memory_space<vmem>>, vector<16xi32>,
          %mul3A_88 = arith.constant 16 : i32
          %mul3A_89 = arith.muli %scan3A_80, %mul3A_88 : i32
          %add3A_90 = arith.constant 1 : i32
          %add3A_91 = arith.addi %mul3A_89, %add3A_90 : i32
          %mul3A_92 = arith.constant 16 : i32
          %mul3A_93 = arith.muli %add3A_91, %mul3A_92 : i32
          %swap3A_94 = arith.index_cast %mul3A_93 : i32 to index
          %swap3A_95 = tpu.vector_load %arg6[%swap3A_94] {strides = array<i32>} : memref<16384xi32, #tpu.memory_space<vmem>>, vector<16xi32>,
          tpu.vector_store %arg6[%swap3A_94], %broadcast_in_dim3A_8 {strides = array<i32>} : memref<16384xi32, #tpu.memory_space<vmem>>, vector<16xi32>,
          %mul3A_96 = arith.constant 16 : i32
          %mul3A_97 = arith.muli %scan3A_80, %mul3A_96 : i32
          %add3A_98 = arith.constant 2 : i32
          %add3A_99 = arith.addi %mul3A_97, %add3A_98 : i32
          %mul3A_100 = arith.constant 16 : i32
          %mul3A_101 = arith.muli %add3A_99, %mul3A_100 : i32
          %swap3A_102 = arith.index_cast %mul3A_101 : i32 to index
          %swap3A_103 = tpu.vector_load %arg6[%swap3A_102] {strides = array<i32>} : memref<16384xi32, #tpu.memory_space<vmem>>, vector<16xi32>,
          tpu.vector_store %arg6[%swap3A_102], %broadcast_in_dim3A_8 {strides = array<i32>} : memref<16384xi32, #tpu.memory_space<vmem>>, vector<16xi32>,
          %mul3A_104 = arith.constant 16 : i32
          %mul3A_105 = arith.muli %scan3A_80, %mul3A_104 : i32
          %add3A_106 = arith.constant 3 : i32
          %add3A_107 = arith.addi %mul3A_105, %add3A_106 : i32
          %mul3A_108 = arith.constant 16 : i32
          %mul3A_109 = arith.muli %add3A_107, %mul3A_108 : i32
          %swap3A_110 = arith.index_cast %mul3A_109 : i32 to index
          %swap3A_111 = tpu.vector_load %arg6[%swap3A_110] {strides = array<i32>} : memref<16384xi32, #tpu.memory_space<vmem>>, vector<16xi32>,
          tpu.vector_store %arg6[%swap3A_110], %broadcast_in_dim3A_8 {strides = array<i32>} : memref<16384xi32, #tpu.memory_space<vmem>>, vector<16xi32>,
          %mul3A_112 = arith.constant 16 : i32
          %mul3A_113 = arith.muli %scan3A_80, %mul3A_112 : i32
          %add3A_114 = arith.constant 4 : i32
          %add3A_115 = arith.addi %mul3A_113, %add3A_114 : i32
          %mul3A_116 = arith.constant 16 : i32
          %mul3A_117 = arith.muli %add3A_115, %mul3A_116 : i32
          %swap3A_118 = arith.index_cast %mul3A_117 : i32 to index
          %swap3A_119 = tpu.vector_load %arg6[%swap3A_118] {strides = array<i32>} : memref<16384xi32, #tpu.memory_space<vmem>>, vector<16xi32>,
          tpu.vector_store %arg6[%swap3A_118], %broadcast_in_dim3A_8 {strides = array<i32>} : memref<16384xi32, #tpu.memory_space<vmem>>, vector<16xi32>,
          %mul3A_120 = arith.constant 16 : i32
          %mul3A_121 = arith.muli %scan3A_80, %mul3A_120 : i32
          %add3A_122 = arith.constant 5 : i32
          %add3A_123 = arith.addi %mul3A_121, %add3A_122 : i32
          %mul3A_124 = arith.constant 16 : i32
          %mul3A_125 = arith.muli %add3A_123, %mul3A_124 : i32
          %swap3A_126 = arith.index_cast %mul3A_125 : i32 to index
          %swap3A_127 = tpu.vector_load %arg6[%swap3A_126] {strides = array<i32>} : memref<16384xi32, #tpu.memory_space<vmem>>, vector<16xi32>,
          tpu.vector_store %arg6[%swap3A_126], %broadcast_in_dim3A_8 {strides = array<i32>} : memref<16384xi32, #tpu.memory_space<vmem>>, vector<16xi32>,
          %mul3A_128 = arith.constant 16 : i32
          %mul3A_129 = arith.muli %scan3A_80, %mul3A_128 : i32
          %add3A_130 = arith.constant 6 : i32
          %add3A_131 = arith.addi %mul3A_129, %add3A_130 : i32
          %mul3A_132 = arith.constant 16 : i32
          %mul3A_133 = arith.muli %add3A_131, %mul3A_132 : i32
          %swap3A_134 = arith.index_cast %mul3A_133 : i32 to index
          %swap3A_135 = tpu.vector_load %arg6[%swap3A_134] {strides = array<i32>} : memref<16384xi32, #tpu.memory_space<vmem>>, vector<16xi32>,
          tpu.vector_store %arg6[%swap3A_134], %broadcast_in_dim3A_8 {strides = array<i32>} : memref<16384xi32, #tpu.memory_space<vmem>>, vector<16xi32>,
          %mul3A_136 = arith.constant 16 : i32
          %mul3A_137 = arith.muli %scan3A_80, %mul3A_136 : i32
          %add3A_138 = arith.constant 7 : i32
          %add3A_139 = arith.addi %mul3A_137, %add3A_138 : i32
          %mul3A_140 = arith.constant 16 : i32
          %mul3A_141 = arith.muli %add3A_139, %mul3A_140 : i32
          %swap3A_142 = arith.index_cast %mul3A_141 : i32 to index
          %swap3A_143 = tpu.vector_load %arg6[%swap3A_142] {strides = array<i32>} : memref<16384xi32, #tpu.memory_space<vmem>>, vector<16xi32>,
          tpu.vector_store %arg6[%swap3A_142], %broadcast_in_dim3A_8 {strides = array<i32>} : memref<16384xi32, #tpu.memory_space<vmem>>, vector<16xi32>,
          %mul3A_144 = arith.constant 16 : i32
          %mul3A_145 = arith.muli %scan3A_80, %mul3A_144 : i32
          %add3A_146 = arith.constant 8 : i32
          %add3A_147 = arith.addi %mul3A_145, %add3A_146 : i32
          %mul3A_148 = arith.constant 16 : i32
          %mul3A_149 = arith.muli %add3A_147, %mul3A_148 : i32
          %swap3A_150 = arith.index_cast %mul3A_149 : i32 to index
          %swap3A_151 = tpu.vector_load %arg6[%swap3A_150] {strides = array<i32>} : memref<16384xi32, #tpu.memory_space<vmem>>, vector<16xi32>,
          tpu.vector_store %arg6[%swap3A_150], %broadcast_in_dim3A_8 {strides = array<i32>} : memref<16384xi32, #tpu.memory_space<vmem>>, vector<16xi32>,
          %mul3A_152 = arith.constant 16 : i32
          %mul3A_153 = arith.muli %scan3A_80, %mul3A_152 : i32
          %add3A_154 = arith.constant 9 : i32
          %add3A_155 = arith.addi %mul3A_153, %add3A_154 : i32
          %mul3A_156 = arith.constant 16 : i32
          %mul3A_157 = arith.muli %add3A_155, %mul3A_156 : i32
          %swap3A_158 = arith.index_cast %mul3A_157 : i32 to index
          %swap3A_159 = tpu.vector_load %arg6[%swap3A_158] {strides = array<i32>} : memref<16384xi32, #tpu.memory_space<vmem>>, vector<16xi32>,
          tpu.vector_store %arg6[%swap3A_158], %broadcast_in_dim3A_8 {strides = array<i32>} : memref<16384xi32, #tpu.memory_space<vmem>>, vector<16xi32>,
          %mul3A_160 = arith.constant 16 : i32
          %mul3A_161 = arith.muli %scan3A_80, %mul3A_160 : i32
          %add3A_162 = arith.constant 10 : i32
          %add3A_163 = arith.addi %mul3A_161, %add3A_162 : i32
          %mul3A_164 = arith.constant 16 : i32
          %mul3A_165 = arith.muli %add3A_163, %mul3A_164 : i32
          %swap3A_166 = arith.index_cast %mul3A_165 : i32 to index
          %swap3A_167 = tpu.vector_load %arg6[%swap3A_166] {strides = array<i32>} : memref<16384xi32, #tpu.memory_space<vmem>>, vector<16xi32>,
          tpu.vector_store %arg6[%swap3A_166], %broadcast_in_dim3A_8 {strides = array<i32>} : memref<16384xi32, #tpu.memory_space<vmem>>, vector<16xi32>,
          %mul3A_168 = arith.constant 16 : i32
          %mul3A_169 = arith.muli %scan3A_80, %mul3A_168 : i32
          %add3A_170 = arith.constant 11 : i32
          %add3A_171 = arith.addi %mul3A_169, %add3A_170 : i32
          %mul3A_172 = arith.constant 16 : i32
          %mul3A_173 = arith.muli %add3A_171, %mul3A_172 : i32
          %swap3A_174 = arith.index_cast %mul3A_173 : i32 to index
          %swap3A_175 = tpu.vector_load %arg6[%swap3A_174] {strides = array<i32>} : memref<16384xi32, #tpu.memory_space<vmem>>, vector<16xi32>,
          tpu.vector_store %arg6[%swap3A_174], %broadcast_in_dim3A_8 {strides = array<i32>} : memref<16384xi32, #tpu.memory_space<vmem>>, vector<16xi32>,
          %mul3A_176 = arith.constant 16 : i32
          %mul3A_177 = arith.muli %scan3A_80, %mul3A_176 : i32
          %add3A_178 = arith.constant 12 : i32
          %add3A_179 = arith.addi %mul3A_177, %add3A_178 : i32
          %mul3A_180 = arith.constant 16 : i32
          %mul3A_181 = arith.muli %add3A_179, %mul3A_180 : i32
          %swap3A_182 = arith.index_cast %mul3A_181 : i32 to index
          %swap3A_183 = tpu.vector_load %arg6[%swap3A_182] {strides = array<i32>} : memref<16384xi32, #tpu.memory_space<vmem>>, vector<16xi32>,
          tpu.vector_store %arg6[%swap3A_182], %broadcast_in_dim3A_8 {strides = array<i32>} : memref<16384xi32, #tpu.memory_space<vmem>>, vector<16xi32>,
          %mul3A_184 = arith.constant 16 : i32
          %mul3A_185 = arith.muli %scan3A_80, %mul3A_184 : i32
          %add3A_186 = arith.constant 13 : i32
          %add3A_187 = arith.addi %mul3A_185, %add3A_186 : i32
          %mul3A_188 = arith.constant 16 : i32
          %mul3A_189 = arith.muli %add3A_187, %mul3A_188 : i32
          %swap3A_190 = arith.index_cast %mul3A_189 : i32 to index
          %swap3A_191 = tpu.vector_load %arg6[%swap3A_190] {strides = array<i32>} : memref<16384xi32, #tpu.memory_space<vmem>>, vector<16xi32>,
          tpu.vector_store %arg6[%swap3A_190], %broadcast_in_dim3A_8 {strides = array<i32>} : memref<16384xi32, #tpu.memory_space<vmem>>, vector<16xi32>,
          %mul3A_192 = arith.constant 16 : i32
          %mul3A_193 = arith.muli %scan3A_80, %mul3A_192 : i32
          %add3A_194 = arith.constant 14 : i32
          %add3A_195 = arith.addi %mul3A_193, %add3A_194 : i32
          %mul3A_196 = arith.constant 16 : i32
          %mul3A_197 = arith.muli %add3A_195, %mul3A_196 : i32
          %swap3A_198 = arith.index_cast %mul3A_197 : i32 to index
          %swap3A_199 = tpu.vector_load %arg6[%swap3A_198] {strides = array<i32>} : memref<16384xi32, #tpu.memory_space<vmem>>, vector<16xi32>,
          tpu.vector_store %arg6[%swap3A_198], %broadcast_in_dim3A_8 {strides = array<i32>} : memref<16384xi32, #tpu.memory_space<vmem>>, vector<16xi32>,
          %mul3A_200 = arith.constant 16 : i32
          %mul3A_201 = arith.muli %scan3A_80, %mul3A_200 : i32
          %add3A_202 = arith.constant 15 : i32
          %add3A_203 = arith.addi %mul3A_201, %add3A_202 : i32
          %mul3A_204 = arith.constant 16 : i32
          %mul3A_205 = arith.muli %add3A_203, %mul3A_204 : i32
          %swap3A_206 = arith.index_cast %mul3A_205 : i32 to index
          %swap3A_207 = tpu.vector_load %arg6[%swap3A_206] {strides = array<i32>} : memref<16384xi32, #tpu.memory_space<vmem>>, vector<16xi32>,
          tpu.vector_store %arg6[%swap3A_206], %broadcast_in_dim3A_8 {strides = array<i32>} : memref<16384xi32, #tpu.memory_space<vmem>>, vector<16xi32>,
        }
        %scan3A_69 = arith.constant 64 : i32
        %scan3A_70 = arith.constant 0 : i32
        %scan3A_71 = arith.constant 32 : i32
        %scan3A_72 = arith.addi %scan3A_70, %scan3A_71 : i32
        %scan3A_73 = arith.constant 1 : i32
        scf.for %scan3A_80 = %scan3A_70 to %scan3A_72 step %scan3A_73  : i32 {
          %scan3A_81 = arith.constant 0 : i32
          %scan3A_82 = arith.constant 4 : i32
          %scan3A_83 = arith.addi %scan3A_81, %scan3A_82 : i32
          %scan3A_84 = arith.constant 1 : i32
          scf.for %scan3A_86 = %scan3A_81 to %scan3A_83 step %scan3A_84  : i32 {
            %mul3A_87 = arith.constant 8 : i32
            %mul3A_88 = arith.muli %scan3A_86, %mul3A_87 : i32
            %add3A_89 = arith.constant 0 : i32
            %add3A_90 = arith.addi %mul3A_88, %add3A_89 : i32
            %mul3A_91 = arith.constant 16 : i32
            %mul3A_92 = arith.muli %add3A_90, %mul3A_91 : i32
            %get3A = arith.index_cast %scan3A_80 : i32 to index
            %get3A_93 = arith.index_cast %mul3A_92 : i32 to index
            %get3A_94 = tpu.vector_load %arg4[%get3A, %get3A_93] {strides = array<i32>} : memref<32x512xi32, #tpu.memory_space<vmem>>, vector<16xi32>,
            %mul3A_95 = arith.constant 8 : i32
            %mul3A_96 = arith.muli %scan3A_86, %mul3A_95 : i32
            %add3A_97 = arith.constant 1 : i32
            %add3A_98 = arith.addi %mul3A_96, %add3A_97 : i32
            %mul3A_99 = arith.constant 16 : i32
            %mul3A_100 = arith.muli %add3A_98, %mul3A_99 : i32
            %get3A_101 = arith.index_cast %scan3A_80 : i32 to index
            %get3A_102 = arith.index_cast %mul3A_100 : i32 to index
            %get3A_103 = tpu.vector_load %arg4[%get3A_101, %get3A_102] {strides = array<i32>} : memref<32x512xi32, #tpu.memory_space<vmem>>, vector<16xi32>,
            %mul3A_104 = arith.constant 8 : i32
            %mul3A_105 = arith.muli %scan3A_86, %mul3A_104 : i32
            %add3A_106 = arith.constant 2 : i32
            %add3A_107 = arith.addi %mul3A_105, %add3A_106 : i32
            %mul3A_108 = arith.constant 16 : i32
            %mul3A_109 = arith.muli %add3A_107, %mul3A_108 : i32
            %get3A_110 = arith.index_cast %scan3A_80 : i32 to index
            %get3A_111 = arith.index_cast %mul3A_109 : i32 to index
            %get3A_112 = tpu.vector_load %arg4[%get3A_110, %get3A_111] {strides = array<i32>} : memref<32x512xi32, #tpu.memory_space<vmem>>, vector<16xi32>,
            %mul3A_113 = arith.constant 8 : i32
            %mul3A_114 = arith.muli %scan3A_86, %mul3A_113 : i32
            %add3A_115 = arith.constant 3 : i32
            %add3A_116 = arith.addi %mul3A_114, %add3A_115 : i32
            %mul3A_117 = arith.constant 16 : i32
            %mul3A_118 = arith.muli %add3A_116, %mul3A_117 : i32
            %get3A_119 = arith.index_cast %scan3A_80 : i32 to index
            %get3A_120 = arith.index_cast %mul3A_118 : i32 to index
            %get3A_121 = tpu.vector_load %arg4[%get3A_119, %get3A_120] {strides = array<i32>} : memref<32x512xi32, #tpu.memory_space<vmem>>, vector<16xi32>,
            %mul3A_122 = arith.constant 8 : i32
            %mul3A_123 = arith.muli %scan3A_86, %mul3A_122 : i32
            %add3A_124 = arith.constant 4 : i32
            %add3A_125 = arith.addi %mul3A_123, %add3A_124 : i32
            %mul3A_126 = arith.constant 16 : i32
            %mul3A_127 = arith.muli %add3A_125, %mul3A_126 : i32
            %get3A_128 = arith.index_cast %scan3A_80 : i32 to index
            %get3A_129 = arith.index_cast %mul3A_127 : i32 to index
            %get3A_130 = tpu.vector_load %arg4[%get3A_128, %get3A_129] {strides = array<i32>} : memref<32x512xi32, #tpu.memory_space<vmem>>, vector<16xi32>,
            %mul3A_131 = arith.constant 8 : i32
            %mul3A_132 = arith.muli %scan3A_86, %mul3A_131 : i32
            %add3A_133 = arith.constant 5 : i32
            %add3A_134 = arith.addi %mul3A_132, %add3A_133 : i32
            %mul3A_135 = arith.constant 16 : i32
            %mul3A_136 = arith.muli %add3A_134, %mul3A_135 : i32
            %get3A_137 = arith.index_cast %scan3A_80 : i32 to index
            %get3A_138 = arith.index_cast %mul3A_136 : i32 to index
            %get3A_139 = tpu.vector_load %arg4[%get3A_137, %get3A_138] {strides = array<i32>} : memref<32x512xi32, #tpu.memory_space<vmem>>, vector<16xi32>,
            %mul3A_140 = arith.constant 8 : i32
            %mul3A_141 = arith.muli %scan3A_86, %mul3A_140 : i32
            %add3A_142 = arith.constant 6 : i32
            %add3A_143 = arith.addi %mul3A_141, %add3A_142 : i32
            %mul3A_144 = arith.constant 16 : i32
            %mul3A_145 = arith.muli %add3A_143, %mul3A_144 : i32
            %get3A_146 = arith.index_cast %scan3A_80 : i32 to index
            %get3A_147 = arith.index_cast %mul3A_145 : i32 to index
            %get3A_148 = tpu.vector_load %arg4[%get3A_146, %get3A_147] {strides = array<i32>} : memref<32x512xi32, #tpu.memory_space<vmem>>, vector<16xi32>,
            %mul3A_149 = arith.constant 8 : i32
            %mul3A_150 = arith.muli %scan3A_86, %mul3A_149 : i32
            %add3A_151 = arith.constant 7 : i32
            %add3A_152 = arith.addi %mul3A_150, %add3A_151 : i32
            %mul3A_153 = arith.constant 16 : i32
            %mul3A_154 = arith.muli %add3A_152, %mul3A_153 : i32
            %get3A_155 = arith.index_cast %scan3A_80 : i32 to index
            %get3A_156 = arith.index_cast %mul3A_154 : i32 to index
            %get3A_157 = tpu.vector_load %arg4[%get3A_155, %get3A_156] {strides = array<i32>} : memref<32x512xi32, #tpu.memory_space<vmem>>, vector<16xi32>,
            %add3A_158 = arith.addi %get3A_94, %mul3A_5 : vector<16xi32>
            %add3A_159 = arith.constant 0 : i32
            %add3A_160 = vector.broadcast %add3A_159 : i32 to vector<16xi32>
            %add3A_161 = arith.addi %add3A_158, %add3A_160 : vector<16xi32>
            %add3A_162 = arith.addi %get3A_103, %mul3A_5 : vector<16xi32>
            %add3A_163 = arith.constant 4096 : i32
            %add3A_164 = vector.broadcast %add3A_163 : i32 to vector<16xi32>
            %add3A_165 = arith.addi %add3A_162, %add3A_164 : vector<16xi32>
            %add3A_166 = arith.addi %get3A_112, %mul3A_5 : vector<16xi32>
            %add3A_167 = arith.constant 8192 : i32
            %add3A_168 = vector.broadcast %add3A_167 : i32 to vector<16xi32>
            %add3A_169 = arith.addi %add3A_166, %add3A_168 : vector<16xi32>
            %add3A_170 = arith.addi %get3A_121, %mul3A_5 : vector<16xi32>
            %add3A_171 = arith.constant 12288 : i32
            %add3A_172 = vector.broadcast %add3A_171 : i32 to vector<16xi32>
            %add3A_173 = arith.addi %add3A_170, %add3A_172 : vector<16xi32>
            %add3A_174 = arith.addi %get3A_130, %mul3A_5 : vector<16xi32>
            %add3A_175 = arith.constant 0 : i32
            %add3A_176 = vector.broadcast %add3A_175 : i32 to vector<16xi32>
            %add3A_177 = arith.addi %add3A_174, %add3A_176 : vector<16xi32>
            %add3A_178 = arith.addi %get3A_139, %mul3A_5 : vector<16xi32>
            %add3A_179 = arith.constant 4096 : i32
            %add3A_180 = vector.broadcast %add3A_179 : i32 to vector<16xi32>
            %add3A_181 = arith.addi %add3A_178, %add3A_180 : vector<16xi32>
            %add3A_182 = arith.addi %get3A_148, %mul3A_5 : vector<16xi32>
            %add3A_183 = arith.constant 8192 : i32
            %add3A_184 = vector.broadcast %add3A_183 : i32 to vector<16xi32>
            %add3A_185 = arith.addi %add3A_182, %add3A_184 : vector<16xi32>
            %add3A_186 = arith.addi %get3A_157, %mul3A_5 : vector<16xi32>
            %add3A_187 = arith.constant 12288 : i32
            %add3A_188 = vector.broadcast %add3A_187 : i32 to vector<16xi32>
            %add3A_189 = arith.addi %add3A_186, %add3A_188 : vector<16xi32>
            tpu.vector_store_idx %arg6[%add3A_161], %broadcast_in_dim3A_6 {add = true} : memref<16384xi32, #tpu.memory_space<vmem>>[vector<16xi32>], vector<16xi32>,
            tpu.vector_store_idx %arg6[%add3A_165], %broadcast_in_dim3A_6 {add = true} : memref<16384xi32, #tpu.memory_space<vmem>>[vector<16xi32>], vector<16xi32>,
            tpu.vector_store_idx %arg6[%add3A_169], %broadcast_in_dim3A_6 {add = true} : memref<16384xi32, #tpu.memory_space<vmem>>[vector<16xi32>], vector<16xi32>,
            tpu.vector_store_idx %arg6[%add3A_173], %broadcast_in_dim3A_6 {add = true} : memref<16384xi32, #tpu.memory_space<vmem>>[vector<16xi32>], vector<16xi32>,
            tpu.vector_store_idx %arg6[%add3A_177], %broadcast_in_dim3A_6 {add = true} : memref<16384xi32, #tpu.memory_space<vmem>>[vector<16xi32>], vector<16xi32>,
            tpu.vector_store_idx %arg6[%add3A_181], %broadcast_in_dim3A_6 {add = true} : memref<16384xi32, #tpu.memory_space<vmem>>[vector<16xi32>], vector<16xi32>,
            tpu.vector_store_idx %arg6[%add3A_185], %broadcast_in_dim3A_6 {add = true} : memref<16384xi32, #tpu.memory_space<vmem>>[vector<16xi32>], vector<16xi32>,
            tpu.vector_store_idx %arg6[%add3A_189], %broadcast_in_dim3A_6 {add = true} : memref<16384xi32, #tpu.memory_space<vmem>>[vector<16xi32>], vector<16xi32>,
          }
          %scan3A_85 = arith.constant 4 : i32
        }
        %scan3A_74 = arith.constant 32 : i32
        %scan3A_75 = arith.constant 0 : i32
        %scan3A_76 = arith.constant 16 : i32
        %scan3A_77 = arith.addi %scan3A_75, %scan3A_76 : i32
        %scan3A_78 = arith.constant 1 : i32
        scf.for %scan3A_80 = %scan3A_75 to %scan3A_77 step %scan3A_78  : i32 {
          %mul3A_81 = arith.constant 16 : i32
          %mul3A_82 = arith.muli %scan3A_80, %mul3A_81 : i32
          %add3A_83 = arith.constant 0 : i32
          %add3A_84 = arith.addi %add3A_83, %mul3A_82 : i32
          %get3A = arith.index_cast %add3A_84 : i32 to index
          %get3A_85 = tpu.vector_load %arg6[%get3A] {strides = array<i32>} : memref<16384xi32, #tpu.memory_space<vmem>>, vector<16xi32>,
          %mul3A_86 = arith.constant 16 : i32
          %mul3A_87 = arith.muli %scan3A_80, %mul3A_86 : i32
          %add3A_88 = arith.constant 256 : i32
          %add3A_89 = arith.addi %add3A_88, %mul3A_87 : i32
          %get3A_90 = arith.index_cast %add3A_89 : i32 to index
          %get3A_91 = tpu.vector_load %arg6[%get3A_90] {strides = array<i32>} : memref<16384xi32, #tpu.memory_space<vmem>>, vector<16xi32>,
          %mul3A_92 = arith.constant 16 : i32
          %mul3A_93 = arith.muli %scan3A_80, %mul3A_92 : i32
          %add3A_94 = arith.constant 512 : i32
          %add3A_95 = arith.addi %add3A_94, %mul3A_93 : i32
          %get3A_96 = arith.index_cast %add3A_95 : i32 to index
          %get3A_97 = tpu.vector_load %arg6[%get3A_96] {strides = array<i32>} : memref<16384xi32, #tpu.memory_space<vmem>>, vector<16xi32>,
          %mul3A_98 = arith.constant 16 : i32
          %mul3A_99 = arith.muli %scan3A_80, %mul3A_98 : i32
          %add3A_100 = arith.constant 768 : i32
          %add3A_101 = arith.addi %add3A_100, %mul3A_99 : i32
          %get3A_102 = arith.index_cast %add3A_101 : i32 to index
          %get3A_103 = tpu.vector_load %arg6[%get3A_102] {strides = array<i32>} : memref<16384xi32, #tpu.memory_space<vmem>>, vector<16xi32>,
          %mul3A_104 = arith.constant 16 : i32
          %mul3A_105 = arith.muli %scan3A_80, %mul3A_104 : i32
          %add3A_106 = arith.constant 1024 : i32
          %add3A_107 = arith.addi %add3A_106, %mul3A_105 : i32
          %get3A_108 = arith.index_cast %add3A_107 : i32 to index
          %get3A_109 = tpu.vector_load %arg6[%get3A_108] {strides = array<i32>} : memref<16384xi32, #tpu.memory_space<vmem>>, vector<16xi32>,
          %mul3A_110 = arith.constant 16 : i32
          %mul3A_111 = arith.muli %scan3A_80, %mul3A_110 : i32
          %add3A_112 = arith.constant 1280 : i32
          %add3A_113 = arith.addi %add3A_112, %mul3A_111 : i32
          %get3A_114 = arith.index_cast %add3A_113 : i32 to index
          %get3A_115 = tpu.vector_load %arg6[%get3A_114] {strides = array<i32>} : memref<16384xi32, #tpu.memory_space<vmem>>, vector<16xi32>,
          %mul3A_116 = arith.constant 16 : i32
          %mul3A_117 = arith.muli %scan3A_80, %mul3A_116 : i32
          %add3A_118 = arith.constant 1536 : i32
          %add3A_119 = arith.addi %add3A_118, %mul3A_117 : i32
          %get3A_120 = arith.index_cast %add3A_119 : i32 to index
          %get3A_121 = tpu.vector_load %arg6[%get3A_120] {strides = array<i32>} : memref<16384xi32, #tpu.memory_space<vmem>>, vector<16xi32>,
          %mul3A_122 = arith.constant 16 : i32
          %mul3A_123 = arith.muli %scan3A_80, %mul3A_122 : i32
          %add3A_124 = arith.constant 1792 : i32
          %add3A_125 = arith.addi %add3A_124, %mul3A_123 : i32
          %get3A_126 = arith.index_cast %add3A_125 : i32 to index
          %get3A_127 = tpu.vector_load %arg6[%get3A_126] {strides = array<i32>} : memref<16384xi32, #tpu.memory_space<vmem>>, vector<16xi32>,
          %mul3A_128 = arith.constant 16 : i32
          %mul3A_129 = arith.muli %scan3A_80, %mul3A_128 : i32
          %add3A_130 = arith.constant 2048 : i32
          %add3A_131 = arith.addi %add3A_130, %mul3A_129 : i32
          %get3A_132 = arith.index_cast %add3A_131 : i32 to index
          %get3A_133 = tpu.vector_load %arg6[%get3A_132] {strides = array<i32>} : memref<16384xi32, #tpu.memory_space<vmem>>, vector<16xi32>,
          %mul3A_134 = arith.constant 16 : i32
          %mul3A_135 = arith.muli %scan3A_80, %mul3A_134 : i32
          %add3A_136 = arith.constant 2304 : i32
          %add3A_137 = arith.addi %add3A_136, %mul3A_135 : i32
          %get3A_138 = arith.index_cast %add3A_137 : i32 to index
          %get3A_139 = tpu.vector_load %arg6[%get3A_138] {strides = array<i32>} : memref<16384xi32, #tpu.memory_space<vmem>>, vector<16xi32>,
          %mul3A_140 = arith.constant 16 : i32
          %mul3A_141 = arith.muli %scan3A_80, %mul3A_140 : i32
          %add3A_142 = arith.constant 2560 : i32
          %add3A_143 = arith.addi %add3A_142, %mul3A_141 : i32
          %get3A_144 = arith.index_cast %add3A_143 : i32 to index
          %get3A_145 = tpu.vector_load %arg6[%get3A_144] {strides = array<i32>} : memref<16384xi32, #tpu.memory_space<vmem>>, vector<16xi32>,
          %mul3A_146 = arith.constant 16 : i32
          %mul3A_147 = arith.muli %scan3A_80, %mul3A_146 : i32
          %add3A_148 = arith.constant 2816 : i32
          %add3A_149 = arith.addi %add3A_148, %mul3A_147 : i32
          %get3A_150 = arith.index_cast %add3A_149 : i32 to index
          %get3A_151 = tpu.vector_load %arg6[%get3A_150] {strides = array<i32>} : memref<16384xi32, #tpu.memory_space<vmem>>, vector<16xi32>,
          %mul3A_152 = arith.constant 16 : i32
          %mul3A_153 = arith.muli %scan3A_80, %mul3A_152 : i32
          %add3A_154 = arith.constant 3072 : i32
          %add3A_155 = arith.addi %add3A_154, %mul3A_153 : i32
          %get3A_156 = arith.index_cast %add3A_155 : i32 to index
          %get3A_157 = tpu.vector_load %arg6[%get3A_156] {strides = array<i32>} : memref<16384xi32, #tpu.memory_space<vmem>>, vector<16xi32>,
          %mul3A_158 = arith.constant 16 : i32
          %mul3A_159 = arith.muli %scan3A_80, %mul3A_158 : i32
          %add3A_160 = arith.constant 3328 : i32
          %add3A_161 = arith.addi %add3A_160, %mul3A_159 : i32
          %get3A_162 = arith.index_cast %add3A_161 : i32 to index
          %get3A_163 = tpu.vector_load %arg6[%get3A_162] {strides = array<i32>} : memref<16384xi32, #tpu.memory_space<vmem>>, vector<16xi32>,
          %mul3A_164 = arith.constant 16 : i32
          %mul3A_165 = arith.muli %scan3A_80, %mul3A_164 : i32
          %add3A_166 = arith.constant 3584 : i32
          %add3A_167 = arith.addi %add3A_166, %mul3A_165 : i32
          %get3A_168 = arith.index_cast %add3A_167 : i32 to index
          %get3A_169 = tpu.vector_load %arg6[%get3A_168] {strides = array<i32>} : memref<16384xi32, #tpu.memory_space<vmem>>, vector<16xi32>,
          %mul3A_170 = arith.constant 16 : i32
          %mul3A_171 = arith.muli %scan3A_80, %mul3A_170 : i32
          %add3A_172 = arith.constant 3840 : i32
          %add3A_173 = arith.addi %add3A_172, %mul3A_171 : i32
          %get3A_174 = arith.index_cast %add3A_173 : i32 to index
          %get3A_175 = tpu.vector_load %arg6[%get3A_174] {strides = array<i32>} : memref<16384xi32, #tpu.memory_space<vmem>>, vector<16xi32>,
          %mul3A_176 = arith.constant 16 : i32
          %mul3A_177 = arith.muli %scan3A_80, %mul3A_176 : i32
          %add3A_178 = arith.constant 4096 : i32
          %add3A_179 = arith.addi %add3A_178, %mul3A_177 : i32
          %get3A_180 = arith.index_cast %add3A_179 : i32 to index
          %get3A_181 = tpu.vector_load %arg6[%get3A_180] {strides = array<i32>} : memref<16384xi32, #tpu.memory_space<vmem>>, vector<16xi32>,
          %mul3A_182 = arith.constant 16 : i32
          %mul3A_183 = arith.muli %scan3A_80, %mul3A_182 : i32
          %add3A_184 = arith.constant 4352 : i32
          %add3A_185 = arith.addi %add3A_184, %mul3A_183 : i32
          %get3A_186 = arith.index_cast %add3A_185 : i32 to index
          %get3A_187 = tpu.vector_load %arg6[%get3A_186] {strides = array<i32>} : memref<16384xi32, #tpu.memory_space<vmem>>, vector<16xi32>,
          %mul3A_188 = arith.constant 16 : i32
          %mul3A_189 = arith.muli %scan3A_80, %mul3A_188 : i32
          %add3A_190 = arith.constant 4608 : i32
          %add3A_191 = arith.addi %add3A_190, %mul3A_189 : i32
          %get3A_192 = arith.index_cast %add3A_191 : i32 to index
          %get3A_193 = tpu.vector_load %arg6[%get3A_192] {strides = array<i32>} : memref<16384xi32, #tpu.memory_space<vmem>>, vector<16xi32>,
          %mul3A_194 = arith.constant 16 : i32
          %mul3A_195 = arith.muli %scan3A_80, %mul3A_194 : i32
          %add3A_196 = arith.constant 4864 : i32
          %add3A_197 = arith.addi %add3A_196, %mul3A_195 : i32
          %get3A_198 = arith.index_cast %add3A_197 : i32 to index
          %get3A_199 = tpu.vector_load %arg6[%get3A_198] {strides = array<i32>} : memref<16384xi32, #tpu.memory_space<vmem>>, vector<16xi32>,
          %mul3A_200 = arith.constant 16 : i32
          %mul3A_201 = arith.muli %scan3A_80, %mul3A_200 : i32
          %add3A_202 = arith.constant 5120 : i32
          %add3A_203 = arith.addi %add3A_202, %mul3A_201 : i32
          %get3A_204 = arith.index_cast %add3A_203 : i32 to index
          %get3A_205 = tpu.vector_load %arg6[%get3A_204] {strides = array<i32>} : memref<16384xi32, #tpu.memory_space<vmem>>, vector<16xi32>,
          %mul3A_206 = arith.constant 16 : i32
          %mul3A_207 = arith.muli %scan3A_80, %mul3A_206 : i32
          %add3A_208 = arith.constant 5376 : i32
          %add3A_209 = arith.addi %add3A_208, %mul3A_207 : i32
          %get3A_210 = arith.index_cast %add3A_209 : i32 to index
          %get3A_211 = tpu.vector_load %arg6[%get3A_210] {strides = array<i32>} : memref<16384xi32, #tpu.memory_space<vmem>>, vector<16xi32>,
          %mul3A_212 = arith.constant 16 : i32
          %mul3A_213 = arith.muli %scan3A_80, %mul3A_212 : i32
          %add3A_214 = arith.constant 5632 : i32
          %add3A_215 = arith.addi %add3A_214, %mul3A_213 : i32
          %get3A_216 = arith.index_cast %add3A_215 : i32 to index
          %get3A_217 = tpu.vector_load %arg6[%get3A_216] {strides = array<i32>} : memref<16384xi32, #tpu.memory_space<vmem>>, vector<16xi32>,
          %mul3A_218 = arith.constant 16 : i32
          %mul3A_219 = arith.muli %scan3A_80, %mul3A_218 : i32
          %add3A_220 = arith.constant 5888 : i32
          %add3A_221 = arith.addi %add3A_220, %mul3A_219 : i32
          %get3A_222 = arith.index_cast %add3A_221 : i32 to index
          %get3A_223 = tpu.vector_load %arg6[%get3A_222] {strides = array<i32>} : memref<16384xi32, #tpu.memory_space<vmem>>, vector<16xi32>,
          %mul3A_224 = arith.constant 16 : i32
          %mul3A_225 = arith.muli %scan3A_80, %mul3A_224 : i32
          %add3A_226 = arith.constant 6144 : i32
          %add3A_227 = arith.addi %add3A_226, %mul3A_225 : i32
          %get3A_228 = arith.index_cast %add3A_227 : i32 to index
          %get3A_229 = tpu.vector_load %arg6[%get3A_228] {strides = array<i32>} : memref<16384xi32, #tpu.memory_space<vmem>>, vector<16xi32>,
          %mul3A_230 = arith.constant 16 : i32
          %mul3A_231 = arith.muli %scan3A_80, %mul3A_230 : i32
          %add3A_232 = arith.constant 6400 : i32
          %add3A_233 = arith.addi %add3A_232, %mul3A_231 : i32
          %get3A_234 = arith.index_cast %add3A_233 : i32 to index
          %get3A_235 = tpu.vector_load %arg6[%get3A_234] {strides = array<i32>} : memref<16384xi32, #tpu.memory_space<vmem>>, vector<16xi32>,
          %mul3A_236 = arith.constant 16 : i32
          %mul3A_237 = arith.muli %scan3A_80, %mul3A_236 : i32
          %add3A_238 = arith.constant 6656 : i32
          %add3A_239 = arith.addi %add3A_238, %mul3A_237 : i32
          %get3A_240 = arith.index_cast %add3A_239 : i32 to index
          %get3A_241 = tpu.vector_load %arg6[%get3A_240] {strides = array<i32>} : memref<16384xi32, #tpu.memory_space<vmem>>, vector<16xi32>,
          %mul3A_242 = arith.constant 16 : i32
          %mul3A_243 = arith.muli %scan3A_80, %mul3A_242 : i32
          %add3A_244 = arith.constant 6912 : i32
          %add3A_245 = arith.addi %add3A_244, %mul3A_243 : i32
          %get3A_246 = arith.index_cast %add3A_245 : i32 to index
          %get3A_247 = tpu.vector_load %arg6[%get3A_246] {strides = array<i32>} : memref<16384xi32, #tpu.memory_space<vmem>>, vector<16xi32>,
          %mul3A_248 = arith.constant 16 : i32
          %mul3A_249 = arith.muli %scan3A_80, %mul3A_248 : i32
          %add3A_250 = arith.constant 7168 : i32
          %add3A_251 = arith.addi %add3A_250, %mul3A_249 : i32
          %get3A_252 = arith.index_cast %add3A_251 : i32 to index
          %get3A_253 = tpu.vector_load %arg6[%get3A_252] {strides = array<i32>} : memref<16384xi32, #tpu.memory_space<vmem>>, vector<16xi32>,
          %mul3A_254 = arith.constant 16 : i32
          %mul3A_255 = arith.muli %scan3A_80, %mul3A_254 : i32
          %add3A_256 = arith.constant 7424 : i32
          %add3A_257 = arith.addi %add3A_256, %mul3A_255 : i32
          %get3A_258 = arith.index_cast %add3A_257 : i32 to index
          %get3A_259 = tpu.vector_load %arg6[%get3A_258] {strides = array<i32>} : memref<16384xi32, #tpu.memory_space<vmem>>, vector<16xi32>,
          %mul3A_260 = arith.constant 16 : i32
          %mul3A_261 = arith.muli %scan3A_80, %mul3A_260 : i32
          %add3A_262 = arith.constant 7680 : i32
          %add3A_263 = arith.addi %add3A_262, %mul3A_261 : i32
          %get3A_264 = arith.index_cast %add3A_263 : i32 to index
          %get3A_265 = tpu.vector_load %arg6[%get3A_264] {strides = array<i32>} : memref<16384xi32, #tpu.memory_space<vmem>>, vector<16xi32>,
          %mul3A_266 = arith.constant 16 : i32
          %mul3A_267 = arith.muli %scan3A_80, %mul3A_266 : i32
          %add3A_268 = arith.constant 7936 : i32
          %add3A_269 = arith.addi %add3A_268, %mul3A_267 : i32
          %get3A_270 = arith.index_cast %add3A_269 : i32 to index
          %get3A_271 = tpu.vector_load %arg6[%get3A_270] {strides = array<i32>} : memref<16384xi32, #tpu.memory_space<vmem>>, vector<16xi32>,
          %mul3A_272 = arith.constant 16 : i32
          %mul3A_273 = arith.muli %scan3A_80, %mul3A_272 : i32
          %add3A_274 = arith.constant 8192 : i32
          %add3A_275 = arith.addi %add3A_274, %mul3A_273 : i32
          %get3A_276 = arith.index_cast %add3A_275 : i32 to index
          %get3A_277 = tpu.vector_load %arg6[%get3A_276] {strides = array<i32>} : memref<16384xi32, #tpu.memory_space<vmem>>, vector<16xi32>,
          %mul3A_278 = arith.constant 16 : i32
          %mul3A_279 = arith.muli %scan3A_80, %mul3A_278 : i32
          %add3A_280 = arith.constant 8448 : i32
          %add3A_281 = arith.addi %add3A_280, %mul3A_279 : i32
          %get3A_282 = arith.index_cast %add3A_281 : i32 to index
          %get3A_283 = tpu.vector_load %arg6[%get3A_282] {strides = array<i32>} : memref<16384xi32, #tpu.memory_space<vmem>>, vector<16xi32>,
          %mul3A_284 = arith.constant 16 : i32
          %mul3A_285 = arith.muli %scan3A_80, %mul3A_284 : i32
          %add3A_286 = arith.constant 8704 : i32
          %add3A_287 = arith.addi %add3A_286, %mul3A_285 : i32
          %get3A_288 = arith.index_cast %add3A_287 : i32 to index
          %get3A_289 = tpu.vector_load %arg6[%get3A_288] {strides = array<i32>} : memref<16384xi32, #tpu.memory_space<vmem>>, vector<16xi32>,
          %mul3A_290 = arith.constant 16 : i32
          %mul3A_291 = arith.muli %scan3A_80, %mul3A_290 : i32
          %add3A_292 = arith.constant 8960 : i32
          %add3A_293 = arith.addi %add3A_292, %mul3A_291 : i32
          %get3A_294 = arith.index_cast %add3A_293 : i32 to index
          %get3A_295 = tpu.vector_load %arg6[%get3A_294] {strides = array<i32>} : memref<16384xi32, #tpu.memory_space<vmem>>, vector<16xi32>,
          %mul3A_296 = arith.constant 16 : i32
          %mul3A_297 = arith.muli %scan3A_80, %mul3A_296 : i32
          %add3A_298 = arith.constant 9216 : i32
          %add3A_299 = arith.addi %add3A_298, %mul3A_297 : i32
          %get3A_300 = arith.index_cast %add3A_299 : i32 to index
          %get3A_301 = tpu.vector_load %arg6[%get3A_300] {strides = array<i32>} : memref<16384xi32, #tpu.memory_space<vmem>>, vector<16xi32>,
          %mul3A_302 = arith.constant 16 : i32
          %mul3A_303 = arith.muli %scan3A_80, %mul3A_302 : i32
          %add3A_304 = arith.constant 9472 : i32
          %add3A_305 = arith.addi %add3A_304, %mul3A_303 : i32
          %get3A_306 = arith.index_cast %add3A_305 : i32 to index
          %get3A_307 = tpu.vector_load %arg6[%get3A_306] {strides = array<i32>} : memref<16384xi32, #tpu.memory_space<vmem>>, vector<16xi32>,
          %mul3A_308 = arith.constant 16 : i32
          %mul3A_309 = arith.muli %scan3A_80, %mul3A_308 : i32
          %add3A_310 = arith.constant 9728 : i32
          %add3A_311 = arith.addi %add3A_310, %mul3A_309 : i32
          %get3A_312 = arith.index_cast %add3A_311 : i32 to index
          %get3A_313 = tpu.vector_load %arg6[%get3A_312] {strides = array<i32>} : memref<16384xi32, #tpu.memory_space<vmem>>, vector<16xi32>,
          %mul3A_314 = arith.constant 16 : i32
          %mul3A_315 = arith.muli %scan3A_80, %mul3A_314 : i32
          %add3A_316 = arith.constant 9984 : i32
          %add3A_317 = arith.addi %add3A_316, %mul3A_315 : i32
          %get3A_318 = arith.index_cast %add3A_317 : i32 to index
          %get3A_319 = tpu.vector_load %arg6[%get3A_318] {strides = array<i32>} : memref<16384xi32, #tpu.memory_space<vmem>>, vector<16xi32>,
          %mul3A_320 = arith.constant 16 : i32
          %mul3A_321 = arith.muli %scan3A_80, %mul3A_320 : i32
          %add3A_322 = arith.constant 10240 : i32
          %add3A_323 = arith.addi %add3A_322, %mul3A_321 : i32
          %get3A_324 = arith.index_cast %add3A_323 : i32 to index
          %get3A_325 = tpu.vector_load %arg6[%get3A_324] {strides = array<i32>} : memref<16384xi32, #tpu.memory_space<vmem>>, vector<16xi32>,
          %mul3A_326 = arith.constant 16 : i32
          %mul3A_327 = arith.muli %scan3A_80, %mul3A_326 : i32
          %add3A_328 = arith.constant 10496 : i32
          %add3A_329 = arith.addi %add3A_328, %mul3A_327 : i32
          %get3A_330 = arith.index_cast %add3A_329 : i32 to index
          %get3A_331 = tpu.vector_load %arg6[%get3A_330] {strides = array<i32>} : memref<16384xi32, #tpu.memory_space<vmem>>, vector<16xi32>,
          %mul3A_332 = arith.constant 16 : i32
          %mul3A_333 = arith.muli %scan3A_80, %mul3A_332 : i32
          %add3A_334 = arith.constant 10752 : i32
          %add3A_335 = arith.addi %add3A_334, %mul3A_333 : i32
          %get3A_336 = arith.index_cast %add3A_335 : i32 to index
          %get3A_337 = tpu.vector_load %arg6[%get3A_336] {strides = array<i32>} : memref<16384xi32, #tpu.memory_space<vmem>>, vector<16xi32>,
          %mul3A_338 = arith.constant 16 : i32
          %mul3A_339 = arith.muli %scan3A_80, %mul3A_338 : i32
          %add3A_340 = arith.constant 11008 : i32
          %add3A_341 = arith.addi %add3A_340, %mul3A_339 : i32
          %get3A_342 = arith.index_cast %add3A_341 : i32 to index
          %get3A_343 = tpu.vector_load %arg6[%get3A_342] {strides = array<i32>} : memref<16384xi32, #tpu.memory_space<vmem>>, vector<16xi32>,
          %mul3A_344 = arith.constant 16 : i32
          %mul3A_345 = arith.muli %scan3A_80, %mul3A_344 : i32
          %add3A_346 = arith.constant 11264 : i32
          %add3A_347 = arith.addi %add3A_346, %mul3A_345 : i32
          %get3A_348 = arith.index_cast %add3A_347 : i32 to index
          %get3A_349 = tpu.vector_load %arg6[%get3A_348] {strides = array<i32>} : memref<16384xi32, #tpu.memory_space<vmem>>, vector<16xi32>,
          %mul3A_350 = arith.constant 16 : i32
          %mul3A_351 = arith.muli %scan3A_80, %mul3A_350 : i32
          %add3A_352 = arith.constant 11520 : i32
          %add3A_353 = arith.addi %add3A_352, %mul3A_351 : i32
          %get3A_354 = arith.index_cast %add3A_353 : i32 to index
          %get3A_355 = tpu.vector_load %arg6[%get3A_354] {strides = array<i32>} : memref<16384xi32, #tpu.memory_space<vmem>>, vector<16xi32>,
          %mul3A_356 = arith.constant 16 : i32
          %mul3A_357 = arith.muli %scan3A_80, %mul3A_356 : i32
          %add3A_358 = arith.constant 11776 : i32
          %add3A_359 = arith.addi %add3A_358, %mul3A_357 : i32
          %get3A_360 = arith.index_cast %add3A_359 : i32 to index
          %get3A_361 = tpu.vector_load %arg6[%get3A_360] {strides = array<i32>} : memref<16384xi32, #tpu.memory_space<vmem>>, vector<16xi32>,
          %mul3A_362 = arith.constant 16 : i32
          %mul3A_363 = arith.muli %scan3A_80, %mul3A_362 : i32
          %add3A_364 = arith.constant 12032 : i32
          %add3A_365 = arith.addi %add3A_364, %mul3A_363 : i32
          %get3A_366 = arith.index_cast %add3A_365 : i32 to index
          %get3A_367 = tpu.vector_load %arg6[%get3A_366] {strides = array<i32>} : memref<16384xi32, #tpu.memory_space<vmem>>, vector<16xi32>,
          %mul3A_368 = arith.constant 16 : i32
          %mul3A_369 = arith.muli %scan3A_80, %mul3A_368 : i32
          %add3A_370 = arith.constant 12288 : i32
          %add3A_371 = arith.addi %add3A_370, %mul3A_369 : i32
          %get3A_372 = arith.index_cast %add3A_371 : i32 to index
          %get3A_373 = tpu.vector_load %arg6[%get3A_372] {strides = array<i32>} : memref<16384xi32, #tpu.memory_space<vmem>>, vector<16xi32>,
          %mul3A_374 = arith.constant 16 : i32
          %mul3A_375 = arith.muli %scan3A_80, %mul3A_374 : i32
          %add3A_376 = arith.constant 12544 : i32
          %add3A_377 = arith.addi %add3A_376, %mul3A_375 : i32
          %get3A_378 = arith.index_cast %add3A_377 : i32 to index
          %get3A_379 = tpu.vector_load %arg6[%get3A_378] {strides = array<i32>} : memref<16384xi32, #tpu.memory_space<vmem>>, vector<16xi32>,
          %mul3A_380 = arith.constant 16 : i32
          %mul3A_381 = arith.muli %scan3A_80, %mul3A_380 : i32
          %add3A_382 = arith.constant 12800 : i32
          %add3A_383 = arith.addi %add3A_382, %mul3A_381 : i32
          %get3A_384 = arith.index_cast %add3A_383 : i32 to index
          %get3A_385 = tpu.vector_load %arg6[%get3A_384] {strides = array<i32>} : memref<16384xi32, #tpu.memory_space<vmem>>, vector<16xi32>,
          %mul3A_386 = arith.constant 16 : i32
          %mul3A_387 = arith.muli %scan3A_80, %mul3A_386 : i32
          %add3A_388 = arith.constant 13056 : i32
          %add3A_389 = arith.addi %add3A_388, %mul3A_387 : i32
          %get3A_390 = arith.index_cast %add3A_389 : i32 to index
          %get3A_391 = tpu.vector_load %arg6[%get3A_390] {strides = array<i32>} : memref<16384xi32, #tpu.memory_space<vmem>>, vector<16xi32>,
          %mul3A_392 = arith.constant 16 : i32
          %mul3A_393 = arith.muli %scan3A_80, %mul3A_392 : i32
          %add3A_394 = arith.constant 13312 : i32
          %add3A_395 = arith.addi %add3A_394, %mul3A_393 : i32
          %get3A_396 = arith.index_cast %add3A_395 : i32 to index
          %get3A_397 = tpu.vector_load %arg6[%get3A_396] {strides = array<i32>} : memref<16384xi32, #tpu.memory_space<vmem>>, vector<16xi32>,
          %mul3A_398 = arith.constant 16 : i32
          %mul3A_399 = arith.muli %scan3A_80, %mul3A_398 : i32
          %add3A_400 = arith.constant 13568 : i32
          %add3A_401 = arith.addi %add3A_400, %mul3A_399 : i32
          %get3A_402 = arith.index_cast %add3A_401 : i32 to index
          %get3A_403 = tpu.vector_load %arg6[%get3A_402] {strides = array<i32>} : memref<16384xi32, #tpu.memory_space<vmem>>, vector<16xi32>,
          %mul3A_404 = arith.constant 16 : i32
          %mul3A_405 = arith.muli %scan3A_80, %mul3A_404 : i32
          %add3A_406 = arith.constant 13824 : i32
          %add3A_407 = arith.addi %add3A_406, %mul3A_405 : i32
          %get3A_408 = arith.index_cast %add3A_407 : i32 to index
          %get3A_409 = tpu.vector_load %arg6[%get3A_408] {strides = array<i32>} : memref<16384xi32, #tpu.memory_space<vmem>>, vector<16xi32>,
          %mul3A_410 = arith.constant 16 : i32
          %mul3A_411 = arith.muli %scan3A_80, %mul3A_410 : i32
          %add3A_412 = arith.constant 14080 : i32
          %add3A_413 = arith.addi %add3A_412, %mul3A_411 : i32
          %get3A_414 = arith.index_cast %add3A_413 : i32 to index
          %get3A_415 = tpu.vector_load %arg6[%get3A_414] {strides = array<i32>} : memref<16384xi32, #tpu.memory_space<vmem>>, vector<16xi32>,
          %mul3A_416 = arith.constant 16 : i32
          %mul3A_417 = arith.muli %scan3A_80, %mul3A_416 : i32
          %add3A_418 = arith.constant 14336 : i32
          %add3A_419 = arith.addi %add3A_418, %mul3A_417 : i32
          %get3A_420 = arith.index_cast %add3A_419 : i32 to index
          %get3A_421 = tpu.vector_load %arg6[%get3A_420] {strides = array<i32>} : memref<16384xi32, #tpu.memory_space<vmem>>, vector<16xi32>,
          %mul3A_422 = arith.constant 16 : i32
          %mul3A_423 = arith.muli %scan3A_80, %mul3A_422 : i32
          %add3A_424 = arith.constant 14592 : i32
          %add3A_425 = arith.addi %add3A_424, %mul3A_423 : i32
          %get3A_426 = arith.index_cast %add3A_425 : i32 to index
          %get3A_427 = tpu.vector_load %arg6[%get3A_426] {strides = array<i32>} : memref<16384xi32, #tpu.memory_space<vmem>>, vector<16xi32>,
          %mul3A_428 = arith.constant 16 : i32
          %mul3A_429 = arith.muli %scan3A_80, %mul3A_428 : i32
          %add3A_430 = arith.constant 14848 : i32
          %add3A_431 = arith.addi %add3A_430, %mul3A_429 : i32
          %get3A_432 = arith.index_cast %add3A_431 : i32 to index
          %get3A_433 = tpu.vector_load %arg6[%get3A_432] {strides = array<i32>} : memref<16384xi32, #tpu.memory_space<vmem>>, vector<16xi32>,
          %mul3A_434 = arith.constant 16 : i32
          %mul3A_435 = arith.muli %scan3A_80, %mul3A_434 : i32
          %add3A_436 = arith.constant 15104 : i32
          %add3A_437 = arith.addi %add3A_436, %mul3A_435 : i32
          %get3A_438 = arith.index_cast %add3A_437 : i32 to index
          %get3A_439 = tpu.vector_load %arg6[%get3A_438] {strides = array<i32>} : memref<16384xi32, #tpu.memory_space<vmem>>, vector<16xi32>,
          %mul3A_440 = arith.constant 16 : i32
          %mul3A_441 = arith.muli %scan3A_80, %mul3A_440 : i32
          %add3A_442 = arith.constant 15360 : i32
          %add3A_443 = arith.addi %add3A_442, %mul3A_441 : i32
          %get3A_444 = arith.index_cast %add3A_443 : i32 to index
          %get3A_445 = tpu.vector_load %arg6[%get3A_444] {strides = array<i32>} : memref<16384xi32, #tpu.memory_space<vmem>>, vector<16xi32>,
          %mul3A_446 = arith.constant 16 : i32
          %mul3A_447 = arith.muli %scan3A_80, %mul3A_446 : i32
          %add3A_448 = arith.constant 15616 : i32
          %add3A_449 = arith.addi %add3A_448, %mul3A_447 : i32
          %get3A_450 = arith.index_cast %add3A_449 : i32 to index
          %get3A_451 = tpu.vector_load %arg6[%get3A_450] {strides = array<i32>} : memref<16384xi32, #tpu.memory_space<vmem>>, vector<16xi32>,
          %mul3A_452 = arith.constant 16 : i32
          %mul3A_453 = arith.muli %scan3A_80, %mul3A_452 : i32
          %add3A_454 = arith.constant 15872 : i32
          %add3A_455 = arith.addi %add3A_454, %mul3A_453 : i32
          %get3A_456 = arith.index_cast %add3A_455 : i32 to index
          %get3A_457 = tpu.vector_load %arg6[%get3A_456] {strides = array<i32>} : memref<16384xi32, #tpu.memory_space<vmem>>, vector<16xi32>,
          %mul3A_458 = arith.constant 16 : i32
          %mul3A_459 = arith.muli %scan3A_80, %mul3A_458 : i32
          %add3A_460 = arith.constant 16128 : i32
          %add3A_461 = arith.addi %add3A_460, %mul3A_459 : i32
          %get3A_462 = arith.index_cast %add3A_461 : i32 to index
          %get3A_463 = tpu.vector_load %arg6[%get3A_462] {strides = array<i32>} : memref<16384xi32, #tpu.memory_space<vmem>>, vector<16xi32>,
          %add3A_464 = arith.addi %get3A_85, %get3A_91 : vector<16xi32>
          %add3A_465 = arith.addi %get3A_97, %get3A_103 : vector<16xi32>
          %add3A_466 = arith.addi %get3A_109, %get3A_115 : vector<16xi32>
          %add3A_467 = arith.addi %get3A_121, %get3A_127 : vector<16xi32>
          %add3A_468 = arith.addi %get3A_133, %get3A_139 : vector<16xi32>
          %add3A_469 = arith.addi %get3A_145, %get3A_151 : vector<16xi32>
          %add3A_470 = arith.addi %get3A_157, %get3A_163 : vector<16xi32>
          %add3A_471 = arith.addi %get3A_169, %get3A_175 : vector<16xi32>
          %add3A_472 = arith.addi %get3A_181, %get3A_187 : vector<16xi32>
          %add3A_473 = arith.addi %get3A_193, %get3A_199 : vector<16xi32>
          %add3A_474 = arith.addi %get3A_205, %get3A_211 : vector<16xi32>
          %add3A_475 = arith.addi %get3A_217, %get3A_223 : vector<16xi32>
          %add3A_476 = arith.addi %get3A_229, %get3A_235 : vector<16xi32>
          %add3A_477 = arith.addi %get3A_241, %get3A_247 : vector<16xi32>
          %add3A_478 = arith.addi %get3A_253, %get3A_259 : vector<16xi32>
          %add3A_479 = arith.addi %get3A_265, %get3A_271 : vector<16xi32>
          %add3A_480 = arith.addi %get3A_277, %get3A_283 : vector<16xi32>
          %add3A_481 = arith.addi %get3A_289, %get3A_295 : vector<16xi32>
          %add3A_482 = arith.addi %get3A_301, %get3A_307 : vector<16xi32>
          %add3A_483 = arith.addi %get3A_313, %get3A_319 : vector<16xi32>
          %add3A_484 = arith.addi %get3A_325, %get3A_331 : vector<16xi32>
          %add3A_485 = arith.addi %get3A_337, %get3A_343 : vector<16xi32>
          %add3A_486 = arith.addi %get3A_349, %get3A_355 : vector<16xi32>
          %add3A_487 = arith.addi %get3A_361, %get3A_367 : vector<16xi32>
          %add3A_488 = arith.addi %get3A_373, %get3A_379 : vector<16xi32>
          %add3A_489 = arith.addi %get3A_385, %get3A_391 : vector<16xi32>
          %add3A_490 = arith.addi %get3A_397, %get3A_403 : vector<16xi32>
          %add3A_491 = arith.addi %get3A_409, %get3A_415 : vector<16xi32>
          %add3A_492 = arith.addi %get3A_421, %get3A_427 : vector<16xi32>
          %add3A_493 = arith.addi %get3A_433, %get3A_439 : vector<16xi32>
          %add3A_494 = arith.addi %get3A_445, %get3A_451 : vector<16xi32>
          %add3A_495 = arith.addi %get3A_457, %get3A_463 : vector<16xi32>
          %add3A_496 = arith.addi %add3A_464, %add3A_465 : vector<16xi32>
          %add3A_497 = arith.addi %add3A_466, %add3A_467 : vector<16xi32>
          %add3A_498 = arith.addi %add3A_468, %add3A_469 : vector<16xi32>
          %add3A_499 = arith.addi %add3A_470, %add3A_471 : vector<16xi32>
          %add3A_500 = arith.addi %add3A_472, %add3A_473 : vector<16xi32>
          %add3A_501 = arith.addi %add3A_474, %add3A_475 : vector<16xi32>
          %add3A_502 = arith.addi %add3A_476, %add3A_477 : vector<16xi32>
          %add3A_503 = arith.addi %add3A_478, %add3A_479 : vector<16xi32>
          %add3A_504 = arith.addi %add3A_480, %add3A_481 : vector<16xi32>
          %add3A_505 = arith.addi %add3A_482, %add3A_483 : vector<16xi32>
          %add3A_506 = arith.addi %add3A_484, %add3A_485 : vector<16xi32>
          %add3A_507 = arith.addi %add3A_486, %add3A_487 : vector<16xi32>
          %add3A_508 = arith.addi %add3A_488, %add3A_489 : vector<16xi32>
          %add3A_509 = arith.addi %add3A_490, %add3A_491 : vector<16xi32>
          %add3A_510 = arith.addi %add3A_492, %add3A_493 : vector<16xi32>
          %add3A_511 = arith.addi %add3A_494, %add3A_495 : vector<16xi32>
          %add3A_512 = arith.addi %add3A_496, %add3A_497 : vector<16xi32>
          %add3A_513 = arith.addi %add3A_498, %add3A_499 : vector<16xi32>
          %add3A_514 = arith.addi %add3A_500, %add3A_501 : vector<16xi32>
          %add3A_515 = arith.addi %add3A_502, %add3A_503 : vector<16xi32>
          %add3A_516 = arith.addi %add3A_504, %add3A_505 : vector<16xi32>
          %add3A_517 = arith.addi %add3A_506, %add3A_507 : vector<16xi32>
          %add3A_518 = arith.addi %add3A_508, %add3A_509 : vector<16xi32>
          %add3A_519 = arith.addi %add3A_510, %add3A_511 : vector<16xi32>
          %add3A_520 = arith.addi %add3A_512, %add3A_513 : vector<16xi32>
          %add3A_521 = arith.addi %add3A_514, %add3A_515 : vector<16xi32>
          %add3A_522 = arith.addi %add3A_516, %add3A_517 : vector<16xi32>
          %add3A_523 = arith.addi %add3A_518, %add3A_519 : vector<16xi32>
          %add3A_524 = arith.addi %add3A_520, %add3A_521 : vector<16xi32>
          %add3A_525 = arith.addi %add3A_522, %add3A_523 : vector<16xi32>
          %add3A_526 = arith.addi %add3A_524, %add3A_525 : vector<16xi32>
          %mul3A_527 = arith.constant 16 : i32
          %mul3A_528 = arith.muli %scan3A_80, %mul3A_527 : i32
          %swap3A = arith.index_cast %mul3A_528 : i32 to index
          %swap3A_529 = tpu.vector_load %arg7[%swap3A] {strides = array<i32>} : memref<256xi32, #tpu.memory_space<vmem>>, vector<16xi32>,
          tpu.vector_store %arg7[%swap3A], %add3A_526 {strides = array<i32>} : memref<256xi32, #tpu.memory_space<vmem>>, vector<16xi32>,
        }
        %scan3A_79 = arith.constant 16 : i32
        "tpu.region"() ({
          %run_scoped3A = tpu.sem_alloc : memref<!tpu.dma_semaphore, #tpu.memory_space<semaphore_mem>>
          %dma_start3A_80 = arith.constant 0 : i32
          %dma_start3A_81 = tpu.memref_slice %arg3[%scan3A_19, %add3A, %dma_start3A_80] : memref<19x32x256xi32, #tpu.memory_space<hbm>> -> memref<1x1x256xi32, #tpu.memory_space<hbm>>
          %dma_start3A_82 = tpu.memref_squeeze %dma_start3A_81 : memref<1x1x256xi32, #tpu.memory_space<hbm>> -> memref<256xi32, #tpu.memory_space<hbm>>
          %dma_start3A_83 = arith.constant 0 : i32
          %dma_start3A_84 = tpu.memref_slice %arg3[%scan3A_19, %add3A, %dma_start3A_83] : memref<19x32x256xi32, #tpu.memory_space<hbm>> -> memref<1x1x256xi32, #tpu.memory_space<hbm>>
          %dma_start3A_85 = tpu.memref_squeeze %dma_start3A_84 : memref<1x1x256xi32, #tpu.memory_space<hbm>> -> memref<256xi32, #tpu.memory_space<hbm>>
          tpu.enqueue_dma source(%arg7 : memref<256xi32, #tpu.memory_space<vmem>>) target(%dma_start3A_85 : memref<256xi32, #tpu.memory_space<hbm>>) target_semaphore(%run_scoped3A : memref<!tpu.dma_semaphore, #tpu.memory_space<semaphore_mem>>)
          %dma_wait3A_86 = arith.constant 0 : i32
          %dma_wait3A_87 = tpu.memref_slice %arg3[%scan3A_19, %add3A, %dma_wait3A_86] : memref<19x32x256xi32, #tpu.memory_space<hbm>> -> memref<1x1x256xi32, #tpu.memory_space<hbm>>
          %dma_wait3A_88 = tpu.memref_squeeze %dma_wait3A_87 : memref<1x1x256xi32, #tpu.memory_space<hbm>> -> memref<256xi32, #tpu.memory_space<hbm>>
          %dma_wait3A_89 = arith.constant 0 : i32
          %dma_wait3A_90 = tpu.memref_slice %arg3[%scan3A_19, %add3A, %dma_wait3A_89] : memref<19x32x256xi32, #tpu.memory_space<hbm>> -> memref<1x1x256xi32, #tpu.memory_space<hbm>>
          %dma_wait3A_91 = tpu.memref_squeeze %dma_wait3A_90 : memref<1x1x256xi32, #tpu.memory_space<hbm>> -> memref<256xi32, #tpu.memory_space<hbm>>
          tpu.wait_dma2 semaphore(%run_scoped3A : memref<!tpu.dma_semaphore, #tpu.memory_space<semaphore_mem>>) src(%arg7 : memref<256xi32, #tpu.memory_space<vmem>>) dst(%dma_wait3A_91 : memref<256xi32, #tpu.memory_space<hbm>>)
          tpu.yield
        }) : () -> ()
      } else {
      }
      %jit3A_32 = arith.constant 2 : i32
      %eq3A_33 = arith.constant 0 : i32
      %eq3A_34 = arith.cmpi eq, %jit3A_32, %eq3A_33 : i32
      %jit3A_35 = arith.constant 1 : i32
      %select_n3A_36 = arith.select %eq3A_34, %jit3A_35, %jit3A_32 : i32
      %rem3A_37 = arith.remsi %scan3A_19, %select_n3A_36 : i32
      %ne3A_38 = arith.constant 0 : i32
      %ne3A_39 = arith.cmpi ne, %rem3A_37, %ne3A_38 : i32
      %lt3A_40 = arith.constant 0 : i32
      %lt3A_41 = arith.cmpi slt, %rem3A_37, %lt3A_40 : i32
      %lt3A_42 = arith.constant 0 : i32
      %lt3A_43 = arith.cmpi slt, %select_n3A_36, %lt3A_42 : i32
      %ne3A_44 = arith.xori %lt3A_41, %lt3A_43 : i1
      %and3A_45 = arith.andi %ne3A_44, %ne3A_39 : i1
      %add3A_46 = arith.addi %rem3A_37, %select_n3A_36 : i32
      %select_n3A_47 = arith.select %and3A_45, %add3A_46, %rem3A_37 : i32
      %eq3A_48 = arith.constant 1 : i32
      %eq3A_49 = arith.cmpi eq, %select_n3A_47, %eq3A_48 : i32
      %convert_element_type3A_50 = arith.extui %eq3A_49 : i1 to i32
      %cond3A_51 = arith.constant 0 : i32
      %cond3A_52 = arith.cmpi ne, %convert_element_type3A_50, %cond3A_51 : i32
      scf.if %cond3A_52 {
        %dma_wait3A = arith.constant 0 : i32
        %dma_wait3A_53 = tpu.memref_slice %arg2[%scan3A_19, %mul3A_2, %dma_wait3A] : memref<19x1024x512xi32, #tpu.memory_space<hbm>> -> memref<1x32x512xi32, #tpu.memory_space<hbm>>
        %dma_wait3A_54 = tpu.memref_squeeze %dma_wait3A_53 : memref<1x32x512xi32, #tpu.memory_space<hbm>> -> memref<32x512xi32, #tpu.memory_space<hbm>>
        %dma_wait3A_55 = arith.constant 0 : i32
        %dma_wait3A_56 = tpu.memref_slice %arg2[%scan3A_19, %mul3A_2, %dma_wait3A_55] : memref<19x1024x512xi32, #tpu.memory_space<hbm>> -> memref<1x32x512xi32, #tpu.memory_space<hbm>>
        %dma_wait3A_57 = tpu.memref_squeeze %dma_wait3A_56 : memref<1x32x512xi32, #tpu.memory_space<hbm>> -> memref<32x512xi32, #tpu.memory_space<hbm>>
        tpu.wait_dma2 semaphore(%arg9 : memref<!tpu.dma_semaphore, #tpu.memory_space<semaphore_mem>>) src(%dma_wait3A_57 : memref<32x512xi32, #tpu.memory_space<hbm>>) dst(%arg5 : memref<32x512xi32, #tpu.memory_space<vmem>>)
        %add3A_58 = arith.constant 1 : i32
        %add3A_59 = arith.addi %scan3A_19, %add3A_58 : i32
        %lt3A_60 = arith.constant 19 : i32
        %lt3A_61 = arith.cmpi slt, %add3A_59, %lt3A_60 : i32
        %convert_element_type3A_62 = arith.extui %lt3A_61 : i1 to i32
        %cond3A_63 = arith.constant 0 : i32
        %cond3A_64 = arith.cmpi ne, %convert_element_type3A_62, %cond3A_63 : i32
        scf.if %cond3A_64 {
          %add3A_80 = arith.constant 1 : i32
          %add3A_81 = arith.addi %scan3A_19, %add3A_80 : i32
          %dma_start3A_82 = arith.constant 0 : i32
          %dma_start3A_83 = tpu.memref_slice %arg2[%add3A_81, %mul3A_2, %dma_start3A_82] : memref<19x1024x512xi32, #tpu.memory_space<hbm>> -> memref<1x32x512xi32, #tpu.memory_space<hbm>>
          %dma_start3A_84 = tpu.memref_squeeze %dma_start3A_83 : memref<1x32x512xi32, #tpu.memory_space<hbm>> -> memref<32x512xi32, #tpu.memory_space<hbm>>
          %dma_start3A_85 = arith.constant 0 : i32
          %dma_start3A_86 = tpu.memref_slice %arg2[%add3A_81, %mul3A_2, %dma_start3A_85] : memref<19x1024x512xi32, #tpu.memory_space<hbm>> -> memref<1x32x512xi32, #tpu.memory_space<hbm>>
          %dma_start3A_87 = tpu.memref_squeeze %dma_start3A_86 : memref<1x32x512xi32, #tpu.memory_space<hbm>> -> memref<32x512xi32, #tpu.memory_space<hbm>>
          tpu.enqueue_dma source(%dma_start3A_87 : memref<32x512xi32, #tpu.memory_space<hbm>>) target(%arg4 : memref<32x512xi32, #tpu.memory_space<vmem>>) target_semaphore(%arg8 : memref<!tpu.dma_semaphore, #tpu.memory_space<semaphore_mem>>)
        } else {
        }
        %scan3A_65 = arith.constant 0 : i32
        %scan3A_66 = arith.constant 64 : i32
        %scan3A_67 = arith.addi %scan3A_65, %scan3A_66 : i32
        %scan3A_68 = arith.constant 1 : i32
        scf.for %scan3A_80 = %scan3A_65 to %scan3A_67 step %scan3A_68  : i32 {
          %mul3A_81 = arith.constant 16 : i32
          %mul3A_82 = arith.muli %scan3A_80, %mul3A_81 : i32
          %add3A_83 = arith.constant 0 : i32
          %add3A_84 = arith.addi %mul3A_82, %add3A_83 : i32
          %mul3A_85 = arith.constant 16 : i32
          %mul3A_86 = arith.muli %add3A_84, %mul3A_85 : i32
          %swap3A = arith.index_cast %mul3A_86 : i32 to index
          %swap3A_87 = tpu.vector_load %arg6[%swap3A] {strides = array<i32>} : memref<16384xi32, #tpu.memory_space<vmem>>, vector<16xi32>,
          tpu.vector_store %arg6[%swap3A], %broadcast_in_dim3A_8 {strides = array<i32>} : memref<16384xi32, #tpu.memory_space<vmem>>, vector<16xi32>,
          %mul3A_88 = arith.constant 16 : i32
          %mul3A_89 = arith.muli %scan3A_80, %mul3A_88 : i32
          %add3A_90 = arith.constant 1 : i32
          %add3A_91 = arith.addi %mul3A_89, %add3A_90 : i32
          %mul3A_92 = arith.constant 16 : i32
          %mul3A_93 = arith.muli %add3A_91, %mul3A_92 : i32
          %swap3A_94 = arith.index_cast %mul3A_93 : i32 to index
          %swap3A_95 = tpu.vector_load %arg6[%swap3A_94] {strides = array<i32>} : memref<16384xi32, #tpu.memory_space<vmem>>, vector<16xi32>,
          tpu.vector_store %arg6[%swap3A_94], %broadcast_in_dim3A_8 {strides = array<i32>} : memref<16384xi32, #tpu.memory_space<vmem>>, vector<16xi32>,
          %mul3A_96 = arith.constant 16 : i32
          %mul3A_97 = arith.muli %scan3A_80, %mul3A_96 : i32
          %add3A_98 = arith.constant 2 : i32
          %add3A_99 = arith.addi %mul3A_97, %add3A_98 : i32
          %mul3A_100 = arith.constant 16 : i32
          %mul3A_101 = arith.muli %add3A_99, %mul3A_100 : i32
          %swap3A_102 = arith.index_cast %mul3A_101 : i32 to index
          %swap3A_103 = tpu.vector_load %arg6[%swap3A_102] {strides = array<i32>} : memref<16384xi32, #tpu.memory_space<vmem>>, vector<16xi32>,
          tpu.vector_store %arg6[%swap3A_102], %broadcast_in_dim3A_8 {strides = array<i32>} : memref<16384xi32, #tpu.memory_space<vmem>>, vector<16xi32>,
          %mul3A_104 = arith.constant 16 : i32
          %mul3A_105 = arith.muli %scan3A_80, %mul3A_104 : i32
          %add3A_106 = arith.constant 3 : i32
          %add3A_107 = arith.addi %mul3A_105, %add3A_106 : i32
          %mul3A_108 = arith.constant 16 : i32
          %mul3A_109 = arith.muli %add3A_107, %mul3A_108 : i32
          %swap3A_110 = arith.index_cast %mul3A_109 : i32 to index
          %swap3A_111 = tpu.vector_load %arg6[%swap3A_110] {strides = array<i32>} : memref<16384xi32, #tpu.memory_space<vmem>>, vector<16xi32>,
          tpu.vector_store %arg6[%swap3A_110], %broadcast_in_dim3A_8 {strides = array<i32>} : memref<16384xi32, #tpu.memory_space<vmem>>, vector<16xi32>,
          %mul3A_112 = arith.constant 16 : i32
          %mul3A_113 = arith.muli %scan3A_80, %mul3A_112 : i32
          %add3A_114 = arith.constant 4 : i32
          %add3A_115 = arith.addi %mul3A_113, %add3A_114 : i32
          %mul3A_116 = arith.constant 16 : i32
          %mul3A_117 = arith.muli %add3A_115, %mul3A_116 : i32
          %swap3A_118 = arith.index_cast %mul3A_117 : i32 to index
          %swap3A_119 = tpu.vector_load %arg6[%swap3A_118] {strides = array<i32>} : memref<16384xi32, #tpu.memory_space<vmem>>, vector<16xi32>,
          tpu.vector_store %arg6[%swap3A_118], %broadcast_in_dim3A_8 {strides = array<i32>} : memref<16384xi32, #tpu.memory_space<vmem>>, vector<16xi32>,
          %mul3A_120 = arith.constant 16 : i32
          %mul3A_121 = arith.muli %scan3A_80, %mul3A_120 : i32
          %add3A_122 = arith.constant 5 : i32
          %add3A_123 = arith.addi %mul3A_121, %add3A_122 : i32
          %mul3A_124 = arith.constant 16 : i32
          %mul3A_125 = arith.muli %add3A_123, %mul3A_124 : i32
          %swap3A_126 = arith.index_cast %mul3A_125 : i32 to index
          %swap3A_127 = tpu.vector_load %arg6[%swap3A_126] {strides = array<i32>} : memref<16384xi32, #tpu.memory_space<vmem>>, vector<16xi32>,
          tpu.vector_store %arg6[%swap3A_126], %broadcast_in_dim3A_8 {strides = array<i32>} : memref<16384xi32, #tpu.memory_space<vmem>>, vector<16xi32>,
          %mul3A_128 = arith.constant 16 : i32
          %mul3A_129 = arith.muli %scan3A_80, %mul3A_128 : i32
          %add3A_130 = arith.constant 6 : i32
          %add3A_131 = arith.addi %mul3A_129, %add3A_130 : i32
          %mul3A_132 = arith.constant 16 : i32
          %mul3A_133 = arith.muli %add3A_131, %mul3A_132 : i32
          %swap3A_134 = arith.index_cast %mul3A_133 : i32 to index
          %swap3A_135 = tpu.vector_load %arg6[%swap3A_134] {strides = array<i32>} : memref<16384xi32, #tpu.memory_space<vmem>>, vector<16xi32>,
          tpu.vector_store %arg6[%swap3A_134], %broadcast_in_dim3A_8 {strides = array<i32>} : memref<16384xi32, #tpu.memory_space<vmem>>, vector<16xi32>,
          %mul3A_136 = arith.constant 16 : i32
          %mul3A_137 = arith.muli %scan3A_80, %mul3A_136 : i32
          %add3A_138 = arith.constant 7 : i32
          %add3A_139 = arith.addi %mul3A_137, %add3A_138 : i32
          %mul3A_140 = arith.constant 16 : i32
          %mul3A_141 = arith.muli %add3A_139, %mul3A_140 : i32
          %swap3A_142 = arith.index_cast %mul3A_141 : i32 to index
          %swap3A_143 = tpu.vector_load %arg6[%swap3A_142] {strides = array<i32>} : memref<16384xi32, #tpu.memory_space<vmem>>, vector<16xi32>,
          tpu.vector_store %arg6[%swap3A_142], %broadcast_in_dim3A_8 {strides = array<i32>} : memref<16384xi32, #tpu.memory_space<vmem>>, vector<16xi32>,
          %mul3A_144 = arith.constant 16 : i32
          %mul3A_145 = arith.muli %scan3A_80, %mul3A_144 : i32
          %add3A_146 = arith.constant 8 : i32
          %add3A_147 = arith.addi %mul3A_145, %add3A_146 : i32
          %mul3A_148 = arith.constant 16 : i32
          %mul3A_149 = arith.muli %add3A_147, %mul3A_148 : i32
          %swap3A_150 = arith.index_cast %mul3A_149 : i32 to index
          %swap3A_151 = tpu.vector_load %arg6[%swap3A_150] {strides = array<i32>} : memref<16384xi32, #tpu.memory_space<vmem>>, vector<16xi32>,
          tpu.vector_store %arg6[%swap3A_150], %broadcast_in_dim3A_8 {strides = array<i32>} : memref<16384xi32, #tpu.memory_space<vmem>>, vector<16xi32>,
          %mul3A_152 = arith.constant 16 : i32
          %mul3A_153 = arith.muli %scan3A_80, %mul3A_152 : i32
          %add3A_154 = arith.constant 9 : i32
          %add3A_155 = arith.addi %mul3A_153, %add3A_154 : i32
          %mul3A_156 = arith.constant 16 : i32
          %mul3A_157 = arith.muli %add3A_155, %mul3A_156 : i32
          %swap3A_158 = arith.index_cast %mul3A_157 : i32 to index
          %swap3A_159 = tpu.vector_load %arg6[%swap3A_158] {strides = array<i32>} : memref<16384xi32, #tpu.memory_space<vmem>>, vector<16xi32>,
          tpu.vector_store %arg6[%swap3A_158], %broadcast_in_dim3A_8 {strides = array<i32>} : memref<16384xi32, #tpu.memory_space<vmem>>, vector<16xi32>,
          %mul3A_160 = arith.constant 16 : i32
          %mul3A_161 = arith.muli %scan3A_80, %mul3A_160 : i32
          %add3A_162 = arith.constant 10 : i32
          %add3A_163 = arith.addi %mul3A_161, %add3A_162 : i32
          %mul3A_164 = arith.constant 16 : i32
          %mul3A_165 = arith.muli %add3A_163, %mul3A_164 : i32
          %swap3A_166 = arith.index_cast %mul3A_165 : i32 to index
          %swap3A_167 = tpu.vector_load %arg6[%swap3A_166] {strides = array<i32>} : memref<16384xi32, #tpu.memory_space<vmem>>, vector<16xi32>,
          tpu.vector_store %arg6[%swap3A_166], %broadcast_in_dim3A_8 {strides = array<i32>} : memref<16384xi32, #tpu.memory_space<vmem>>, vector<16xi32>,
          %mul3A_168 = arith.constant 16 : i32
          %mul3A_169 = arith.muli %scan3A_80, %mul3A_168 : i32
          %add3A_170 = arith.constant 11 : i32
          %add3A_171 = arith.addi %mul3A_169, %add3A_170 : i32
          %mul3A_172 = arith.constant 16 : i32
          %mul3A_173 = arith.muli %add3A_171, %mul3A_172 : i32
          %swap3A_174 = arith.index_cast %mul3A_173 : i32 to index
          %swap3A_175 = tpu.vector_load %arg6[%swap3A_174] {strides = array<i32>} : memref<16384xi32, #tpu.memory_space<vmem>>, vector<16xi32>,
          tpu.vector_store %arg6[%swap3A_174], %broadcast_in_dim3A_8 {strides = array<i32>} : memref<16384xi32, #tpu.memory_space<vmem>>, vector<16xi32>,
          %mul3A_176 = arith.constant 16 : i32
          %mul3A_177 = arith.muli %scan3A_80, %mul3A_176 : i32
          %add3A_178 = arith.constant 12 : i32
          %add3A_179 = arith.addi %mul3A_177, %add3A_178 : i32
          %mul3A_180 = arith.constant 16 : i32
          %mul3A_181 = arith.muli %add3A_179, %mul3A_180 : i32
          %swap3A_182 = arith.index_cast %mul3A_181 : i32 to index
          %swap3A_183 = tpu.vector_load %arg6[%swap3A_182] {strides = array<i32>} : memref<16384xi32, #tpu.memory_space<vmem>>, vector<16xi32>,
          tpu.vector_store %arg6[%swap3A_182], %broadcast_in_dim3A_8 {strides = array<i32>} : memref<16384xi32, #tpu.memory_space<vmem>>, vector<16xi32>,
          %mul3A_184 = arith.constant 16 : i32
          %mul3A_185 = arith.muli %scan3A_80, %mul3A_184 : i32
          %add3A_186 = arith.constant 13 : i32
          %add3A_187 = arith.addi %mul3A_185, %add3A_186 : i32
          %mul3A_188 = arith.constant 16 : i32
          %mul3A_189 = arith.muli %add3A_187, %mul3A_188 : i32
          %swap3A_190 = arith.index_cast %mul3A_189 : i32 to index
          %swap3A_191 = tpu.vector_load %arg6[%swap3A_190] {strides = array<i32>} : memref<16384xi32, #tpu.memory_space<vmem>>, vector<16xi32>,
          tpu.vector_store %arg6[%swap3A_190], %broadcast_in_dim3A_8 {strides = array<i32>} : memref<16384xi32, #tpu.memory_space<vmem>>, vector<16xi32>,
          %mul3A_192 = arith.constant 16 : i32
          %mul3A_193 = arith.muli %scan3A_80, %mul3A_192 : i32
          %add3A_194 = arith.constant 14 : i32
          %add3A_195 = arith.addi %mul3A_193, %add3A_194 : i32
          %mul3A_196 = arith.constant 16 : i32
          %mul3A_197 = arith.muli %add3A_195, %mul3A_196 : i32
          %swap3A_198 = arith.index_cast %mul3A_197 : i32 to index
          %swap3A_199 = tpu.vector_load %arg6[%swap3A_198] {strides = array<i32>} : memref<16384xi32, #tpu.memory_space<vmem>>, vector<16xi32>,
          tpu.vector_store %arg6[%swap3A_198], %broadcast_in_dim3A_8 {strides = array<i32>} : memref<16384xi32, #tpu.memory_space<vmem>>, vector<16xi32>,
          %mul3A_200 = arith.constant 16 : i32
          %mul3A_201 = arith.muli %scan3A_80, %mul3A_200 : i32
          %add3A_202 = arith.constant 15 : i32
          %add3A_203 = arith.addi %mul3A_201, %add3A_202 : i32
          %mul3A_204 = arith.constant 16 : i32
          %mul3A_205 = arith.muli %add3A_203, %mul3A_204 : i32
          %swap3A_206 = arith.index_cast %mul3A_205 : i32 to index
          %swap3A_207 = tpu.vector_load %arg6[%swap3A_206] {strides = array<i32>} : memref<16384xi32, #tpu.memory_space<vmem>>, vector<16xi32>,
          tpu.vector_store %arg6[%swap3A_206], %broadcast_in_dim3A_8 {strides = array<i32>} : memref<16384xi32, #tpu.memory_space<vmem>>, vector<16xi32>,
        }
        %scan3A_69 = arith.constant 64 : i32
        %scan3A_70 = arith.constant 0 : i32
        %scan3A_71 = arith.constant 32 : i32
        %scan3A_72 = arith.addi %scan3A_70, %scan3A_71 : i32
        %scan3A_73 = arith.constant 1 : i32
        scf.for %scan3A_80 = %scan3A_70 to %scan3A_72 step %scan3A_73  : i32 {
          %scan3A_81 = arith.constant 0 : i32
          %scan3A_82 = arith.constant 4 : i32
          %scan3A_83 = arith.addi %scan3A_81, %scan3A_82 : i32
          %scan3A_84 = arith.constant 1 : i32
          scf.for %scan3A_86 = %scan3A_81 to %scan3A_83 step %scan3A_84  : i32 {
            %mul3A_87 = arith.constant 8 : i32
            %mul3A_88 = arith.muli %scan3A_86, %mul3A_87 : i32
            %add3A_89 = arith.constant 0 : i32
            %add3A_90 = arith.addi %mul3A_88, %add3A_89 : i32
            %mul3A_91 = arith.constant 16 : i32
            %mul3A_92 = arith.muli %add3A_90, %mul3A_91 : i32
            %get3A = arith.index_cast %scan3A_80 : i32 to index
            %get3A_93 = arith.index_cast %mul3A_92 : i32 to index
            %get3A_94 = tpu.vector_load %arg5[%get3A, %get3A_93] {strides = array<i32>} : memref<32x512xi32, #tpu.memory_space<vmem>>, vector<16xi32>,
            %mul3A_95 = arith.constant 8 : i32
            %mul3A_96 = arith.muli %scan3A_86, %mul3A_95 : i32
            %add3A_97 = arith.constant 1 : i32
            %add3A_98 = arith.addi %mul3A_96, %add3A_97 : i32
            %mul3A_99 = arith.constant 16 : i32
            %mul3A_100 = arith.muli %add3A_98, %mul3A_99 : i32
            %get3A_101 = arith.index_cast %scan3A_80 : i32 to index
            %get3A_102 = arith.index_cast %mul3A_100 : i32 to index
            %get3A_103 = tpu.vector_load %arg5[%get3A_101, %get3A_102] {strides = array<i32>} : memref<32x512xi32, #tpu.memory_space<vmem>>, vector<16xi32>,
            %mul3A_104 = arith.constant 8 : i32
            %mul3A_105 = arith.muli %scan3A_86, %mul3A_104 : i32
            %add3A_106 = arith.constant 2 : i32
            %add3A_107 = arith.addi %mul3A_105, %add3A_106 : i32
            %mul3A_108 = arith.constant 16 : i32
            %mul3A_109 = arith.muli %add3A_107, %mul3A_108 : i32
            %get3A_110 = arith.index_cast %scan3A_80 : i32 to index
            %get3A_111 = arith.index_cast %mul3A_109 : i32 to index
            %get3A_112 = tpu.vector_load %arg5[%get3A_110, %get3A_111] {strides = array<i32>} : memref<32x512xi32, #tpu.memory_space<vmem>>, vector<16xi32>,
            %mul3A_113 = arith.constant 8 : i32
            %mul3A_114 = arith.muli %scan3A_86, %mul3A_113 : i32
            %add3A_115 = arith.constant 3 : i32
            %add3A_116 = arith.addi %mul3A_114, %add3A_115 : i32
            %mul3A_117 = arith.constant 16 : i32
            %mul3A_118 = arith.muli %add3A_116, %mul3A_117 : i32
            %get3A_119 = arith.index_cast %scan3A_80 : i32 to index
            %get3A_120 = arith.index_cast %mul3A_118 : i32 to index
            %get3A_121 = tpu.vector_load %arg5[%get3A_119, %get3A_120] {strides = array<i32>} : memref<32x512xi32, #tpu.memory_space<vmem>>, vector<16xi32>,
            %mul3A_122 = arith.constant 8 : i32
            %mul3A_123 = arith.muli %scan3A_86, %mul3A_122 : i32
            %add3A_124 = arith.constant 4 : i32
            %add3A_125 = arith.addi %mul3A_123, %add3A_124 : i32
            %mul3A_126 = arith.constant 16 : i32
            %mul3A_127 = arith.muli %add3A_125, %mul3A_126 : i32
            %get3A_128 = arith.index_cast %scan3A_80 : i32 to index
            %get3A_129 = arith.index_cast %mul3A_127 : i32 to index
            %get3A_130 = tpu.vector_load %arg5[%get3A_128, %get3A_129] {strides = array<i32>} : memref<32x512xi32, #tpu.memory_space<vmem>>, vector<16xi32>,
            %mul3A_131 = arith.constant 8 : i32
            %mul3A_132 = arith.muli %scan3A_86, %mul3A_131 : i32
            %add3A_133 = arith.constant 5 : i32
            %add3A_134 = arith.addi %mul3A_132, %add3A_133 : i32
            %mul3A_135 = arith.constant 16 : i32
            %mul3A_136 = arith.muli %add3A_134, %mul3A_135 : i32
            %get3A_137 = arith.index_cast %scan3A_80 : i32 to index
            %get3A_138 = arith.index_cast %mul3A_136 : i32 to index
            %get3A_139 = tpu.vector_load %arg5[%get3A_137, %get3A_138] {strides = array<i32>} : memref<32x512xi32, #tpu.memory_space<vmem>>, vector<16xi32>,
            %mul3A_140 = arith.constant 8 : i32
            %mul3A_141 = arith.muli %scan3A_86, %mul3A_140 : i32
            %add3A_142 = arith.constant 6 : i32
            %add3A_143 = arith.addi %mul3A_141, %add3A_142 : i32
            %mul3A_144 = arith.constant 16 : i32
            %mul3A_145 = arith.muli %add3A_143, %mul3A_144 : i32
            %get3A_146 = arith.index_cast %scan3A_80 : i32 to index
            %get3A_147 = arith.index_cast %mul3A_145 : i32 to index
            %get3A_148 = tpu.vector_load %arg5[%get3A_146, %get3A_147] {strides = array<i32>} : memref<32x512xi32, #tpu.memory_space<vmem>>, vector<16xi32>,
            %mul3A_149 = arith.constant 8 : i32
            %mul3A_150 = arith.muli %scan3A_86, %mul3A_149 : i32
            %add3A_151 = arith.constant 7 : i32
            %add3A_152 = arith.addi %mul3A_150, %add3A_151 : i32
            %mul3A_153 = arith.constant 16 : i32
            %mul3A_154 = arith.muli %add3A_152, %mul3A_153 : i32
            %get3A_155 = arith.index_cast %scan3A_80 : i32 to index
            %get3A_156 = arith.index_cast %mul3A_154 : i32 to index
            %get3A_157 = tpu.vector_load %arg5[%get3A_155, %get3A_156] {strides = array<i32>} : memref<32x512xi32, #tpu.memory_space<vmem>>, vector<16xi32>,
            %add3A_158 = arith.addi %get3A_94, %mul3A_5 : vector<16xi32>
            %add3A_159 = arith.constant 0 : i32
            %add3A_160 = vector.broadcast %add3A_159 : i32 to vector<16xi32>
            %add3A_161 = arith.addi %add3A_158, %add3A_160 : vector<16xi32>
            %add3A_162 = arith.addi %get3A_103, %mul3A_5 : vector<16xi32>
            %add3A_163 = arith.constant 4096 : i32
            %add3A_164 = vector.broadcast %add3A_163 : i32 to vector<16xi32>
            %add3A_165 = arith.addi %add3A_162, %add3A_164 : vector<16xi32>
            %add3A_166 = arith.addi %get3A_112, %mul3A_5 : vector<16xi32>
            %add3A_167 = arith.constant 8192 : i32
            %add3A_168 = vector.broadcast %add3A_167 : i32 to vector<16xi32>
            %add3A_169 = arith.addi %add3A_166, %add3A_168 : vector<16xi32>
            %add3A_170 = arith.addi %get3A_121, %mul3A_5 : vector<16xi32>
            %add3A_171 = arith.constant 12288 : i32
            %add3A_172 = vector.broadcast %add3A_171 : i32 to vector<16xi32>
            %add3A_173 = arith.addi %add3A_170, %add3A_172 : vector<16xi32>
            %add3A_174 = arith.addi %get3A_130, %mul3A_5 : vector<16xi32>
            %add3A_175 = arith.constant 0 : i32
            %add3A_176 = vector.broadcast %add3A_175 : i32 to vector<16xi32>
            %add3A_177 = arith.addi %add3A_174, %add3A_176 : vector<16xi32>
            %add3A_178 = arith.addi %get3A_139, %mul3A_5 : vector<16xi32>
            %add3A_179 = arith.constant 4096 : i32
            %add3A_180 = vector.broadcast %add3A_179 : i32 to vector<16xi32>
            %add3A_181 = arith.addi %add3A_178, %add3A_180 : vector<16xi32>
            %add3A_182 = arith.addi %get3A_148, %mul3A_5 : vector<16xi32>
            %add3A_183 = arith.constant 8192 : i32
            %add3A_184 = vector.broadcast %add3A_183 : i32 to vector<16xi32>
            %add3A_185 = arith.addi %add3A_182, %add3A_184 : vector<16xi32>
            %add3A_186 = arith.addi %get3A_157, %mul3A_5 : vector<16xi32>
            %add3A_187 = arith.constant 12288 : i32
            %add3A_188 = vector.broadcast %add3A_187 : i32 to vector<16xi32>
            %add3A_189 = arith.addi %add3A_186, %add3A_188 : vector<16xi32>
            tpu.vector_store_idx %arg6[%add3A_161], %broadcast_in_dim3A_6 {add = true} : memref<16384xi32, #tpu.memory_space<vmem>>[vector<16xi32>], vector<16xi32>,
            tpu.vector_store_idx %arg6[%add3A_165], %broadcast_in_dim3A_6 {add = true} : memref<16384xi32, #tpu.memory_space<vmem>>[vector<16xi32>], vector<16xi32>,
            tpu.vector_store_idx %arg6[%add3A_169], %broadcast_in_dim3A_6 {add = true} : memref<16384xi32, #tpu.memory_space<vmem>>[vector<16xi32>], vector<16xi32>,
            tpu.vector_store_idx %arg6[%add3A_173], %broadcast_in_dim3A_6 {add = true} : memref<16384xi32, #tpu.memory_space<vmem>>[vector<16xi32>], vector<16xi32>,
            tpu.vector_store_idx %arg6[%add3A_177], %broadcast_in_dim3A_6 {add = true} : memref<16384xi32, #tpu.memory_space<vmem>>[vector<16xi32>], vector<16xi32>,
            tpu.vector_store_idx %arg6[%add3A_181], %broadcast_in_dim3A_6 {add = true} : memref<16384xi32, #tpu.memory_space<vmem>>[vector<16xi32>], vector<16xi32>,
            tpu.vector_store_idx %arg6[%add3A_185], %broadcast_in_dim3A_6 {add = true} : memref<16384xi32, #tpu.memory_space<vmem>>[vector<16xi32>], vector<16xi32>,
            tpu.vector_store_idx %arg6[%add3A_189], %broadcast_in_dim3A_6 {add = true} : memref<16384xi32, #tpu.memory_space<vmem>>[vector<16xi32>], vector<16xi32>,
          }
          %scan3A_85 = arith.constant 4 : i32
        }
        %scan3A_74 = arith.constant 32 : i32
        %scan3A_75 = arith.constant 0 : i32
        %scan3A_76 = arith.constant 16 : i32
        %scan3A_77 = arith.addi %scan3A_75, %scan3A_76 : i32
        %scan3A_78 = arith.constant 1 : i32
        scf.for %scan3A_80 = %scan3A_75 to %scan3A_77 step %scan3A_78  : i32 {
          %mul3A_81 = arith.constant 16 : i32
          %mul3A_82 = arith.muli %scan3A_80, %mul3A_81 : i32
          %add3A_83 = arith.constant 0 : i32
          %add3A_84 = arith.addi %add3A_83, %mul3A_82 : i32
          %get3A = arith.index_cast %add3A_84 : i32 to index
          %get3A_85 = tpu.vector_load %arg6[%get3A] {strides = array<i32>} : memref<16384xi32, #tpu.memory_space<vmem>>, vector<16xi32>,
          %mul3A_86 = arith.constant 16 : i32
          %mul3A_87 = arith.muli %scan3A_80, %mul3A_86 : i32
          %add3A_88 = arith.constant 256 : i32
          %add3A_89 = arith.addi %add3A_88, %mul3A_87 : i32
          %get3A_90 = arith.index_cast %add3A_89 : i32 to index
          %get3A_91 = tpu.vector_load %arg6[%get3A_90] {strides = array<i32>} : memref<16384xi32, #tpu.memory_space<vmem>>, vector<16xi32>,
          %mul3A_92 = arith.constant 16 : i32
          %mul3A_93 = arith.muli %scan3A_80, %mul3A_92 : i32
          %add3A_94 = arith.constant 512 : i32
          %add3A_95 = arith.addi %add3A_94, %mul3A_93 : i32
          %get3A_96 = arith.index_cast %add3A_95 : i32 to index
          %get3A_97 = tpu.vector_load %arg6[%get3A_96] {strides = array<i32>} : memref<16384xi32, #tpu.memory_space<vmem>>, vector<16xi32>,
          %mul3A_98 = arith.constant 16 : i32
          %mul3A_99 = arith.muli %scan3A_80, %mul3A_98 : i32
          %add3A_100 = arith.constant 768 : i32
          %add3A_101 = arith.addi %add3A_100, %mul3A_99 : i32
          %get3A_102 = arith.index_cast %add3A_101 : i32 to index
          %get3A_103 = tpu.vector_load %arg6[%get3A_102] {strides = array<i32>} : memref<16384xi32, #tpu.memory_space<vmem>>, vector<16xi32>,
          %mul3A_104 = arith.constant 16 : i32
          %mul3A_105 = arith.muli %scan3A_80, %mul3A_104 : i32
          %add3A_106 = arith.constant 1024 : i32
          %add3A_107 = arith.addi %add3A_106, %mul3A_105 : i32
          %get3A_108 = arith.index_cast %add3A_107 : i32 to index
          %get3A_109 = tpu.vector_load %arg6[%get3A_108] {strides = array<i32>} : memref<16384xi32, #tpu.memory_space<vmem>>, vector<16xi32>,
          %mul3A_110 = arith.constant 16 : i32
          %mul3A_111 = arith.muli %scan3A_80, %mul3A_110 : i32
          %add3A_112 = arith.constant 1280 : i32
          %add3A_113 = arith.addi %add3A_112, %mul3A_111 : i32
          %get3A_114 = arith.index_cast %add3A_113 : i32 to index
          %get3A_115 = tpu.vector_load %arg6[%get3A_114] {strides = array<i32>} : memref<16384xi32, #tpu.memory_space<vmem>>, vector<16xi32>,
          %mul3A_116 = arith.constant 16 : i32
          %mul3A_117 = arith.muli %scan3A_80, %mul3A_116 : i32
          %add3A_118 = arith.constant 1536 : i32
          %add3A_119 = arith.addi %add3A_118, %mul3A_117 : i32
          %get3A_120 = arith.index_cast %add3A_119 : i32 to index
          %get3A_121 = tpu.vector_load %arg6[%get3A_120] {strides = array<i32>} : memref<16384xi32, #tpu.memory_space<vmem>>, vector<16xi32>,
          %mul3A_122 = arith.constant 16 : i32
          %mul3A_123 = arith.muli %scan3A_80, %mul3A_122 : i32
          %add3A_124 = arith.constant 1792 : i32
          %add3A_125 = arith.addi %add3A_124, %mul3A_123 : i32
          %get3A_126 = arith.index_cast %add3A_125 : i32 to index
          %get3A_127 = tpu.vector_load %arg6[%get3A_126] {strides = array<i32>} : memref<16384xi32, #tpu.memory_space<vmem>>, vector<16xi32>,
          %mul3A_128 = arith.constant 16 : i32
          %mul3A_129 = arith.muli %scan3A_80, %mul3A_128 : i32
          %add3A_130 = arith.constant 2048 : i32
          %add3A_131 = arith.addi %add3A_130, %mul3A_129 : i32
          %get3A_132 = arith.index_cast %add3A_131 : i32 to index
          %get3A_133 = tpu.vector_load %arg6[%get3A_132] {strides = array<i32>} : memref<16384xi32, #tpu.memory_space<vmem>>, vector<16xi32>,
          %mul3A_134 = arith.constant 16 : i32
          %mul3A_135 = arith.muli %scan3A_80, %mul3A_134 : i32
          %add3A_136 = arith.constant 2304 : i32
          %add3A_137 = arith.addi %add3A_136, %mul3A_135 : i32
          %get3A_138 = arith.index_cast %add3A_137 : i32 to index
          %get3A_139 = tpu.vector_load %arg6[%get3A_138] {strides = array<i32>} : memref<16384xi32, #tpu.memory_space<vmem>>, vector<16xi32>,
          %mul3A_140 = arith.constant 16 : i32
          %mul3A_141 = arith.muli %scan3A_80, %mul3A_140 : i32
          %add3A_142 = arith.constant 2560 : i32
          %add3A_143 = arith.addi %add3A_142, %mul3A_141 : i32
          %get3A_144 = arith.index_cast %add3A_143 : i32 to index
          %get3A_145 = tpu.vector_load %arg6[%get3A_144] {strides = array<i32>} : memref<16384xi32, #tpu.memory_space<vmem>>, vector<16xi32>,
          %mul3A_146 = arith.constant 16 : i32
          %mul3A_147 = arith.muli %scan3A_80, %mul3A_146 : i32
          %add3A_148 = arith.constant 2816 : i32
          %add3A_149 = arith.addi %add3A_148, %mul3A_147 : i32
          %get3A_150 = arith.index_cast %add3A_149 : i32 to index
          %get3A_151 = tpu.vector_load %arg6[%get3A_150] {strides = array<i32>} : memref<16384xi32, #tpu.memory_space<vmem>>, vector<16xi32>,
          %mul3A_152 = arith.constant 16 : i32
          %mul3A_153 = arith.muli %scan3A_80, %mul3A_152 : i32
          %add3A_154 = arith.constant 3072 : i32
          %add3A_155 = arith.addi %add3A_154, %mul3A_153 : i32
          %get3A_156 = arith.index_cast %add3A_155 : i32 to index
          %get3A_157 = tpu.vector_load %arg6[%get3A_156] {strides = array<i32>} : memref<16384xi32, #tpu.memory_space<vmem>>, vector<16xi32>,
          %mul3A_158 = arith.constant 16 : i32
          %mul3A_159 = arith.muli %scan3A_80, %mul3A_158 : i32
          %add3A_160 = arith.constant 3328 : i32
          %add3A_161 = arith.addi %add3A_160, %mul3A_159 : i32
          %get3A_162 = arith.index_cast %add3A_161 : i32 to index
          %get3A_163 = tpu.vector_load %arg6[%get3A_162] {strides = array<i32>} : memref<16384xi32, #tpu.memory_space<vmem>>, vector<16xi32>,
          %mul3A_164 = arith.constant 16 : i32
          %mul3A_165 = arith.muli %scan3A_80, %mul3A_164 : i32
          %add3A_166 = arith.constant 3584 : i32
          %add3A_167 = arith.addi %add3A_166, %mul3A_165 : i32
          %get3A_168 = arith.index_cast %add3A_167 : i32 to index
          %get3A_169 = tpu.vector_load %arg6[%get3A_168] {strides = array<i32>} : memref<16384xi32, #tpu.memory_space<vmem>>, vector<16xi32>,
          %mul3A_170 = arith.constant 16 : i32
          %mul3A_171 = arith.muli %scan3A_80, %mul3A_170 : i32
          %add3A_172 = arith.constant 3840 : i32
          %add3A_173 = arith.addi %add3A_172, %mul3A_171 : i32
          %get3A_174 = arith.index_cast %add3A_173 : i32 to index
          %get3A_175 = tpu.vector_load %arg6[%get3A_174] {strides = array<i32>} : memref<16384xi32, #tpu.memory_space<vmem>>, vector<16xi32>,
          %mul3A_176 = arith.constant 16 : i32
          %mul3A_177 = arith.muli %scan3A_80, %mul3A_176 : i32
          %add3A_178 = arith.constant 4096 : i32
          %add3A_179 = arith.addi %add3A_178, %mul3A_177 : i32
          %get3A_180 = arith.index_cast %add3A_179 : i32 to index
          %get3A_181 = tpu.vector_load %arg6[%get3A_180] {strides = array<i32>} : memref<16384xi32, #tpu.memory_space<vmem>>, vector<16xi32>,
          %mul3A_182 = arith.constant 16 : i32
          %mul3A_183 = arith.muli %scan3A_80, %mul3A_182 : i32
          %add3A_184 = arith.constant 4352 : i32
          %add3A_185 = arith.addi %add3A_184, %mul3A_183 : i32
          %get3A_186 = arith.index_cast %add3A_185 : i32 to index
          %get3A_187 = tpu.vector_load %arg6[%get3A_186] {strides = array<i32>} : memref<16384xi32, #tpu.memory_space<vmem>>, vector<16xi32>,
          %mul3A_188 = arith.constant 16 : i32
          %mul3A_189 = arith.muli %scan3A_80, %mul3A_188 : i32
          %add3A_190 = arith.constant 4608 : i32
          %add3A_191 = arith.addi %add3A_190, %mul3A_189 : i32
          %get3A_192 = arith.index_cast %add3A_191 : i32 to index
          %get3A_193 = tpu.vector_load %arg6[%get3A_192] {strides = array<i32>} : memref<16384xi32, #tpu.memory_space<vmem>>, vector<16xi32>,
          %mul3A_194 = arith.constant 16 : i32
          %mul3A_195 = arith.muli %scan3A_80, %mul3A_194 : i32
          %add3A_196 = arith.constant 4864 : i32
          %add3A_197 = arith.addi %add3A_196, %mul3A_195 : i32
          %get3A_198 = arith.index_cast %add3A_197 : i32 to index
          %get3A_199 = tpu.vector_load %arg6[%get3A_198] {strides = array<i32>} : memref<16384xi32, #tpu.memory_space<vmem>>, vector<16xi32>,
          %mul3A_200 = arith.constant 16 : i32
          %mul3A_201 = arith.muli %scan3A_80, %mul3A_200 : i32
          %add3A_202 = arith.constant 5120 : i32
          %add3A_203 = arith.addi %add3A_202, %mul3A_201 : i32
          %get3A_204 = arith.index_cast %add3A_203 : i32 to index
          %get3A_205 = tpu.vector_load %arg6[%get3A_204] {strides = array<i32>} : memref<16384xi32, #tpu.memory_space<vmem>>, vector<16xi32>,
          %mul3A_206 = arith.constant 16 : i32
          %mul3A_207 = arith.muli %scan3A_80, %mul3A_206 : i32
          %add3A_208 = arith.constant 5376 : i32
          %add3A_209 = arith.addi %add3A_208, %mul3A_207 : i32
          %get3A_210 = arith.index_cast %add3A_209 : i32 to index
          %get3A_211 = tpu.vector_load %arg6[%get3A_210] {strides = array<i32>} : memref<16384xi32, #tpu.memory_space<vmem>>, vector<16xi32>,
          %mul3A_212 = arith.constant 16 : i32
          %mul3A_213 = arith.muli %scan3A_80, %mul3A_212 : i32
          %add3A_214 = arith.constant 5632 : i32
          %add3A_215 = arith.addi %add3A_214, %mul3A_213 : i32
          %get3A_216 = arith.index_cast %add3A_215 : i32 to index
          %get3A_217 = tpu.vector_load %arg6[%get3A_216] {strides = array<i32>} : memref<16384xi32, #tpu.memory_space<vmem>>, vector<16xi32>,
          %mul3A_218 = arith.constant 16 : i32
          %mul3A_219 = arith.muli %scan3A_80, %mul3A_218 : i32
          %add3A_220 = arith.constant 5888 : i32
          %add3A_221 = arith.addi %add3A_220, %mul3A_219 : i32
          %get3A_222 = arith.index_cast %add3A_221 : i32 to index
          %get3A_223 = tpu.vector_load %arg6[%get3A_222] {strides = array<i32>} : memref<16384xi32, #tpu.memory_space<vmem>>, vector<16xi32>,
          %mul3A_224 = arith.constant 16 : i32
          %mul3A_225 = arith.muli %scan3A_80, %mul3A_224 : i32
          %add3A_226 = arith.constant 6144 : i32
          %add3A_227 = arith.addi %add3A_226, %mul3A_225 : i32
          %get3A_228 = arith.index_cast %add3A_227 : i32 to index
          %get3A_229 = tpu.vector_load %arg6[%get3A_228] {strides = array<i32>} : memref<16384xi32, #tpu.memory_space<vmem>>, vector<16xi32>,
          %mul3A_230 = arith.constant 16 : i32
          %mul3A_231 = arith.muli %scan3A_80, %mul3A_230 : i32
          %add3A_232 = arith.constant 6400 : i32
          %add3A_233 = arith.addi %add3A_232, %mul3A_231 : i32
          %get3A_234 = arith.index_cast %add3A_233 : i32 to index
          %get3A_235 = tpu.vector_load %arg6[%get3A_234] {strides = array<i32>} : memref<16384xi32, #tpu.memory_space<vmem>>, vector<16xi32>,
          %mul3A_236 = arith.constant 16 : i32
          %mul3A_237 = arith.muli %scan3A_80, %mul3A_236 : i32
          %add3A_238 = arith.constant 6656 : i32
          %add3A_239 = arith.addi %add3A_238, %mul3A_237 : i32
          %get3A_240 = arith.index_cast %add3A_239 : i32 to index
          %get3A_241 = tpu.vector_load %arg6[%get3A_240] {strides = array<i32>} : memref<16384xi32, #tpu.memory_space<vmem>>, vector<16xi32>,
          %mul3A_242 = arith.constant 16 : i32
          %mul3A_243 = arith.muli %scan3A_80, %mul3A_242 : i32
          %add3A_244 = arith.constant 6912 : i32
          %add3A_245 = arith.addi %add3A_244, %mul3A_243 : i32
          %get3A_246 = arith.index_cast %add3A_245 : i32 to index
          %get3A_247 = tpu.vector_load %arg6[%get3A_246] {strides = array<i32>} : memref<16384xi32, #tpu.memory_space<vmem>>, vector<16xi32>,
          %mul3A_248 = arith.constant 16 : i32
          %mul3A_249 = arith.muli %scan3A_80, %mul3A_248 : i32
          %add3A_250 = arith.constant 7168 : i32
          %add3A_251 = arith.addi %add3A_250, %mul3A_249 : i32
          %get3A_252 = arith.index_cast %add3A_251 : i32 to index
          %get3A_253 = tpu.vector_load %arg6[%get3A_252] {strides = array<i32>} : memref<16384xi32, #tpu.memory_space<vmem>>, vector<16xi32>,
          %mul3A_254 = arith.constant 16 : i32
          %mul3A_255 = arith.muli %scan3A_80, %mul3A_254 : i32
          %add3A_256 = arith.constant 7424 : i32
          %add3A_257 = arith.addi %add3A_256, %mul3A_255 : i32
          %get3A_258 = arith.index_cast %add3A_257 : i32 to index
          %get3A_259 = tpu.vector_load %arg6[%get3A_258] {strides = array<i32>} : memref<16384xi32, #tpu.memory_space<vmem>>, vector<16xi32>,
          %mul3A_260 = arith.constant 16 : i32
          %mul3A_261 = arith.muli %scan3A_80, %mul3A_260 : i32
          %add3A_262 = arith.constant 7680 : i32
          %add3A_263 = arith.addi %add3A_262, %mul3A_261 : i32
          %get3A_264 = arith.index_cast %add3A_263 : i32 to index
          %get3A_265 = tpu.vector_load %arg6[%get3A_264] {strides = array<i32>} : memref<16384xi32, #tpu.memory_space<vmem>>, vector<16xi32>,
          %mul3A_266 = arith.constant 16 : i32
          %mul3A_267 = arith.muli %scan3A_80, %mul3A_266 : i32
          %add3A_268 = arith.constant 7936 : i32
          %add3A_269 = arith.addi %add3A_268, %mul3A_267 : i32
          %get3A_270 = arith.index_cast %add3A_269 : i32 to index
          %get3A_271 = tpu.vector_load %arg6[%get3A_270] {strides = array<i32>} : memref<16384xi32, #tpu.memory_space<vmem>>, vector<16xi32>,
          %mul3A_272 = arith.constant 16 : i32
          %mul3A_273 = arith.muli %scan3A_80, %mul3A_272 : i32
          %add3A_274 = arith.constant 8192 : i32
          %add3A_275 = arith.addi %add3A_274, %mul3A_273 : i32
          %get3A_276 = arith.index_cast %add3A_275 : i32 to index
          %get3A_277 = tpu.vector_load %arg6[%get3A_276] {strides = array<i32>} : memref<16384xi32, #tpu.memory_space<vmem>>, vector<16xi32>,
          %mul3A_278 = arith.constant 16 : i32
          %mul3A_279 = arith.muli %scan3A_80, %mul3A_278 : i32
          %add3A_280 = arith.constant 8448 : i32
          %add3A_281 = arith.addi %add3A_280, %mul3A_279 : i32
          %get3A_282 = arith.index_cast %add3A_281 : i32 to index
          %get3A_283 = tpu.vector_load %arg6[%get3A_282] {strides = array<i32>} : memref<16384xi32, #tpu.memory_space<vmem>>, vector<16xi32>,
          %mul3A_284 = arith.constant 16 : i32
          %mul3A_285 = arith.muli %scan3A_80, %mul3A_284 : i32
          %add3A_286 = arith.constant 8704 : i32
          %add3A_287 = arith.addi %add3A_286, %mul3A_285 : i32
          %get3A_288 = arith.index_cast %add3A_287 : i32 to index
          %get3A_289 = tpu.vector_load %arg6[%get3A_288] {strides = array<i32>} : memref<16384xi32, #tpu.memory_space<vmem>>, vector<16xi32>,
          %mul3A_290 = arith.constant 16 : i32
          %mul3A_291 = arith.muli %scan3A_80, %mul3A_290 : i32
          %add3A_292 = arith.constant 8960 : i32
          %add3A_293 = arith.addi %add3A_292, %mul3A_291 : i32
          %get3A_294 = arith.index_cast %add3A_293 : i32 to index
          %get3A_295 = tpu.vector_load %arg6[%get3A_294] {strides = array<i32>} : memref<16384xi32, #tpu.memory_space<vmem>>, vector<16xi32>,
          %mul3A_296 = arith.constant 16 : i32
          %mul3A_297 = arith.muli %scan3A_80, %mul3A_296 : i32
          %add3A_298 = arith.constant 9216 : i32
          %add3A_299 = arith.addi %add3A_298, %mul3A_297 : i32
          %get3A_300 = arith.index_cast %add3A_299 : i32 to index
          %get3A_301 = tpu.vector_load %arg6[%get3A_300] {strides = array<i32>} : memref<16384xi32, #tpu.memory_space<vmem>>, vector<16xi32>,
          %mul3A_302 = arith.constant 16 : i32
          %mul3A_303 = arith.muli %scan3A_80, %mul3A_302 : i32
          %add3A_304 = arith.constant 9472 : i32
          %add3A_305 = arith.addi %add3A_304, %mul3A_303 : i32
          %get3A_306 = arith.index_cast %add3A_305 : i32 to index
          %get3A_307 = tpu.vector_load %arg6[%get3A_306] {strides = array<i32>} : memref<16384xi32, #tpu.memory_space<vmem>>, vector<16xi32>,
          %mul3A_308 = arith.constant 16 : i32
          %mul3A_309 = arith.muli %scan3A_80, %mul3A_308 : i32
          %add3A_310 = arith.constant 9728 : i32
          %add3A_311 = arith.addi %add3A_310, %mul3A_309 : i32
          %get3A_312 = arith.index_cast %add3A_311 : i32 to index
          %get3A_313 = tpu.vector_load %arg6[%get3A_312] {strides = array<i32>} : memref<16384xi32, #tpu.memory_space<vmem>>, vector<16xi32>,
          %mul3A_314 = arith.constant 16 : i32
          %mul3A_315 = arith.muli %scan3A_80, %mul3A_314 : i32
          %add3A_316 = arith.constant 9984 : i32
          %add3A_317 = arith.addi %add3A_316, %mul3A_315 : i32
          %get3A_318 = arith.index_cast %add3A_317 : i32 to index
          %get3A_319 = tpu.vector_load %arg6[%get3A_318] {strides = array<i32>} : memref<16384xi32, #tpu.memory_space<vmem>>, vector<16xi32>,
          %mul3A_320 = arith.constant 16 : i32
          %mul3A_321 = arith.muli %scan3A_80, %mul3A_320 : i32
          %add3A_322 = arith.constant 10240 : i32
          %add3A_323 = arith.addi %add3A_322, %mul3A_321 : i32
          %get3A_324 = arith.index_cast %add3A_323 : i32 to index
          %get3A_325 = tpu.vector_load %arg6[%get3A_324] {strides = array<i32>} : memref<16384xi32, #tpu.memory_space<vmem>>, vector<16xi32>,
          %mul3A_326 = arith.constant 16 : i32
          %mul3A_327 = arith.muli %scan3A_80, %mul3A_326 : i32
          %add3A_328 = arith.constant 10496 : i32
          %add3A_329 = arith.addi %add3A_328, %mul3A_327 : i32
          %get3A_330 = arith.index_cast %add3A_329 : i32 to index
          %get3A_331 = tpu.vector_load %arg6[%get3A_330] {strides = array<i32>} : memref<16384xi32, #tpu.memory_space<vmem>>, vector<16xi32>,
          %mul3A_332 = arith.constant 16 : i32
          %mul3A_333 = arith.muli %scan3A_80, %mul3A_332 : i32
          %add3A_334 = arith.constant 10752 : i32
          %add3A_335 = arith.addi %add3A_334, %mul3A_333 : i32
          %get3A_336 = arith.index_cast %add3A_335 : i32 to index
          %get3A_337 = tpu.vector_load %arg6[%get3A_336] {strides = array<i32>} : memref<16384xi32, #tpu.memory_space<vmem>>, vector<16xi32>,
          %mul3A_338 = arith.constant 16 : i32
          %mul3A_339 = arith.muli %scan3A_80, %mul3A_338 : i32
          %add3A_340 = arith.constant 11008 : i32
          %add3A_341 = arith.addi %add3A_340, %mul3A_339 : i32
          %get3A_342 = arith.index_cast %add3A_341 : i32 to index
          %get3A_343 = tpu.vector_load %arg6[%get3A_342] {strides = array<i32>} : memref<16384xi32, #tpu.memory_space<vmem>>, vector<16xi32>,
          %mul3A_344 = arith.constant 16 : i32
          %mul3A_345 = arith.muli %scan3A_80, %mul3A_344 : i32
          %add3A_346 = arith.constant 11264 : i32
          %add3A_347 = arith.addi %add3A_346, %mul3A_345 : i32
          %get3A_348 = arith.index_cast %add3A_347 : i32 to index
          %get3A_349 = tpu.vector_load %arg6[%get3A_348] {strides = array<i32>} : memref<16384xi32, #tpu.memory_space<vmem>>, vector<16xi32>,
          %mul3A_350 = arith.constant 16 : i32
          %mul3A_351 = arith.muli %scan3A_80, %mul3A_350 : i32
          %add3A_352 = arith.constant 11520 : i32
          %add3A_353 = arith.addi %add3A_352, %mul3A_351 : i32
          %get3A_354 = arith.index_cast %add3A_353 : i32 to index
          %get3A_355 = tpu.vector_load %arg6[%get3A_354] {strides = array<i32>} : memref<16384xi32, #tpu.memory_space<vmem>>, vector<16xi32>,
          %mul3A_356 = arith.constant 16 : i32
          %mul3A_357 = arith.muli %scan3A_80, %mul3A_356 : i32
          %add3A_358 = arith.constant 11776 : i32
          %add3A_359 = arith.addi %add3A_358, %mul3A_357 : i32
          %get3A_360 = arith.index_cast %add3A_359 : i32 to index
          %get3A_361 = tpu.vector_load %arg6[%get3A_360] {strides = array<i32>} : memref<16384xi32, #tpu.memory_space<vmem>>, vector<16xi32>,
          %mul3A_362 = arith.constant 16 : i32
          %mul3A_363 = arith.muli %scan3A_80, %mul3A_362 : i32
          %add3A_364 = arith.constant 12032 : i32
          %add3A_365 = arith.addi %add3A_364, %mul3A_363 : i32
          %get3A_366 = arith.index_cast %add3A_365 : i32 to index
          %get3A_367 = tpu.vector_load %arg6[%get3A_366] {strides = array<i32>} : memref<16384xi32, #tpu.memory_space<vmem>>, vector<16xi32>,
          %mul3A_368 = arith.constant 16 : i32
          %mul3A_369 = arith.muli %scan3A_80, %mul3A_368 : i32
          %add3A_370 = arith.constant 12288 : i32
          %add3A_371 = arith.addi %add3A_370, %mul3A_369 : i32
          %get3A_372 = arith.index_cast %add3A_371 : i32 to index
          %get3A_373 = tpu.vector_load %arg6[%get3A_372] {strides = array<i32>} : memref<16384xi32, #tpu.memory_space<vmem>>, vector<16xi32>,
          %mul3A_374 = arith.constant 16 : i32
          %mul3A_375 = arith.muli %scan3A_80, %mul3A_374 : i32
          %add3A_376 = arith.constant 12544 : i32
          %add3A_377 = arith.addi %add3A_376, %mul3A_375 : i32
          %get3A_378 = arith.index_cast %add3A_377 : i32 to index
          %get3A_379 = tpu.vector_load %arg6[%get3A_378] {strides = array<i32>} : memref<16384xi32, #tpu.memory_space<vmem>>, vector<16xi32>,
          %mul3A_380 = arith.constant 16 : i32
          %mul3A_381 = arith.muli %scan3A_80, %mul3A_380 : i32
          %add3A_382 = arith.constant 12800 : i32
          %add3A_383 = arith.addi %add3A_382, %mul3A_381 : i32
          %get3A_384 = arith.index_cast %add3A_383 : i32 to index
          %get3A_385 = tpu.vector_load %arg6[%get3A_384] {strides = array<i32>} : memref<16384xi32, #tpu.memory_space<vmem>>, vector<16xi32>,
          %mul3A_386 = arith.constant 16 : i32
          %mul3A_387 = arith.muli %scan3A_80, %mul3A_386 : i32
          %add3A_388 = arith.constant 13056 : i32
          %add3A_389 = arith.addi %add3A_388, %mul3A_387 : i32
          %get3A_390 = arith.index_cast %add3A_389 : i32 to index
          %get3A_391 = tpu.vector_load %arg6[%get3A_390] {strides = array<i32>} : memref<16384xi32, #tpu.memory_space<vmem>>, vector<16xi32>,
          %mul3A_392 = arith.constant 16 : i32
          %mul3A_393 = arith.muli %scan3A_80, %mul3A_392 : i32
          %add3A_394 = arith.constant 13312 : i32
          %add3A_395 = arith.addi %add3A_394, %mul3A_393 : i32
          %get3A_396 = arith.index_cast %add3A_395 : i32 to index
          %get3A_397 = tpu.vector_load %arg6[%get3A_396] {strides = array<i32>} : memref<16384xi32, #tpu.memory_space<vmem>>, vector<16xi32>,
          %mul3A_398 = arith.constant 16 : i32
          %mul3A_399 = arith.muli %scan3A_80, %mul3A_398 : i32
          %add3A_400 = arith.constant 13568 : i32
          %add3A_401 = arith.addi %add3A_400, %mul3A_399 : i32
          %get3A_402 = arith.index_cast %add3A_401 : i32 to index
          %get3A_403 = tpu.vector_load %arg6[%get3A_402] {strides = array<i32>} : memref<16384xi32, #tpu.memory_space<vmem>>, vector<16xi32>,
          %mul3A_404 = arith.constant 16 : i32
          %mul3A_405 = arith.muli %scan3A_80, %mul3A_404 : i32
          %add3A_406 = arith.constant 13824 : i32
          %add3A_407 = arith.addi %add3A_406, %mul3A_405 : i32
          %get3A_408 = arith.index_cast %add3A_407 : i32 to index
          %get3A_409 = tpu.vector_load %arg6[%get3A_408] {strides = array<i32>} : memref<16384xi32, #tpu.memory_space<vmem>>, vector<16xi32>,
          %mul3A_410 = arith.constant 16 : i32
          %mul3A_411 = arith.muli %scan3A_80, %mul3A_410 : i32
          %add3A_412 = arith.constant 14080 : i32
          %add3A_413 = arith.addi %add3A_412, %mul3A_411 : i32
          %get3A_414 = arith.index_cast %add3A_413 : i32 to index
          %get3A_415 = tpu.vector_load %arg6[%get3A_414] {strides = array<i32>} : memref<16384xi32, #tpu.memory_space<vmem>>, vector<16xi32>,
          %mul3A_416 = arith.constant 16 : i32
          %mul3A_417 = arith.muli %scan3A_80, %mul3A_416 : i32
          %add3A_418 = arith.constant 14336 : i32
          %add3A_419 = arith.addi %add3A_418, %mul3A_417 : i32
          %get3A_420 = arith.index_cast %add3A_419 : i32 to index
          %get3A_421 = tpu.vector_load %arg6[%get3A_420] {strides = array<i32>} : memref<16384xi32, #tpu.memory_space<vmem>>, vector<16xi32>,
          %mul3A_422 = arith.constant 16 : i32
          %mul3A_423 = arith.muli %scan3A_80, %mul3A_422 : i32
          %add3A_424 = arith.constant 14592 : i32
          %add3A_425 = arith.addi %add3A_424, %mul3A_423 : i32
          %get3A_426 = arith.index_cast %add3A_425 : i32 to index
          %get3A_427 = tpu.vector_load %arg6[%get3A_426] {strides = array<i32>} : memref<16384xi32, #tpu.memory_space<vmem>>, vector<16xi32>,
          %mul3A_428 = arith.constant 16 : i32
          %mul3A_429 = arith.muli %scan3A_80, %mul3A_428 : i32
          %add3A_430 = arith.constant 14848 : i32
          %add3A_431 = arith.addi %add3A_430, %mul3A_429 : i32
          %get3A_432 = arith.index_cast %add3A_431 : i32 to index
          %get3A_433 = tpu.vector_load %arg6[%get3A_432] {strides = array<i32>} : memref<16384xi32, #tpu.memory_space<vmem>>, vector<16xi32>,
          %mul3A_434 = arith.constant 16 : i32
          %mul3A_435 = arith.muli %scan3A_80, %mul3A_434 : i32
          %add3A_436 = arith.constant 15104 : i32
          %add3A_437 = arith.addi %add3A_436, %mul3A_435 : i32
          %get3A_438 = arith.index_cast %add3A_437 : i32 to index
          %get3A_439 = tpu.vector_load %arg6[%get3A_438] {strides = array<i32>} : memref<16384xi32, #tpu.memory_space<vmem>>, vector<16xi32>,
          %mul3A_440 = arith.constant 16 : i32
          %mul3A_441 = arith.muli %scan3A_80, %mul3A_440 : i32
          %add3A_442 = arith.constant 15360 : i32
          %add3A_443 = arith.addi %add3A_442, %mul3A_441 : i32
          %get3A_444 = arith.index_cast %add3A_443 : i32 to index
          %get3A_445 = tpu.vector_load %arg6[%get3A_444] {strides = array<i32>} : memref<16384xi32, #tpu.memory_space<vmem>>, vector<16xi32>,
          %mul3A_446 = arith.constant 16 : i32
          %mul3A_447 = arith.muli %scan3A_80, %mul3A_446 : i32
          %add3A_448 = arith.constant 15616 : i32
          %add3A_449 = arith.addi %add3A_448, %mul3A_447 : i32
          %get3A_450 = arith.index_cast %add3A_449 : i32 to index
          %get3A_451 = tpu.vector_load %arg6[%get3A_450] {strides = array<i32>} : memref<16384xi32, #tpu.memory_space<vmem>>, vector<16xi32>,
          %mul3A_452 = arith.constant 16 : i32
          %mul3A_453 = arith.muli %scan3A_80, %mul3A_452 : i32
          %add3A_454 = arith.constant 15872 : i32
          %add3A_455 = arith.addi %add3A_454, %mul3A_453 : i32
          %get3A_456 = arith.index_cast %add3A_455 : i32 to index
          %get3A_457 = tpu.vector_load %arg6[%get3A_456] {strides = array<i32>} : memref<16384xi32, #tpu.memory_space<vmem>>, vector<16xi32>,
          %mul3A_458 = arith.constant 16 : i32
          %mul3A_459 = arith.muli %scan3A_80, %mul3A_458 : i32
          %add3A_460 = arith.constant 16128 : i32
          %add3A_461 = arith.addi %add3A_460, %mul3A_459 : i32
          %get3A_462 = arith.index_cast %add3A_461 : i32 to index
          %get3A_463 = tpu.vector_load %arg6[%get3A_462] {strides = array<i32>} : memref<16384xi32, #tpu.memory_space<vmem>>, vector<16xi32>,
          %add3A_464 = arith.addi %get3A_85, %get3A_91 : vector<16xi32>
          %add3A_465 = arith.addi %get3A_97, %get3A_103 : vector<16xi32>
          %add3A_466 = arith.addi %get3A_109, %get3A_115 : vector<16xi32>
          %add3A_467 = arith.addi %get3A_121, %get3A_127 : vector<16xi32>
          %add3A_468 = arith.addi %get3A_133, %get3A_139 : vector<16xi32>
          %add3A_469 = arith.addi %get3A_145, %get3A_151 : vector<16xi32>
          %add3A_470 = arith.addi %get3A_157, %get3A_163 : vector<16xi32>
          %add3A_471 = arith.addi %get3A_169, %get3A_175 : vector<16xi32>
          %add3A_472 = arith.addi %get3A_181, %get3A_187 : vector<16xi32>
          %add3A_473 = arith.addi %get3A_193, %get3A_199 : vector<16xi32>
          %add3A_474 = arith.addi %get3A_205, %get3A_211 : vector<16xi32>
          %add3A_475 = arith.addi %get3A_217, %get3A_223 : vector<16xi32>
          %add3A_476 = arith.addi %get3A_229, %get3A_235 : vector<16xi32>
          %add3A_477 = arith.addi %get3A_241, %get3A_247 : vector<16xi32>
          %add3A_478 = arith.addi %get3A_253, %get3A_259 : vector<16xi32>
          %add3A_479 = arith.addi %get3A_265, %get3A_271 : vector<16xi32>
          %add3A_480 = arith.addi %get3A_277, %get3A_283 : vector<16xi32>
          %add3A_481 = arith.addi %get3A_289, %get3A_295 : vector<16xi32>
          %add3A_482 = arith.addi %get3A_301, %get3A_307 : vector<16xi32>
          %add3A_483 = arith.addi %get3A_313, %get3A_319 : vector<16xi32>
          %add3A_484 = arith.addi %get3A_325, %get3A_331 : vector<16xi32>
          %add3A_485 = arith.addi %get3A_337, %get3A_343 : vector<16xi32>
          %add3A_486 = arith.addi %get3A_349, %get3A_355 : vector<16xi32>
          %add3A_487 = arith.addi %get3A_361, %get3A_367 : vector<16xi32>
          %add3A_488 = arith.addi %get3A_373, %get3A_379 : vector<16xi32>
          %add3A_489 = arith.addi %get3A_385, %get3A_391 : vector<16xi32>
          %add3A_490 = arith.addi %get3A_397, %get3A_403 : vector<16xi32>
          %add3A_491 = arith.addi %get3A_409, %get3A_415 : vector<16xi32>
          %add3A_492 = arith.addi %get3A_421, %get3A_427 : vector<16xi32>
          %add3A_493 = arith.addi %get3A_433, %get3A_439 : vector<16xi32>
          %add3A_494 = arith.addi %get3A_445, %get3A_451 : vector<16xi32>
          %add3A_495 = arith.addi %get3A_457, %get3A_463 : vector<16xi32>
          %add3A_496 = arith.addi %add3A_464, %add3A_465 : vector<16xi32>
          %add3A_497 = arith.addi %add3A_466, %add3A_467 : vector<16xi32>
          %add3A_498 = arith.addi %add3A_468, %add3A_469 : vector<16xi32>
          %add3A_499 = arith.addi %add3A_470, %add3A_471 : vector<16xi32>
          %add3A_500 = arith.addi %add3A_472, %add3A_473 : vector<16xi32>
          %add3A_501 = arith.addi %add3A_474, %add3A_475 : vector<16xi32>
          %add3A_502 = arith.addi %add3A_476, %add3A_477 : vector<16xi32>
          %add3A_503 = arith.addi %add3A_478, %add3A_479 : vector<16xi32>
          %add3A_504 = arith.addi %add3A_480, %add3A_481 : vector<16xi32>
          %add3A_505 = arith.addi %add3A_482, %add3A_483 : vector<16xi32>
          %add3A_506 = arith.addi %add3A_484, %add3A_485 : vector<16xi32>
          %add3A_507 = arith.addi %add3A_486, %add3A_487 : vector<16xi32>
          %add3A_508 = arith.addi %add3A_488, %add3A_489 : vector<16xi32>
          %add3A_509 = arith.addi %add3A_490, %add3A_491 : vector<16xi32>
          %add3A_510 = arith.addi %add3A_492, %add3A_493 : vector<16xi32>
          %add3A_511 = arith.addi %add3A_494, %add3A_495 : vector<16xi32>
          %add3A_512 = arith.addi %add3A_496, %add3A_497 : vector<16xi32>
          %add3A_513 = arith.addi %add3A_498, %add3A_499 : vector<16xi32>
          %add3A_514 = arith.addi %add3A_500, %add3A_501 : vector<16xi32>
          %add3A_515 = arith.addi %add3A_502, %add3A_503 : vector<16xi32>
          %add3A_516 = arith.addi %add3A_504, %add3A_505 : vector<16xi32>
          %add3A_517 = arith.addi %add3A_506, %add3A_507 : vector<16xi32>
          %add3A_518 = arith.addi %add3A_508, %add3A_509 : vector<16xi32>
          %add3A_519 = arith.addi %add3A_510, %add3A_511 : vector<16xi32>
          %add3A_520 = arith.addi %add3A_512, %add3A_513 : vector<16xi32>
          %add3A_521 = arith.addi %add3A_514, %add3A_515 : vector<16xi32>
          %add3A_522 = arith.addi %add3A_516, %add3A_517 : vector<16xi32>
          %add3A_523 = arith.addi %add3A_518, %add3A_519 : vector<16xi32>
          %add3A_524 = arith.addi %add3A_520, %add3A_521 : vector<16xi32>
          %add3A_525 = arith.addi %add3A_522, %add3A_523 : vector<16xi32>
          %add3A_526 = arith.addi %add3A_524, %add3A_525 : vector<16xi32>
          %mul3A_527 = arith.constant 16 : i32
          %mul3A_528 = arith.muli %scan3A_80, %mul3A_527 : i32
          %swap3A = arith.index_cast %mul3A_528 : i32 to index
          %swap3A_529 = tpu.vector_load %arg7[%swap3A] {strides = array<i32>} : memref<256xi32, #tpu.memory_space<vmem>>, vector<16xi32>,
          tpu.vector_store %arg7[%swap3A], %add3A_526 {strides = array<i32>} : memref<256xi32, #tpu.memory_space<vmem>>, vector<16xi32>,
        }
        %scan3A_79 = arith.constant 16 : i32
        "tpu.region"() ({
          %run_scoped3A = tpu.sem_alloc : memref<!tpu.dma_semaphore, #tpu.memory_space<semaphore_mem>>
          %dma_start3A_80 = arith.constant 0 : i32
          %dma_start3A_81 = tpu.memref_slice %arg3[%scan3A_19, %add3A, %dma_start3A_80] : memref<19x32x256xi32, #tpu.memory_space<hbm>> -> memref<1x1x256xi32, #tpu.memory_space<hbm>>
          %dma_start3A_82 = tpu.memref_squeeze %dma_start3A_81 : memref<1x1x256xi32, #tpu.memory_space<hbm>> -> memref<256xi32, #tpu.memory_space<hbm>>
          %dma_start3A_83 = arith.constant 0 : i32
          %dma_start3A_84 = tpu.memref_slice %arg3[%scan3A_19, %add3A, %dma_start3A_83] : memref<19x32x256xi32, #tpu.memory_space<hbm>> -> memref<1x1x256xi32, #tpu.memory_space<hbm>>
          %dma_start3A_85 = tpu.memref_squeeze %dma_start3A_84 : memref<1x1x256xi32, #tpu.memory_space<hbm>> -> memref<256xi32, #tpu.memory_space<hbm>>
          tpu.enqueue_dma source(%arg7 : memref<256xi32, #tpu.memory_space<vmem>>) target(%dma_start3A_85 : memref<256xi32, #tpu.memory_space<hbm>>) target_semaphore(%run_scoped3A : memref<!tpu.dma_semaphore, #tpu.memory_space<semaphore_mem>>)
          %dma_wait3A_86 = arith.constant 0 : i32
          %dma_wait3A_87 = tpu.memref_slice %arg3[%scan3A_19, %add3A, %dma_wait3A_86] : memref<19x32x256xi32, #tpu.memory_space<hbm>> -> memref<1x1x256xi32, #tpu.memory_space<hbm>>
          %dma_wait3A_88 = tpu.memref_squeeze %dma_wait3A_87 : memref<1x1x256xi32, #tpu.memory_space<hbm>> -> memref<256xi32, #tpu.memory_space<hbm>>
          %dma_wait3A_89 = arith.constant 0 : i32
          %dma_wait3A_90 = tpu.memref_slice %arg3[%scan3A_19, %add3A, %dma_wait3A_89] : memref<19x32x256xi32, #tpu.memory_space<hbm>> -> memref<1x1x256xi32, #tpu.memory_space<hbm>>
          %dma_wait3A_91 = tpu.memref_squeeze %dma_wait3A_90 : memref<1x1x256xi32, #tpu.memory_space<hbm>> -> memref<256xi32, #tpu.memory_space<hbm>>
          tpu.wait_dma2 semaphore(%run_scoped3A : memref<!tpu.dma_semaphore, #tpu.memory_space<semaphore_mem>>) src(%arg7 : memref<256xi32, #tpu.memory_space<vmem>>) dst(%dma_wait3A_91 : memref<256xi32, #tpu.memory_space<hbm>>)
          tpu.yield
        }) : () -> ()
      } else {
      }
    }
    %scan3A_18 = arith.constant 19 : i32
    return
  }
}

module attributes {stable_mosaic.version = 14 : i64} {
  func.func @_finish_body(%arg0: memref<19x32x256xi32, #tpu.memory_space<vmem>>, %arg1: memref<1x1xf32, #tpu.memory_space<vmem>>) attributes {dimension_semantics = [], scalar_prefetch = 0 : i64, scratch_operands = 0 : i64, tpu.core_type = #tpu.core_type<tc>} {
    %get3A = arith.constant 0 : index
    %get3A_0 = arith.constant 0 : index
    %get3A_1 = arith.constant 0 : index
    %get3A_2 = vector.load %arg0[%get3A, %get3A_0, %get3A_1] : memref<19x32x256xi32, #tpu.memory_space<vmem>>, vector<19x32x256xi32>
    %convert_element_type3A = arith.sitofp %get3A_2 : vector<19x32x256xi32> to vector<19x32x256xf32>
    %reduce_sum3A = arith.constant dense<0.000000e+00> : vector<19x256xf32>
    %reduce_sum3A_3 = vector.multi_reduction <add>, %convert_element_type3A, %reduce_sum3A [1] : vector<19x32x256xf32> to vector<19x256xf32>
    %slice3A = vector.extract_strided_slice %reduce_sum3A_3 {offsets = [0, 0], sizes = [19, 128], strides = [1, 1]} : vector<19x256xf32> to vector<19x128xf32>
    %slice3A_4 = vector.extract_strided_slice %reduce_sum3A_3 {offsets = [0, 128], sizes = [19, 128], strides = [1, 1]} : vector<19x256xf32> to vector<19x128xf32>
    %add3A = arith.addf %slice3A, %slice3A_4 : vector<19x128xf32>
    %slice3A_5 = vector.extract_strided_slice %reduce_sum3A_3 {offsets = [0, 128], sizes = [19, 128], strides = [1, 1]} : vector<19x256xf32> to vector<19x128xf32>
    %iota3A = tpu.iota {dimensions = array<i32: 0>} : vector<128x128xi32>
    %iota3A_6 = tpu.iota {dimensions = array<i32: 1>} : vector<128x128xi32>
    %lt3A = arith.cmpi slt, %iota3A, %iota3A_6 : vector<128x128xi32>
    %convert_element_type3A_7 = arith.extui %lt3A : vector<128x128xi1> to vector<128x128xi32>
    %convert_element_type3A_8 = arith.sitofp %convert_element_type3A_7 : vector<128x128xi32> to vector<128x128xf32>
    %dot_general3A = arith.constant dense<0.000000e+00> : vector<19x128xf32>
    %dot_general3A_9 = tpu.matmul %add3A, %convert_element_type3A_8, %dot_general3A {dimension_numbers = #tpu.dot_dimension_numbers<[1], [0], [0], [1], [0, 0, 1, 1], [], []>, transpose_lhs_hint = false} : vector<19x128xf32>, vector<128x128xf32>, vector<19x128xf32> -> vector<19x128xf32>
    %dot_general3A_10 = arith.constant dense<0.000000e+00> : vector<19x128xf32>
    %dot_general3A_11 = tpu.matmul %slice3A_5, %convert_element_type3A_8, %dot_general3A_10 {dimension_numbers = #tpu.dot_dimension_numbers<[1], [0], [0], [1], [0, 0, 1, 1], [], []>, transpose_lhs_hint = false} : vector<19x128xf32>, vector<128x128xf32>, vector<19x128xf32> -> vector<19x128xf32>
    %reduce_sum3A_12 = arith.constant dense<0.000000e+00> : vector<19xf32>
    %reduce_sum3A_13 = vector.multi_reduction <add>, %add3A, %reduce_sum3A_12 [1] : vector<19x128xf32> to vector<19xf32>
    %broadcast_in_dim3A = vector.shape_cast %reduce_sum3A_13 : vector<19xf32> to vector<19x1xf32>
    %reduce_sum3A_14 = arith.constant dense<0.000000e+00> : vector<19xf32>
    %reduce_sum3A_15 = vector.multi_reduction <add>, %slice3A_5, %reduce_sum3A_14 [1] : vector<19x128xf32> to vector<19xf32>
    %broadcast_in_dim3A_16 = vector.shape_cast %reduce_sum3A_15 : vector<19xf32> to vector<19x1xf32>
    %sub3A = vector.broadcast %broadcast_in_dim3A : vector<19x1xf32> to vector<19x128xf32>
    %sub3A_17 = arith.subf %sub3A, %dot_general3A_9 : vector<19x128xf32>
    %sub3A_18 = vector.broadcast %broadcast_in_dim3A_16 : vector<19x1xf32> to vector<19x128xf32>
    %sub3A_19 = arith.subf %sub3A_18, %dot_general3A_11 : vector<19x128xf32>
    %add3A_20 = vector.broadcast %broadcast_in_dim3A_16 : vector<19x1xf32> to vector<19x128xf32>
    %add3A_21 = arith.addf %add3A_20, %sub3A_17 : vector<19x128xf32>
    %sub3A_22 = arith.subf %add3A_21, %sub3A_19 : vector<19x128xf32>
    %gt3A = arith.constant 5.000000e-01 : f32
    %gt3A_23 = vector.broadcast %gt3A : f32 to vector<19x128xf32>
    %gt3A_24 = arith.cmpf ogt, %sub3A_17, %gt3A_23 : vector<19x128xf32>
    %sub3A_25 = vector.broadcast %broadcast_in_dim3A_16 : vector<19x1xf32> to vector<19x128xf32>
    %sub3A_26 = arith.subf %sub3A_25, %sub3A_19 : vector<19x128xf32>
    %max3A = arith.constant 1.000000e+00 : f32
    %max3A_27 = vector.broadcast %max3A : f32 to vector<19x128xf32>
    %max3A_28 = arith.maximumf %sub3A_22, %max3A_27 : vector<19x128xf32>
    %div3A = arith.divf %sub3A_26, %max3A_28 : vector<19x128xf32>
    %sub3A_29 = arith.constant 1.000000e+00 : f32
    %sub3A_30 = vector.broadcast %sub3A_29 : f32 to vector<19x128xf32>
    %sub3A_31 = arith.subf %sub3A_30, %div3A : vector<19x128xf32>
    %jit3A = arith.constant 0.000000e+00 : f32
    %broadcast_in_dim3A_32 = vector.broadcast %jit3A : f32 to vector<19x128xf32>
    %select_n3A = arith.select %gt3A_24, %sub3A_31, %broadcast_in_dim3A_32 : vector<19x128xi1>, vector<19x128xf32>
    %reduce_sum3A_33 = vector.shape_cast %select_n3A : vector<19x128xf32> to vector<1x19x128xf32>
    %reduce_sum3A_34 = arith.constant dense<0.000000e+00> : vector<1xf32>
    %reduce_sum3A_35 = vector.multi_reduction <add>, %reduce_sum3A_33, %reduce_sum3A_34 [1, 2] : vector<1x19x128xf32> to vector<1xf32>
    %reduce_sum3A_36 = vector.shape_cast %reduce_sum3A_35 : vector<1xf32> to vector<1x1x1xf32>
    %reduce_sum3A_37 = vector.extract %reduce_sum3A_36[0, 0, 0] : f32 from vector<1x1x1xf32>
    %sub3A_38 = arith.constant 9.500000e+00 : f32
    %sub3A_39 = arith.subf %reduce_sum3A_37, %sub3A_38 : f32
    %div3A_40 = arith.constant 2.432000e+03 : f32
    %div3A_41 = arith.divf %sub3A_39, %div3A_40 : f32
    %reshape3A = vector.broadcast %div3A_41 : f32 to vector<1x1xf32>
    %swap3A = arith.constant 0 : index
    %swap3A_42 = arith.constant 0 : index
    %swap3A_43 = vector.load %arg1[%swap3A, %swap3A_42] : memref<1x1xf32, #tpu.memory_space<vmem>>, vector<1x1xf32>
    tpu.vector_store %arg1[%swap3A, %swap3A_42], %reshape3A {strides = array<i32>} : memref<1x1xf32, #tpu.memory_space<vmem>>, vector<1x1xf32>,
    return
  }
}

module attributes {stable_mosaic.version = 14 : i64} {
  func.func @_keys_body(%arg0: i32, %arg1: i32, %arg2: memref<1x19x16x512xf32, #tpu.memory_space<vmem>>, %arg3: memref<1x16x512xi32, #tpu.memory_space<vmem>>, %arg4: memref<19x16x512xi32, #tpu.memory_space<vmem>>) attributes {dimension_semantics = [#tpu.dimension_semantics<parallel>, #tpu.dimension_semantics<parallel>], iteration_bounds = array<i64: 2, 32>, scalar_prefetch = 0 : i64, scratch_operands = 0 : i64, tpu.core_type = #tpu.core_type<tc>, window_params = [{transform_indices = @transform_0, window_bounds = array<i64: 1, 19, 16, 512>}, {transform_indices = @transform_1, window_bounds = array<i64: 1, 16, 512>}, {transform_indices = @transform_2, window_bounds = array<i64: 19, 16, 512>}]} {
    %get3A = arith.constant 0 : index
    %get3A_0 = arith.constant 0 : index
    %get3A_1 = arith.constant 0 : index
    %get3A_2 = arith.constant 0 : index
    %get3A_3 = vector.load %arg2[%get3A, %get3A_0, %get3A_1, %get3A_2] : memref<1x19x16x512xf32, #tpu.memory_space<vmem>>, vector<1x19x16x512xf32>
    %get3A_4 = vector.shape_cast %get3A_3 : vector<1x19x16x512xf32> to vector<19x16x512xf32>
    %reduce_max3A = arith.constant dense<0xFF800000> : vector<16x512xf32>
    %reduce_max3A_5 = vector.multi_reduction <maximumf>, %get3A_4, %reduce_max3A [0] : vector<19x16x512xf32> to vector<16x512xf32>
    %broadcast_in_dim3A = vector.shape_cast %reduce_max3A_5 : vector<16x512xf32> to vector<1x16x512xf32>
    %sub3A = vector.broadcast %broadcast_in_dim3A : vector<1x16x512xf32> to vector<19x16x512xf32>
    %sub3A_6 = arith.subf %get3A_4, %sub3A : vector<19x16x512xf32>
    %exp3A = math.exp %sub3A_6 : vector<19x16x512xf32>
    %reduce_sum3A = arith.constant dense<0.000000e+00> : vector<16x512xf32>
    %reduce_sum3A_7 = vector.multi_reduction <add>, %exp3A, %reduce_sum3A [0] : vector<19x16x512xf32> to vector<16x512xf32>
    %broadcast_in_dim3A_8 = vector.shape_cast %reduce_sum3A_7 : vector<16x512xf32> to vector<1x16x512xf32>
    %div3A = vector.broadcast %broadcast_in_dim3A_8 : vector<1x16x512xf32> to vector<19x16x512xf32>
    %div3A_9 = arith.divf %exp3A, %div3A : vector<19x16x512xf32>
    %get3A_10 = arith.constant 0 : index
    %get3A_11 = arith.constant 0 : index
    %get3A_12 = arith.constant 0 : index
    %get3A_13 = vector.load %arg3[%get3A_10, %get3A_11, %get3A_12] : memref<1x16x512xi32, #tpu.memory_space<vmem>>, vector<1x16x512xi32>
    %iota3A = tpu.iota {dimensions = array<i32: 0>} : vector<19x1x1xi32>
    %eq3A = vector.broadcast %get3A_13 : vector<1x16x512xi32> to vector<19x16x512xi32>
    %eq3A_14 = vector.broadcast %iota3A : vector<19x1x1xi32> to vector<19x16x512xi32>
    %eq3A_15 = arith.cmpi eq, %eq3A, %eq3A_14 : vector<19x16x512xi32>
    %sub3A_16 = arith.constant 1.000000e+00 : f32
    %sub3A_17 = vector.broadcast %sub3A_16 : f32 to vector<19x16x512xf32>
    %sub3A_18 = arith.subf %sub3A_17, %div3A_9 : vector<19x16x512xf32>
    %select_n3A = arith.select %eq3A_15, %sub3A_18, %div3A_9 : vector<19x16x512xi1>, vector<19x16x512xf32>
    %mul3A = arith.constant 1.280000e+02 : f32
    %mul3A_19 = vector.broadcast %mul3A : f32 to vector<19x16x512xf32>
    %mul3A_20 = arith.mulf %select_n3A, %mul3A_19 : vector<19x16x512xf32>
    %convert_element_type3A = arith.fptosi %mul3A_20 : vector<19x16x512xf32> to vector<19x16x512xi32>
    %min3A = arith.constant 127 : i32
    %min3A_21 = vector.broadcast %min3A : i32 to vector<19x16x512xi32>
    %min3A_22 = arith.minsi %convert_element_type3A, %min3A_21 : vector<19x16x512xi32>
    %add3A = arith.constant 128 : i32
    %add3A_23 = vector.broadcast %add3A : i32 to vector<19x16x512xi32>
    %add3A_24 = arith.addi %min3A_22, %add3A_23 : vector<19x16x512xi32>
    %select_n3A_25 = arith.select %eq3A_15, %add3A_24, %min3A_22 : vector<19x16x512xi1>, vector<19x16x512xi32>
    %swap3A = arith.constant 0 : index
    %swap3A_26 = arith.constant 0 : index
    %swap3A_27 = arith.constant 0 : index
    %swap3A_28 = vector.load %arg4[%swap3A, %swap3A_26, %swap3A_27] : memref<19x16x512xi32, #tpu.memory_space<vmem>>, vector<19x16x512xi32>
    tpu.vector_store %arg4[%swap3A, %swap3A_26, %swap3A_27], %select_n3A_25 {strides = array<i32>} : memref<19x16x512xi32, #tpu.memory_space<vmem>>, vector<19x16x512xi32>,
    return
  }
  func.func @transform_0(%arg0: i32, %arg1: i32) -> (i32, i32, i32, i32) {
    %add3A = arith.constant 0 : i32
    %add3A_0 = arith.addi %add3A, %arg0 : i32
    %c0_i32 = arith.constant 0 : i32
    %c0_i32_1 = arith.constant 0 : i32
    %c0_i32_2 = arith.constant 0 : i32
    return %add3A_0, %c0_i32, %arg1, %c0_i32_1 : i32, i32, i32, i32
  }
  func.func @transform_1(%arg0: i32, %arg1: i32) -> (i32, i32, i32) {
    %add3A = arith.constant 0 : i32
    %add3A_0 = arith.addi %add3A, %arg0 : i32
    %c0_i32 = arith.constant 0 : i32
    %c0_i32_1 = arith.constant 0 : i32
    return %add3A_0, %arg1, %c0_i32 : i32, i32, i32
  }
  func.func @transform_2(%arg0: i32, %arg1: i32) -> (i32, i32, i32) {
    %mul3A = arith.constant 32 : i32
    %mul3A_0 = arith.muli %arg0, %mul3A : i32
    %add3A = arith.addi %mul3A_0, %arg1 : i32
    %c0_i32 = arith.constant 0 : i32
    %c0_i32_1 = arith.constant 0 : i32
    %c0_i32_2 = arith.constant 0 : i32
    return %c0_i32, %add3A, %c0_i32_1 : i32, i32, i32
  }
}

module attributes {stable_mosaic.version = 14 : i64} {
  func.func @_keys_body(%arg0: i32, %arg1: i32, %arg2: memref<1x19x16x512xf32, #tpu.memory_space<vmem>>, %arg3: memref<1x16x512xi32, #tpu.memory_space<vmem>>, %arg4: memref<19x16x512xi32, #tpu.memory_space<vmem>>) attributes {dimension_semantics = [#tpu.dimension_semantics<parallel>, #tpu.dimension_semantics<parallel>], iteration_bounds = array<i64: 2, 32>, scalar_prefetch = 0 : i64, scratch_operands = 0 : i64, tpu.core_type = #tpu.core_type<tc>, window_params = [{transform_indices = @transform_0, window_bounds = array<i64: 1, 19, 16, 512>}, {transform_indices = @transform_1, window_bounds = array<i64: 1, 16, 512>}, {transform_indices = @transform_2, window_bounds = array<i64: 19, 16, 512>}]} {
    %get3A = arith.constant 0 : index
    %get3A_0 = arith.constant 0 : index
    %get3A_1 = arith.constant 0 : index
    %get3A_2 = arith.constant 0 : index
    %get3A_3 = vector.load %arg2[%get3A, %get3A_0, %get3A_1, %get3A_2] : memref<1x19x16x512xf32, #tpu.memory_space<vmem>>, vector<1x19x16x512xf32>
    %get3A_4 = vector.shape_cast %get3A_3 : vector<1x19x16x512xf32> to vector<19x16x512xf32>
    %reduce_max3A = arith.constant dense<0xFF800000> : vector<16x512xf32>
    %reduce_max3A_5 = vector.multi_reduction <maximumf>, %get3A_4, %reduce_max3A [0] : vector<19x16x512xf32> to vector<16x512xf32>
    %broadcast_in_dim3A = vector.shape_cast %reduce_max3A_5 : vector<16x512xf32> to vector<1x16x512xf32>
    %sub3A = vector.broadcast %broadcast_in_dim3A : vector<1x16x512xf32> to vector<19x16x512xf32>
    %sub3A_6 = arith.subf %get3A_4, %sub3A : vector<19x16x512xf32>
    %exp3A = math.exp %sub3A_6 : vector<19x16x512xf32>
    %reduce_sum3A = arith.constant dense<0.000000e+00> : vector<16x512xf32>
    %reduce_sum3A_7 = vector.multi_reduction <add>, %exp3A, %reduce_sum3A [0] : vector<19x16x512xf32> to vector<16x512xf32>
    %broadcast_in_dim3A_8 = vector.shape_cast %reduce_sum3A_7 : vector<16x512xf32> to vector<1x16x512xf32>
    %div3A = vector.broadcast %broadcast_in_dim3A_8 : vector<1x16x512xf32> to vector<19x16x512xf32>
    %div3A_9 = arith.divf %exp3A, %div3A : vector<19x16x512xf32>
    %get3A_10 = arith.constant 0 : index
    %get3A_11 = arith.constant 0 : index
    %get3A_12 = arith.constant 0 : index
    %get3A_13 = vector.load %arg3[%get3A_10, %get3A_11, %get3A_12] : memref<1x16x512xi32, #tpu.memory_space<vmem>>, vector<1x16x512xi32>
    %iota3A = tpu.iota {dimensions = array<i32: 0>} : vector<19x1x1xi32>
    %eq3A = vector.broadcast %get3A_13 : vector<1x16x512xi32> to vector<19x16x512xi32>
    %eq3A_14 = vector.broadcast %iota3A : vector<19x1x1xi32> to vector<19x16x512xi32>
    %eq3A_15 = arith.cmpi eq, %eq3A, %eq3A_14 : vector<19x16x512xi32>
    %sub3A_16 = arith.constant 1.000000e+00 : f32
    %sub3A_17 = vector.broadcast %sub3A_16 : f32 to vector<19x16x512xf32>
    %sub3A_18 = arith.subf %sub3A_17, %div3A_9 : vector<19x16x512xf32>
    %select_n3A = arith.select %eq3A_15, %sub3A_18, %div3A_9 : vector<19x16x512xi1>, vector<19x16x512xf32>
    %mul3A = arith.constant 1.280000e+02 : f32
    %mul3A_19 = vector.broadcast %mul3A : f32 to vector<19x16x512xf32>
    %mul3A_20 = arith.mulf %select_n3A, %mul3A_19 : vector<19x16x512xf32>
    %convert_element_type3A = arith.fptosi %mul3A_20 : vector<19x16x512xf32> to vector<19x16x512xi32>
    %min3A = arith.constant 127 : i32
    %min3A_21 = vector.broadcast %min3A : i32 to vector<19x16x512xi32>
    %min3A_22 = arith.minsi %convert_element_type3A, %min3A_21 : vector<19x16x512xi32>
    %add3A = arith.constant 128 : i32
    %add3A_23 = vector.broadcast %add3A : i32 to vector<19x16x512xi32>
    %add3A_24 = arith.addi %min3A_22, %add3A_23 : vector<19x16x512xi32>
    %select_n3A_25 = arith.select %eq3A_15, %add3A_24, %min3A_22 : vector<19x16x512xi1>, vector<19x16x512xi32>
    %swap3A = arith.constant 0 : index
    %swap3A_26 = arith.constant 0 : index
    %swap3A_27 = arith.constant 0 : index
    %swap3A_28 = vector.load %arg4[%swap3A, %swap3A_26, %swap3A_27] : memref<19x16x512xi32, #tpu.memory_space<vmem>>, vector<19x16x512xi32>
    tpu.vector_store %arg4[%swap3A, %swap3A_26, %swap3A_27], %select_n3A_25 {strides = array<i32>} : memref<19x16x512xi32, #tpu.memory_space<vmem>>, vector<19x16x512xi32>,
    return
  }
  func.func @transform_0(%arg0: i32, %arg1: i32) -> (i32, i32, i32, i32) {
    %add3A = arith.constant 2 : i32
    %add3A_0 = arith.addi %add3A, %arg0 : i32
    %c0_i32 = arith.constant 0 : i32
    %c0_i32_1 = arith.constant 0 : i32
    %c0_i32_2 = arith.constant 0 : i32
    return %add3A_0, %c0_i32, %arg1, %c0_i32_1 : i32, i32, i32, i32
  }
  func.func @transform_1(%arg0: i32, %arg1: i32) -> (i32, i32, i32) {
    %add3A = arith.constant 2 : i32
    %add3A_0 = arith.addi %add3A, %arg0 : i32
    %c0_i32 = arith.constant 0 : i32
    %c0_i32_1 = arith.constant 0 : i32
    return %add3A_0, %arg1, %c0_i32 : i32, i32, i32
  }
  func.func @transform_2(%arg0: i32, %arg1: i32) -> (i32, i32, i32) {
    %mul3A = arith.constant 32 : i32
    %mul3A_0 = arith.muli %arg0, %mul3A : i32
    %add3A = arith.addi %mul3A_0, %arg1 : i32
    %c0_i32 = arith.constant 0 : i32
    %c0_i32_1 = arith.constant 0 : i32
    %c0_i32_2 = arith.constant 0 : i32
    return %c0_i32, %add3A, %c0_i32_1 : i32, i32, i32
  }
}

</mosaic_0001>

<sc_bundles>
// kernel: kernel.10.cloned.1.call-start
scs
__scs_entry_jumppad:
0x0: {  	(pc) =	sbr.rel $0x88, $3  }
0x1: {  	(tag) =	ssettag $0x0;
	lr =	simm.s32 $0x1  }
0x2: {  	[smem:$0x3F9F] =	sst lr;
	_ =	strace $0xD0000000  }
0x3: {  	_ = 	snop  }
0x4: {  	_ = 	snop  }
0x5: {  	_ = 	snop  }
0x6: {  	_ = 	snop  }
0x7: {  	_ = 	snop  }
__scs_overlays_trampoline_lowered:
0x8: {  	[smem:$0x3FAE] =	sst s0  }
0x9: {  	[smem:$0x3FAF] =	sst s1  }
0xa: {  	[smem:$0x3FB0] =	sst s2  }
0xb: {  	[smem:$0x3FB1] =	sst s3  }
0xc: {  	[smem:$0x3FB2] =	sst s4  }
0xd: {  	[smem:$0x3FB3] =	sst s5  }
0xe: {  	[smem:$0x3FB4] =	sst s6  }
0xf: {  	[smem:$0x3FB5] =	sst s7  }
0x10: {  	[smem:$0x3FB6] =	sst s8  }
0x11: {  	[smem:$0x3FB7] =	sst s9;
	s0 =	simm.s32 @!p0 $0x0  }
0x12: {  	s1 =	sld [smem:$0x3F9D];
	s0 =	simm.s32 @p0 $0x1  }
0x13: {  	[smem:$0x3FB8] =	sst s0;
	s0 =	simm.s32 @!p1 $0x0  }
0x14: {  	s2 =	sld [smem:$0x3F9C];
	s0 =	simm.s32 @p1 $0x1  }
0x15: {  	[smem:$0x3FB9] =	sst s0;
	s0 =	simm.s32 @!p2 $0x0  }
0x16: {  	s3 =	sld [smem:$0x3FDB];
	s0 =	simm.s32 @p2 $0x1  }
0x17: {  	s4 =	simm.s32 $0x1BF5;
	[smem:$0x3FBB] =	sst s0  }
0x18: {  	s0 =	sld [smem:$0x3F9E];
	_ =	swait.ge [sflag:s4], $0x0  }
0x19: {  	s7 =	sld [smem:$0x3F9F]  }
0x1a: {  	s8 =	sadd.s32 $0xFFFFE003, lr  }
0x1b: {  	s9 =	sadd.s32 $0xFFFFFEF7, lr;
	s5 =	simm.s32 $0xFFFFFFFF;
	p2 =	slt.u32 s8, $0xFFFFF086  }
0x1c: {  	p1 =	slt.u32 s9, $0xF7A;
	s5 =	simm.s32 @!p2 $0x0  }
0x1d: {  	s5 =	simm.s32 @p1 $0x1;
	p0 =	seq.s32 s7, s2  }
0x1e: {  	s7 =	smul.u32 @!p0 $0xF7A, s2;
	p2 =	seq.s32 @!p0 s5, $0x0  }
0x1f: {  	s9 =	smul.u32 $0xF7A, s1;
	s8 =	simm.s32 @!p0 $0x1BF5;
	p2 =	por !p2, p0  }
0x20: {  	[sflag:s8] =	ssyncset.s32 @!p0 $0xFFFFF086;
	s6 =	sadd.s32 @!p0 s3, s7;
	s7 =	simm.s32 @!p0 $0x108  }
0x21: {  	s3 =	sadd.s32 s3, s9;
	s6 =	sadd.s32 @!p0 $0x88, s6;
	s7 =	simm.s32 @p2 $0x1082  }
0x22: {  	[simem:s7], [sflag:s8] =	dma.local @!p0 [hbm:s6], $0xF7A  }
0x23: {  	s9 =	sor.u32 $0xD0000000, s2;
	s6 =	simm.s32 $0x108;
	_ =	swait.ge @!p0 [sflag:s8], $0x0  }
0x24: {  	s3 =	sadd.s32 $0x88, s3;
	s6 =	simm.s32 @!p1 $0x1082;
	[sflag:s4] =	ssyncset.s32 $0xFFFFF086  }
0x25: {  	[simem:s6], [sflag:s4] =	dma.local [hbm:s3], $0xF7A  }
0x26: {  	[smem:$0x3F9F] =	sst s1;
	(tag) =	ssettag s2;
	_ =	strace s9  }
0x27: {  	s1 =	sld [smem:$0x3FAF]  }
0x28: {  	s2 =	sld [smem:$0x3FB0]  }
0x29: {  	s4 =	sld [smem:$0x3FB2]  }
0x2a: {  	p0 =	seq.s32 s5, $0x0;
	s5 =	sld [smem:$0x3FB3]  }
0x2b: {  	s6 =	sld [smem:$0x3FB4]  }
0x2c: {  	s7 =	sld [smem:$0x3FB5]  }
0x2d: {  	s3 =	simm.s32 $0x108;
	s8 =	sld [smem:$0x3FB6]  }
0x2e: {  	s3 =	simm.s32 @!p0 $0x1082;
	s9 =	sld [smem:$0x3FB7]  }
0x2f: {  	lr =	sadd.s32 s0, s3;
	s0 =	sld [smem:$0x3FAE]  }
0x30: {  	s3 =	sld [smem:$0x3FB1]  }
0x31: {  	[smem:$0x3FBA] =	sst s10  }
0x32: {  	s10 =	sld [smem:$0x3FB8];
	_ =	sdelay $0x3  }
0x33: {  	p0 =	seq.s32 s10, $0x1;
	s10 =	sld [smem:$0x3FBA];
	_ =	sdelay $0x3  }
0x34: {  	[smem:$0x3FBA] =	sst s10  }
0x35: {  	s10 =	sld [smem:$0x3FB9];
	_ =	sdelay $0x3  }
0x36: {  	p1 =	seq.s32 s10, $0x1;
	s10 =	sld [smem:$0x3FBA];
	_ =	sdelay $0x3  }
0x37: {  	[smem:$0x3FBA] =	sst s10  }
0x38: {  	s10 =	sld [smem:$0x3FBB]  }
0x39: {  	_ = 	snop;
	(pc) =	sbr.ind lr, $3  }
0x3a: {  	_ = 	snop  }
0x3b: {  	_ = 	snop  }
0x3c: {  	p2 =	seq.s32 s10, $0x1;
	s10 =	sld [smem:$0x3FBA]  }
0x3d: {  	_ =	shalt  }
0x3e: {  	_ =	shalt  }
0x3f: {  	_ =	shalt  }
0x40: {  	_ =	shalt  }
0x41: {  	_ =	shalt  }
0x42: {  	_ =	shalt  }
0x43: {  	_ =	shalt  }
0x44: {  	_ =	shalt  }
0x45: {  	_ =	shalt  }
0x46: {  	_ =	shalt  }
0x47: {  	_ =	shalt  }
0x48: {  	_ =	shalt  }
0x49: {  	_ =	shalt  }
0x4a: {  	_ =	shalt  }
0x4b: {  	_ =	shalt  }
0x4c: {  	_ =	shalt  }
0x4d: {  	_ =	shalt  }
0x4e: {  	_ =	shalt  }
0x4f: {  	_ =	shalt  }
0x50: {  	_ =	shalt  }
0x51: {  	_ =	shalt  }
0x52: {  	_ =	shalt  }
0x53: {  	_ =	shalt  }
0x54: {  	_ =	shalt  }
0x55: {  	_ =	shalt  }
0x56: {  	_ =	shalt  }
0x57: {  	_ =	shalt  }
0x58: {  	_ =	shalt  }
0x59: {  	_ =	shalt  }
0x5a: {  	_ =	shalt  }
0x5b: {  	_ =	shalt  }
0x5c: {  	_ =	shalt  }
0x5d: {  	_ =	shalt  }
0x5e: {  	_ =	shalt  }
0x5f: {  	_ =	shalt  }
0x60: {  	_ =	shalt  }
0x61: {  	_ =	shalt  }
0x62: {  	_ =	shalt  }
0x63: {  	_ =	shalt  }
0x64: {  	_ =	shalt  }
0x65: {  	_ =	shalt  }
0x66: {  	_ =	shalt  }
0x67: {  	_ =	shalt  }
0x68: {  	_ =	shalt  }
0x69: {  	_ =	shalt  }
0x6a: {  	_ =	shalt  }
0x6b: {  	_ =	shalt  }
0x6c: {  	_ =	shalt  }
0x6d: {  	_ =	shalt  }
0x6e: {  	_ =	shalt  }
0x6f: {  	_ =	shalt  }
0x70: {  	_ =	shalt  }
0x71: {  	_ =	shalt  }
0x72: {  	_ =	shalt  }
0x73: {  	_ =	shalt  }
0x74: {  	_ =	shalt  }
0x75: {  	_ =	shalt  }
0x76: {  	_ =	shalt  }
0x77: {  	_ =	shalt  }
0x78: {  	_ =	shalt  }
0x79: {  	_ =	shalt  }
0x7a: {  	_ =	shalt  }
0x7b: {  	_ =	shalt  }
0x7c: {  	_ =	shalt  }
0x7d: {  	_ =	shalt  }
0x7e: {  	_ =	shalt  }
0x7f: {  	_ =	shalt  }
0x80: {  	_ =	shalt  }
0x81: {  	_ =	shalt  }
0x82: {  	_ =	shalt  }
0x83: {  	_ =	shalt  }
0x84: {  	_ =	shalt  }
0x85: {  	_ =	shalt  }
0x86: {  	_ =	shalt  }
0x87: {  	_ =	shalt  }
.Lfunc_end0:
.L_simem_size_0:
called_computation.1_lowered:
.L_overlay_start_0:
0x88: {  	s2 =	sld [smem:$0x3FD9]  }
0x89: {  	s3 =	sld [smem:$0x3FFE];
	_ =	sdelay $0x1  }
0x8a: {  	s1 =	srdreg.scid  }
0x8b: {  	s0 =	sand.u32 $0x1, s1  }
0x8c: {  	s16 =	sshll.u32 s0, $0xA;
	s2 =	sadd.s32 s3, s2  }
0x8d: {  	s2 =	sadd.s32 s2, s16  }
0x8e: {  	[smem:$0x3FC6] =	sst s2  }
0x8f: {  	_ = 	snop  }
0x90: {  	(tm) =	ssettm $0x1  }
0x91: {  	s17 =	sld [smem:$0x3FFB];
	_ =	sdelay $0x3  }
0x92: {  	_ =	strace s17  }
0x93: {  	s2 =	sld [smem:$0x3FFC];
	_ =	sdelay $0x3  }
0x94: {  	_ =	strace s2  }
0x95: {  	s2 =	sld [smem:$0x3FFD];
	_ =	sdelay $0x3  }
0x96: {  	_ =	strace s2  }
0x97: {  	_ =	strace $0x8FFFFFFF  }
0x98: {  	s18 =	sld [smem:$0x3FDB];
	_ =	sdelay $0x1  }
0x99: {  	s19 =	simm.s32 $_scs_section_size  }
0x9a: {  	s4 =	simm.s32 $_size__tile_overlayer_lowered;
	s5 =	simm.s32 $_tile_overlayer_lowered  }
0x9b: {  	s22 =	simm.s32 $0x1BFF;
	s21 =	sshll.u32 s5, $0x1;
	s2 =	sadd.s32 s19, s18  }
0x9c: {  	s6 =	simm.s32 $0x0;
	s20 =	sshll.u32 s4, $0x1;
	s4 =	sadd.s32 s21, s2  }
0x9d: {  	[timem:s6], [sflag:s22] =	dma.local [hbm:s4], s20  }
0x9e: {  	_ =	swait.ge [sflag:s22], s20  }
0x9f: {  	s3 =	ssub.s32 $0x0, s20;
	[sflag:s22] =	ssyncset.done $0x0  }
0xa0: {  	[sflag:s22] =	ssyncadd.s32 s3;
	_ =	sdelay $0x1  }
0xa1: {  	s23 =	simm.s32 $0x1B8B  }
0xa2: {  	_ =	swait.ge [sflag:s23], $0x1  }
0xa3: {  	[sflag:s23] =	ssyncset.done $0x0  }
0xa4: {  	s25 =	simm.s32 $0x1B8E;
	s24 =	sld [smem:$0x3FFE];
	[sflag:s23] =	ssyncadd.s32 $0xFFFFFFFF  }
0xa5: {  	s26 =	simm.s32 $execute0_lowered;
	[smem:$0x3FD2] =	sst s25  }
0xa6: {  	s4 =	sshll.u32 s26, $0x1;
	_ =	strace $0x80000046;
	[dreg:$0x1] =	wrdreg $0xFFFFFFFF  }
0xa7: {  	s28 =	simm.s32 $_size_execute0_lowered;
	s2 =	sadd.s32 s2, s4;
	[dreg:$0x0] =	wrdreg $0x0  }
0xa8: {  	s4 =	sshll.u32 s28, $0x1;
	[dreg:$0x2] =	wrdreg s2  }
0xa9: {  	[dreg:$0x3] =	wrdreg s4  }
0xaa: {  	[dreg:$0x4] =	wrdreg $0xC0  }
0xab: {  	_ =	task [dreg:s6], $0x5FFFF  }
0xac: {  	[dreg:$0x1] =	wrdreg $0xFFFFFFFF  }
0xad: {  	[dreg:$0x0] =	wrdreg $0x60  }
0xae: {  	[dreg:$0x2] =	wrdreg s24  }
0xaf: {  	[dreg:$0x3] =	wrdreg $0xA  }
0xb0: {  	_ =	task.clear_ibuf [dreg:s6], $0x4FFFF;
	_ =	strace $0x90000046  }
0xb1: {  	s29 =	simm.s32 $0xA;
	_ =	strace $0x80000048  }
0xb2: {  	_ =	swait.ge [sflag:s29], $0x1  }
0xb3: {  	[sflag:s29] =	ssyncadd.s32 $0xFFFFFFFF  }
0xb4: {  	_ =	strace $0x90000048  }
0xb5: {  	_ =	sfence  }
0xb6: {  	s30 =	sld [smem:$0x0];
	_ =	sdelay $0x2  }
0xb7: {  	s31 =	sshll.u32 s1, $0xD;
	s1 =	sshrl.u32 s1, $0x2  }
0xb8: {  	s3 =	sand.u32 $0x4000, s31;
	s1 =	sadd.s32 s1, s30  }
0xb9: {  	s0 =	sor.u32 s3, s0;
	s1 =	sshll.u32 s1, $0x11  }
0xba: {  	s0 =	sor.u32 s1, s0  }
0xbb: {  	s0 =	sadd.s32 $0x8F2B, s0  }
0xbc: {  	[sflag:s0] =	ssyncadd.remote.s32 $0x1  }
0xbd: {  	_ =	sfence.sel $0xFFFF  }
0xbe: {  	[dreg:$0x0] =	wrdreg $0xFFFFFFFF;
	(pc) =	sbr.abs _section_cstart, $3  }
0xbf: {  	[dreg:$0x1] =	wrdreg $0xFFFFFFFF  }
0xc0: {  	_ =	task.clear_ibuf [dreg:s6], $0x2FFFF;
	_ =	strace $0x9FFFFFFF  }
0xc1: {  	(tm) =	ssettm $0x7FFFFFFF  }
tec
execute0_lowered:
.L_overlay_start_1:
0x0: {  	(tag) =	ssettag $0x1  }
0x1: {  	s4 =	rddreg [dreg:$0x0]  }
0x2: {  	s0 =	rddreg [dreg:$0x1]  }
0x3: {  	s2 =	simm.s32 $0x0;
	s1 =	stileid.u32;
	s5 =	srdreg.scid  }
0x4: {  	s10 =	simm.s32 $0x80;
	s11 =	simm.s32 $0x400;
	s12 =	simm.s32 $0xC000  }
0x5: {  	s13 =	simm.s32 $0x4;
	s14 =	simm.s32 $0x2;
	s15 =	simm.s32 $0x3  }
0x6: {  	s16 =	simm.s32 $0x0;
	[smem:$0x7FF] =	sst s2;
	s3 =	sadd.s32 $0xA00, s4  }
0x7: {  	s5 =	sand.u32 $0x1, s5;
	s6 =	sshll.u32 s1, $0x1;
	s7 =	sshll.u32 s1, $0x6  }
0x8: {  	_ =	strace $0x80000047;
	s8 =	ssub.s32 $0x2, s5;
	s5 =	sor.u32 s5, s6  }
.Ltmp0:
0x9: {  	s29 =	sand.u32 $0x300, s7;
	s30 =	sshrl.u32 s8, $0x1;
	(pc) =	sbr.rel .LBB2_1-.Ltmp0, $4  }
0xa: {  	v0 =	vlaneseq.u32;
	s9 =	sshll.u32 s5, $0x4;
	s6 =	sadd.s32 s29, s4;
	s4 =	sshll.u32 s5, $0xE  }
0xb: {  	v0 =	vmul.u32 $0x100, v0;
	s5 =	sshll.u32 s5, $0xB;
	s8 =	ssub.s32 s8, s30;
	s31 =	sand.u32 $0x70, s9  }
0xc: {  	v1 =	vimm.s32 $0x0;
	v5 =	vimm.s32 $0x1;
	s5 =	sadd.s32 s3, s5;
	s9 =	simm.s32 $0x1;
	s7 =	sadd.s32 s31, s6  }
0xd: {  	v2 =	vor.u32 $0x1000, v0;
	v3 =	vor.u32 $0x2000, v0;
	v4 =	vor.u32 $0x3000, v0;
	s6 =	sor.u32 $0x80000, s4;
	s8 =	smax.u32 s8, $0x1;
	s7 =	sadd.s32 $0x130A00, s7  }
.LBB2_18:
0xe: {  	s16 =	sadd.s32 $0x1, s16  }
0xf: {  	p0 =	sne.s32 s16, s8  }
.Ltmp1:
0x10: {  	_ = 	snop;
	(pc) =	sbr.rel @!p0 .LBB2_19-.Ltmp1, $1  }
0x11: {  	_ =	sdelay $0x3  }
.LBB2_1:
.Ltmp2:
0x12: {  	(pc) =	sbr.rel .LBB2_2-.Ltmp2, $3  }
0x13: {  	_ =	sdelay $0x1  }
0x14: {  	[tilespmem:s2], [sflag:$0x1] =	stream.linear.gather [hbm4b:s5+s2], $0x4000, $0x38;
	[tilespmem:$0xC100] =	vst v63  }
0x15: {  	s17 =	simm.s32 $0x0  }
.LBB2_9:
0x16: {  	v7 =	vld [tilespmem:s20+$0x0]  }
0x17: {  	v8 =	vld [tilespmem:s19+$0x8200]  }
0x18: {  	v9 =	vld [tilespmem:s19+$0x8300]  }
0x19: {  	v10 =	vld [tilespmem:s19+$0x8400]  }
0x1a: {  	v11 =	vld [tilespmem:s19+$0x8500]  }
0x1b: {  	v12 =	vld [tilespmem:s19+$0x8600];
	v6 =	vadd.s32 v7, v6  }
0x1c: {  	v7 =	vld [tilespmem:s19+$0x8700];
	v6 =	vadd.s32 v8, v6  }
0x1d: {  	v17 =	vld [tilespmem:s19+$0x8800];
	v6 =	vadd.s32 v9, v6  }
0x1e: {  	v18 =	vld [tilespmem:s19+$0x8900];
	v6 =	vadd.s32 v10, v6  }
0x1f: {  	v19 =	vld [tilespmem:s19+$0x8A00];
	v6 =	vadd.s32 v11, v6  }
0x20: {  	v20 =	vld [tilespmem:s19+$0x8B00];
	v6 =	vadd.s32 v12, v6  }
0x21: {  	v21 =	vld [tilespmem:s19+$0x8C00];
	v6 =	vadd.s32 v7, v6  }
0x22: {  	v7 =	vld [tilespmem:s19+$0x8D00];
	v6 =	vadd.s32 v17, v6  }
0x23: {  	v22 =	vld [tilespmem:s19+$0x8E00];
	v6 =	vadd.s32 v18, v6  }
0x24: {  	v23 =	vld [tilespmem:s19+$0x8F00];
	v6 =	vadd.s32 v19, v6  }
0x25: {  	v24 =	vld [tilespmem:s19+$0x9000];
	v6 =	vadd.s32 v20, v6  }
0x26: {  	v25 =	vld [tilespmem:s19+$0x9100];
	v6 =	vadd.s32 v21, v6  }
0x27: {  	v26 =	vld [tilespmem:s19+$0x9200];
	v6 =	vadd.s32 v7, v6  }
0x28: {  	v7 =	vld [tilespmem:s19+$0x9300];
	v6 =	vadd.s32 v22, v6  }
0x29: {  	v27 =	vld [tilespmem:s19+$0x9400];
	v6 =	vadd.s32 v23, v6  }
0x2a: {  	v28 =	vld [tilespmem:s19+$0x9500];
	v6 =	vadd.s32 v24, v6  }
0x2b: {  	v29 =	vld [tilespmem:s19+$0x9600];
	v6 =	vadd.s32 v25, v6  }
0x2c: {  	v30 =	vld [tilespmem:s19+$0x9700];
	v6 =	vadd.s32 v26, v6  }
0x2d: {  	v31 =	vld [tilespmem:s19+$0x9800];
	v6 =	vadd.s32 v7, v6  }
0x2e: {  	v7 =	vld [tilespmem:s19+$0x9900];
	v6 =	vadd.s32 v27, v6  }
0x2f: {  	v32 =	vld [tilespmem:s19+$0x9A00];
	v6 =	vadd.s32 v28, v6  }
0x30: {  	v33 =	vld [tilespmem:s19+$0x9B00];
	v6 =	vadd.s32 v29, v6  }
0x31: {  	v34 =	vld [tilespmem:s19+$0x9C00];
	v6 =	vadd.s32 v30, v6  }
0x32: {  	v35 =	vld [tilespmem:s19+$0x9D00];
	v6 =	vadd.s32 v31, v6  }
0x33: {  	v36 =	vld [tilespmem:s19+$0x9E00];
	v6 =	vadd.s32 v7, v6  }
0x34: {  	v7 =	vld [tilespmem:s19+$0x9F00];
	v6 =	vadd.s32 v32, v6  }
0x35: {  	v37 =	vld [tilespmem:s19+$0xA000];
	v6 =	vadd.s32 v33, v6  }
0x36: {  	v38 =	vld [tilespmem:s19+$0xA100];
	v6 =	vadd.s32 v34, v6  }
0x37: {  	v39 =	vld [tilespmem:s19+$0xA200];
	v6 =	vadd.s32 v35, v6  }
0x38: {  	v40 =	vld [tilespmem:s19+$0xA300];
	v6 =	vadd.s32 v36, v6  }
0x39: {  	v41 =	vld [tilespmem:s19+$0xA400];
	v6 =	vadd.s32 v7, v6  }
0x3a: {  	v7 =	vld [tilespmem:s19+$0xA500];
	v6 =	vadd.s32 v37, v6  }
0x3b: {  	v42 =	vld [tilespmem:s19+$0xA600];
	v6 =	vadd.s32 v38, v6  }
0x3c: {  	v43 =	vld [tilespmem:s19+$0xA700];
	v6 =	vadd.s32 v39, v6  }
0x3d: {  	v44 =	vld [tilespmem:s19+$0xA800];
	v6 =	vadd.s32 v40, v6  }
0x3e: {  	v45 =	vld [tilespmem:s19+$0xA900];
	v6 =	vadd.s32 v41, v6  }
0x3f: {  	v46 =	vld [tilespmem:s19+$0xAA00];
	v6 =	vadd.s32 v7, v6  }
0x40: {  	v7 =	vld [tilespmem:s19+$0xAB00];
	v6 =	vadd.s32 v42, v6  }
0x41: {  	v47 =	vld [tilespmem:s19+$0xAC00];
	v6 =	vadd.s32 v43, v6  }
0x42: {  	v48 =	vld [tilespmem:s19+$0xAD00];
	v6 =	vadd.s32 v44, v6  }
0x43: {  	v49 =	vld [tilespmem:s19+$0xAE00];
	v6 =	vadd.s32 v45, v6  }
0x44: {  	v50 =	vld [tilespmem:s19+$0xAF00];
	v6 =	vadd.s32 v46, v6  }
0x45: {  	v51 =	vld [tilespmem:s19+$0xB000];
	v6 =	vadd.s32 v7, v6  }
0x46: {  	v7 =	vld [tilespmem:s19+$0xB100];
	v6 =	vadd.s32 v47, v6  }
0x47: {  	v52 =	vld [tilespmem:s19+$0xB200];
	v6 =	vadd.s32 v48, v6  }
0x48: {  	v53 =	vld [tilespmem:s19+$0xB300];
	v6 =	vadd.s32 v49, v6  }
0x49: {  	v54 =	vld [tilespmem:s19+$0xB400];
	v6 =	vadd.s32 v50, v6  }
0x4a: {  	v55 =	vld [tilespmem:s19+$0xB500];
	v6 =	vadd.s32 v51, v6  }
0x4b: {  	v56 =	vld [tilespmem:s19+$0xB600];
	v6 =	vadd.s32 v7, v6  }
0x4c: {  	v7 =	vld [tilespmem:s19+$0xB700];
	v6 =	vadd.s32 v52, v6  }
0x4d: {  	v57 =	vld [tilespmem:s19+$0xB800];
	v6 =	vadd.s32 v53, v6  }
0x4e: {  	v58 =	vld [tilespmem:s19+$0xB900];
	v6 =	vadd.s32 v54, v6  }
0x4f: {  	v59 =	vld [tilespmem:s19+$0xBA00];
	v6 =	vadd.s32 v55, v6  }
0x50: {  	v60 =	vld [tilespmem:s19+$0xBB00];
	v6 =	vadd.s32 v56, v6  }
0x51: {  	v61 =	vld [tilespmem:s19+$0xBC00];
	v6 =	vadd.s32 v7, v6  }
0x52: {  	v7 =	vld [tilespmem:s19+$0xBD00];
	v6 =	vadd.s32 v57, v6  }
0x53: {  	v62 =	vld [tilespmem:s19+$0xBE00];
	v6 =	vadd.s32 v58, v6  }
0x54: {  	v63 =	vld [tilespmem:s19+$0xBF00];
	v6 =	vadd.s32 v59, v6  }
0x55: {  	v6 =	vadd.s32 v60, v6  }
0x56: {  	v6 =	vadd.s32 v61, v6  }
0x57: {  	v6 =	vadd.s32 v7, v6  }
0x58: {  	v6 =	vadd.s32 v62, v6  }
0x59: {  	s18 =	sadd.s32 $0x10, s18;
	s30 =	sshll.u32 s17, $0xA;
	v6 =	vadd.s32 v63, v6  }
0x5a: {  	s31 =	sadd.s32 s30, s7;
	[tilespmem:s18+$0x0] =	vst v6  }
0x5b: {  	[hbm4b:s31+s10] =	stream.strided.scatter [tilespmem:s12], [sflag:$0x3], $0x100, s11, s10, $0x38;
	[tilespmem:$0xC100] =	vst v63  }
0x5c: {  	_ =	swait.ge [sflag:s15], $0x100  }
0x5d: {  	[sflag:s15] =	ssyncset.done $0x0  }
0x5e: {  	[sflag:s15] =	ssyncadd.s32 $0xFFFFFF00  }
.LBB2_17:
0x5f: {  	s17 =	sadd.s32 $0x1, s17  }
0x60: {  	p0 =	sne.s32 s17, $0x13  }
.Ltmp3:
0x61: {  	_ = 	snop;
	(pc) =	sbr.rel @!p0 .LBB2_18-.Ltmp3, $1  }
0x62: {  	_ =	sdelay $0x3  }
.LBB2_2:
0x63: {  	s18 =	sand.u32 $0x1, s17  }
0x64: {  	p0 =	seq.s32 s18, $0x0  }
.Ltmp4:
0x65: {  	_ = 	snop;
	(pc) =	sbr.rel @!p0 .LBB2_3-.Ltmp4, $1  }
0x66: {  	_ =	sdelay $0x3  }
0x67: {  	s18 =	sor.u32 $0x1, s17  }
0x68: {  	p0 =	sgt.u32 s18, $0x12  }
0x69: {  	_ =	swait.ge [sflag:s9], $0x4000;
	s18 =	sshll.u32 @!p0 s18, $0x13  }
0x6a: {  	[sflag:s9] =	ssyncset.done $0x0;
	s18 =	sor.u32 @!p0 s4, s18  }
0x6b: {  	[sflag:s9] =	ssyncadd.s32 $0xFFFFC000;
	s18 =	sshrl.u32 @!p0 s18, $0x3  }
0x6c: {  	s19 =	simm.s32 @!p0 $0x0;
	s20 =	simm.s32 @!p0 $0x4000;
	s18 =	sadd.s32 @!p0 s3, s18  }
0x6d: {  	[tilespmem:s20], [sflag:$0x2] =	stream.linear.gather @!p0 [hbm4b:s18+s19], $0x4000, $0x38;
	[tilespmem:$0xC100] =	vst v63  }
0x6e: {  	s18 =	simm.s32 $0x0;
	s19 =	simm.s32 $0x0;
	s20 =	simm.s32 $0x400  }
.LBB2_11:
0x6f: {  	p0 =	sne.s32 s20, $0xFC00;
	[tilespmem:s19+$0x80F0] =	vst v1  }
0x70: {  	[tilespmem:s19+$0x8000] =	vst v1  }
0x71: {  	[tilespmem:s19+$0x8010] =	vst v1  }
0x72: {  	[tilespmem:s19+$0x8020] =	vst v1  }
0x73: {  	[tilespmem:s19+$0x8030] =	vst v1  }
0x74: {  	[tilespmem:s19+$0x8040] =	vst v1  }
0x75: {  	[tilespmem:s19+$0x8050] =	vst v1  }
0x76: {  	[tilespmem:s19+$0x8060] =	vst v1  }
0x77: {  	[tilespmem:s19+$0x8070] =	vst v1  }
0x78: {  	[tilespmem:s19+$0x8080] =	vst v1  }
0x79: {  	[tilespmem:s19+$0x8090] =	vst v1  }
.Ltmp5:
0x7a: {  	[tilespmem:s19+$0x80A0] =	vst v1;
	(pc) =	sbr.rel @p0 .LBB2_11-.Ltmp5, $4  }
0x7b: {  	[tilespmem:s19+$0x80B0] =	vst v1  }
0x7c: {  	[tilespmem:s19+$0x80C0] =	vst v1  }
0x7d: {  	[tilespmem:s19+$0x80D0] =	vst v1  }
0x7e: {  	[tilespmem:s19+$0x80E0] =	vst v1;
	s19 =	sshra.s32 s20, $0x2;
	s20 =	sadd.s32 $0x400, s20  }
0x7f: {  	[tilespmem:s19+$0x80F0] =	vst v1  }
0x80: {  	[tilespmem:s19+$0x8000] =	vst v1  }
0x81: {  	[tilespmem:s19+$0x8010] =	vst v1  }
0x82: {  	[tilespmem:s19+$0x8020] =	vst v1  }
0x83: {  	[tilespmem:s19+$0x8030] =	vst v1  }
0x84: {  	[tilespmem:s19+$0x8040] =	vst v1  }
0x85: {  	[tilespmem:s19+$0x8050] =	vst v1  }
0x86: {  	[tilespmem:s19+$0x8060] =	vst v1  }
0x87: {  	[tilespmem:s19+$0x8070] =	vst v1  }
0x88: {  	[tilespmem:s19+$0x8080] =	vst v1  }
0x89: {  	[tilespmem:s19+$0x8090] =	vst v1  }
0x8a: {  	[tilespmem:s19+$0x80A0] =	vst v1  }
0x8b: {  	[tilespmem:s19+$0x80B0] =	vst v1  }
0x8c: {  	[tilespmem:s19+$0x80C0] =	vst v1  }
0x8d: {  	[tilespmem:s19+$0x80D0] =	vst v1  }
0x8e: {  	[tilespmem:s19+$0x80E0] =	vst v1;
	s19 =	simm.s32 $0x0  }
.LBB2_13:
0x8f: {  	s20 =	sand.u32 $0x3000, s19;
	s21 =	sand.u32 $0x380, s18  }
0x90: {  	s21 =	sor.u32 s21, s20  }
0x91: {  	v6 =	vld [tilespmem:s21+$0x0]  }
0x92: {  	v7 =	vld [tilespmem:s21+$0x10]  }
0x93: {  	v8 =	vld [tilespmem:s21+$0x20]  }
0x94: {  	v9 =	vld [tilespmem:s21+$0x30]  }
0x95: {  	v10 =	vld [tilespmem:s21+$0x40]  }
0x96: {  	v11 =	vld [tilespmem:s21+$0x50];
	v6 =	vadd.s32 v0, v6  }
0x97: {  	v12 =	vld [tilespmem:s21+$0x60];
	v7 =	vadd.s32 v2, v7  }
0x98: {  	v13 =	vld [tilespmem:s21+$0x70];
	v8 =	vadd.s32 v3, v8  }
0x99: {  	v9 =	vadd.s32 v4, v9  }
0x9a: {  	s20 =	simm.s32 $0x8000;
	v10 =	vadd.s32 v0, v10  }
0x9b: {  	v11 =	vadd.s32 v2, v11;
	[tilespmem:v6+s20+$0x0] =	vst.idx.add.s32.msk $0xffff, v5  }
0x9c: {  	v6 =	vadd.s32 v3, v12;
	[tilespmem:v7+s20+$0x0] =	vst.idx.add.s32.msk $0xffff, v5  }
0x9d: {  	v7 =	vadd.s32 v4, v13;
	[tilespmem:v8+s20+$0x0] =	vst.idx.add.s32.msk $0xffff, v5  }
0x9e: {  	[tilespmem:v9+s20+$0x0] =	vst.idx.add.s32.msk $0xffff, v5  }
0x9f: {  	[tilespmem:v10+s20+$0x0] =	vst.idx.add.s32.msk $0xffff, v5  }
0xa0: {  	[tilespmem:v11+s20+$0x0] =	vst.idx.add.s32.msk $0xffff, v5  }
0xa1: {  	[tilespmem:v6+s20+$0x0] =	vst.idx.add.s32.msk $0xffff, v5  }
0xa2: {  	[tilespmem:v7+s20+$0x0] =	vst.idx.add.s32.msk $0xffff, v5  }
0xa3: {  	v6 =	vld [tilespmem:s21+$0x400]  }
0xa4: {  	v7 =	vld [tilespmem:s21+$0x410]  }
0xa5: {  	v8 =	vld [tilespmem:s21+$0x420]  }
0xa6: {  	v9 =	vld [tilespmem:s21+$0x430]  }
0xa7: {  	v10 =	vld [tilespmem:s21+$0x440]  }
0xa8: {  	v11 =	vld [tilespmem:s21+$0x450];
	v6 =	vadd.s32 v0, v6  }
0xa9: {  	v58 =	vld [tilespmem:s21+$0x460];
	v7 =	vadd.s32 v2, v7  }
0xaa: {  	v59 =	vld [tilespmem:s21+$0x470];
	v8 =	vadd.s32 v3, v8  }
0xab: {  	v9 =	vadd.s32 v4, v9  }
0xac: {  	v10 =	vadd.s32 v0, v10  }
0xad: {  	v11 =	vadd.s32 v2, v11;
	[tilespmem:v6+s20+$0x0] =	vst.idx.add.s32.msk $0xffff, v5  }
0xae: {  	v6 =	vadd.s32 v3, v58;
	[tilespmem:v7+s20+$0x0] =	vst.idx.add.s32.msk $0xffff, v5  }
0xaf: {  	v7 =	vadd.s32 v4, v59;
	[tilespmem:v8+s20+$0x0] =	vst.idx.add.s32.msk $0xffff, v5  }
0xb0: {  	[tilespmem:v9+s20+$0x0] =	vst.idx.add.s32.msk $0xffff, v5  }
0xb1: {  	[tilespmem:v10+s20+$0x0] =	vst.idx.add.s32.msk $0xffff, v5  }
0xb2: {  	[tilespmem:v11+s20+$0x0] =	vst.idx.add.s32.msk $0xffff, v5  }
0xb3: {  	[tilespmem:v6+s20+$0x0] =	vst.idx.add.s32.msk $0xffff, v5  }
0xb4: {  	[tilespmem:v7+s20+$0x0] =	vst.idx.add.s32.msk $0xffff, v5  }
0xb5: {  	v6 =	vld [tilespmem:s21+$0x800]  }
0xb6: {  	v7 =	vld [tilespmem:s21+$0x810]  }
0xb7: {  	v8 =	vld [tilespmem:s21+$0x820]  }
0xb8: {  	v9 =	vld [tilespmem:s21+$0x830]  }
0xb9: {  	v10 =	vld [tilespmem:s21+$0x840]  }
0xba: {  	v11 =	vld [tilespmem:s21+$0x850];
	v6 =	vadd.s32 v0, v6  }
0xbb: {  	v60 =	vld [tilespmem:s21+$0x860];
	v7 =	vadd.s32 v2, v7  }
0xbc: {  	v61 =	vld [tilespmem:s21+$0x870];
	v8 =	vadd.s32 v3, v8  }
0xbd: {  	v9 =	vadd.s32 v4, v9  }
0xbe: {  	v10 =	vadd.s32 v0, v10  }
0xbf: {  	v11 =	vadd.s32 v2, v11;
	[tilespmem:v6+s20+$0x0] =	vst.idx.add.s32.msk $0xffff, v5  }
0xc0: {  	v6 =	vadd.s32 v3, v60;
	[tilespmem:v7+s20+$0x0] =	vst.idx.add.s32.msk $0xffff, v5  }
0xc1: {  	v7 =	vadd.s32 v4, v61;
	[tilespmem:v8+s20+$0x0] =	vst.idx.add.s32.msk $0xffff, v5  }
0xc2: {  	[tilespmem:v9+s20+$0x0] =	vst.idx.add.s32.msk $0xffff, v5  }
0xc3: {  	[tilespmem:v10+s20+$0x0] =	vst.idx.add.s32.msk $0xffff, v5  }
0xc4: {  	[tilespmem:v11+s20+$0x0] =	vst.idx.add.s32.msk $0xffff, v5  }
0xc5: {  	[tilespmem:v6+s20+$0x0] =	vst.idx.add.s32.msk $0xffff, v5  }
0xc6: {  	[tilespmem:v7+s20+$0x0] =	vst.idx.add.s32.msk $0xffff, v5  }
0xc7: {  	v6 =	vld [tilespmem:s21+$0xC00]  }
0xc8: {  	v7 =	vld [tilespmem:s21+$0xC10]  }
0xc9: {  	v8 =	vld [tilespmem:s21+$0xC20]  }
0xca: {  	v9 =	vld [tilespmem:s21+$0xC30]  }
0xcb: {  	v10 =	vld [tilespmem:s21+$0xC40]  }
0xcc: {  	v11 =	vld [tilespmem:s21+$0xC50];
	v6 =	vadd.s32 v0, v6  }
0xcd: {  	v62 =	vld [tilespmem:s21+$0xC60];
	v7 =	vadd.s32 v2, v7  }
0xce: {  	v63 =	vld [tilespmem:s21+$0xC70];
	v8 =	vadd.s32 v3, v8  }
0xcf: {  	v9 =	vadd.s32 v4, v9  }
0xd0: {  	v10 =	vadd.s32 v0, v10  }
0xd1: {  	v11 =	vadd.s32 v2, v11;
	[tilespmem:v6+s20+$0x0] =	vst.idx.add.s32.msk $0xffff, v5  }
0xd2: {  	v6 =	vadd.s32 v3, v62;
	[tilespmem:v7+s20+$0x0] =	vst.idx.add.s32.msk $0xffff, v5  }
0xd3: {  	p0 =	sne.s32 s19, $0x3E00;
	v7 =	vadd.s32 v4, v63;
	[tilespmem:v8+s20+$0x0] =	vst.idx.add.s32.msk $0xffff, v5  }
.Ltmp6:
0xd4: {  	[tilespmem:v9+s20+$0x0] =	vst.idx.add.s32.msk $0xffff, v5;
	(pc) =	sbr.rel @p0 .LBB2_13-.Ltmp6, $4  }
0xd5: {  	[tilespmem:v10+s20+$0x0] =	vst.idx.add.s32.msk $0xffff, v5  }
0xd6: {  	[tilespmem:v11+s20+$0x0] =	vst.idx.add.s32.msk $0xffff, v5  }
0xd7: {  	[tilespmem:v6+s20+$0x0] =	vst.idx.add.s32.msk $0xffff, v5  }
0xd8: {  	s18 =	sadd.s32 $0x80, s18;
	s19 =	sadd.s32 $0x200, s19;
	[tilespmem:v7+s20+$0x0] =	vst.idx.add.s32.msk $0xffff, v5  }
0xd9: {  	s18 =	simm.s32 $0x0  }
0xda: {  	v7 =	vld [tilespmem:s20+$0x0];
	s18 =	sand.u32 $0xF0, s18  }
0xdb: {  	v6 =	vld [tilespmem:s18+$0x8100]  }
0xdc: {  	v8 =	vld [tilespmem:s18+$0x8200]  }
0xdd: {  	v9 =	vld [tilespmem:s18+$0x8300]  }
0xde: {  	v10 =	vld [tilespmem:s18+$0x8400]  }
0xdf: {  	v11 =	vld [tilespmem:s18+$0x8500]  }
0xe0: {  	v12 =	vld [tilespmem:s18+$0x8600];
	v6 =	vadd.s32 v7, v6  }
0xe1: {  	v7 =	vld [tilespmem:s18+$0x8700];
	v6 =	vadd.s32 v8, v6  }
0xe2: {  	v8 =	vld [tilespmem:s18+$0x8800];
	v6 =	vadd.s32 v9, v6  }
0xe3: {  	v27 =	vld [tilespmem:s18+$0x8900];
	v6 =	vadd.s32 v10, v6  }
0xe4: {  	v28 =	vld [tilespmem:s18+$0x8A00];
	v6 =	vadd.s32 v11, v6  }
0xe5: {  	v29 =	vld [tilespmem:s18+$0x8B00];
	v6 =	vadd.s32 v12, v6  }
0xe6: {  	v30 =	vld [tilespmem:s18+$0x8C00];
	v6 =	vadd.s32 v7, v6  }
0xe7: {  	v7 =	vld [tilespmem:s18+$0x8D00];
	v6 =	vadd.s32 v8, v6  }
0xe8: {  	v8 =	vld [tilespmem:s18+$0x8E00];
	v6 =	vadd.s32 v27, v6  }
0xe9: {  	v31 =	vld [tilespmem:s18+$0x8F00];
	v6 =	vadd.s32 v28, v6  }
0xea: {  	v32 =	vld [tilespmem:s18+$0x9000];
	v6 =	vadd.s32 v29, v6  }
0xeb: {  	v33 =	vld [tilespmem:s18+$0x9100];
	v6 =	vadd.s32 v30, v6  }
0xec: {  	v34 =	vld [tilespmem:s18+$0x9200];
	v6 =	vadd.s32 v7, v6  }
0xed: {  	v7 =	vld [tilespmem:s18+$0x9300];
	v6 =	vadd.s32 v8, v6  }
0xee: {  	v8 =	vld [tilespmem:s18+$0x9400];
	v6 =	vadd.s32 v31, v6  }
0xef: {  	v35 =	vld [tilespmem:s18+$0x9500];
	v6 =	vadd.s32 v32, v6  }
0xf0: {  	v36 =	vld [tilespmem:s18+$0x9600];
	v6 =	vadd.s32 v33, v6  }
0xf1: {  	v37 =	vld [tilespmem:s18+$0x9700];
	v6 =	vadd.s32 v34, v6  }
0xf2: {  	v38 =	vld [tilespmem:s18+$0x9800];
	v6 =	vadd.s32 v7, v6  }
0xf3: {  	v7 =	vld [tilespmem:s18+$0x9900];
	v6 =	vadd.s32 v8, v6  }
0xf4: {  	v8 =	vld [tilespmem:s18+$0x9A00];
	v6 =	vadd.s32 v35, v6  }
0xf5: {  	v39 =	vld [tilespmem:s18+$0x9B00];
	v6 =	vadd.s32 v36, v6  }
0xf6: {  	v40 =	vld [tilespmem:s18+$0x9C00];
	v6 =	vadd.s32 v37, v6  }
0xf7: {  	v41 =	vld [tilespmem:s18+$0x9D00];
	v6 =	vadd.s32 v38, v6  }
0xf8: {  	v42 =	vld [tilespmem:s18+$0x9E00];
	v6 =	vadd.s32 v7, v6  }
0xf9: {  	v7 =	vld [tilespmem:s18+$0x9F00];
	v6 =	vadd.s32 v8, v6  }
0xfa: {  	v8 =	vld [tilespmem:s18+$0xA000];
	v6 =	vadd.s32 v39, v6  }
0xfb: {  	v43 =	vld [tilespmem:s18+$0xA100];
	v6 =	vadd.s32 v40, v6  }
0xfc: {  	v44 =	vld [tilespmem:s18+$0xA200];
	v6 =	vadd.s32 v41, v6  }
0xfd: {  	v45 =	vld [tilespmem:s18+$0xA300];
	v6 =	vadd.s32 v42, v6  }
0xfe: {  	v46 =	vld [tilespmem:s18+$0xA400];
	v6 =	vadd.s32 v7, v6  }
0xff: {  	v7 =	vld [tilespmem:s18+$0xA500];
	v6 =	vadd.s32 v8, v6  }
0x100: {  	v8 =	vld [tilespmem:s18+$0xA600];
	v6 =	vadd.s32 v43, v6  }
0x101: {  	v47 =	vld [tilespmem:s18+$0xA700];
	v6 =	vadd.s32 v44, v6  }
0x102: {  	v48 =	vld [tilespmem:s18+$0xA800];
	v6 =	vadd.s32 v45, v6  }
0x103: {  	v49 =	vld [tilespmem:s18+$0xA900];
	v6 =	vadd.s32 v46, v6  }
0x104: {  	v50 =	vld [tilespmem:s18+$0xAA00];
	v6 =	vadd.s32 v7, v6  }
0x105: {  	v7 =	vld [tilespmem:s18+$0xAB00];
	v6 =	vadd.s32 v8, v6  }
0x106: {  	v8 =	vld [tilespmem:s18+$0xAC00];
	v6 =	vadd.s32 v47, v6  }
0x107: {  	v51 =	vld [tilespmem:s18+$0xAD00];
	v6 =	vadd.s32 v48, v6  }
0x108: {  	v52 =	vld [tilespmem:s18+$0xAE00];
	v6 =	vadd.s32 v49, v6  }
0x109: {  	v53 =	vld [tilespmem:s18+$0xAF00];
	v6 =	vadd.s32 v50, v6  }
0x10a: {  	v54 =	vld [tilespmem:s18+$0xB000];
	v6 =	vadd.s32 v7, v6  }
0x10b: {  	v7 =	vld [tilespmem:s18+$0xB100];
	v6 =	vadd.s32 v8, v6  }
0x10c: {  	v8 =	vld [tilespmem:s18+$0xB200];
	v6 =	vadd.s32 v51, v6  }
0x10d: {  	v55 =	vld [tilespmem:s18+$0xB300];
	v6 =	vadd.s32 v52, v6  }
0x10e: {  	v56 =	vld [tilespmem:s18+$0xB400];
	v6 =	vadd.s32 v53, v6  }
0x10f: {  	v57 =	vld [tilespmem:s18+$0xB500];
	v6 =	vadd.s32 v54, v6  }
0x110: {  	v58 =	vld [tilespmem:s18+$0xB600];
	v6 =	vadd.s32 v7, v6  }
0x111: {  	v7 =	vld [tilespmem:s18+$0xB700];
	v6 =	vadd.s32 v8, v6  }
0x112: {  	v8 =	vld [tilespmem:s18+$0xB800];
	v6 =	vadd.s32 v55, v6  }
0x113: {  	v59 =	vld [tilespmem:s18+$0xB900];
	v6 =	vadd.s32 v56, v6  }
0x114: {  	v60 =	vld [tilespmem:s18+$0xBA00];
	v6 =	vadd.s32 v57, v6  }
0x115: {  	v61 =	vld [tilespmem:s18+$0xBB00];
	v6 =	vadd.s32 v58, v6  }
0x116: {  	v62 =	vld [tilespmem:s18+$0xBC00];
	v6 =	vadd.s32 v7, v6  }
0x117: {  	v7 =	vld [tilespmem:s18+$0xBD00];
	v6 =	vadd.s32 v8, v6  }
0x118: {  	v8 =	vld [tilespmem:s18+$0xBE00];
	v6 =	vadd.s32 v59, v6  }
0x119: {  	v63 =	vld [tilespmem:s18+$0xBF00];
	v6 =	vadd.s32 v60, v6  }
0x11a: {  	v6 =	vadd.s32 v61, v6  }
0x11b: {  	v6 =	vadd.s32 v62, v6  }
0x11c: {  	v6 =	vadd.s32 v7, v6  }
0x11d: {  	v6 =	vadd.s32 v8, v6  }
0x11e: {  	s19 =	simm.s32 $0x10;
	s18 =	simm.s32 $0xC000;
	v6 =	vadd.s32 v63, v6  }
0x11f: {  	s19 =	sand.u32 $0xF0, s19;
	[tilespmem:s18+$0x0] =	vst v6  }
0x120: {  	s21 =	simm.s32 $0x20;
	s20 =	simm.s32 $0x8010;
	v6 =	vld [tilespmem:s19+$0x8100]  }
.LBB2_15:
0x121: {  	p0 =	sne.s32 s21, $0xF0;
	v7 =	vld [tilespmem:s20+$0x0]  }
0x122: {  	v8 =	vld [tilespmem:s19+$0x8200]  }
0x123: {  	v9 =	vld [tilespmem:s19+$0x8300]  }
0x124: {  	v10 =	vld [tilespmem:s19+$0x8400]  }
0x125: {  	v11 =	vld [tilespmem:s19+$0x8500]  }
0x126: {  	v12 =	vld [tilespmem:s19+$0x8600];
	v6 =	vadd.s32 v7, v6  }
0x127: {  	v7 =	vld [tilespmem:s19+$0x8700];
	v6 =	vadd.s32 v8, v6  }
0x128: {  	v8 =	vld [tilespmem:s19+$0x8800];
	v6 =	vadd.s32 v9, v6  }
0x129: {  	v9 =	vld [tilespmem:s19+$0x8900];
	v6 =	vadd.s32 v10, v6  }
0x12a: {  	v10 =	vld [tilespmem:s19+$0x8A00];
	v6 =	vadd.s32 v11, v6  }
0x12b: {  	v11 =	vld [tilespmem:s19+$0x8B00];
	v6 =	vadd.s32 v12, v6  }
0x12c: {  	v12 =	vld [tilespmem:s19+$0x8C00];
	v6 =	vadd.s32 v7, v6  }
0x12d: {  	v7 =	vld [tilespmem:s19+$0x8D00];
	v6 =	vadd.s32 v8, v6  }
0x12e: {  	v8 =	vld [tilespmem:s19+$0x8E00];
	v6 =	vadd.s32 v9, v6  }
0x12f: {  	v9 =	vld [tilespmem:s19+$0x8F00];
	v6 =	vadd.s32 v10, v6  }
0x130: {  	v10 =	vld [tilespmem:s19+$0x9000];
	v6 =	vadd.s32 v11, v6  }
0x131: {  	v11 =	vld [tilespmem:s19+$0x9100];
	v6 =	vadd.s32 v12, v6  }
0x132: {  	v12 =	vld [tilespmem:s19+$0x9200];
	v6 =	vadd.s32 v7, v6  }
0x133: {  	v7 =	vld [tilespmem:s19+$0x9300];
	v6 =	vadd.s32 v8, v6  }
0x134: {  	v8 =	vld [tilespmem:s19+$0x9400];
	v6 =	vadd.s32 v9, v6  }
0x135: {  	v9 =	vld [tilespmem:s19+$0x9500];
	v6 =	vadd.s32 v10, v6  }
0x136: {  	v10 =	vld [tilespmem:s19+$0x9600];
	v6 =	vadd.s32 v11, v6  }
0x137: {  	v11 =	vld [tilespmem:s19+$0x9700];
	v6 =	vadd.s32 v12, v6  }
0x138: {  	v12 =	vld [tilespmem:s19+$0x9800];
	v6 =	vadd.s32 v7, v6  }
0x139: {  	v7 =	vld [tilespmem:s19+$0x9900];
	v6 =	vadd.s32 v8, v6  }
0x13a: {  	v8 =	vld [tilespmem:s19+$0x9A00];
	v6 =	vadd.s32 v9, v6  }
0x13b: {  	v9 =	vld [tilespmem:s19+$0x9B00];
	v6 =	vadd.s32 v10, v6  }
0x13c: {  	v10 =	vld [tilespmem:s19+$0x9C00];
	v6 =	vadd.s32 v11, v6  }
0x13d: {  	v11 =	vld [tilespmem:s19+$0x9D00];
	v6 =	vadd.s32 v12, v6  }
0x13e: {  	v12 =	vld [tilespmem:s19+$0x9E00];
	v6 =	vadd.s32 v7, v6  }
0x13f: {  	v7 =	vld [tilespmem:s19+$0x9F00];
	v6 =	vadd.s32 v8, v6  }
0x140: {  	v8 =	vld [tilespmem:s19+$0xA000];
	v6 =	vadd.s32 v9, v6  }
0x141: {  	v9 =	vld [tilespmem:s19+$0xA100];
	v6 =	vadd.s32 v10, v6  }
0x142: {  	v10 =	vld [tilespmem:s19+$0xA200];
	v6 =	vadd.s32 v11, v6  }
0x143: {  	v11 =	vld [tilespmem:s19+$0xA300];
	v6 =	vadd.s32 v12, v6  }
0x144: {  	v12 =	vld [tilespmem:s19+$0xA400];
	v6 =	vadd.s32 v7, v6  }
0x145: {  	v7 =	vld [tilespmem:s19+$0xA500];
	v6 =	vadd.s32 v8, v6  }
0x146: {  	v8 =	vld [tilespmem:s19+$0xA600];
	v6 =	vadd.s32 v9, v6  }
0x147: {  	v9 =	vld [tilespmem:s19+$0xA700];
	v6 =	vadd.s32 v10, v6  }
0x148: {  	v10 =	vld [tilespmem:s19+$0xA800];
	v6 =	vadd.s32 v11, v6  }
0x149: {  	v11 =	vld [tilespmem:s19+$0xA900];
	v6 =	vadd.s32 v12, v6  }
0x14a: {  	v12 =	vld [tilespmem:s19+$0xAA00];
	v6 =	vadd.s32 v7, v6  }
0x14b: {  	v7 =	vld [tilespmem:s19+$0xAB00];
	v6 =	vadd.s32 v8, v6  }
0x14c: {  	v8 =	vld [tilespmem:s19+$0xAC00];
	v6 =	vadd.s32 v9, v6  }
0x14d: {  	v9 =	vld [tilespmem:s19+$0xAD00];
	v6 =	vadd.s32 v10, v6  }
0x14e: {  	v10 =	vld [tilespmem:s19+$0xAE00];
	v6 =	vadd.s32 v11, v6  }
0x14f: {  	v11 =	vld [tilespmem:s19+$0xAF00];
	v6 =	vadd.s32 v12, v6  }
0x150: {  	v12 =	vld [tilespmem:s19+$0xB000];
	v6 =	vadd.s32 v7, v6  }
0x151: {  	v7 =	vld [tilespmem:s19+$0xB100];
	v6 =	vadd.s32 v8, v6  }
0x152: {  	v8 =	vld [tilespmem:s19+$0xB200];
	v6 =	vadd.s32 v9, v6  }
0x153: {  	v9 =	vld [tilespmem:s19+$0xB300];
	v6 =	vadd.s32 v10, v6  }
0x154: {  	v10 =	vld [tilespmem:s19+$0xB400];
	v6 =	vadd.s32 v11, v6  }
0x155: {  	v11 =	vld [tilespmem:s19+$0xB500];
	v6 =	vadd.s32 v12, v6  }
0x156: {  	v12 =	vld [tilespmem:s19+$0xB600];
	v6 =	vadd.s32 v7, v6  }
0x157: {  	v7 =	vld [tilespmem:s19+$0xB700];
	v6 =	vadd.s32 v8, v6  }
0x158: {  	v8 =	vld [tilespmem:s19+$0xB800];
	v6 =	vadd.s32 v9, v6  }
0x159: {  	v9 =	vld [tilespmem:s19+$0xB900];
	v6 =	vadd.s32 v10, v6  }
0x15a: {  	v10 =	vld [tilespmem:s19+$0xBA00];
	v6 =	vadd.s32 v11, v6  }
0x15b: {  	v11 =	vld [tilespmem:s19+$0xBB00];
	v6 =	vadd.s32 v12, v6  }
0x15c: {  	v12 =	vld [tilespmem:s19+$0xBC00];
	v6 =	vadd.s32 v7, v6  }
0x15d: {  	v7 =	vld [tilespmem:s19+$0xBD00];
	v6 =	vadd.s32 v8, v6  }
0x15e: {  	v8 =	vld [tilespmem:s19+$0xBE00];
	v6 =	vadd.s32 v9, v6  }
0x15f: {  	v9 =	vld [tilespmem:s19+$0xBF00];
	v6 =	vadd.s32 v10, v6  }
0x160: {  	v6 =	vadd.s32 v11, v6  }
0x161: {  	v6 =	vadd.s32 v12, v6  }
.Ltmp7:
0x162: {  	v6 =	vadd.s32 v7, v6;
	(pc) =	sbr.rel @p0 .LBB2_15-.Ltmp7, $4  }
0x163: {  	v6 =	vadd.s32 v8, v6  }
0x164: {  	s18 =	sadd.s32 $0x10, s18;
	v6 =	vadd.s32 v9, v6  }
0x165: {  	s19 =	sand.u32 $0xF0, s21;
	[tilespmem:s18+$0x0] =	vst v6  }
0x166: {  	s20 =	sadd.s32 $0x10, s20;
	s21 =	sadd.s32 $0x10, s21;
	v6 =	vld [tilespmem:s19+$0x8100]  }
0x167: {  	v7 =	vld [tilespmem:s20+$0x0]  }
0x168: {  	v8 =	vld [tilespmem:s19+$0x8200]  }
0x169: {  	v9 =	vld [tilespmem:s19+$0x8300]  }
0x16a: {  	v10 =	vld [tilespmem:s19+$0x8400]  }
0x16b: {  	v11 =	vld [tilespmem:s19+$0x8500]  }
0x16c: {  	v12 =	vld [tilespmem:s19+$0x8600];
	v6 =	vadd.s32 v7, v6  }
0x16d: {  	v7 =	vld [tilespmem:s19+$0x8700];
	v6 =	vadd.s32 v8, v6  }
0x16e: {  	v17 =	vld [tilespmem:s19+$0x8800];
	v6 =	vadd.s32 v9, v6  }
0x16f: {  	v18 =	vld [tilespmem:s19+$0x8900];
	v6 =	vadd.s32 v10, v6  }
0x170: {  	v19 =	vld [tilespmem:s19+$0x8A00];
	v6 =	vadd.s32 v11, v6  }
0x171: {  	v20 =	vld [tilespmem:s19+$0x8B00];
	v6 =	vadd.s32 v12, v6  }
0x172: {  	v21 =	vld [tilespmem:s19+$0x8C00];
	v6 =	vadd.s32 v7, v6  }
0x173: {  	v7 =	vld [tilespmem:s19+$0x8D00];
	v6 =	vadd.s32 v17, v6  }
0x174: {  	v22 =	vld [tilespmem:s19+$0x8E00];
	v6 =	vadd.s32 v18, v6  }
0x175: {  	v23 =	vld [tilespmem:s19+$0x8F00];
	v6 =	vadd.s32 v19, v6  }
0x176: {  	v24 =	vld [tilespmem:s19+$0x9000];
	v6 =	vadd.s32 v20, v6  }
0x177: {  	v25 =	vld [tilespmem:s19+$0x9100];
	v6 =	vadd.s32 v21, v6  }
0x178: {  	v26 =	vld [tilespmem:s19+$0x9200];
	v6 =	vadd.s32 v7, v6  }
0x179: {  	v7 =	vld [tilespmem:s19+$0x9300];
	v6 =	vadd.s32 v22, v6  }
0x17a: {  	v27 =	vld [tilespmem:s19+$0x9400];
	v6 =	vadd.s32 v23, v6  }
0x17b: {  	v28 =	vld [tilespmem:s19+$0x9500];
	v6 =	vadd.s32 v24, v6  }
0x17c: {  	v29 =	vld [tilespmem:s19+$0x9600];
	v6 =	vadd.s32 v25, v6  }
0x17d: {  	v30 =	vld [tilespmem:s19+$0x9700];
	v6 =	vadd.s32 v26, v6  }
0x17e: {  	v31 =	vld [tilespmem:s19+$0x9800];
	v6 =	vadd.s32 v7, v6  }
0x17f: {  	v7 =	vld [tilespmem:s19+$0x9900];
	v6 =	vadd.s32 v27, v6  }
0x180: {  	v32 =	vld [tilespmem:s19+$0x9A00];
	v6 =	vadd.s32 v28, v6  }
0x181: {  	v33 =	vld [tilespmem:s19+$0x9B00];
	v6 =	vadd.s32 v29, v6  }
0x182: {  	v34 =	vld [tilespmem:s19+$0x9C00];
	v6 =	vadd.s32 v30, v6  }
0x183: {  	v35 =	vld [tilespmem:s19+$0x9D00];
	v6 =	vadd.s32 v31, v6  }
0x184: {  	v36 =	vld [tilespmem:s19+$0x9E00];
	v6 =	vadd.s32 v7, v6  }
0x185: {  	v7 =	vld [tilespmem:s19+$0x9F00];
	v6 =	vadd.s32 v32, v6  }
0x186: {  	v37 =	vld [tilespmem:s19+$0xA000];
	v6 =	vadd.s32 v33, v6  }
0x187: {  	v38 =	vld [tilespmem:s19+$0xA100];
	v6 =	vadd.s32 v34, v6  }
0x188: {  	v39 =	vld [tilespmem:s19+$0xA200];
	v6 =	vadd.s32 v35, v6  }
0x189: {  	v40 =	vld [tilespmem:s19+$0xA300];
	v6 =	vadd.s32 v36, v6  }
0x18a: {  	v41 =	vld [tilespmem:s19+$0xA400];
	v6 =	vadd.s32 v7, v6  }
0x18b: {  	v7 =	vld [tilespmem:s19+$0xA500];
	v6 =	vadd.s32 v37, v6  }
0x18c: {  	v42 =	vld [tilespmem:s19+$0xA600];
	v6 =	vadd.s32 v38, v6  }
0x18d: {  	v43 =	vld [tilespmem:s19+$0xA700];
	v6 =	vadd.s32 v39, v6  }
0x18e: {  	v44 =	vld [tilespmem:s19+$0xA800];
	v6 =	vadd.s32 v40, v6  }
0x18f: {  	v45 =	vld [tilespmem:s19+$0xA900];
	v6 =	vadd.s32 v41, v6  }
0x190: {  	v46 =	vld [tilespmem:s19+$0xAA00];
	v6 =	vadd.s32 v7, v6  }
0x191: {  	v7 =	vld [tilespmem:s19+$0xAB00];
	v6 =	vadd.s32 v42, v6  }
0x192: {  	v47 =	vld [tilespmem:s19+$0xAC00];
	v6 =	vadd.s32 v43, v6  }
0x193: {  	v48 =	vld [tilespmem:s19+$0xAD00];
	v6 =	vadd.s32 v44, v6  }
0x194: {  	v49 =	vld [tilespmem:s19+$0xAE00];
	v6 =	vadd.s32 v45, v6  }
0x195: {  	v50 =	vld [tilespmem:s19+$0xAF00];
	v6 =	vadd.s32 v46, v6  }
0x196: {  	v51 =	vld [tilespmem:s19+$0xB000];
	v6 =	vadd.s32 v7, v6  }
0x197: {  	v7 =	vld [tilespmem:s19+$0xB100];
	v6 =	vadd.s32 v47, v6  }
0x198: {  	v52 =	vld [tilespmem:s19+$0xB200];
	v6 =	vadd.s32 v48, v6  }
0x199: {  	v53 =	vld [tilespmem:s19+$0xB300];
	v6 =	vadd.s32 v49, v6  }
0x19a: {  	v54 =	vld [tilespmem:s19+$0xB400];
	v6 =	vadd.s32 v50, v6  }
0x19b: {  	v55 =	vld [tilespmem:s19+$0xB500];
	v6 =	vadd.s32 v51, v6  }
0x19c: {  	v56 =	vld [tilespmem:s19+$0xB600];
	v6 =	vadd.s32 v7, v6  }
0x19d: {  	v7 =	vld [tilespmem:s19+$0xB700];
	v6 =	vadd.s32 v52, v6  }
0x19e: {  	v57 =	vld [tilespmem:s19+$0xB800];
	v6 =	vadd.s32 v53, v6  }
0x19f: {  	v58 =	vld [tilespmem:s19+$0xB900];
	v6 =	vadd.s32 v54, v6  }
0x1a0: {  	v59 =	vld [tilespmem:s19+$0xBA00];
	v6 =	vadd.s32 v55, v6  }
0x1a1: {  	v60 =	vld [tilespmem:s19+$0xBB00];
	v6 =	vadd.s32 v56, v6  }
0x1a2: {  	v61 =	vld [tilespmem:s19+$0xBC00];
	v6 =	vadd.s32 v7, v6  }
0x1a3: {  	v7 =	vld [tilespmem:s19+$0xBD00];
	v6 =	vadd.s32 v57, v6  }
0x1a4: {  	v62 =	vld [tilespmem:s19+$0xBE00];
	v6 =	vadd.s32 v58, v6  }
0x1a5: {  	v63 =	vld [tilespmem:s19+$0xBF00];
	v6 =	vadd.s32 v59, v6  }
0x1a6: {  	v6 =	vadd.s32 v60, v6  }
0x1a7: {  	v6 =	vadd.s32 v61, v6  }
0x1a8: {  	v6 =	vadd.s32 v7, v6  }
0x1a9: {  	v6 =	vadd.s32 v62, v6  }
0x1aa: {  	s18 =	sadd.s32 $0x10, s18;
	s30 =	sshll.u32 s17, $0xA;
	v6 =	vadd.s32 v63, v6  }
.Ltmp8:
0x1ab: {  	s31 =	sadd.s32 s30, s7;
	[tilespmem:s18+$0x0] =	vst v6;
	(pc) =	sbr.rel .LBB2_17-.Ltmp8, $4  }
0x1ac: {  	[hbm4b:s31+s10] =	stream.strided.scatter [tilespmem:s12], [sflag:$0x4], $0x100, s11, s10, $0x38;
	[tilespmem:$0xC100] =	vst v63  }
0x1ad: {  	_ =	swait.ge [sflag:s13], $0x100  }
0x1ae: {  	[sflag:s13] =	ssyncset.done $0x0  }
0x1af: {  	[sflag:s13] =	ssyncadd.s32 $0xFFFFFF00  }
.LBB2_3:
0x1b0: {  	s18 =	sshll.u32 s17, $0x13  }
0x1b1: {  	_ =	swait.ge [sflag:s14], $0x4000;
	s18 =	sadd.s32 s6, s18  }
0x1b2: {  	[sflag:s14] =	ssyncset.done $0x0;
	s18 =	sshrl.u32 s18, $0x3  }
0x1b3: {  	[sflag:s14] =	ssyncadd.s32 $0xFFFFC000;
	s19 =	sadd.s32 s3, s18;
	s18 =	simm.s32 $0x0  }
0x1b4: {  	[tilespmem:s18], [sflag:$0x1] =	stream.linear.gather [hbm4b:s19+s18], $0x4000, $0x38;
	[tilespmem:$0xC100] =	vst v63  }
0x1b5: {  	s20 =	simm.s32 $0x400;
	s19 =	simm.s32 $0x0  }
.LBB2_4:
0x1b6: {  	p0 =	sne.s32 s20, $0xFC00;
	[tilespmem:s19+$0x80F0] =	vst v1  }
0x1b7: {  	[tilespmem:s19+$0x8000] =	vst v1  }
0x1b8: {  	[tilespmem:s19+$0x8010] =	vst v1  }
0x1b9: {  	[tilespmem:s19+$0x8020] =	vst v1  }
0x1ba: {  	[tilespmem:s19+$0x8030] =	vst v1  }
0x1bb: {  	[tilespmem:s19+$0x8040] =	vst v1  }
0x1bc: {  	[tilespmem:s19+$0x8050] =	vst v1  }
0x1bd: {  	[tilespmem:s19+$0x8060] =	vst v1  }
0x1be: {  	[tilespmem:s19+$0x8070] =	vst v1  }
0x1bf: {  	[tilespmem:s19+$0x8080] =	vst v1  }
0x1c0: {  	[tilespmem:s19+$0x8090] =	vst v1  }
.Ltmp9:
0x1c1: {  	[tilespmem:s19+$0x80A0] =	vst v1;
	(pc) =	sbr.rel @p0 .LBB2_4-.Ltmp9, $4  }
0x1c2: {  	[tilespmem:s19+$0x80B0] =	vst v1  }
0x1c3: {  	[tilespmem:s19+$0x80C0] =	vst v1  }
0x1c4: {  	[tilespmem:s19+$0x80D0] =	vst v1  }
0x1c5: {  	[tilespmem:s19+$0x80E0] =	vst v1;
	s19 =	sshra.s32 s20, $0x2;
	s20 =	sadd.s32 $0x400, s20  }
0x1c6: {  	[tilespmem:s19+$0x80F0] =	vst v1  }
0x1c7: {  	[tilespmem:s19+$0x8000] =	vst v1  }
0x1c8: {  	[tilespmem:s19+$0x8010] =	vst v1  }
0x1c9: {  	[tilespmem:s19+$0x8020] =	vst v1  }
0x1ca: {  	[tilespmem:s19+$0x8030] =	vst v1  }
0x1cb: {  	[tilespmem:s19+$0x8040] =	vst v1  }
0x1cc: {  	[tilespmem:s19+$0x8050] =	vst v1  }
0x1cd: {  	[tilespmem:s19+$0x8060] =	vst v1  }
0x1ce: {  	[tilespmem:s19+$0x8070] =	vst v1  }
0x1cf: {  	[tilespmem:s19+$0x8080] =	vst v1  }
0x1d0: {  	[tilespmem:s19+$0x8090] =	vst v1  }
0x1d1: {  	[tilespmem:s19+$0x80A0] =	vst v1  }
0x1d2: {  	[tilespmem:s19+$0x80B0] =	vst v1  }
0x1d3: {  	[tilespmem:s19+$0x80C0] =	vst v1  }
0x1d4: {  	[tilespmem:s19+$0x80D0] =	vst v1  }
0x1d5: {  	[tilespmem:s19+$0x80E0] =	vst v1;
	s19 =	simm.s32 $0x0  }
.LBB2_6:
0x1d6: {  	s20 =	sand.u32 $0x3000, s19;
	s21 =	sand.u32 $0x380, s18  }
0x1d7: {  	s21 =	sor.u32 s21, s20  }
0x1d8: {  	v6 =	vld [tilespmem:s21+$0x4000]  }
0x1d9: {  	v7 =	vld [tilespmem:s21+$0x4010]  }
0x1da: {  	v8 =	vld [tilespmem:s21+$0x4020]  }
0x1db: {  	v9 =	vld [tilespmem:s21+$0x4030]  }
0x1dc: {  	v10 =	vld [tilespmem:s21+$0x4040]  }
0x1dd: {  	v11 =	vld [tilespmem:s21+$0x4050];
	v6 =	vadd.s32 v0, v6  }
0x1de: {  	v12 =	vld [tilespmem:s21+$0x4060];
	v7 =	vadd.s32 v2, v7  }
0x1df: {  	v13 =	vld [tilespmem:s21+$0x4070];
	v8 =	vadd.s32 v3, v8  }
0x1e0: {  	v9 =	vadd.s32 v4, v9  }
0x1e1: {  	s20 =	simm.s32 $0x8000;
	v10 =	vadd.s32 v0, v10  }
0x1e2: {  	v11 =	vadd.s32 v2, v11;
	[tilespmem:v6+s20+$0x0] =	vst.idx.add.s32.msk $0xffff, v5  }
0x1e3: {  	v6 =	vadd.s32 v3, v12;
	[tilespmem:v7+s20+$0x0] =	vst.idx.add.s32.msk $0xffff, v5  }
0x1e4: {  	v7 =	vadd.s32 v4, v13;
	[tilespmem:v8+s20+$0x0] =	vst.idx.add.s32.msk $0xffff, v5  }
0x1e5: {  	[tilespmem:v9+s20+$0x0] =	vst.idx.add.s32.msk $0xffff, v5  }
0x1e6: {  	[tilespmem:v10+s20+$0x0] =	vst.idx.add.s32.msk $0xffff, v5  }
0x1e7: {  	[tilespmem:v11+s20+$0x0] =	vst.idx.add.s32.msk $0xffff, v5  }
0x1e8: {  	[tilespmem:v6+s20+$0x0] =	vst.idx.add.s32.msk $0xffff, v5  }
0x1e9: {  	[tilespmem:v7+s20+$0x0] =	vst.idx.add.s32.msk $0xffff, v5  }
0x1ea: {  	v6 =	vld [tilespmem:s21+$0x4400]  }
0x1eb: {  	v7 =	vld [tilespmem:s21+$0x4410]  }
0x1ec: {  	v8 =	vld [tilespmem:s21+$0x4420]  }
0x1ed: {  	v9 =	vld [tilespmem:s21+$0x4430]  }
0x1ee: {  	v10 =	vld [tilespmem:s21+$0x4440]  }
0x1ef: {  	v11 =	vld [tilespmem:s21+$0x4450];
	v6 =	vadd.s32 v0, v6  }
0x1f0: {  	v58 =	vld [tilespmem:s21+$0x4460];
	v7 =	vadd.s32 v2, v7  }
0x1f1: {  	v59 =	vld [tilespmem:s21+$0x4470];
	v8 =	vadd.s32 v3, v8  }
0x1f2: {  	v9 =	vadd.s32 v4, v9  }
0x1f3: {  	v10 =	vadd.s32 v0, v10  }
0x1f4: {  	v11 =	vadd.s32 v2, v11;
	[tilespmem:v6+s20+$0x0] =	vst.idx.add.s32.msk $0xffff, v5  }
0x1f5: {  	v6 =	vadd.s32 v3, v58;
	[tilespmem:v7+s20+$0x0] =	vst.idx.add.s32.msk $0xffff, v5  }
0x1f6: {  	v7 =	vadd.s32 v4, v59;
	[tilespmem:v8+s20+$0x0] =	vst.idx.add.s32.msk $0xffff, v5  }
0x1f7: {  	[tilespmem:v9+s20+$0x0] =	vst.idx.add.s32.msk $0xffff, v5  }
0x1f8: {  	[tilespmem:v10+s20+$0x0] =	vst.idx.add.s32.msk $0xffff, v5  }
0x1f9: {  	[tilespmem:v11+s20+$0x0] =	vst.idx.add.s32.msk $0xffff, v5  }
0x1fa: {  	[tilespmem:v6+s20+$0x0] =	vst.idx.add.s32.msk $0xffff, v5  }
0x1fb: {  	[tilespmem:v7+s20+$0x0] =	vst.idx.add.s32.msk $0xffff, v5  }
0x1fc: {  	v6 =	vld [tilespmem:s21+$0x4800]  }
0x1fd: {  	v7 =	vld [tilespmem:s21+$0x4810]  }
0x1fe: {  	v8 =	vld [tilespmem:s21+$0x4820]  }
0x1ff: {  	v9 =	vld [tilespmem:s21+$0x4830]  }
0x200: {  	v10 =	vld [tilespmem:s21+$0x4840]  }
0x201: {  	v11 =	vld [tilespmem:s21+$0x4850];
	v6 =	vadd.s32 v0, v6  }
0x202: {  	v60 =	vld [tilespmem:s21+$0x4860];
	v7 =	vadd.s32 v2, v7  }
0x203: {  	v61 =	vld [tilespmem:s21+$0x4870];
	v8 =	vadd.s32 v3, v8  }
0x204: {  	v9 =	vadd.s32 v4, v9  }
0x205: {  	v10 =	vadd.s32 v0, v10  }
0x206: {  	v11 =	vadd.s32 v2, v11;
	[tilespmem:v6+s20+$0x0] =	vst.idx.add.s32.msk $0xffff, v5  }
0x207: {  	v6 =	vadd.s32 v3, v60;
	[tilespmem:v7+s20+$0x0] =	vst.idx.add.s32.msk $0xffff, v5  }
0x208: {  	v7 =	vadd.s32 v4, v61;
	[tilespmem:v8+s20+$0x0] =	vst.idx.add.s32.msk $0xffff, v5  }
0x209: {  	[tilespmem:v9+s20+$0x0] =	vst.idx.add.s32.msk $0xffff, v5  }
0x20a: {  	[tilespmem:v10+s20+$0x0] =	vst.idx.add.s32.msk $0xffff, v5  }
0x20b: {  	[tilespmem:v11+s20+$0x0] =	vst.idx.add.s32.msk $0xffff, v5  }
0x20c: {  	[tilespmem:v6+s20+$0x0] =	vst.idx.add.s32.msk $0xffff, v5  }
0x20d: {  	[tilespmem:v7+s20+$0x0] =	vst.idx.add.s32.msk $0xffff, v5  }
0x20e: {  	v6 =	vld [tilespmem:s21+$0x4C00]  }
0x20f: {  	v7 =	vld [tilespmem:s21+$0x4C10]  }
0x210: {  	v8 =	vld [tilespmem:s21+$0x4C20]  }
0x211: {  	v9 =	vld [tilespmem:s21+$0x4C30]  }
0x212: {  	v10 =	vld [tilespmem:s21+$0x4C40]  }
0x213: {  	v11 =	vld [tilespmem:s21+$0x4C50];
	v6 =	vadd.s32 v0, v6  }
0x214: {  	v62 =	vld [tilespmem:s21+$0x4C60];
	v7 =	vadd.s32 v2, v7  }
0x215: {  	v63 =	vld [tilespmem:s21+$0x4C70];
	v8 =	vadd.s32 v3, v8  }
0x216: {  	v9 =	vadd.s32 v4, v9  }
0x217: {  	v10 =	vadd.s32 v0, v10  }
0x218: {  	v11 =	vadd.s32 v2, v11;
	[tilespmem:v6+s20+$0x0] =	vst.idx.add.s32.msk $0xffff, v5  }
0x219: {  	v6 =	vadd.s32 v3, v62;
	[tilespmem:v7+s20+$0x0] =	vst.idx.add.s32.msk $0xffff, v5  }
0x21a: {  	p0 =	sne.s32 s19, $0x3E00;
	v7 =	vadd.s32 v4, v63;
	[tilespmem:v8+s20+$0x0] =	vst.idx.add.s32.msk $0xffff, v5  }
.Ltmp10:
0x21b: {  	[tilespmem:v9+s20+$0x0] =	vst.idx.add.s32.msk $0xffff, v5;
	(pc) =	sbr.rel @p0 .LBB2_6-.Ltmp10, $4  }
0x21c: {  	[tilespmem:v10+s20+$0x0] =	vst.idx.add.s32.msk $0xffff, v5  }
0x21d: {  	[tilespmem:v11+s20+$0x0] =	vst.idx.add.s32.msk $0xffff, v5  }
0x21e: {  	[tilespmem:v6+s20+$0x0] =	vst.idx.add.s32.msk $0xffff, v5  }
0x21f: {  	s18 =	sadd.s32 $0x80, s18;
	s19 =	sadd.s32 $0x200, s19;
	[tilespmem:v7+s20+$0x0] =	vst.idx.add.s32.msk $0xffff, v5  }
0x220: {  	s18 =	simm.s32 $0x0  }
0x221: {  	v7 =	vld [tilespmem:s20+$0x0];
	s18 =	sand.u32 $0xF0, s18  }
0x222: {  	v6 =	vld [tilespmem:s18+$0x8100]  }
0x223: {  	v8 =	vld [tilespmem:s18+$0x8200]  }
0x224: {  	v9 =	vld [tilespmem:s18+$0x8300]  }
0x225: {  	v10 =	vld [tilespmem:s18+$0x8400]  }
0x226: {  	v11 =	vld [tilespmem:s18+$0x8500]  }
0x227: {  	v12 =	vld [tilespmem:s18+$0x8600];
	v6 =	vadd.s32 v7, v6  }
0x228: {  	v7 =	vld [tilespmem:s18+$0x8700];
	v6 =	vadd.s32 v8, v6  }
0x229: {  	v8 =	vld [tilespmem:s18+$0x8800];
	v6 =	vadd.s32 v9, v6  }
0x22a: {  	v27 =	vld [tilespmem:s18+$0x8900];
	v6 =	vadd.s32 v10, v6  }
0x22b: {  	v28 =	vld [tilespmem:s18+$0x8A00];
	v6 =	vadd.s32 v11, v6  }
0x22c: {  	v29 =	vld [tilespmem:s18+$0x8B00];
	v6 =	vadd.s32 v12, v6  }
0x22d: {  	v30 =	vld [tilespmem:s18+$0x8C00];
	v6 =	vadd.s32 v7, v6  }
0x22e: {  	v7 =	vld [tilespmem:s18+$0x8D00];
	v6 =	vadd.s32 v8, v6  }
0x22f: {  	v8 =	vld [tilespmem:s18+$0x8E00];
	v6 =	vadd.s32 v27, v6  }
0x230: {  	v31 =	vld [tilespmem:s18+$0x8F00];
	v6 =	vadd.s32 v28, v6  }
0x231: {  	v32 =	vld [tilespmem:s18+$0x9000];
	v6 =	vadd.s32 v29, v6  }
0x232: {  	v33 =	vld [tilespmem:s18+$0x9100];
	v6 =	vadd.s32 v30, v6  }
0x233: {  	v34 =	vld [tilespmem:s18+$0x9200];
	v6 =	vadd.s32 v7, v6  }
0x234: {  	v7 =	vld [tilespmem:s18+$0x9300];
	v6 =	vadd.s32 v8, v6  }
0x235: {  	v8 =	vld [tilespmem:s18+$0x9400];
	v6 =	vadd.s32 v31, v6  }
0x236: {  	v35 =	vld [tilespmem:s18+$0x9500];
	v6 =	vadd.s32 v32, v6  }
0x237: {  	v36 =	vld [tilespmem:s18+$0x9600];
	v6 =	vadd.s32 v33, v6  }
0x238: {  	v37 =	vld [tilespmem:s18+$0x9700];
	v6 =	vadd.s32 v34, v6  }
0x239: {  	v38 =	vld [tilespmem:s18+$0x9800];
	v6 =	vadd.s32 v7, v6  }
0x23a: {  	v7 =	vld [tilespmem:s18+$0x9900];
	v6 =	vadd.s32 v8, v6  }
0x23b: {  	v8 =	vld [tilespmem:s18+$0x9A00];
	v6 =	vadd.s32 v35, v6  }
0x23c: {  	v39 =	vld [tilespmem:s18+$0x9B00];
	v6 =	vadd.s32 v36, v6  }
0x23d: {  	v40 =	vld [tilespmem:s18+$0x9C00];
	v6 =	vadd.s32 v37, v6  }
0x23e: {  	v41 =	vld [tilespmem:s18+$0x9D00];
	v6 =	vadd.s32 v38, v6  }
0x23f: {  	v42 =	vld [tilespmem:s18+$0x9E00];
	v6 =	vadd.s32 v7, v6  }
0x240: {  	v7 =	vld [tilespmem:s18+$0x9F00];
	v6 =	vadd.s32 v8, v6  }
0x241: {  	v8 =	vld [tilespmem:s18+$0xA000];
	v6 =	vadd.s32 v39, v6  }
0x242: {  	v43 =	vld [tilespmem:s18+$0xA100];
	v6 =	vadd.s32 v40, v6  }
0x243: {  	v44 =	vld [tilespmem:s18+$0xA200];
	v6 =	vadd.s32 v41, v6  }
0x244: {  	v45 =	vld [tilespmem:s18+$0xA300];
	v6 =	vadd.s32 v42, v6  }
0x245: {  	v46 =	vld [tilespmem:s18+$0xA400];
	v6 =	vadd.s32 v7, v6  }
0x246: {  	v7 =	vld [tilespmem:s18+$0xA500];
	v6 =	vadd.s32 v8, v6  }
0x247: {  	v8 =	vld [tilespmem:s18+$0xA600];
	v6 =	vadd.s32 v43, v6  }
0x248: {  	v47 =	vld [tilespmem:s18+$0xA700];
	v6 =	vadd.s32 v44, v6  }
0x249: {  	v48 =	vld [tilespmem:s18+$0xA800];
	v6 =	vadd.s32 v45, v6  }
0x24a: {  	v49 =	vld [tilespmem:s18+$0xA900];
	v6 =	vadd.s32 v46, v6  }
0x24b: {  	v50 =	vld [tilespmem:s18+$0xAA00];
	v6 =	vadd.s32 v7, v6  }
0x24c: {  	v7 =	vld [tilespmem:s18+$0xAB00];
	v6 =	vadd.s32 v8, v6  }
0x24d: {  	v8 =	vld [tilespmem:s18+$0xAC00];
	v6 =	vadd.s32 v47, v6  }
0x24e: {  	v51 =	vld [tilespmem:s18+$0xAD00];
	v6 =	vadd.s32 v48, v6  }
0x24f: {  	v52 =	vld [tilespmem:s18+$0xAE00];
	v6 =	vadd.s32 v49, v6  }
0x250: {  	v53 =	vld [tilespmem:s18+$0xAF00];
	v6 =	vadd.s32 v50, v6  }
0x251: {  	v54 =	vld [tilespmem:s18+$0xB000];
	v6 =	vadd.s32 v7, v6  }
0x252: {  	v7 =	vld [tilespmem:s18+$0xB100];
	v6 =	vadd.s32 v8, v6  }
0x253: {  	v8 =	vld [tilespmem:s18+$0xB200];
	v6 =	vadd.s32 v51, v6  }
0x254: {  	v55 =	vld [tilespmem:s18+$0xB300];
	v6 =	vadd.s32 v52, v6  }
0x255: {  	v56 =	vld [tilespmem:s18+$0xB400];
	v6 =	vadd.s32 v53, v6  }
0x256: {  	v57 =	vld [tilespmem:s18+$0xB500];
	v6 =	vadd.s32 v54, v6  }
0x257: {  	v58 =	vld [tilespmem:s18+$0xB600];
	v6 =	vadd.s32 v7, v6  }
0x258: {  	v7 =	vld [tilespmem:s18+$0xB700];
	v6 =	vadd.s32 v8, v6  }
0x259: {  	v8 =	vld [tilespmem:s18+$0xB800];
	v6 =	vadd.s32 v55, v6  }
0x25a: {  	v59 =	vld [tilespmem:s18+$0xB900];
	v6 =	vadd.s32 v56, v6  }
0x25b: {  	v60 =	vld [tilespmem:s18+$0xBA00];
	v6 =	vadd.s32 v57, v6  }
0x25c: {  	v61 =	vld [tilespmem:s18+$0xBB00];
	v6 =	vadd.s32 v58, v6  }
0x25d: {  	v62 =	vld [tilespmem:s18+$0xBC00];
	v6 =	vadd.s32 v7, v6  }
0x25e: {  	v7 =	vld [tilespmem:s18+$0xBD00];
	v6 =	vadd.s32 v8, v6  }
0x25f: {  	v8 =	vld [tilespmem:s18+$0xBE00];
	v6 =	vadd.s32 v59, v6  }
0x260: {  	v63 =	vld [tilespmem:s18+$0xBF00];
	v6 =	vadd.s32 v60, v6  }
0x261: {  	v6 =	vadd.s32 v61, v6  }
0x262: {  	v6 =	vadd.s32 v62, v6  }
0x263: {  	v6 =	vadd.s32 v7, v6  }
0x264: {  	v6 =	vadd.s32 v8, v6  }
0x265: {  	s19 =	simm.s32 $0x10;
	s18 =	simm.s32 $0xC000;
	v6 =	vadd.s32 v63, v6  }
0x266: {  	s19 =	sand.u32 $0xF0, s19;
	[tilespmem:s18+$0x0] =	vst v6  }
0x267: {  	s21 =	simm.s32 $0x20;
	s20 =	simm.s32 $0x8010;
	v6 =	vld [tilespmem:s19+$0x8100]  }
.LBB2_8:
0x268: {  	p0 =	sne.s32 s21, $0xF0;
	v7 =	vld [tilespmem:s20+$0x0]  }
0x269: {  	v8 =	vld [tilespmem:s19+$0x8200]  }
0x26a: {  	v9 =	vld [tilespmem:s19+$0x8300]  }
0x26b: {  	v10 =	vld [tilespmem:s19+$0x8400]  }
0x26c: {  	v11 =	vld [tilespmem:s19+$0x8500]  }
0x26d: {  	v12 =	vld [tilespmem:s19+$0x8600];
	v6 =	vadd.s32 v7, v6  }
0x26e: {  	v7 =	vld [tilespmem:s19+$0x8700];
	v6 =	vadd.s32 v8, v6  }
0x26f: {  	v8 =	vld [tilespmem:s19+$0x8800];
	v6 =	vadd.s32 v9, v6  }
0x270: {  	v9 =	vld [tilespmem:s19+$0x8900];
	v6 =	vadd.s32 v10, v6  }
0x271: {  	v10 =	vld [tilespmem:s19+$0x8A00];
	v6 =	vadd.s32 v11, v6  }
0x272: {  	v11 =	vld [tilespmem:s19+$0x8B00];
	v6 =	vadd.s32 v12, v6  }
0x273: {  	v12 =	vld [tilespmem:s19+$0x8C00];
	v6 =	vadd.s32 v7, v6  }
0x274: {  	v7 =	vld [tilespmem:s19+$0x8D00];
	v6 =	vadd.s32 v8, v6  }
0x275: {  	v8 =	vld [tilespmem:s19+$0x8E00];
	v6 =	vadd.s32 v9, v6  }
0x276: {  	v9 =	vld [tilespmem:s19+$0x8F00];
	v6 =	vadd.s32 v10, v6  }
0x277: {  	v10 =	vld [tilespmem:s19+$0x9000];
	v6 =	vadd.s32 v11, v6  }
0x278: {  	v11 =	vld [tilespmem:s19+$0x9100];
	v6 =	vadd.s32 v12, v6  }
0x279: {  	v12 =	vld [tilespmem:s19+$0x9200];
	v6 =	vadd.s32 v7, v6  }
0x27a: {  	v7 =	vld [tilespmem:s19+$0x9300];
	v6 =	vadd.s32 v8, v6  }
0x27b: {  	v8 =	vld [tilespmem:s19+$0x9400];
	v6 =	vadd.s32 v9, v6  }
0x27c: {  	v9 =	vld [tilespmem:s19+$0x9500];
	v6 =	vadd.s32 v10, v6  }
0x27d: {  	v10 =	vld [tilespmem:s19+$0x9600];
	v6 =	vadd.s32 v11, v6  }
0x27e: {  	v11 =	vld [tilespmem:s19+$0x9700];
	v6 =	vadd.s32 v12, v6  }
0x27f: {  	v12 =	vld [tilespmem:s19+$0x9800];
	v6 =	vadd.s32 v7, v6  }
0x280: {  	v7 =	vld [tilespmem:s19+$0x9900];
	v6 =	vadd.s32 v8, v6  }
0x281: {  	v8 =	vld [tilespmem:s19+$0x9A00];
	v6 =	vadd.s32 v9, v6  }
0x282: {  	v9 =	vld [tilespmem:s19+$0x9B00];
	v6 =	vadd.s32 v10, v6  }
0x283: {  	v10 =	vld [tilespmem:s19+$0x9C00];
	v6 =	vadd.s32 v11, v6  }
0x284: {  	v11 =	vld [tilespmem:s19+$0x9D00];
	v6 =	vadd.s32 v12, v6  }
0x285: {  	v12 =	vld [tilespmem:s19+$0x9E00];
	v6 =	vadd.s32 v7, v6  }
0x286: {  	v7 =	vld [tilespmem:s19+$0x9F00];
	v6 =	vadd.s32 v8, v6  }
0x287: {  	v8 =	vld [tilespmem:s19+$0xA000];
	v6 =	vadd.s32 v9, v6  }
0x288: {  	v9 =	vld [tilespmem:s19+$0xA100];
	v6 =	vadd.s32 v10, v6  }
0x289: {  	v10 =	vld [tilespmem:s19+$0xA200];
	v6 =	vadd.s32 v11, v6  }
0x28a: {  	v11 =	vld [tilespmem:s19+$0xA300];
	v6 =	vadd.s32 v12, v6  }
0x28b: {  	v12 =	vld [tilespmem:s19+$0xA400];
	v6 =	vadd.s32 v7, v6  }
0x28c: {  	v7 =	vld [tilespmem:s19+$0xA500];
	v6 =	vadd.s32 v8, v6  }
0x28d: {  	v8 =	vld [tilespmem:s19+$0xA600];
	v6 =	vadd.s32 v9, v6  }
0x28e: {  	v9 =	vld [tilespmem:s19+$0xA700];
	v6 =	vadd.s32 v10, v6  }
0x28f: {  	v10 =	vld [tilespmem:s19+$0xA800];
	v6 =	vadd.s32 v11, v6  }
0x290: {  	v11 =	vld [tilespmem:s19+$0xA900];
	v6 =	vadd.s32 v12, v6  }
0x291: {  	v12 =	vld [tilespmem:s19+$0xAA00];
	v6 =	vadd.s32 v7, v6  }
0x292: {  	v7 =	vld [tilespmem:s19+$0xAB00];
	v6 =	vadd.s32 v8, v6  }
0x293: {  	v8 =	vld [tilespmem:s19+$0xAC00];
	v6 =	vadd.s32 v9, v6  }
0x294: {  	v9 =	vld [tilespmem:s19+$0xAD00];
	v6 =	vadd.s32 v10, v6  }
0x295: {  	v10 =	vld [tilespmem:s19+$0xAE00];
	v6 =	vadd.s32 v11, v6  }
0x296: {  	v11 =	vld [tilespmem:s19+$0xAF00];
	v6 =	vadd.s32 v12, v6  }
0x297: {  	v12 =	vld [tilespmem:s19+$0xB000];
	v6 =	vadd.s32 v7, v6  }
0x298: {  	v7 =	vld [tilespmem:s19+$0xB100];
	v6 =	vadd.s32 v8, v6  }
0x299: {  	v8 =	vld [tilespmem:s19+$0xB200];
	v6 =	vadd.s32 v9, v6  }
0x29a: {  	v9 =	vld [tilespmem:s19+$0xB300];
	v6 =	vadd.s32 v10, v6  }
0x29b: {  	v10 =	vld [tilespmem:s19+$0xB400];
	v6 =	vadd.s32 v11, v6  }
0x29c: {  	v11 =	vld [tilespmem:s19+$0xB500];
	v6 =	vadd.s32 v12, v6  }
0x29d: {  	v12 =	vld [tilespmem:s19+$0xB600];
	v6 =	vadd.s32 v7, v6  }
0x29e: {  	v7 =	vld [tilespmem:s19+$0xB700];
	v6 =	vadd.s32 v8, v6  }
0x29f: {  	v8 =	vld [tilespmem:s19+$0xB800];
	v6 =	vadd.s32 v9, v6  }
0x2a0: {  	v9 =	vld [tilespmem:s19+$0xB900];
	v6 =	vadd.s32 v10, v6  }
0x2a1: {  	v10 =	vld [tilespmem:s19+$0xBA00];
	v6 =	vadd.s32 v11, v6  }
0x2a2: {  	v11 =	vld [tilespmem:s19+$0xBB00];
	v6 =	vadd.s32 v12, v6  }
0x2a3: {  	v12 =	vld [tilespmem:s19+$0xBC00];
	v6 =	vadd.s32 v7, v6  }
0x2a4: {  	v7 =	vld [tilespmem:s19+$0xBD00];
	v6 =	vadd.s32 v8, v6  }
0x2a5: {  	v8 =	vld [tilespmem:s19+$0xBE00];
	v6 =	vadd.s32 v9, v6  }
0x2a6: {  	v9 =	vld [tilespmem:s19+$0xBF00];
	v6 =	vadd.s32 v10, v6  }
0x2a7: {  	v6 =	vadd.s32 v11, v6  }
0x2a8: {  	v6 =	vadd.s32 v12, v6  }
.Ltmp11:
0x2a9: {  	v6 =	vadd.s32 v7, v6;
	(pc) =	sbr.rel @p0 .LBB2_8-.Ltmp11, $4  }
0x2aa: {  	v6 =	vadd.s32 v8, v6  }
0x2ab: {  	s18 =	sadd.s32 $0x10, s18;
	v6 =	vadd.s32 v9, v6  }
0x2ac: {  	s19 =	sand.u32 $0xF0, s21;
	[tilespmem:s18+$0x0] =	vst v6  }
0x2ad: {  	s20 =	sadd.s32 $0x10, s20;
	s21 =	sadd.s32 $0x10, s21;
	v6 =	vld [tilespmem:s19+$0x8100]  }
.Ltmp12:
0x2ae: {  	_ = 	snop;
	(pc) =	sbr.rel .LBB2_9-.Ltmp12, $1  }
0x2af: {  	_ =	sdelay $0x3  }
.LBB2_19:
0x2b0: {  	_ =	sfence.sel $0x180000  }
0x2b1: {  	[bflag:$0x0] =	sbarrier.arrive $0xFFFF  }
0x2b2: {  	p0 =	sne.s32 s1, $0x0;
	_ =	strace $0x90000047  }
0x2b3: {  	s0 =	sadd.s32 @!p0 $0x100000, s0;
	[bflag:$0x2] =	sbarrier.arrive $0xFFFF  }
0x2b4: {  	[sflag:s0] =	ssyncadd.tile.s32 @!p0 $0x1;
	_ =	shalt  }
.Lfunc_end2:
_tile_overlayer_lowered:
.L_overlay_start_2:
0x2b5: {  	(tag) =	ssettag $0x2  }
0x2b6: {  	s0 =	rddreg [dreg:$0x0];
	s2 =	stileid.u32  }
0x2b7: {  	s1 =	rddreg [dreg:$0x1];
	p0 =	sne.s32 s2, $0x0  }
0x2b8: {  	s3 =	rddreg [dreg:$0x2];
	[bflag:$0x3] =	sbarrier.arrive $0xFFFF;
	s2 =	simm.s32 @!p0 $0x1C03  }
0x2b9: {  	[timem:s3], [sflag:s2] =	dma.local @!p0 [hbm:s0], s1  }
0x2ba: {  	s0 =	simm.s32 @!p0 $0x3  }
0x2bb: {  	_ =	swait.ge @!p0 [sflag:s0], s1  }
0x2bc: {  	s1 =	ssub.s32 @!p0 $0x0, s1;
	[sflag:s0] =	ssyncset.done @!p0 $0x0  }
0x2bd: {  	[sflag:s0] =	ssyncadd.s32 @!p0 s1  }
0x2be: {  	[bflag:$0x3] =	sbarrier.arrive $0xFFFF  }
0x2bf: {  	_ =	shalt  }

// kernel: kernel.7.cloned.1.call-start
scs
__scs_entry_jumppad:
0x0: {  	(pc) =	sbr.rel $0x88, $3  }
0x1: {  	(tag) =	ssettag $0x0;
	lr =	simm.s32 $0x1  }
0x2: {  	[smem:$0x3F9F] =	sst lr;
	_ =	strace $0xD0000000  }
0x3: {  	_ = 	snop  }
0x4: {  	_ = 	snop  }
0x5: {  	_ = 	snop  }
0x6: {  	_ = 	snop  }
0x7: {  	_ = 	snop  }
__scs_overlays_trampoline_lowered:
0x8: {  	[smem:$0x3FAE] =	sst s0  }
0x9: {  	[smem:$0x3FAF] =	sst s1  }
0xa: {  	[smem:$0x3FB0] =	sst s2  }
0xb: {  	[smem:$0x3FB1] =	sst s3  }
0xc: {  	[smem:$0x3FB2] =	sst s4  }
0xd: {  	[smem:$0x3FB3] =	sst s5  }
0xe: {  	[smem:$0x3FB4] =	sst s6  }
0xf: {  	[smem:$0x3FB5] =	sst s7  }
0x10: {  	[smem:$0x3FB6] =	sst s8  }
0x11: {  	[smem:$0x3FB7] =	sst s9;
	s0 =	simm.s32 @!p0 $0x0  }
0x12: {  	s1 =	sld [smem:$0x3F9D];
	s0 =	simm.s32 @p0 $0x1  }
0x13: {  	[smem:$0x3FB8] =	sst s0;
	s0 =	simm.s32 @!p1 $0x0  }
0x14: {  	s2 =	sld [smem:$0x3F9C];
	s0 =	simm.s32 @p1 $0x1  }
0x15: {  	[smem:$0x3FB9] =	sst s0;
	s0 =	simm.s32 @!p2 $0x0  }
0x16: {  	s3 =	sld [smem:$0x3FDB];
	s0 =	simm.s32 @p2 $0x1  }
0x17: {  	s4 =	simm.s32 $0x1BF5;
	[smem:$0x3FBB] =	sst s0  }
0x18: {  	s0 =	sld [smem:$0x3F9E];
	_ =	swait.ge [sflag:s4], $0x0  }
0x19: {  	s7 =	sld [smem:$0x3F9F]  }
0x1a: {  	s8 =	sadd.s32 $0xFFFFE003, lr  }
0x1b: {  	s9 =	sadd.s32 $0xFFFFFEF7, lr;
	s5 =	simm.s32 $0xFFFFFFFF;
	p2 =	slt.u32 s8, $0xFFFFF086  }
0x1c: {  	p1 =	slt.u32 s9, $0xF7A;
	s5 =	simm.s32 @!p2 $0x0  }
0x1d: {  	s5 =	simm.s32 @p1 $0x1;
	p0 =	seq.s32 s7, s2  }
0x1e: {  	s7 =	smul.u32 @!p0 $0xF7A, s2;
	p2 =	seq.s32 @!p0 s5, $0x0  }
0x1f: {  	s9 =	smul.u32 $0xF7A, s1;
	s8 =	simm.s32 @!p0 $0x1BF5;
	p2 =	por !p2, p0  }
0x20: {  	[sflag:s8] =	ssyncset.s32 @!p0 $0xFFFFF086;
	s6 =	sadd.s32 @!p0 s3, s7;
	s7 =	simm.s32 @!p0 $0x108  }
0x21: {  	s3 =	sadd.s32 s3, s9;
	s6 =	sadd.s32 @!p0 $0x88, s6;
	s7 =	simm.s32 @p2 $0x1082  }
0x22: {  	[simem:s7], [sflag:s8] =	dma.local @!p0 [hbm:s6], $0xF7A  }
0x23: {  	s9 =	sor.u32 $0xD0000000, s2;
	s6 =	simm.s32 $0x108;
	_ =	swait.ge @!p0 [sflag:s8], $0x0  }
0x24: {  	s3 =	sadd.s32 $0x88, s3;
	s6 =	simm.s32 @!p1 $0x1082;
	[sflag:s4] =	ssyncset.s32 $0xFFFFF086  }
0x25: {  	[simem:s6], [sflag:s4] =	dma.local [hbm:s3], $0xF7A  }
0x26: {  	[smem:$0x3F9F] =	sst s1;
	(tag) =	ssettag s2;
	_ =	strace s9  }
0x27: {  	s1 =	sld [smem:$0x3FAF]  }
0x28: {  	s2 =	sld [smem:$0x3FB0]  }
0x29: {  	s4 =	sld [smem:$0x3FB2]  }
0x2a: {  	p0 =	seq.s32 s5, $0x0;
	s5 =	sld [smem:$0x3FB3]  }
0x2b: {  	s6 =	sld [smem:$0x3FB4]  }
0x2c: {  	s7 =	sld [smem:$0x3FB5]  }
0x2d: {  	s3 =	simm.s32 $0x108;
	s8 =	sld [smem:$0x3FB6]  }
0x2e: {  	s3 =	simm.s32 @!p0 $0x1082;
	s9 =	sld [smem:$0x3FB7]  }
0x2f: {  	lr =	sadd.s32 s0, s3;
	s0 =	sld [smem:$0x3FAE]  }
0x30: {  	s3 =	sld [smem:$0x3FB1]  }
0x31: {  	[smem:$0x3FBA] =	sst s10  }
0x32: {  	s10 =	sld [smem:$0x3FB8];
	_ =	sdelay $0x3  }
0x33: {  	p0 =	seq.s32 s10, $0x1;
	s10 =	sld [smem:$0x3FBA];
	_ =	sdelay $0x3  }
0x34: {  	[smem:$0x3FBA] =	sst s10  }
0x35: {  	s10 =	sld [smem:$0x3FB9];
	_ =	sdelay $0x3  }
0x36: {  	p1 =	seq.s32 s10, $0x1;
	s10 =	sld [smem:$0x3FBA];
	_ =	sdelay $0x3  }
0x37: {  	[smem:$0x3FBA] =	sst s10  }
0x38: {  	s10 =	sld [smem:$0x3FBB]  }
0x39: {  	_ = 	snop;
	(pc) =	sbr.ind lr, $3  }
0x3a: {  	_ = 	snop  }
0x3b: {  	_ = 	snop  }
0x3c: {  	p2 =	seq.s32 s10, $0x1;
	s10 =	sld [smem:$0x3FBA]  }
0x3d: {  	_ =	shalt  }
0x3e: {  	_ =	shalt  }
0x3f: {  	_ =	shalt  }
0x40: {  	_ =	shalt  }
0x41: {  	_ =	shalt  }
0x42: {  	_ =	shalt  }
0x43: {  	_ =	shalt  }
0x44: {  	_ =	shalt  }
0x45: {  	_ =	shalt  }
0x46: {  	_ =	shalt  }
0x47: {  	_ =	shalt  }
0x48: {  	_ =	shalt  }
0x49: {  	_ =	shalt  }
0x4a: {  	_ =	shalt  }
0x4b: {  	_ =	shalt  }
0x4c: {  	_ =	shalt  }
0x4d: {  	_ =	shalt  }
0x4e: {  	_ =	shalt  }
0x4f: {  	_ =	shalt  }
0x50: {  	_ =	shalt  }
0x51: {  	_ =	shalt  }
0x52: {  	_ =	shalt  }
0x53: {  	_ =	shalt  }
0x54: {  	_ =	shalt  }
0x55: {  	_ =	shalt  }
0x56: {  	_ =	shalt  }
0x57: {  	_ =	shalt  }
0x58: {  	_ =	shalt  }
0x59: {  	_ =	shalt  }
0x5a: {  	_ =	shalt  }
0x5b: {  	_ =	shalt  }
0x5c: {  	_ =	shalt  }
0x5d: {  	_ =	shalt  }
0x5e: {  	_ =	shalt  }
0x5f: {  	_ =	shalt  }
0x60: {  	_ =	shalt  }
0x61: {  	_ =	shalt  }
0x62: {  	_ =	shalt  }
0x63: {  	_ =	shalt  }
0x64: {  	_ =	shalt  }
0x65: {  	_ =	shalt  }
0x66: {  	_ =	shalt  }
0x67: {  	_ =	shalt  }
0x68: {  	_ =	shalt  }
0x69: {  	_ =	shalt  }
0x6a: {  	_ =	shalt  }
0x6b: {  	_ =	shalt  }
0x6c: {  	_ =	shalt  }
0x6d: {  	_ =	shalt  }
0x6e: {  	_ =	shalt  }
0x6f: {  	_ =	shalt  }
0x70: {  	_ =	shalt  }
0x71: {  	_ =	shalt  }
0x72: {  	_ =	shalt  }
0x73: {  	_ =	shalt  }
0x74: {  	_ =	shalt  }
0x75: {  	_ =	shalt  }
0x76: {  	_ =	shalt  }
0x77: {  	_ =	shalt  }
0x78: {  	_ =	shalt  }
0x79: {  	_ =	shalt  }
0x7a: {  	_ =	shalt  }
0x7b: {  	_ =	shalt  }
0x7c: {  	_ =	shalt  }
0x7d: {  	_ =	shalt  }
0x7e: {  	_ =	shalt  }
0x7f: {  	_ =	shalt  }
0x80: {  	_ =	shalt  }
0x81: {  	_ =	shalt  }
0x82: {  	_ =	shalt  }
0x83: {  	_ =	shalt  }
0x84: {  	_ =	shalt  }
0x85: {  	_ =	shalt  }
0x86: {  	_ =	shalt  }
0x87: {  	_ =	shalt  }
.Lfunc_end0:
.L_simem_size_0:
called_computation_lowered:
.L_overlay_start_0:
0x88: {  	s2 =	sld [smem:$0x3FD9]  }
0x89: {  	s3 =	sld [smem:$0x3FFE];
	_ =	sdelay $0x1  }
0x8a: {  	s1 =	srdreg.scid  }
0x8b: {  	s0 =	sand.u32 $0x1, s1  }
0x8c: {  	s17 =	sshll.u32 s0, $0xA;
	s2 =	sadd.s32 s3, s2  }
0x8d: {  	s2 =	sadd.s32 s2, s17  }
0x8e: {  	[smem:$0x3FC6] =	sst s2  }
0x8f: {  	_ = 	snop  }
0x90: {  	(tm) =	ssettm $0x1  }
0x91: {  	s18 =	sld [smem:$0x3FFB];
	_ =	sdelay $0x3  }
0x92: {  	_ =	strace s18  }
0x93: {  	s2 =	sld [smem:$0x3FFC];
	_ =	sdelay $0x3  }
0x94: {  	_ =	strace s2  }
0x95: {  	s2 =	sld [smem:$0x3FFD];
	_ =	sdelay $0x3  }
0x96: {  	_ =	strace s2  }
0x97: {  	_ =	strace $0x8FFFFFFF  }
0x98: {  	s19 =	sld [smem:$0x3FDB];
	_ =	sdelay $0x1  }
0x99: {  	s20 =	simm.s32 $_scs_section_size  }
0x9a: {  	s4 =	simm.s32 $_size__tile_overlayer_lowered;
	s5 =	simm.s32 $_tile_overlayer_lowered  }
0x9b: {  	s6 =	simm.s32 $0x1BFF;
	s21 =	sshll.u32 s5, $0x1;
	s3 =	sadd.s32 s20, s19  }
0x9c: {  	s22 =	simm.s32 $0x0;
	s4 =	sshll.u32 s4, $0x1;
	s5 =	sadd.s32 s21, s3  }
0x9d: {  	[timem:s22], [sflag:s6] =	dma.local [hbm:s5], s4  }
0x9e: {  	_ =	swait.ge [sflag:s6], s4  }
0x9f: {  	s4 =	ssub.s32 $0x0, s4;
	[sflag:s6] =	ssyncset.done $0x0  }
0xa0: {  	[sflag:s6] =	ssyncadd.s32 s4;
	_ =	sdelay $0x1  }
0xa1: {  	s23 =	simm.s32 $0x1B8B  }
0xa2: {  	_ =	swait.ge [sflag:s23], $0x1  }
0xa3: {  	[sflag:s23] =	ssyncset.done $0x0  }
0xa4: {  	[sflag:s23] =	ssyncadd.s32 $0xFFFFFFFF  }
0xa5: {  	s4 =	sld [smem:$0x0]  }
0xa6: {  	s5 =	sand.u32 $0xFFFFFFFE, s1  }
0xa7: {  	p0 =	sne.s32 s1, s5  }
0xa8: {  	s5 =	sshll.u32 @p0 s5, $0xE  }
0xa9: {  	s5 =	sadd.s32 @p0 $0x11B8D, s5;
	s6 =	sshll.u32 @p0 s4, $0x11  }
0xaa: {  	s5 =	sor.u32 @p0 s6, s5  }
0xab: {  	[sflag:s5] =	ssyncadd.remote.s32 @p0 $0x1;
	_ =	sdelay $0x1  }
0xac: {  	s5 =	simm.s32 @p0 $0x1B8D  }
0xad: {  	_ =	swait.eq @p0 [sflag:s5], $0x1  }
0xae: {  	[sflag:s5] =	ssyncadd.s32 @p0 $0xFFFFFFFF  }
0xaf: {  	s6 =	sshll.u32 @!p0 s1, $0xE  }
0xb0: {  	s6 =	sor.u32 @!p0 $0x4000, s6;
	s5 =	simm.s32 @!p0 $0x1B8D  }
0xb1: {  	s4 =	sshll.u32 @!p0 s4, $0x11;
	s6 =	sadd.s32 @!p0 $0x11B8D, s6;
	_ =	swait.eq @!p0 [sflag:s5], $0x1  }
0xb2: {  	s4 =	sor.u32 @!p0 s4, s6;
	[sflag:s5] =	ssyncadd.s32 @!p0 $0xFFFFFFFF  }
0xb3: {  	s25 =	simm.s32 $0x1B8E;
	s24 =	sld [smem:$0x3FFE];
	[sflag:s4] =	ssyncadd.remote.s32 @!p0 $0x1  }
0xb4: {  	s26 =	simm.s32 $execute0_lowered;
	[smem:$0x3FD2] =	sst s25  }
0xb5: {  	s5 =	sshll.u32 s26, $0x1;
	_ =	strace $0x80000049;
	[dreg:$0x1] =	wrdreg $0xFFFFFFFF  }
0xb6: {  	s28 =	simm.s32 $_size_execute0_lowered;
	s3 =	sadd.s32 s3, s5;
	[dreg:$0x0] =	wrdreg $0x0  }
0xb7: {  	s5 =	sshll.u32 s28, $0x1;
	[dreg:$0x2] =	wrdreg s3  }
0xb8: {  	[dreg:$0x3] =	wrdreg s5  }
0xb9: {  	[dreg:$0x4] =	wrdreg $0xC0  }
0xba: {  	_ =	task [dreg:s22], $0x5FFFF  }
0xbb: {  	[dreg:$0x1] =	wrdreg $0xFFFFFFFF  }
0xbc: {  	[dreg:$0x0] =	wrdreg $0x60  }
0xbd: {  	[dreg:$0x2] =	wrdreg s24  }
0xbe: {  	[dreg:$0x3] =	wrdreg $0x9  }
0xbf: {  	_ =	task.clear_ibuf [dreg:s22], $0x4FFFF;
	_ =	strace $0x90000049  }
0xc0: {  	s29 =	simm.s32 $0x9;
	_ =	strace $0x8000004B  }
0xc1: {  	_ =	swait.ge [sflag:s29], $0x1  }
0xc2: {  	[sflag:s29] =	ssyncadd.s32 $0xFFFFFFFF  }
0xc3: {  	_ =	strace $0x9000004B  }
0xc4: {  	_ =	sfence  }
0xc5: {  	s30 =	sld [smem:$0x0];
	_ =	sdelay $0x2  }
0xc6: {  	s31 =	sshll.u32 s1, $0xD;
	s1 =	sshrl.u32 s1, $0x2  }
0xc7: {  	s4 =	sand.u32 $0x4000, s31;
	s1 =	sadd.s32 s1, s30  }
0xc8: {  	s0 =	sor.u32 s4, s0;
	s1 =	sshll.u32 s1, $0x11  }
0xc9: {  	s0 =	sor.u32 s1, s0  }
0xca: {  	s0 =	sadd.s32 $0x8F2B, s0  }
0xcb: {  	[sflag:s0] =	ssyncadd.remote.s32 $0x1  }
0xcc: {  	_ =	sfence.sel $0xFFFF  }
0xcd: {  	[dreg:$0x0] =	wrdreg $0xFFFFFFFF;
	(pc) =	sbr.abs _section_cstart, $3  }
0xce: {  	[dreg:$0x1] =	wrdreg $0xFFFFFFFF  }
0xcf: {  	_ =	task.clear_ibuf [dreg:s22], $0x2FFFF;
	_ =	strace $0x9FFFFFFF  }
0xd0: {  	(tm) =	ssettm $0x7FFFFFFF  }
0xd1: {  	_ =	shalt  }
tec
execute0_lowered:
.L_overlay_start_1:
0x0: {  	(tag) =	ssettag $0x1  }
0x1: {  	s4 =	rddreg [dreg:$0x0]  }
0x2: {  	s0 =	rddreg [dreg:$0x1]  }
0x3: {  	s2 =	simm.s32 $0x0;
	s1 =	stileid.u32;
	s5 =	srdreg.scid  }
0x4: {  	s10 =	simm.s32 $0x80;
	s11 =	simm.s32 $0x400;
	s12 =	simm.s32 $0xC000  }
0x5: {  	s13 =	simm.s32 $0x4;
	s14 =	simm.s32 $0x2;
	s15 =	simm.s32 $0x3  }
0x6: {  	s16 =	simm.s32 $0x0;
	[smem:$0x7FF] =	sst s2;
	s3 =	sadd.s32 $0x135600, s4  }
0x7: {  	s5 =	sand.u32 $0x1, s5;
	s6 =	sshll.u32 s1, $0x1;
	s7 =	sshll.u32 s1, $0x6  }
0x8: {  	_ =	strace $0x8000004A;
	s8 =	ssub.s32 $0x2, s5;
	s5 =	sor.u32 s5, s6  }
.Ltmp0:
0x9: {  	s29 =	sand.u32 $0x300, s7;
	s30 =	sshrl.u32 s8, $0x1;
	(pc) =	sbr.rel .LBB2_1-.Ltmp0, $4  }
0xa: {  	v0 =	vlaneseq.u32;
	s9 =	sshll.u32 s5, $0x4;
	s6 =	sadd.s32 s29, s4;
	s4 =	sshll.u32 s5, $0xE  }
0xb: {  	v0 =	vmul.u32 $0x100, v0;
	s5 =	sshll.u32 s5, $0xB;
	s8 =	ssub.s32 s8, s30;
	s31 =	sand.u32 $0x70, s9  }
0xc: {  	v1 =	vimm.s32 $0x0;
	v5 =	vimm.s32 $0x1;
	s5 =	sadd.s32 s3, s5;
	s9 =	simm.s32 $0x1;
	s7 =	sadd.s32 s31, s6  }
0xd: {  	v2 =	vor.u32 $0x1000, v0;
	v3 =	vor.u32 $0x2000, v0;
	v4 =	vor.u32 $0x3000, v0;
	s6 =	sor.u32 $0x80000, s4;
	s8 =	smax.u32 s8, $0x1;
	s7 =	sadd.s32 $0x265600, s7  }
.LBB2_18:
0xe: {  	s16 =	sadd.s32 $0x1, s16  }
0xf: {  	p0 =	sne.s32 s16, s8  }
.Ltmp1:
0x10: {  	_ = 	snop;
	(pc) =	sbr.rel @!p0 .LBB2_19-.Ltmp1, $1  }
0x11: {  	_ =	sdelay $0x3  }
.LBB2_1:
.Ltmp2:
0x12: {  	(pc) =	sbr.rel .LBB2_2-.Ltmp2, $3  }
0x13: {  	_ =	sdelay $0x1  }
0x14: {  	[tilespmem:s2], [sflag:$0x1] =	stream.linear.gather [hbm4b:s5+s2], $0x4000, $0x38;
	[tilespmem:$0xC100] =	vst v63  }
0x15: {  	s17 =	simm.s32 $0x0  }
.LBB2_9:
0x16: {  	v7 =	vld [tilespmem:s20+$0x0]  }
0x17: {  	v8 =	vld [tilespmem:s19+$0x8200]  }
0x18: {  	v9 =	vld [tilespmem:s19+$0x8300]  }
0x19: {  	v10 =	vld [tilespmem:s19+$0x8400]  }
0x1a: {  	v11 =	vld [tilespmem:s19+$0x8500]  }
0x1b: {  	v12 =	vld [tilespmem:s19+$0x8600];
	v6 =	vadd.s32 v7, v6  }
0x1c: {  	v7 =	vld [tilespmem:s19+$0x8700];
	v6 =	vadd.s32 v8, v6  }
0x1d: {  	v17 =	vld [tilespmem:s19+$0x8800];
	v6 =	vadd.s32 v9, v6  }
0x1e: {  	v18 =	vld [tilespmem:s19+$0x8900];
	v6 =	vadd.s32 v10, v6  }
0x1f: {  	v19 =	vld [tilespmem:s19+$0x8A00];
	v6 =	vadd.s32 v11, v6  }
0x20: {  	v20 =	vld [tilespmem:s19+$0x8B00];
	v6 =	vadd.s32 v12, v6  }
0x21: {  	v21 =	vld [tilespmem:s19+$0x8C00];
	v6 =	vadd.s32 v7, v6  }
0x22: {  	v7 =	vld [tilespmem:s19+$0x8D00];
	v6 =	vadd.s32 v17, v6  }
0x23: {  	v22 =	vld [tilespmem:s19+$0x8E00];
	v6 =	vadd.s32 v18, v6  }
0x24: {  	v23 =	vld [tilespmem:s19+$0x8F00];
	v6 =	vadd.s32 v19, v6  }
0x25: {  	v24 =	vld [tilespmem:s19+$0x9000];
	v6 =	vadd.s32 v20, v6  }
0x26: {  	v25 =	vld [tilespmem:s19+$0x9100];
	v6 =	vadd.s32 v21, v6  }
0x27: {  	v26 =	vld [tilespmem:s19+$0x9200];
	v6 =	vadd.s32 v7, v6  }
0x28: {  	v7 =	vld [tilespmem:s19+$0x9300];
	v6 =	vadd.s32 v22, v6  }
0x29: {  	v27 =	vld [tilespmem:s19+$0x9400];
	v6 =	vadd.s32 v23, v6  }
0x2a: {  	v28 =	vld [tilespmem:s19+$0x9500];
	v6 =	vadd.s32 v24, v6  }
0x2b: {  	v29 =	vld [tilespmem:s19+$0x9600];
	v6 =	vadd.s32 v25, v6  }
0x2c: {  	v30 =	vld [tilespmem:s19+$0x9700];
	v6 =	vadd.s32 v26, v6  }
0x2d: {  	v31 =	vld [tilespmem:s19+$0x9800];
	v6 =	vadd.s32 v7, v6  }
0x2e: {  	v7 =	vld [tilespmem:s19+$0x9900];
	v6 =	vadd.s32 v27, v6  }
0x2f: {  	v32 =	vld [tilespmem:s19+$0x9A00];
	v6 =	vadd.s32 v28, v6  }
0x30: {  	v33 =	vld [tilespmem:s19+$0x9B00];
	v6 =	vadd.s32 v29, v6  }
0x31: {  	v34 =	vld [tilespmem:s19+$0x9C00];
	v6 =	vadd.s32 v30, v6  }
0x32: {  	v35 =	vld [tilespmem:s19+$0x9D00];
	v6 =	vadd.s32 v31, v6  }
0x33: {  	v36 =	vld [tilespmem:s19+$0x9E00];
	v6 =	vadd.s32 v7, v6  }
0x34: {  	v7 =	vld [tilespmem:s19+$0x9F00];
	v6 =	vadd.s32 v32, v6  }
0x35: {  	v37 =	vld [tilespmem:s19+$0xA000];
	v6 =	vadd.s32 v33, v6  }
0x36: {  	v38 =	vld [tilespmem:s19+$0xA100];
	v6 =	vadd.s32 v34, v6  }
0x37: {  	v39 =	vld [tilespmem:s19+$0xA200];
	v6 =	vadd.s32 v35, v6  }
0x38: {  	v40 =	vld [tilespmem:s19+$0xA300];
	v6 =	vadd.s32 v36, v6  }
0x39: {  	v41 =	vld [tilespmem:s19+$0xA400];
	v6 =	vadd.s32 v7, v6  }
0x3a: {  	v7 =	vld [tilespmem:s19+$0xA500];
	v6 =	vadd.s32 v37, v6  }
0x3b: {  	v42 =	vld [tilespmem:s19+$0xA600];
	v6 =	vadd.s32 v38, v6  }
0x3c: {  	v43 =	vld [tilespmem:s19+$0xA700];
	v6 =	vadd.s32 v39, v6  }
0x3d: {  	v44 =	vld [tilespmem:s19+$0xA800];
	v6 =	vadd.s32 v40, v6  }
0x3e: {  	v45 =	vld [tilespmem:s19+$0xA900];
	v6 =	vadd.s32 v41, v6  }
0x3f: {  	v46 =	vld [tilespmem:s19+$0xAA00];
	v6 =	vadd.s32 v7, v6  }
0x40: {  	v7 =	vld [tilespmem:s19+$0xAB00];
	v6 =	vadd.s32 v42, v6  }
0x41: {  	v47 =	vld [tilespmem:s19+$0xAC00];
	v6 =	vadd.s32 v43, v6  }
0x42: {  	v48 =	vld [tilespmem:s19+$0xAD00];
	v6 =	vadd.s32 v44, v6  }
0x43: {  	v49 =	vld [tilespmem:s19+$0xAE00];
	v6 =	vadd.s32 v45, v6  }
0x44: {  	v50 =	vld [tilespmem:s19+$0xAF00];
	v6 =	vadd.s32 v46, v6  }
0x45: {  	v51 =	vld [tilespmem:s19+$0xB000];
	v6 =	vadd.s32 v7, v6  }
0x46: {  	v7 =	vld [tilespmem:s19+$0xB100];
	v6 =	vadd.s32 v47, v6  }
0x47: {  	v52 =	vld [tilespmem:s19+$0xB200];
	v6 =	vadd.s32 v48, v6  }
0x48: {  	v53 =	vld [tilespmem:s19+$0xB300];
	v6 =	vadd.s32 v49, v6  }
0x49: {  	v54 =	vld [tilespmem:s19+$0xB400];
	v6 =	vadd.s32 v50, v6  }
0x4a: {  	v55 =	vld [tilespmem:s19+$0xB500];
	v6 =	vadd.s32 v51, v6  }
0x4b: {  	v56 =	vld [tilespmem:s19+$0xB600];
	v6 =	vadd.s32 v7, v6  }
0x4c: {  	v7 =	vld [tilespmem:s19+$0xB700];
	v6 =	vadd.s32 v52, v6  }
0x4d: {  	v57 =	vld [tilespmem:s19+$0xB800];
	v6 =	vadd.s32 v53, v6  }
0x4e: {  	v58 =	vld [tilespmem:s19+$0xB900];
	v6 =	vadd.s32 v54, v6  }
0x4f: {  	v59 =	vld [tilespmem:s19+$0xBA00];
	v6 =	vadd.s32 v55, v6  }
0x50: {  	v60 =	vld [tilespmem:s19+$0xBB00];
	v6 =	vadd.s32 v56, v6  }
0x51: {  	v61 =	vld [tilespmem:s19+$0xBC00];
	v6 =	vadd.s32 v7, v6  }
0x52: {  	v7 =	vld [tilespmem:s19+$0xBD00];
	v6 =	vadd.s32 v57, v6  }
0x53: {  	v62 =	vld [tilespmem:s19+$0xBE00];
	v6 =	vadd.s32 v58, v6  }
0x54: {  	v63 =	vld [tilespmem:s19+$0xBF00];
	v6 =	vadd.s32 v59, v6  }
0x55: {  	v6 =	vadd.s32 v60, v6  }
0x56: {  	v6 =	vadd.s32 v61, v6  }
0x57: {  	v6 =	vadd.s32 v7, v6  }
0x58: {  	v6 =	vadd.s32 v62, v6  }
0x59: {  	s18 =	sadd.s32 $0x10, s18;
	s30 =	sshll.u32 s17, $0xA;
	v6 =	vadd.s32 v63, v6  }
0x5a: {  	s31 =	sadd.s32 s30, s7;
	[tilespmem:s18+$0x0] =	vst v6  }
0x5b: {  	[hbm4b:s31+s10] =	stream.strided.scatter [tilespmem:s12], [sflag:$0x3], $0x100, s11, s10, $0x38;
	[tilespmem:$0xC100] =	vst v63  }
0x5c: {  	_ =	swait.ge [sflag:s15], $0x100  }
0x5d: {  	[sflag:s15] =	ssyncset.done $0x0  }
0x5e: {  	[sflag:s15] =	ssyncadd.s32 $0xFFFFFF00  }
.LBB2_17:
0x5f: {  	s17 =	sadd.s32 $0x1, s17  }
0x60: {  	p0 =	sne.s32 s17, $0x13  }
.Ltmp3:
0x61: {  	_ = 	snop;
	(pc) =	sbr.rel @!p0 .LBB2_18-.Ltmp3, $1  }
0x62: {  	_ =	sdelay $0x3  }
.LBB2_2:
0x63: {  	s18 =	sand.u32 $0x1, s17  }
0x64: {  	p0 =	seq.s32 s18, $0x0  }
.Ltmp4:
0x65: {  	_ = 	snop;
	(pc) =	sbr.rel @!p0 .LBB2_3-.Ltmp4, $1  }
0x66: {  	_ =	sdelay $0x3  }
0x67: {  	s18 =	sor.u32 $0x1, s17  }
0x68: {  	p0 =	sgt.u32 s18, $0x12  }
0x69: {  	_ =	swait.ge [sflag:s9], $0x4000;
	s18 =	sshll.u32 @!p0 s18, $0x13  }
0x6a: {  	[sflag:s9] =	ssyncset.done $0x0;
	s18 =	sor.u32 @!p0 s4, s18  }
0x6b: {  	[sflag:s9] =	ssyncadd.s32 $0xFFFFC000;
	s18 =	sshrl.u32 @!p0 s18, $0x3  }
0x6c: {  	s19 =	simm.s32 @!p0 $0x0;
	s20 =	simm.s32 @!p0 $0x4000;
	s18 =	sadd.s32 @!p0 s3, s18  }
0x6d: {  	[tilespmem:s20], [sflag:$0x2] =	stream.linear.gather @!p0 [hbm4b:s18+s19], $0x4000, $0x38;
	[tilespmem:$0xC100] =	vst v63  }
0x6e: {  	s18 =	simm.s32 $0x0;
	s19 =	simm.s32 $0x0;
	s20 =	simm.s32 $0x400  }
.LBB2_11:
0x6f: {  	p0 =	sne.s32 s20, $0xFC00;
	[tilespmem:s19+$0x80F0] =	vst v1  }
0x70: {  	[tilespmem:s19+$0x8000] =	vst v1  }
0x71: {  	[tilespmem:s19+$0x8010] =	vst v1  }
0x72: {  	[tilespmem:s19+$0x8020] =	vst v1  }
0x73: {  	[tilespmem:s19+$0x8030] =	vst v1  }
0x74: {  	[tilespmem:s19+$0x8040] =	vst v1  }
0x75: {  	[tilespmem:s19+$0x8050] =	vst v1  }
0x76: {  	[tilespmem:s19+$0x8060] =	vst v1  }
0x77: {  	[tilespmem:s19+$0x8070] =	vst v1  }
0x78: {  	[tilespmem:s19+$0x8080] =	vst v1  }
0x79: {  	[tilespmem:s19+$0x8090] =	vst v1  }
.Ltmp5:
0x7a: {  	[tilespmem:s19+$0x80A0] =	vst v1;
	(pc) =	sbr.rel @p0 .LBB2_11-.Ltmp5, $4  }
0x7b: {  	[tilespmem:s19+$0x80B0] =	vst v1  }
0x7c: {  	[tilespmem:s19+$0x80C0] =	vst v1  }
0x7d: {  	[tilespmem:s19+$0x80D0] =	vst v1  }
0x7e: {  	[tilespmem:s19+$0x80E0] =	vst v1;
	s19 =	sshra.s32 s20, $0x2;
	s20 =	sadd.s32 $0x400, s20  }
0x7f: {  	[tilespmem:s19+$0x80F0] =	vst v1  }
0x80: {  	[tilespmem:s19+$0x8000] =	vst v1  }
0x81: {  	[tilespmem:s19+$0x8010] =	vst v1  }
0x82: {  	[tilespmem:s19+$0x8020] =	vst v1  }
0x83: {  	[tilespmem:s19+$0x8030] =	vst v1  }
0x84: {  	[tilespmem:s19+$0x8040] =	vst v1  }
0x85: {  	[tilespmem:s19+$0x8050] =	vst v1  }
0x86: {  	[tilespmem:s19+$0x8060] =	vst v1  }
0x87: {  	[tilespmem:s19+$0x8070] =	vst v1  }
0x88: {  	[tilespmem:s19+$0x8080] =	vst v1  }
0x89: {  	[tilespmem:s19+$0x8090] =	vst v1  }
0x8a: {  	[tilespmem:s19+$0x80A0] =	vst v1  }
0x8b: {  	[tilespmem:s19+$0x80B0] =	vst v1  }
0x8c: {  	[tilespmem:s19+$0x80C0] =	vst v1  }
0x8d: {  	[tilespmem:s19+$0x80D0] =	vst v1  }
0x8e: {  	[tilespmem:s19+$0x80E0] =	vst v1;
	s19 =	simm.s32 $0x0  }
.LBB2_13:
0x8f: {  	s20 =	sand.u32 $0x3000, s19;
	s21 =	sand.u32 $0x380, s18  }
0x90: {  	s21 =	sor.u32 s21, s20  }
0x91: {  	v6 =	vld [tilespmem:s21+$0x0]  }
0x92: {  	v7 =	vld [tilespmem:s21+$0x10]  }
0x93: {  	v8 =	vld [tilespmem:s21+$0x20]  }
0x94: {  	v9 =	vld [tilespmem:s21+$0x30]  }
0x95: {  	v10 =	vld [tilespmem:s21+$0x40]  }
0x96: {  	v11 =	vld [tilespmem:s21+$0x50];
	v6 =	vadd.s32 v0, v6  }
0x97: {  	v12 =	vld [tilespmem:s21+$0x60];
	v7 =	vadd.s32 v2, v7  }
0x98: {  	v13 =	vld [tilespmem:s21+$0x70];
	v8 =	vadd.s32 v3, v8  }
0x99: {  	v9 =	vadd.s32 v4, v9  }
0x9a: {  	s20 =	simm.s32 $0x8000;
	v10 =	vadd.s32 v0, v10  }
0x9b: {  	v11 =	vadd.s32 v2, v11;
	[tilespmem:v6+s20+$0x0] =	vst.idx.add.s32.msk $0xffff, v5  }
0x9c: {  	v6 =	vadd.s32 v3, v12;
	[tilespmem:v7+s20+$0x0] =	vst.idx.add.s32.msk $0xffff, v5  }
0x9d: {  	v7 =	vadd.s32 v4, v13;
	[tilespmem:v8+s20+$0x0] =	vst.idx.add.s32.msk $0xffff, v5  }
0x9e: {  	[tilespmem:v9+s20+$0x0] =	vst.idx.add.s32.msk $0xffff, v5  }
0x9f: {  	[tilespmem:v10+s20+$0x0] =	vst.idx.add.s32.msk $0xffff, v5  }
0xa0: {  	[tilespmem:v11+s20+$0x0] =	vst.idx.add.s32.msk $0xffff, v5  }
0xa1: {  	[tilespmem:v6+s20+$0x0] =	vst.idx.add.s32.msk $0xffff, v5  }
0xa2: {  	[tilespmem:v7+s20+$0x0] =	vst.idx.add.s32.msk $0xffff, v5  }
0xa3: {  	v6 =	vld [tilespmem:s21+$0x400]  }
0xa4: {  	v7 =	vld [tilespmem:s21+$0x410]  }
0xa5: {  	v8 =	vld [tilespmem:s21+$0x420]  }
0xa6: {  	v9 =	vld [tilespmem:s21+$0x430]  }
0xa7: {  	v10 =	vld [tilespmem:s21+$0x440]  }
0xa8: {  	v11 =	vld [tilespmem:s21+$0x450];
	v6 =	vadd.s32 v0, v6  }
0xa9: {  	v58 =	vld [tilespmem:s21+$0x460];
	v7 =	vadd.s32 v2, v7  }
0xaa: {  	v59 =	vld [tilespmem:s21+$0x470];
	v8 =	vadd.s32 v3, v8  }
0xab: {  	v9 =	vadd.s32 v4, v9  }
0xac: {  	v10 =	vadd.s32 v0, v10  }
0xad: {  	v11 =	vadd.s32 v2, v11;
	[tilespmem:v6+s20+$0x0] =	vst.idx.add.s32.msk $0xffff, v5  }
0xae: {  	v6 =	vadd.s32 v3, v58;
	[tilespmem:v7+s20+$0x0] =	vst.idx.add.s32.msk $0xffff, v5  }
0xaf: {  	v7 =	vadd.s32 v4, v59;
	[tilespmem:v8+s20+$0x0] =	vst.idx.add.s32.msk $0xffff, v5  }
0xb0: {  	[tilespmem:v9+s20+$0x0] =	vst.idx.add.s32.msk $0xffff, v5  }
0xb1: {  	[tilespmem:v10+s20+$0x0] =	vst.idx.add.s32.msk $0xffff, v5  }
0xb2: {  	[tilespmem:v11+s20+$0x0] =	vst.idx.add.s32.msk $0xffff, v5  }
0xb3: {  	[tilespmem:v6+s20+$0x0] =	vst.idx.add.s32.msk $0xffff, v5  }
0xb4: {  	[tilespmem:v7+s20+$0x0] =	vst.idx.add.s32.msk $0xffff, v5  }
0xb5: {  	v6 =	vld [tilespmem:s21+$0x800]  }
0xb6: {  	v7 =	vld [tilespmem:s21+$0x810]  }
0xb7: {  	v8 =	vld [tilespmem:s21+$0x820]  }
0xb8: {  	v9 =	vld [tilespmem:s21+$0x830]  }
0xb9: {  	v10 =	vld [tilespmem:s21+$0x840]  }
0xba: {  	v11 =	vld [tilespmem:s21+$0x850];
	v6 =	vadd.s32 v0, v6  }
0xbb: {  	v60 =	vld [tilespmem:s21+$0x860];
	v7 =	vadd.s32 v2, v7  }
0xbc: {  	v61 =	vld [tilespmem:s21+$0x870];
	v8 =	vadd.s32 v3, v8  }
0xbd: {  	v9 =	vadd.s32 v4, v9  }
0xbe: {  	v10 =	vadd.s32 v0, v10  }
0xbf: {  	v11 =	vadd.s32 v2, v11;
	[tilespmem:v6+s20+$0x0] =	vst.idx.add.s32.msk $0xffff, v5  }
0xc0: {  	v6 =	vadd.s32 v3, v60;
	[tilespmem:v7+s20+$0x0] =	vst.idx.add.s32.msk $0xffff, v5  }
0xc1: {  	v7 =	vadd.s32 v4, v61;
	[tilespmem:v8+s20+$0x0] =	vst.idx.add.s32.msk $0xffff, v5  }
0xc2: {  	[tilespmem:v9+s20+$0x0] =	vst.idx.add.s32.msk $0xffff, v5  }
0xc3: {  	[tilespmem:v10+s20+$0x0] =	vst.idx.add.s32.msk $0xffff, v5  }
0xc4: {  	[tilespmem:v11+s20+$0x0] =	vst.idx.add.s32.msk $0xffff, v5  }
0xc5: {  	[tilespmem:v6+s20+$0x0] =	vst.idx.add.s32.msk $0xffff, v5  }
0xc6: {  	[tilespmem:v7+s20+$0x0] =	vst.idx.add.s32.msk $0xffff, v5  }
0xc7: {  	v6 =	vld [tilespmem:s21+$0xC00]  }
0xc8: {  	v7 =	vld [tilespmem:s21+$0xC10]  }
0xc9: {  	v8 =	vld [tilespmem:s21+$0xC20]  }
0xca: {  	v9 =	vld [tilespmem:s21+$0xC30]  }
0xcb: {  	v10 =	vld [tilespmem:s21+$0xC40]  }
0xcc: {  	v11 =	vld [tilespmem:s21+$0xC50];
	v6 =	vadd.s32 v0, v6  }
0xcd: {  	v62 =	vld [tilespmem:s21+$0xC60];
	v7 =	vadd.s32 v2, v7  }
0xce: {  	v63 =	vld [tilespmem:s21+$0xC70];
	v8 =	vadd.s32 v3, v8  }
0xcf: {  	v9 =	vadd.s32 v4, v9  }
0xd0: {  	v10 =	vadd.s32 v0, v10  }
0xd1: {  	v11 =	vadd.s32 v2, v11;
	[tilespmem:v6+s20+$0x0] =	vst.idx.add.s32.msk $0xffff, v5  }
0xd2: {  	v6 =	vadd.s32 v3, v62;
	[tilespmem:v7+s20+$0x0] =	vst.idx.add.s32.msk $0xffff, v5  }
0xd3: {  	p0 =	sne.s32 s19, $0x3E00;
	v7 =	vadd.s32 v4, v63;
	[tilespmem:v8+s20+$0x0] =	vst.idx.add.s32.msk $0xffff, v5  }
.Ltmp6:
0xd4: {  	[tilespmem:v9+s20+$0x0] =	vst.idx.add.s32.msk $0xffff, v5;
	(pc) =	sbr.rel @p0 .LBB2_13-.Ltmp6, $4  }
0xd5: {  	[tilespmem:v10+s20+$0x0] =	vst.idx.add.s32.msk $0xffff, v5  }
0xd6: {  	[tilespmem:v11+s20+$0x0] =	vst.idx.add.s32.msk $0xffff, v5  }
0xd7: {  	[tilespmem:v6+s20+$0x0] =	vst.idx.add.s32.msk $0xffff, v5  }
0xd8: {  	s18 =	sadd.s32 $0x80, s18;
	s19 =	sadd.s32 $0x200, s19;
	[tilespmem:v7+s20+$0x0] =	vst.idx.add.s32.msk $0xffff, v5  }
0xd9: {  	s18 =	simm.s32 $0x0  }
0xda: {  	v7 =	vld [tilespmem:s20+$0x0];
	s18 =	sand.u32 $0xF0, s18  }
0xdb: {  	v6 =	vld [tilespmem:s18+$0x8100]  }
0xdc: {  	v8 =	vld [tilespmem:s18+$0x8200]  }
0xdd: {  	v9 =	vld [tilespmem:s18+$0x8300]  }
0xde: {  	v10 =	vld [tilespmem:s18+$0x8400]  }
0xdf: {  	v11 =	vld [tilespmem:s18+$0x8500]  }
0xe0: {  	v12 =	vld [tilespmem:s18+$0x8600];
	v6 =	vadd.s32 v7, v6  }
0xe1: {  	v7 =	vld [tilespmem:s18+$0x8700];
	v6 =	vadd.s32 v8, v6  }
0xe2: {  	v8 =	vld [tilespmem:s18+$0x8800];
	v6 =	vadd.s32 v9, v6  }
0xe3: {  	v27 =	vld [tilespmem:s18+$0x8900];
	v6 =	vadd.s32 v10, v6  }
0xe4: {  	v28 =	vld [tilespmem:s18+$0x8A00];
	v6 =	vadd.s32 v11, v6  }
0xe5: {  	v29 =	vld [tilespmem:s18+$0x8B00];
	v6 =	vadd.s32 v12, v6  }
0xe6: {  	v30 =	vld [tilespmem:s18+$0x8C00];
	v6 =	vadd.s32 v7, v6  }
0xe7: {  	v7 =	vld [tilespmem:s18+$0x8D00];
	v6 =	vadd.s32 v8, v6  }
0xe8: {  	v8 =	vld [tilespmem:s18+$0x8E00];
	v6 =	vadd.s32 v27, v6  }
0xe9: {  	v31 =	vld [tilespmem:s18+$0x8F00];
	v6 =	vadd.s32 v28, v6  }
0xea: {  	v32 =	vld [tilespmem:s18+$0x9000];
	v6 =	vadd.s32 v29, v6  }
0xeb: {  	v33 =	vld [tilespmem:s18+$0x9100];
	v6 =	vadd.s32 v30, v6  }
0xec: {  	v34 =	vld [tilespmem:s18+$0x9200];
	v6 =	vadd.s32 v7, v6  }
0xed: {  	v7 =	vld [tilespmem:s18+$0x9300];
	v6 =	vadd.s32 v8, v6  }
0xee: {  	v8 =	vld [tilespmem:s18+$0x9400];
	v6 =	vadd.s32 v31, v6  }
0xef: {  	v35 =	vld [tilespmem:s18+$0x9500];
	v6 =	vadd.s32 v32, v6  }
0xf0: {  	v36 =	vld [tilespmem:s18+$0x9600];
	v6 =	vadd.s32 v33, v6  }
0xf1: {  	v37 =	vld [tilespmem:s18+$0x9700];
	v6 =	vadd.s32 v34, v6  }
0xf2: {  	v38 =	vld [tilespmem:s18+$0x9800];
	v6 =	vadd.s32 v7, v6  }
0xf3: {  	v7 =	vld [tilespmem:s18+$0x9900];
	v6 =	vadd.s32 v8, v6  }
0xf4: {  	v8 =	vld [tilespmem:s18+$0x9A00];
	v6 =	vadd.s32 v35, v6  }
0xf5: {  	v39 =	vld [tilespmem:s18+$0x9B00];
	v6 =	vadd.s32 v36, v6  }
0xf6: {  	v40 =	vld [tilespmem:s18+$0x9C00];
	v6 =	vadd.s32 v37, v6  }
0xf7: {  	v41 =	vld [tilespmem:s18+$0x9D00];
	v6 =	vadd.s32 v38, v6  }
0xf8: {  	v42 =	vld [tilespmem:s18+$0x9E00];
	v6 =	vadd.s32 v7, v6  }
0xf9: {  	v7 =	vld [tilespmem:s18+$0x9F00];
	v6 =	vadd.s32 v8, v6  }
0xfa: {  	v8 =	vld [tilespmem:s18+$0xA000];
	v6 =	vadd.s32 v39, v6  }
0xfb: {  	v43 =	vld [tilespmem:s18+$0xA100];
	v6 =	vadd.s32 v40, v6  }
0xfc: {  	v44 =	vld [tilespmem:s18+$0xA200];
	v6 =	vadd.s32 v41, v6  }
0xfd: {  	v45 =	vld [tilespmem:s18+$0xA300];
	v6 =	vadd.s32 v42, v6  }
0xfe: {  	v46 =	vld [tilespmem:s18+$0xA400];
	v6 =	vadd.s32 v7, v6  }
0xff: {  	v7 =	vld [tilespmem:s18+$0xA500];
	v6 =	vadd.s32 v8, v6  }
0x100: {  	v8 =	vld [tilespmem:s18+$0xA600];
	v6 =	vadd.s32 v43, v6  }
0x101: {  	v47 =	vld [tilespmem:s18+$0xA700];
	v6 =	vadd.s32 v44, v6  }
0x102: {  	v48 =	vld [tilespmem:s18+$0xA800];
	v6 =	vadd.s32 v45, v6  }
0x103: {  	v49 =	vld [tilespmem:s18+$0xA900];
	v6 =	vadd.s32 v46, v6  }
0x104: {  	v50 =	vld [tilespmem:s18+$0xAA00];
	v6 =	vadd.s32 v7, v6  }
0x105: {  	v7 =	vld [tilespmem:s18+$0xAB00];
	v6 =	vadd.s32 v8, v6  }
0x106: {  	v8 =	vld [tilespmem:s18+$0xAC00];
	v6 =	vadd.s32 v47, v6  }
0x107: {  	v51 =	vld [tilespmem:s18+$0xAD00];
	v6 =	vadd.s32 v48, v6  }
0x108: {  	v52 =	vld [tilespmem:s18+$0xAE00];
	v6 =	vadd.s32 v49, v6  }
0x109: {  	v53 =	vld [tilespmem:s18+$0xAF00];
	v6 =	vadd.s32 v50, v6  }
0x10a: {  	v54 =	vld [tilespmem:s18+$0xB000];
	v6 =	vadd.s32 v7, v6  }
0x10b: {  	v7 =	vld [tilespmem:s18+$0xB100];
	v6 =	vadd.s32 v8, v6  }
0x10c: {  	v8 =	vld [tilespmem:s18+$0xB200];
	v6 =	vadd.s32 v51, v6  }
0x10d: {  	v55 =	vld [tilespmem:s18+$0xB300];
	v6 =	vadd.s32 v52, v6  }
0x10e: {  	v56 =	vld [tilespmem:s18+$0xB400];
	v6 =	vadd.s32 v53, v6  }
0x10f: {  	v57 =	vld [tilespmem:s18+$0xB500];
	v6 =	vadd.s32 v54, v6  }
0x110: {  	v58 =	vld [tilespmem:s18+$0xB600];
	v6 =	vadd.s32 v7, v6  }
0x111: {  	v7 =	vld [tilespmem:s18+$0xB700];
	v6 =	vadd.s32 v8, v6  }
0x112: {  	v8 =	vld [tilespmem:s18+$0xB800];
	v6 =	vadd.s32 v55, v6  }
0x113: {  	v59 =	vld [tilespmem:s18+$0xB900];
	v6 =	vadd.s32 v56, v6  }
0x114: {  	v60 =	vld [tilespmem:s18+$0xBA00];
	v6 =	vadd.s32 v57, v6  }
0x115: {  	v61 =	vld [tilespmem:s18+$0xBB00];
	v6 =	vadd.s32 v58, v6  }
0x116: {  	v62 =	vld [tilespmem:s18+$0xBC00];
	v6 =	vadd.s32 v7, v6  }
0x117: {  	v7 =	vld [tilespmem:s18+$0xBD00];
	v6 =	vadd.s32 v8, v6  }
0x118: {  	v8 =	vld [tilespmem:s18+$0xBE00];
	v6 =	vadd.s32 v59, v6  }
0x119: {  	v63 =	vld [tilespmem:s18+$0xBF00];
	v6 =	vadd.s32 v60, v6  }
0x11a: {  	v6 =	vadd.s32 v61, v6  }
0x11b: {  	v6 =	vadd.s32 v62, v6  }
0x11c: {  	v6 =	vadd.s32 v7, v6  }
0x11d: {  	v6 =	vadd.s32 v8, v6  }
0x11e: {  	s19 =	simm.s32 $0x10;
	s18 =	simm.s32 $0xC000;
	v6 =	vadd.s32 v63, v6  }
0x11f: {  	s19 =	sand.u32 $0xF0, s19;
	[tilespmem:s18+$0x0] =	vst v6  }
0x120: {  	s21 =	simm.s32 $0x20;
	s20 =	simm.s32 $0x8010;
	v6 =	vld [tilespmem:s19+$0x8100]  }
.LBB2_15:
0x121: {  	p0 =	sne.s32 s21, $0xF0;
	v7 =	vld [tilespmem:s20+$0x0]  }
0x122: {  	v8 =	vld [tilespmem:s19+$0x8200]  }
0x123: {  	v9 =	vld [tilespmem:s19+$0x8300]  }
0x124: {  	v10 =	vld [tilespmem:s19+$0x8400]  }
0x125: {  	v11 =	vld [tilespmem:s19+$0x8500]  }
0x126: {  	v12 =	vld [tilespmem:s19+$0x8600];
	v6 =	vadd.s32 v7, v6  }
0x127: {  	v7 =	vld [tilespmem:s19+$0x8700];
	v6 =	vadd.s32 v8, v6  }
0x128: {  	v8 =	vld [tilespmem:s19+$0x8800];
	v6 =	vadd.s32 v9, v6  }
0x129: {  	v9 =	vld [tilespmem:s19+$0x8900];
	v6 =	vadd.s32 v10, v6  }
0x12a: {  	v10 =	vld [tilespmem:s19+$0x8A00];
	v6 =	vadd.s32 v11, v6  }
0x12b: {  	v11 =	vld [tilespmem:s19+$0x8B00];
	v6 =	vadd.s32 v12, v6  }
0x12c: {  	v12 =	vld [tilespmem:s19+$0x8C00];
	v6 =	vadd.s32 v7, v6  }
0x12d: {  	v7 =	vld [tilespmem:s19+$0x8D00];
	v6 =	vadd.s32 v8, v6  }
0x12e: {  	v8 =	vld [tilespmem:s19+$0x8E00];
	v6 =	vadd.s32 v9, v6  }
0x12f: {  	v9 =	vld [tilespmem:s19+$0x8F00];
	v6 =	vadd.s32 v10, v6  }
0x130: {  	v10 =	vld [tilespmem:s19+$0x9000];
	v6 =	vadd.s32 v11, v6  }
0x131: {  	v11 =	vld [tilespmem:s19+$0x9100];
	v6 =	vadd.s32 v12, v6  }
0x132: {  	v12 =	vld [tilespmem:s19+$0x9200];
	v6 =	vadd.s32 v7, v6  }
0x133: {  	v7 =	vld [tilespmem:s19+$0x9300];
	v6 =	vadd.s32 v8, v6  }
0x134: {  	v8 =	vld [tilespmem:s19+$0x9400];
	v6 =	vadd.s32 v9, v6  }
0x135: {  	v9 =	vld [tilespmem:s19+$0x9500];
	v6 =	vadd.s32 v10, v6  }
0x136: {  	v10 =	vld [tilespmem:s19+$0x9600];
	v6 =	vadd.s32 v11, v6  }
0x137: {  	v11 =	vld [tilespmem:s19+$0x9700];
	v6 =	vadd.s32 v12, v6  }
0x138: {  	v12 =	vld [tilespmem:s19+$0x9800];
	v6 =	vadd.s32 v7, v6  }
0x139: {  	v7 =	vld [tilespmem:s19+$0x9900];
	v6 =	vadd.s32 v8, v6  }
0x13a: {  	v8 =	vld [tilespmem:s19+$0x9A00];
	v6 =	vadd.s32 v9, v6  }
0x13b: {  	v9 =	vld [tilespmem:s19+$0x9B00];
	v6 =	vadd.s32 v10, v6  }
0x13c: {  	v10 =	vld [tilespmem:s19+$0x9C00];
	v6 =	vadd.s32 v11, v6  }
0x13d: {  	v11 =	vld [tilespmem:s19+$0x9D00];
	v6 =	vadd.s32 v12, v6  }
0x13e: {  	v12 =	vld [tilespmem:s19+$0x9E00];
	v6 =	vadd.s32 v7, v6  }
0x13f: {  	v7 =	vld [tilespmem:s19+$0x9F00];
	v6 =	vadd.s32 v8, v6  }
0x140: {  	v8 =	vld [tilespmem:s19+$0xA000];
	v6 =	vadd.s32 v9, v6  }
0x141: {  	v9 =	vld [tilespmem:s19+$0xA100];
	v6 =	vadd.s32 v10, v6  }
0x142: {  	v10 =	vld [tilespmem:s19+$0xA200];
	v6 =	vadd.s32 v11, v6  }
0x143: {  	v11 =	vld [tilespmem:s19+$0xA300];
	v6 =	vadd.s32 v12, v6  }
0x144: {  	v12 =	vld [tilespmem:s19+$0xA400];
	v6 =	vadd.s32 v7, v6  }
0x145: {  	v7 =	vld [tilespmem:s19+$0xA500];
	v6 =	vadd.s32 v8, v6  }
0x146: {  	v8 =	vld [tilespmem:s19+$0xA600];
	v6 =	vadd.s32 v9, v6  }
0x147: {  	v9 =	vld [tilespmem:s19+$0xA700];
	v6 =	vadd.s32 v10, v6  }
0x148: {  	v10 =	vld [tilespmem:s19+$0xA800];
	v6 =	vadd.s32 v11, v6  }
0x149: {  	v11 =	vld [tilespmem:s19+$0xA900];
	v6 =	vadd.s32 v12, v6  }
0x14a: {  	v12 =	vld [tilespmem:s19+$0xAA00];
	v6 =	vadd.s32 v7, v6  }
0x14b: {  	v7 =	vld [tilespmem:s19+$0xAB00];
	v6 =	vadd.s32 v8, v6  }
0x14c: {  	v8 =	vld [tilespmem:s19+$0xAC00];
	v6 =	vadd.s32 v9, v6  }
0x14d: {  	v9 =	vld [tilespmem:s19+$0xAD00];
	v6 =	vadd.s32 v10, v6  }
0x14e: {  	v10 =	vld [tilespmem:s19+$0xAE00];
	v6 =	vadd.s32 v11, v6  }
0x14f: {  	v11 =	vld [tilespmem:s19+$0xAF00];
	v6 =	vadd.s32 v12, v6  }
0x150: {  	v12 =	vld [tilespmem:s19+$0xB000];
	v6 =	vadd.s32 v7, v6  }
0x151: {  	v7 =	vld [tilespmem:s19+$0xB100];
	v6 =	vadd.s32 v8, v6  }
0x152: {  	v8 =	vld [tilespmem:s19+$0xB200];
	v6 =	vadd.s32 v9, v6  }
0x153: {  	v9 =	vld [tilespmem:s19+$0xB300];
	v6 =	vadd.s32 v10, v6  }
0x154: {  	v10 =	vld [tilespmem:s19+$0xB400];
	v6 =	vadd.s32 v11, v6  }
0x155: {  	v11 =	vld [tilespmem:s19+$0xB500];
	v6 =	vadd.s32 v12, v6  }
0x156: {  	v12 =	vld [tilespmem:s19+$0xB600];
	v6 =	vadd.s32 v7, v6  }
0x157: {  	v7 =	vld [tilespmem:s19+$0xB700];
	v6 =	vadd.s32 v8, v6  }
0x158: {  	v8 =	vld [tilespmem:s19+$0xB800];
	v6 =	vadd.s32 v9, v6  }
0x159: {  	v9 =	vld [tilespmem:s19+$0xB900];
	v6 =	vadd.s32 v10, v6  }
0x15a: {  	v10 =	vld [tilespmem:s19+$0xBA00];
	v6 =	vadd.s32 v11, v6  }
0x15b: {  	v11 =	vld [tilespmem:s19+$0xBB00];
	v6 =	vadd.s32 v12, v6  }
0x15c: {  	v12 =	vld [tilespmem:s19+$0xBC00];
	v6 =	vadd.s32 v7, v6  }
0x15d: {  	v7 =	vld [tilespmem:s19+$0xBD00];
	v6 =	vadd.s32 v8, v6  }
0x15e: {  	v8 =	vld [tilespmem:s19+$0xBE00];
	v6 =	vadd.s32 v9, v6  }
0x15f: {  	v9 =	vld [tilespmem:s19+$0xBF00];
	v6 =	vadd.s32 v10, v6  }
0x160: {  	v6 =	vadd.s32 v11, v6  }
0x161: {  	v6 =	vadd.s32 v12, v6  }
.Ltmp7:
0x162: {  	v6 =	vadd.s32 v7, v6;
	(pc) =	sbr.rel @p0 .LBB2_15-.Ltmp7, $4  }
0x163: {  	v6 =	vadd.s32 v8, v6  }
0x164: {  	s18 =	sadd.s32 $0x10, s18;
	v6 =	vadd.s32 v9, v6  }
0x165: {  	s19 =	sand.u32 $0xF0, s21;
	[tilespmem:s18+$0x0] =	vst v6  }
0x166: {  	s20 =	sadd.s32 $0x10, s20;
	s21 =	sadd.s32 $0x10, s21;
	v6 =	vld [tilespmem:s19+$0x8100]  }
0x167: {  	v7 =	vld [tilespmem:s20+$0x0]  }
0x168: {  	v8 =	vld [tilespmem:s19+$0x8200]  }
0x169: {  	v9 =	vld [tilespmem:s19+$0x8300]  }
0x16a: {  	v10 =	vld [tilespmem:s19+$0x8400]  }
0x16b: {  	v11 =	vld [tilespmem:s19+$0x8500]  }
0x16c: {  	v12 =	vld [tilespmem:s19+$0x8600];
	v6 =	vadd.s32 v7, v6  }
0x16d: {  	v7 =	vld [tilespmem:s19+$0x8700];
	v6 =	vadd.s32 v8, v6  }
0x16e: {  	v17 =	vld [tilespmem:s19+$0x8800];
	v6 =	vadd.s32 v9, v6  }
0x16f: {  	v18 =	vld [tilespmem:s19+$0x8900];
	v6 =	vadd.s32 v10, v6  }
0x170: {  	v19 =	vld [tilespmem:s19+$0x8A00];
	v6 =	vadd.s32 v11, v6  }
0x171: {  	v20 =	vld [tilespmem:s19+$0x8B00];
	v6 =	vadd.s32 v12, v6  }
0x172: {  	v21 =	vld [tilespmem:s19+$0x8C00];
	v6 =	vadd.s32 v7, v6  }
0x173: {  	v7 =	vld [tilespmem:s19+$0x8D00];
	v6 =	vadd.s32 v17, v6  }
0x174: {  	v22 =	vld [tilespmem:s19+$0x8E00];
	v6 =	vadd.s32 v18, v6  }
0x175: {  	v23 =	vld [tilespmem:s19+$0x8F00];
	v6 =	vadd.s32 v19, v6  }
0x176: {  	v24 =	vld [tilespmem:s19+$0x9000];
	v6 =	vadd.s32 v20, v6  }
0x177: {  	v25 =	vld [tilespmem:s19+$0x9100];
	v6 =	vadd.s32 v21, v6  }
0x178: {  	v26 =	vld [tilespmem:s19+$0x9200];
	v6 =	vadd.s32 v7, v6  }
0x179: {  	v7 =	vld [tilespmem:s19+$0x9300];
	v6 =	vadd.s32 v22, v6  }
0x17a: {  	v27 =	vld [tilespmem:s19+$0x9400];
	v6 =	vadd.s32 v23, v6  }
0x17b: {  	v28 =	vld [tilespmem:s19+$0x9500];
	v6 =	vadd.s32 v24, v6  }
0x17c: {  	v29 =	vld [tilespmem:s19+$0x9600];
	v6 =	vadd.s32 v25, v6  }
0x17d: {  	v30 =	vld [tilespmem:s19+$0x9700];
	v6 =	vadd.s32 v26, v6  }
0x17e: {  	v31 =	vld [tilespmem:s19+$0x9800];
	v6 =	vadd.s32 v7, v6  }
0x17f: {  	v7 =	vld [tilespmem:s19+$0x9900];
	v6 =	vadd.s32 v27, v6  }
0x180: {  	v32 =	vld [tilespmem:s19+$0x9A00];
	v6 =	vadd.s32 v28, v6  }
0x181: {  	v33 =	vld [tilespmem:s19+$0x9B00];
	v6 =	vadd.s32 v29, v6  }
0x182: {  	v34 =	vld [tilespmem:s19+$0x9C00];
	v6 =	vadd.s32 v30, v6  }
0x183: {  	v35 =	vld [tilespmem:s19+$0x9D00];
	v6 =	vadd.s32 v31, v6  }
0x184: {  	v36 =	vld [tilespmem:s19+$0x9E00];
	v6 =	vadd.s32 v7, v6  }
0x185: {  	v7 =	vld [tilespmem:s19+$0x9F00];
	v6 =	vadd.s32 v32, v6  }
0x186: {  	v37 =	vld [tilespmem:s19+$0xA000];
	v6 =	vadd.s32 v33, v6  }
0x187: {  	v38 =	vld [tilespmem:s19+$0xA100];
	v6 =	vadd.s32 v34, v6  }
0x188: {  	v39 =	vld [tilespmem:s19+$0xA200];
	v6 =	vadd.s32 v35, v6  }
0x189: {  	v40 =	vld [tilespmem:s19+$0xA300];
	v6 =	vadd.s32 v36, v6  }
0x18a: {  	v41 =	vld [tilespmem:s19+$0xA400];
	v6 =	vadd.s32 v7, v6  }
0x18b: {  	v7 =	vld [tilespmem:s19+$0xA500];
	v6 =	vadd.s32 v37, v6  }
0x18c: {  	v42 =	vld [tilespmem:s19+$0xA600];
	v6 =	vadd.s32 v38, v6  }
0x18d: {  	v43 =	vld [tilespmem:s19+$0xA700];
	v6 =	vadd.s32 v39, v6  }
0x18e: {  	v44 =	vld [tilespmem:s19+$0xA800];
	v6 =	vadd.s32 v40, v6  }
0x18f: {  	v45 =	vld [tilespmem:s19+$0xA900];
	v6 =	vadd.s32 v41, v6  }
0x190: {  	v46 =	vld [tilespmem:s19+$0xAA00];
	v6 =	vadd.s32 v7, v6  }
0x191: {  	v7 =	vld [tilespmem:s19+$0xAB00];
	v6 =	vadd.s32 v42, v6  }
0x192: {  	v47 =	vld [tilespmem:s19+$0xAC00];
	v6 =	vadd.s32 v43, v6  }
0x193: {  	v48 =	vld [tilespmem:s19+$0xAD00];
	v6 =	vadd.s32 v44, v6  }
0x194: {  	v49 =	vld [tilespmem:s19+$0xAE00];
	v6 =	vadd.s32 v45, v6  }
0x195: {  	v50 =	vld [tilespmem:s19+$0xAF00];
	v6 =	vadd.s32 v46, v6  }
0x196: {  	v51 =	vld [tilespmem:s19+$0xB000];
	v6 =	vadd.s32 v7, v6  }
0x197: {  	v7 =	vld [tilespmem:s19+$0xB100];
	v6 =	vadd.s32 v47, v6  }
0x198: {  	v52 =	vld [tilespmem:s19+$0xB200];
	v6 =	vadd.s32 v48, v6  }
0x199: {  	v53 =	vld [tilespmem:s19+$0xB300];
	v6 =	vadd.s32 v49, v6  }
0x19a: {  	v54 =	vld [tilespmem:s19+$0xB400];
	v6 =	vadd.s32 v50, v6  }
0x19b: {  	v55 =	vld [tilespmem:s19+$0xB500];
	v6 =	vadd.s32 v51, v6  }
0x19c: {  	v56 =	vld [tilespmem:s19+$0xB600];
	v6 =	vadd.s32 v7, v6  }
0x19d: {  	v7 =	vld [tilespmem:s19+$0xB700];
	v6 =	vadd.s32 v52, v6  }
0x19e: {  	v57 =	vld [tilespmem:s19+$0xB800];
	v6 =	vadd.s32 v53, v6  }
0x19f: {  	v58 =	vld [tilespmem:s19+$0xB900];
	v6 =	vadd.s32 v54, v6  }
0x1a0: {  	v59 =	vld [tilespmem:s19+$0xBA00];
	v6 =	vadd.s32 v55, v6  }
0x1a1: {  	v60 =	vld [tilespmem:s19+$0xBB00];
	v6 =	vadd.s32 v56, v6  }
0x1a2: {  	v61 =	vld [tilespmem:s19+$0xBC00];
	v6 =	vadd.s32 v7, v6  }
0x1a3: {  	v7 =	vld [tilespmem:s19+$0xBD00];
	v6 =	vadd.s32 v57, v6  }
0x1a4: {  	v62 =	vld [tilespmem:s19+$0xBE00];
	v6 =	vadd.s32 v58, v6  }
0x1a5: {  	v63 =	vld [tilespmem:s19+$0xBF00];
	v6 =	vadd.s32 v59, v6  }
0x1a6: {  	v6 =	vadd.s32 v60, v6  }
0x1a7: {  	v6 =	vadd.s32 v61, v6  }
0x1a8: {  	v6 =	vadd.s32 v7, v6  }
0x1a9: {  	v6 =	vadd.s32 v62, v6  }
0x1aa: {  	s18 =	sadd.s32 $0x10, s18;
	s30 =	sshll.u32 s17, $0xA;
	v6 =	vadd.s32 v63, v6  }
.Ltmp8:
0x1ab: {  	s31 =	sadd.s32 s30, s7;
	[tilespmem:s18+$0x0] =	vst v6;
	(pc) =	sbr.rel .LBB2_17-.Ltmp8, $4  }
0x1ac: {  	[hbm4b:s31+s10] =	stream.strided.scatter [tilespmem:s12], [sflag:$0x4], $0x100, s11, s10, $0x38;
	[tilespmem:$0xC100] =	vst v63  }
0x1ad: {  	_ =	swait.ge [sflag:s13], $0x100  }
0x1ae: {  	[sflag:s13] =	ssyncset.done $0x0  }
0x1af: {  	[sflag:s13] =	ssyncadd.s32 $0xFFFFFF00  }
.LBB2_3:
0x1b0: {  	s18 =	sshll.u32 s17, $0x13  }
0x1b1: {  	_ =	swait.ge [sflag:s14], $0x4000;
	s18 =	sadd.s32 s6, s18  }
0x1b2: {  	[sflag:s14] =	ssyncset.done $0x0;
	s18 =	sshrl.u32 s18, $0x3  }
0x1b3: {  	[sflag:s14] =	ssyncadd.s32 $0xFFFFC000;
	s19 =	sadd.s32 s3, s18;
	s18 =	simm.s32 $0x0  }
0x1b4: {  	[tilespmem:s18], [sflag:$0x1] =	stream.linear.gather [hbm4b:s19+s18], $0x4000, $0x38;
	[tilespmem:$0xC100] =	vst v63  }
0x1b5: {  	s20 =	simm.s32 $0x400;
	s19 =	simm.s32 $0x0  }
.LBB2_4:
0x1b6: {  	p0 =	sne.s32 s20, $0xFC00;
	[tilespmem:s19+$0x80F0] =	vst v1  }
0x1b7: {  	[tilespmem:s19+$0x8000] =	vst v1  }
0x1b8: {  	[tilespmem:s19+$0x8010] =	vst v1  }
0x1b9: {  	[tilespmem:s19+$0x8020] =	vst v1  }
0x1ba: {  	[tilespmem:s19+$0x8030] =	vst v1  }
0x1bb: {  	[tilespmem:s19+$0x8040] =	vst v1  }
0x1bc: {  	[tilespmem:s19+$0x8050] =	vst v1  }
0x1bd: {  	[tilespmem:s19+$0x8060] =	vst v1  }
0x1be: {  	[tilespmem:s19+$0x8070] =	vst v1  }
0x1bf: {  	[tilespmem:s19+$0x8080] =	vst v1  }
0x1c0: {  	[tilespmem:s19+$0x8090] =	vst v1  }
.Ltmp9:
0x1c1: {  	[tilespmem:s19+$0x80A0] =	vst v1;
	(pc) =	sbr.rel @p0 .LBB2_4-.Ltmp9, $4  }
0x1c2: {  	[tilespmem:s19+$0x80B0] =	vst v1  }
0x1c3: {  	[tilespmem:s19+$0x80C0] =	vst v1  }
0x1c4: {  	[tilespmem:s19+$0x80D0] =	vst v1  }
0x1c5: {  	[tilespmem:s19+$0x80E0] =	vst v1;
	s19 =	sshra.s32 s20, $0x2;
	s20 =	sadd.s32 $0x400, s20  }
0x1c6: {  	[tilespmem:s19+$0x80F0] =	vst v1  }
0x1c7: {  	[tilespmem:s19+$0x8000] =	vst v1  }
0x1c8: {  	[tilespmem:s19+$0x8010] =	vst v1  }
0x1c9: {  	[tilespmem:s19+$0x8020] =	vst v1  }
0x1ca: {  	[tilespmem:s19+$0x8030] =	vst v1  }
0x1cb: {  	[tilespmem:s19+$0x8040] =	vst v1  }
0x1cc: {  	[tilespmem:s19+$0x8050] =	vst v1  }
0x1cd: {  	[tilespmem:s19+$0x8060] =	vst v1  }
0x1ce: {  	[tilespmem:s19+$0x8070] =	vst v1  }
0x1cf: {  	[tilespmem:s19+$0x8080] =	vst v1  }
0x1d0: {  	[tilespmem:s19+$0x8090] =	vst v1  }
0x1d1: {  	[tilespmem:s19+$0x80A0] =	vst v1  }
0x1d2: {  	[tilespmem:s19+$0x80B0] =	vst v1  }
0x1d3: {  	[tilespmem:s19+$0x80C0] =	vst v1  }
0x1d4: {  	[tilespmem:s19+$0x80D0] =	vst v1  }
0x1d5: {  	[tilespmem:s19+$0x80E0] =	vst v1;
	s19 =	simm.s32 $0x0  }
.LBB2_6:
0x1d6: {  	s20 =	sand.u32 $0x3000, s19;
	s21 =	sand.u32 $0x380, s18  }
0x1d7: {  	s21 =	sor.u32 s21, s20  }
0x1d8: {  	v6 =	vld [tilespmem:s21+$0x4000]  }
0x1d9: {  	v7 =	vld [tilespmem:s21+$0x4010]  }
0x1da: {  	v8 =	vld [tilespmem:s21+$0x4020]  }
0x1db: {  	v9 =	vld [tilespmem:s21+$0x4030]  }
0x1dc: {  	v10 =	vld [tilespmem:s21+$0x4040]  }
0x1dd: {  	v11 =	vld [tilespmem:s21+$0x4050];
	v6 =	vadd.s32 v0, v6  }
0x1de: {  	v12 =	vld [tilespmem:s21+$0x4060];
	v7 =	vadd.s32 v2, v7  }
0x1df: {  	v13 =	vld [tilespmem:s21+$0x4070];
	v8 =	vadd.s32 v3, v8  }
0x1e0: {  	v9 =	vadd.s32 v4, v9  }
0x1e1: {  	s20 =	simm.s32 $0x8000;
	v10 =	vadd.s32 v0, v10  }
0x1e2: {  	v11 =	vadd.s32 v2, v11;
	[tilespmem:v6+s20+$0x0] =	vst.idx.add.s32.msk $0xffff, v5  }
0x1e3: {  	v6 =	vadd.s32 v3, v12;
	[tilespmem:v7+s20+$0x0] =	vst.idx.add.s32.msk $0xffff, v5  }
0x1e4: {  	v7 =	vadd.s32 v4, v13;
	[tilespmem:v8+s20+$0x0] =	vst.idx.add.s32.msk $0xffff, v5  }
0x1e5: {  	[tilespmem:v9+s20+$0x0] =	vst.idx.add.s32.msk $0xffff, v5  }
0x1e6: {  	[tilespmem:v10+s20+$0x0] =	vst.idx.add.s32.msk $0xffff, v5  }
0x1e7: {  	[tilespmem:v11+s20+$0x0] =	vst.idx.add.s32.msk $0xffff, v5  }
0x1e8: {  	[tilespmem:v6+s20+$0x0] =	vst.idx.add.s32.msk $0xffff, v5  }
0x1e9: {  	[tilespmem:v7+s20+$0x0] =	vst.idx.add.s32.msk $0xffff, v5  }
0x1ea: {  	v6 =	vld [tilespmem:s21+$0x4400]  }
0x1eb: {  	v7 =	vld [tilespmem:s21+$0x4410]  }
0x1ec: {  	v8 =	vld [tilespmem:s21+$0x4420]  }
0x1ed: {  	v9 =	vld [tilespmem:s21+$0x4430]  }
0x1ee: {  	v10 =	vld [tilespmem:s21+$0x4440]  }
0x1ef: {  	v11 =	vld [tilespmem:s21+$0x4450];
	v6 =	vadd.s32 v0, v6  }
0x1f0: {  	v58 =	vld [tilespmem:s21+$0x4460];
	v7 =	vadd.s32 v2, v7  }
0x1f1: {  	v59 =	vld [tilespmem:s21+$0x4470];
	v8 =	vadd.s32 v3, v8  }
0x1f2: {  	v9 =	vadd.s32 v4, v9  }
0x1f3: {  	v10 =	vadd.s32 v0, v10  }
0x1f4: {  	v11 =	vadd.s32 v2, v11;
	[tilespmem:v6+s20+$0x0] =	vst.idx.add.s32.msk $0xffff, v5  }
0x1f5: {  	v6 =	vadd.s32 v3, v58;
	[tilespmem:v7+s20+$0x0] =	vst.idx.add.s32.msk $0xffff, v5  }
0x1f6: {  	v7 =	vadd.s32 v4, v59;
	[tilespmem:v8+s20+$0x0] =	vst.idx.add.s32.msk $0xffff, v5  }
0x1f7: {  	[tilespmem:v9+s20+$0x0] =	vst.idx.add.s32.msk $0xffff, v5  }
0x1f8: {  	[tilespmem:v10+s20+$0x0] =	vst.idx.add.s32.msk $0xffff, v5  }
0x1f9: {  	[tilespmem:v11+s20+$0x0] =	vst.idx.add.s32.msk $0xffff, v5  }
0x1fa: {  	[tilespmem:v6+s20+$0x0] =	vst.idx.add.s32.msk $0xffff, v5  }
0x1fb: {  	[tilespmem:v7+s20+$0x0] =	vst.idx.add.s32.msk $0xffff, v5  }
0x1fc: {  	v6 =	vld [tilespmem:s21+$0x4800]  }
0x1fd: {  	v7 =	vld [tilespmem:s21+$0x4810]  }
0x1fe: {  	v8 =	vld [tilespmem:s21+$0x4820]  }
0x1ff: {  	v9 =	vld [tilespmem:s21+$0x4830]  }
0x200: {  	v10 =	vld [tilespmem:s21+$0x4840]  }
0x201: {  	v11 =	vld [tilespmem:s21+$0x4850];
	v6 =	vadd.s32 v0, v6  }
0x202: {  	v60 =	vld [tilespmem:s21+$0x4860];
	v7 =	vadd.s32 v2, v7  }
0x203: {  	v61 =	vld [tilespmem:s21+$0x4870];
	v8 =	vadd.s32 v3, v8  }
0x204: {  	v9 =	vadd.s32 v4, v9  }
0x205: {  	v10 =	vadd.s32 v0, v10  }
0x206: {  	v11 =	vadd.s32 v2, v11;
	[tilespmem:v6+s20+$0x0] =	vst.idx.add.s32.msk $0xffff, v5  }
0x207: {  	v6 =	vadd.s32 v3, v60;
	[tilespmem:v7+s20+$0x0] =	vst.idx.add.s32.msk $0xffff, v5  }
0x208: {  	v7 =	vadd.s32 v4, v61;
	[tilespmem:v8+s20+$0x0] =	vst.idx.add.s32.msk $0xffff, v5  }
0x209: {  	[tilespmem:v9+s20+$0x0] =	vst.idx.add.s32.msk $0xffff, v5  }
0x20a: {  	[tilespmem:v10+s20+$0x0] =	vst.idx.add.s32.msk $0xffff, v5  }
0x20b: {  	[tilespmem:v11+s20+$0x0] =	vst.idx.add.s32.msk $0xffff, v5  }
0x20c: {  	[tilespmem:v6+s20+$0x0] =	vst.idx.add.s32.msk $0xffff, v5  }
0x20d: {  	[tilespmem:v7+s20+$0x0] =	vst.idx.add.s32.msk $0xffff, v5  }
0x20e: {  	v6 =	vld [tilespmem:s21+$0x4C00]  }
0x20f: {  	v7 =	vld [tilespmem:s21+$0x4C10]  }
0x210: {  	v8 =	vld [tilespmem:s21+$0x4C20]  }
0x211: {  	v9 =	vld [tilespmem:s21+$0x4C30]  }
0x212: {  	v10 =	vld [tilespmem:s21+$0x4C40]  }
0x213: {  	v11 =	vld [tilespmem:s21+$0x4C50];
	v6 =	vadd.s32 v0, v6  }
0x214: {  	v62 =	vld [tilespmem:s21+$0x4C60];
	v7 =	vadd.s32 v2, v7  }
0x215: {  	v63 =	vld [tilespmem:s21+$0x4C70];
	v8 =	vadd.s32 v3, v8  }
0x216: {  	v9 =	vadd.s32 v4, v9  }
0x217: {  	v10 =	vadd.s32 v0, v10  }
0x218: {  	v11 =	vadd.s32 v2, v11;
	[tilespmem:v6+s20+$0x0] =	vst.idx.add.s32.msk $0xffff, v5  }
0x219: {  	v6 =	vadd.s32 v3, v62;
	[tilespmem:v7+s20+$0x0] =	vst.idx.add.s32.msk $0xffff, v5  }
0x21a: {  	p0 =	sne.s32 s19, $0x3E00;
	v7 =	vadd.s32 v4, v63;
	[tilespmem:v8+s20+$0x0] =	vst.idx.add.s32.msk $0xffff, v5  }
.Ltmp10:
0x21b: {  	[tilespmem:v9+s20+$0x0] =	vst.idx.add.s32.msk $0xffff, v5;
	(pc) =	sbr.rel @p0 .LBB2_6-.Ltmp10, $4  }
0x21c: {  	[tilespmem:v10+s20+$0x0] =	vst.idx.add.s32.msk $0xffff, v5  }
0x21d: {  	[tilespmem:v11+s20+$0x0] =	vst.idx.add.s32.msk $0xffff, v5  }
0x21e: {  	[tilespmem:v6+s20+$0x0] =	vst.idx.add.s32.msk $0xffff, v5  }
0x21f: {  	s18 =	sadd.s32 $0x80, s18;
	s19 =	sadd.s32 $0x200, s19;
	[tilespmem:v7+s20+$0x0] =	vst.idx.add.s32.msk $0xffff, v5  }
0x220: {  	s18 =	simm.s32 $0x0  }
0x221: {  	v7 =	vld [tilespmem:s20+$0x0];
	s18 =	sand.u32 $0xF0, s18  }
0x222: {  	v6 =	vld [tilespmem:s18+$0x8100]  }
0x223: {  	v8 =	vld [tilespmem:s18+$0x8200]  }
0x224: {  	v9 =	vld [tilespmem:s18+$0x8300]  }
0x225: {  	v10 =	vld [tilespmem:s18+$0x8400]  }
0x226: {  	v11 =	vld [tilespmem:s18+$0x8500]  }
0x227: {  	v12 =	vld [tilespmem:s18+$0x8600];
	v6 =	vadd.s32 v7, v6  }
0x228: {  	v7 =	vld [tilespmem:s18+$0x8700];
	v6 =	vadd.s32 v8, v6  }
0x229: {  	v8 =	vld [tilespmem:s18+$0x8800];
	v6 =	vadd.s32 v9, v6  }
0x22a: {  	v27 =	vld [tilespmem:s18+$0x8900];
	v6 =	vadd.s32 v10, v6  }
0x22b: {  	v28 =	vld [tilespmem:s18+$0x8A00];
	v6 =	vadd.s32 v11, v6  }
0x22c: {  	v29 =	vld [tilespmem:s18+$0x8B00];
	v6 =	vadd.s32 v12, v6  }
0x22d: {  	v30 =	vld [tilespmem:s18+$0x8C00];
	v6 =	vadd.s32 v7, v6  }
0x22e: {  	v7 =	vld [tilespmem:s18+$0x8D00];
	v6 =	vadd.s32 v8, v6  }
0x22f: {  	v8 =	vld [tilespmem:s18+$0x8E00];
	v6 =	vadd.s32 v27, v6  }
0x230: {  	v31 =	vld [tilespmem:s18+$0x8F00];
	v6 =	vadd.s32 v28, v6  }
0x231: {  	v32 =	vld [tilespmem:s18+$0x9000];
	v6 =	vadd.s32 v29, v6  }
0x232: {  	v33 =	vld [tilespmem:s18+$0x9100];
	v6 =	vadd.s32 v30, v6  }
0x233: {  	v34 =	vld [tilespmem:s18+$0x9200];
	v6 =	vadd.s32 v7, v6  }
0x234: {  	v7 =	vld [tilespmem:s18+$0x9300];
	v6 =	vadd.s32 v8, v6  }
0x235: {  	v8 =	vld [tilespmem:s18+$0x9400];
	v6 =	vadd.s32 v31, v6  }
0x236: {  	v35 =	vld [tilespmem:s18+$0x9500];
	v6 =	vadd.s32 v32, v6  }
0x237: {  	v36 =	vld [tilespmem:s18+$0x9600];
	v6 =	vadd.s32 v33, v6  }
0x238: {  	v37 =	vld [tilespmem:s18+$0x9700];
	v6 =	vadd.s32 v34, v6  }
0x239: {  	v38 =	vld [tilespmem:s18+$0x9800];
	v6 =	vadd.s32 v7, v6  }
0x23a: {  	v7 =	vld [tilespmem:s18+$0x9900];
	v6 =	vadd.s32 v8, v6  }
0x23b: {  	v8 =	vld [tilespmem:s18+$0x9A00];
	v6 =	vadd.s32 v35, v6  }
0x23c: {  	v39 =	vld [tilespmem:s18+$0x9B00];
	v6 =	vadd.s32 v36, v6  }
0x23d: {  	v40 =	vld [tilespmem:s18+$0x9C00];
	v6 =	vadd.s32 v37, v6  }
0x23e: {  	v41 =	vld [tilespmem:s18+$0x9D00];
	v6 =	vadd.s32 v38, v6  }
0x23f: {  	v42 =	vld [tilespmem:s18+$0x9E00];
	v6 =	vadd.s32 v7, v6  }
0x240: {  	v7 =	vld [tilespmem:s18+$0x9F00];
	v6 =	vadd.s32 v8, v6  }
0x241: {  	v8 =	vld [tilespmem:s18+$0xA000];
	v6 =	vadd.s32 v39, v6  }
0x242: {  	v43 =	vld [tilespmem:s18+$0xA100];
	v6 =	vadd.s32 v40, v6  }
0x243: {  	v44 =	vld [tilespmem:s18+$0xA200];
	v6 =	vadd.s32 v41, v6  }
0x244: {  	v45 =	vld [tilespmem:s18+$0xA300];
	v6 =	vadd.s32 v42, v6  }
0x245: {  	v46 =	vld [tilespmem:s18+$0xA400];
	v6 =	vadd.s32 v7, v6  }
0x246: {  	v7 =	vld [tilespmem:s18+$0xA500];
	v6 =	vadd.s32 v8, v6  }
0x247: {  	v8 =	vld [tilespmem:s18+$0xA600];
	v6 =	vadd.s32 v43, v6  }
0x248: {  	v47 =	vld [tilespmem:s18+$0xA700];
	v6 =	vadd.s32 v44, v6  }
0x249: {  	v48 =	vld [tilespmem:s18+$0xA800];
	v6 =	vadd.s32 v45, v6  }
0x24a: {  	v49 =	vld [tilespmem:s18+$0xA900];
	v6 =	vadd.s32 v46, v6  }
0x24b: {  	v50 =	vld [tilespmem:s18+$0xAA00];
	v6 =	vadd.s32 v7, v6  }
0x24c: {  	v7 =	vld [tilespmem:s18+$0xAB00];
	v6 =	vadd.s32 v8, v6  }
0x24d: {  	v8 =	vld [tilespmem:s18+$0xAC00];
	v6 =	vadd.s32 v47, v6  }
0x24e: {  	v51 =	vld [tilespmem:s18+$0xAD00];
	v6 =	vadd.s32 v48, v6  }
0x24f: {  	v52 =	vld [tilespmem:s18+$0xAE00];
	v6 =	vadd.s32 v49, v6  }
0x250: {  	v53 =	vld [tilespmem:s18+$0xAF00];
	v6 =	vadd.s32 v50, v6  }
0x251: {  	v54 =	vld [tilespmem:s18+$0xB000];
	v6 =	vadd.s32 v7, v6  }
0x252: {  	v7 =	vld [tilespmem:s18+$0xB100];
	v6 =	vadd.s32 v8, v6  }
0x253: {  	v8 =	vld [tilespmem:s18+$0xB200];
	v6 =	vadd.s32 v51, v6  }
0x254: {  	v55 =	vld [tilespmem:s18+$0xB300];
	v6 =	vadd.s32 v52, v6  }
0x255: {  	v56 =	vld [tilespmem:s18+$0xB400];
	v6 =	vadd.s32 v53, v6  }
0x256: {  	v57 =	vld [tilespmem:s18+$0xB500];
	v6 =	vadd.s32 v54, v6  }
0x257: {  	v58 =	vld [tilespmem:s18+$0xB600];
	v6 =	vadd.s32 v7, v6  }
0x258: {  	v7 =	vld [tilespmem:s18+$0xB700];
	v6 =	vadd.s32 v8, v6  }
0x259: {  	v8 =	vld [tilespmem:s18+$0xB800];
	v6 =	vadd.s32 v55, v6  }
0x25a: {  	v59 =	vld [tilespmem:s18+$0xB900];
	v6 =	vadd.s32 v56, v6  }
0x25b: {  	v60 =	vld [tilespmem:s18+$0xBA00];
	v6 =	vadd.s32 v57, v6  }
0x25c: {  	v61 =	vld [tilespmem:s18+$0xBB00];
	v6 =	vadd.s32 v58, v6  }
0x25d: {  	v62 =	vld [tilespmem:s18+$0xBC00];
	v6 =	vadd.s32 v7, v6  }
0x25e: {  	v7 =	vld [tilespmem:s18+$0xBD00];
	v6 =	vadd.s32 v8, v6  }
0x25f: {  	v8 =	vld [tilespmem:s18+$0xBE00];
	v6 =	vadd.s32 v59, v6  }
0x260: {  	v63 =	vld [tilespmem:s18+$0xBF00];
	v6 =	vadd.s32 v60, v6  }
0x261: {  	v6 =	vadd.s32 v61, v6  }
0x262: {  	v6 =	vadd.s32 v62, v6  }
0x263: {  	v6 =	vadd.s32 v7, v6  }
0x264: {  	v6 =	vadd.s32 v8, v6  }
0x265: {  	s19 =	simm.s32 $0x10;
	s18 =	simm.s32 $0xC000;
	v6 =	vadd.s32 v63, v6  }
0x266: {  	s19 =	sand.u32 $0xF0, s19;
	[tilespmem:s18+$0x0] =	vst v6  }
0x267: {  	s21 =	simm.s32 $0x20;
	s20 =	simm.s32 $0x8010;
	v6 =	vld [tilespmem:s19+$0x8100]  }
.LBB2_8:
0x268: {  	p0 =	sne.s32 s21, $0xF0;
	v7 =	vld [tilespmem:s20+$0x0]  }
0x269: {  	v8 =	vld [tilespmem:s19+$0x8200]  }
0x26a: {  	v9 =	vld [tilespmem:s19+$0x8300]  }
0x26b: {  	v10 =	vld [tilespmem:s19+$0x8400]  }
0x26c: {  	v11 =	vld [tilespmem:s19+$0x8500]  }
0x26d: {  	v12 =	vld [tilespmem:s19+$0x8600];
	v6 =	vadd.s32 v7, v6  }
0x26e: {  	v7 =	vld [tilespmem:s19+$0x8700];
	v6 =	vadd.s32 v8, v6  }
0x26f: {  	v8 =	vld [tilespmem:s19+$0x8800];
	v6 =	vadd.s32 v9, v6  }
0x270: {  	v9 =	vld [tilespmem:s19+$0x8900];
	v6 =	vadd.s32 v10, v6  }
0x271: {  	v10 =	vld [tilespmem:s19+$0x8A00];
	v6 =	vadd.s32 v11, v6  }
0x272: {  	v11 =	vld [tilespmem:s19+$0x8B00];
	v6 =	vadd.s32 v12, v6  }
0x273: {  	v12 =	vld [tilespmem:s19+$0x8C00];
	v6 =	vadd.s32 v7, v6  }
0x274: {  	v7 =	vld [tilespmem:s19+$0x8D00];
	v6 =	vadd.s32 v8, v6  }
0x275: {  	v8 =	vld [tilespmem:s19+$0x8E00];
	v6 =	vadd.s32 v9, v6  }
0x276: {  	v9 =	vld [tilespmem:s19+$0x8F00];
	v6 =	vadd.s32 v10, v6  }
0x277: {  	v10 =	vld [tilespmem:s19+$0x9000];
	v6 =	vadd.s32 v11, v6  }
0x278: {  	v11 =	vld [tilespmem:s19+$0x9100];
	v6 =	vadd.s32 v12, v6  }
0x279: {  	v12 =	vld [tilespmem:s19+$0x9200];
	v6 =	vadd.s32 v7, v6  }
0x27a: {  	v7 =	vld [tilespmem:s19+$0x9300];
	v6 =	vadd.s32 v8, v6  }
0x27b: {  	v8 =	vld [tilespmem:s19+$0x9400];
	v6 =	vadd.s32 v9, v6  }
0x27c: {  	v9 =	vld [tilespmem:s19+$0x9500];
	v6 =	vadd.s32 v10, v6  }
0x27d: {  	v10 =	vld [tilespmem:s19+$0x9600];
	v6 =	vadd.s32 v11, v6  }
0x27e: {  	v11 =	vld [tilespmem:s19+$0x9700];
	v6 =	vadd.s32 v12, v6  }
0x27f: {  	v12 =	vld [tilespmem:s19+$0x9800];
	v6 =	vadd.s32 v7, v6  }
0x280: {  	v7 =	vld [tilespmem:s19+$0x9900];
	v6 =	vadd.s32 v8, v6  }
0x281: {  	v8 =	vld [tilespmem:s19+$0x9A00];
	v6 =	vadd.s32 v9, v6  }
0x282: {  	v9 =	vld [tilespmem:s19+$0x9B00];
	v6 =	vadd.s32 v10, v6  }
0x283: {  	v10 =	vld [tilespmem:s19+$0x9C00];
	v6 =	vadd.s32 v11, v6  }
0x284: {  	v11 =	vld [tilespmem:s19+$0x9D00];
	v6 =	vadd.s32 v12, v6  }
0x285: {  	v12 =	vld [tilespmem:s19+$0x9E00];
	v6 =	vadd.s32 v7, v6  }
0x286: {  	v7 =	vld [tilespmem:s19+$0x9F00];
	v6 =	vadd.s32 v8, v6  }
0x287: {  	v8 =	vld [tilespmem:s19+$0xA000];
	v6 =	vadd.s32 v9, v6  }
0x288: {  	v9 =	vld [tilespmem:s19+$0xA100];
	v6 =	vadd.s32 v10, v6  }
0x289: {  	v10 =	vld [tilespmem:s19+$0xA200];
	v6 =	vadd.s32 v11, v6  }
0x28a: {  	v11 =	vld [tilespmem:s19+$0xA300];
	v6 =	vadd.s32 v12, v6  }
0x28b: {  	v12 =	vld [tilespmem:s19+$0xA400];
	v6 =	vadd.s32 v7, v6  }
0x28c: {  	v7 =	vld [tilespmem:s19+$0xA500];
	v6 =	vadd.s32 v8, v6  }
0x28d: {  	v8 =	vld [tilespmem:s19+$0xA600];
	v6 =	vadd.s32 v9, v6  }
0x28e: {  	v9 =	vld [tilespmem:s19+$0xA700];
	v6 =	vadd.s32 v10, v6  }
0x28f: {  	v10 =	vld [tilespmem:s19+$0xA800];
	v6 =	vadd.s32 v11, v6  }
0x290: {  	v11 =	vld [tilespmem:s19+$0xA900];
	v6 =	vadd.s32 v12, v6  }
0x291: {  	v12 =	vld [tilespmem:s19+$0xAA00];
	v6 =	vadd.s32 v7, v6  }
0x292: {  	v7 =	vld [tilespmem:s19+$0xAB00];
	v6 =	vadd.s32 v8, v6  }
0x293: {  	v8 =	vld [tilespmem:s19+$0xAC00];
	v6 =	vadd.s32 v9, v6  }
0x294: {  	v9 =	vld [tilespmem:s19+$0xAD00];
	v6 =	vadd.s32 v10, v6  }
0x295: {  	v10 =	vld [tilespmem:s19+$0xAE00];
	v6 =	vadd.s32 v11, v6  }
0x296: {  	v11 =	vld [tilespmem:s19+$0xAF00];
	v6 =	vadd.s32 v12, v6  }
0x297: {  	v12 =	vld [tilespmem:s19+$0xB000];
	v6 =	vadd.s32 v7, v6  }
0x298: {  	v7 =	vld [tilespmem:s19+$0xB100];
	v6 =	vadd.s32 v8, v6  }
0x299: {  	v8 =	vld [tilespmem:s19+$0xB200];
	v6 =	vadd.s32 v9, v6  }
0x29a: {  	v9 =	vld [tilespmem:s19+$0xB300];
	v6 =	vadd.s32 v10, v6  }
0x29b: {  	v10 =	vld [tilespmem:s19+$0xB400];
	v6 =	vadd.s32 v11, v6  }
0x29c: {  	v11 =	vld [tilespmem:s19+$0xB500];
	v6 =	vadd.s32 v12, v6  }
0x29d: {  	v12 =	vld [tilespmem:s19+$0xB600];
	v6 =	vadd.s32 v7, v6  }
0x29e: {  	v7 =	vld [tilespmem:s19+$0xB700];
	v6 =	vadd.s32 v8, v6  }
0x29f: {  	v8 =	vld [tilespmem:s19+$0xB800];
	v6 =	vadd.s32 v9, v6  }
0x2a0: {  	v9 =	vld [tilespmem:s19+$0xB900];
	v6 =	vadd.s32 v10, v6  }
0x2a1: {  	v10 =	vld [tilespmem:s19+$0xBA00];
	v6 =	vadd.s32 v11, v6  }
0x2a2: {  	v11 =	vld [tilespmem:s19+$0xBB00];
	v6 =	vadd.s32 v12, v6  }
0x2a3: {  	v12 =	vld [tilespmem:s19+$0xBC00];
	v6 =	vadd.s32 v7, v6  }
0x2a4: {  	v7 =	vld [tilespmem:s19+$0xBD00];
	v6 =	vadd.s32 v8, v6  }
0x2a5: {  	v8 =	vld [tilespmem:s19+$0xBE00];
	v6 =	vadd.s32 v9, v6  }
0x2a6: {  	v9 =	vld [tilespmem:s19+$0xBF00];
	v6 =	vadd.s32 v10, v6  }
0x2a7: {  	v6 =	vadd.s32 v11, v6  }
0x2a8: {  	v6 =	vadd.s32 v12, v6  }
.Ltmp11:
0x2a9: {  	v6 =	vadd.s32 v7, v6;
	(pc) =	sbr.rel @p0 .LBB2_8-.Ltmp11, $4  }
0x2aa: {  	v6 =	vadd.s32 v8, v6  }
0x2ab: {  	s18 =	sadd.s32 $0x10, s18;
	v6 =	vadd.s32 v9, v6  }
0x2ac: {  	s19 =	sand.u32 $0xF0, s21;
	[tilespmem:s18+$0x0] =	vst v6  }
0x2ad: {  	s20 =	sadd.s32 $0x10, s20;
	s21 =	sadd.s32 $0x10, s21;
	v6 =	vld [tilespmem:s19+$0x8100]  }
.Ltmp12:
0x2ae: {  	_ = 	snop;
	(pc) =	sbr.rel .LBB2_9-.Ltmp12, $1  }
0x2af: {  	_ =	sdelay $0x3  }
.LBB2_19:
0x2b0: {  	_ =	sfence.sel $0x180000  }
0x2b1: {  	[bflag:$0x0] =	sbarrier.arrive $0xFFFF  }
0x2b2: {  	p0 =	sne.s32 s1, $0x0;
	_ =	strace $0x9000004A  }
0x2b3: {  	s0 =	sadd.s32 @!p0 $0x100000, s0;
	[bflag:$0x2] =	sbarrier.arrive $0xFFFF  }
0x2b4: {  	[sflag:s0] =	ssyncadd.tile.s32 @!p0 $0x1;
	_ =	shalt  }
.Lfunc_end2:
_tile_overlayer_lowered:
.L_overlay_start_2:
0x2b5: {  	(tag) =	ssettag $0x2  }
0x2b6: {  	s0 =	rddreg [dreg:$0x0];
	s2 =	stileid.u32  }
0x2b7: {  	s1 =	rddreg [dreg:$0x1];
	p0 =	sne.s32 s2, $0x0  }
0x2b8: {  	s3 =	rddreg [dreg:$0x2];
	[bflag:$0x3] =	sbarrier.arrive $0xFFFF;
	s2 =	simm.s32 @!p0 $0x1C03  }
0x2b9: {  	[timem:s3], [sflag:s2] =	dma.local @!p0 [hbm:s0], s1  }
0x2ba: {  	s0 =	simm.s32 @!p0 $0x3  }
0x2bb: {  	_ =	swait.ge @!p0 [sflag:s0], s1  }
0x2bc: {  	s1 =	ssub.s32 @!p0 $0x0, s1;
	[sflag:s0] =	ssyncset.done @!p0 $0x0  }
0x2bd: {  	[sflag:s0] =	ssyncadd.s32 @!p0 s1  }
0x2be: {  	[bflag:$0x3] =	sbarrier.arrive $0xFFFF  }
0x2bf: {  	_ =	shalt  }

</sc_bundles>
